<compile_context>
chip_gen: v7x
topology: tpu7x:2x2x1
jax: 0.10.2.dev20260603
libtpu: 0.0.44.dev20260713+nightly
codegen_flags: <defaults>
</compile_context>

<pallas_src>
import functools

import jax
import jax.numpy as jnp
from jax import lax
from jax.experimental import pallas as pl
from jax.experimental.pallas import tpu as pltpu
from jax.experimental.pallas import tpu_sc as plsc

def _dot(a, b):
  return jnp.dot(a.astype(jnp.bfloat16), b.astype(jnp.bfloat16),
                 preferred_element_type=jnp.float32)


_NC = 2
_NS = 16
_D = 128

_CH = 400
_R = 9472
_NRANGE = 12
_RPER = _R // _NS


def _sc_segsum_wide(h, src, dst):
  n, d = h.shape
  assert d == _D
  e = src.shape[0]
  per_tile = e // _NS
  nch = per_tile // _CH
  assert per_tile % _CH == 0 and (per_tile // _CH) % 2 == 0
  assert _NRANGE * _R >= n and _RPER % 8 == 0
  zeros = jnp.zeros((_CH, _D), jnp.float32)

  mesh = plsc.VectorSubcoreMesh(core_axis_name="c", subcore_axis_name="s")

  @functools.partial(
      pl.kernel,
      out_type=jax.ShapeDtypeStruct((_NRANGE * _R, _D), jnp.float32),
      mesh=mesh,
      scratch_types=[
          pltpu.VMEM((_CH,), jnp.int32),
          pltpu.VMEM((_CH,), jnp.int32),
          pltpu.VMEM((_CH,), jnp.int32),
          pltpu.VMEM((_CH,), jnp.int32),
          pltpu.VMEM((_CH,), jnp.int32),
          pltpu.VMEM((_CH,), jnp.int32),
          pltpu.VMEM((_CH, _D), jnp.float32),
          pltpu.VMEM_SHARED((_R, _D), jnp.float32),
          pltpu.SemaphoreType.DMA,
          pltpu.SemaphoreType.DMA,
      ],
  )
  def k(h_hbm, src_hbm, dst_hbm, z_hbm, out_hbm, src_v, dst_v, srcm_a,
        dstm_a, srcm_b, dstm_b, rows_v, acc_sh, gsem, isem):
    c = lax.axis_index("c")
    s = lax.axis_index("s")
    ebase = s * per_tile
    r0 = s * _RPER

    def one_pass(p, carry_p):
      base = (p * _NC + c) * _R

      def zero(off, nr):
        pltpu.sync_copy(z_hbm.at[pl.ds(0, nr)], rows_v.at[pl.ds(0, nr)])
        pltpu.sync_copy(rows_v.at[pl.ds(0, nr)],
                        acc_sh.at[pl.ds(r0 + off, nr)])

      zero(0, _CH)
      zero(_CH, _RPER - _CH)
      plsc.subcore_barrier()

      def load_idx(j):
        off = ebase + jnp.minimum(j * _CH, per_tile - _CH)
        d1 = pltpu.async_copy(src_hbm.at[pl.ds(off, _CH)], src_v, isem)
        d2 = pltpu.async_copy(dst_hbm.at[pl.ds(off, _CH)], dst_v, isem)
        return d1, d2

      def mask_into(srcm_v, dstm_v):
        def mask(j, carry2):
          sl = pl.ds(j * 16, 16)
          dv = dst_v[sl]
          sv = src_v[sl]
          inr = (dv >= base) & (dv < base + _R)
          srcm_v[sl] = jnp.where(inr, sv, -1)
          dstm_v[sl] = jnp.where(inr, dv - base, -1)
          return carry2

        lax.fori_loop(0, _CH // 16, mask, 0)

      def run_chunk(srcm_v, dstm_v, nsrcm_v, ndstm_v, jnext):
        g = pltpu.async_copy(
            h_hbm.at[plsc.Indices(srcm_v, ignored_value=-1)], rows_v, gsem)
        d1, d2 = load_idx(jnext)
        d1.wait()
        d2.wait()
        mask_into(nsrcm_v, ndstm_v)
        g.wait()
        pltpu.sync_copy(
            rows_v,
            acc_sh.at[plsc.Indices(dstm_v, ignored_value=-1)],
            add=True)

      d1, d2 = load_idx(0)
      d1.wait()
      d2.wait()
      mask_into(srcm_a, dstm_a)

      def two_chunks(kk, carry):
        j0 = 2 * kk
        run_chunk(srcm_a, dstm_a, srcm_b, dstm_b, j0 + 1)
        run_chunk(srcm_b, dstm_b, srcm_a, dstm_a, j0 + 2)
        return carry

      lax.fori_loop(0, nch // 2, two_chunks, 0)
      plsc.subcore_barrier()

      def writeout(off, nr):
        pltpu.sync_copy(acc_sh.at[pl.ds(r0 + off, nr)],
                        rows_v.at[pl.ds(0, nr)])
        pltpu.sync_copy(rows_v.at[pl.ds(0, nr)],
                        out_hbm.at[pl.ds(base + r0 + off, nr)])

      writeout(0, _CH)
      writeout(_CH, _RPER - _CH)
      plsc.subcore_barrier()
      return carry_p

    lax.fori_loop(0, _NRANGE // _NC, one_pass, 0)

  return k(h, src, dst, zeros)



_BR = 2000


def _tc_conv(h, agg, w1, b1, w2, b2, trailing_relu):
  n, din = h.shape
  dmid = w1.shape[1]
  dout = w2.shape[1]

  def body(h_ref, a_ref, w1_ref, b1_ref, w2_ref, b2_ref, o_ref):
    z = h_ref[...] + a_ref[...]
    z = _dot(z, w1_ref[...])
    z = jnp.maximum(z + b1_ref[...], 0.0)
    z = _dot(z, w2_ref[...])
    z = z + b2_ref[...]
    if trailing_relu:
      z = jnp.maximum(z, 0.0)
    o_ref[...] = z

  return pl.pallas_call(
      body,
      grid=(n // _BR,),
      in_specs=[
          pl.BlockSpec((_BR, din), lambda i: (i, 0)),
          pl.BlockSpec((_BR, din), lambda i: (i, 0)),
          pl.BlockSpec((din, dmid), lambda i: (0, 0)),
          pl.BlockSpec((1, dmid), lambda i: (0, 0)),
          pl.BlockSpec((dmid, dout), lambda i: (0, 0)),
          pl.BlockSpec((1, dout), lambda i: (0, 0)),
      ],
      out_specs=pl.BlockSpec((_BR, dout), lambda i: (i, 0)),
      out_shape=jax.ShapeDtypeStruct((n, dout), jnp.float32),
  )(h, agg, w1, b1.reshape(1, -1), w2, b2.reshape(1, -1))


def _tc_heads(latent, agg, wm, bm, wg1, bg1, wg2, bg2):
  n, din = latent.shape

  def body(l_ref, a_ref, wm_ref, bm_ref, wg1_ref, bg1_ref, wg2_ref, bg2_ref,
           d_ref, mmse_ref):
    lat = l_ref[...]
    m = _dot(lat, wm_ref[...]) + bm_ref[...]
    mmse_ref[...] = jnp.where(m >= 0, m, 0.01 * m)
    z = _dot(lat + a_ref[...], wg1_ref[...]) + bg1_ref[...]
    z = jnp.maximum(z, 0.0)
    d_ref[...] = _dot(z, wg2_ref[...]) + bg2_ref[...]

  return pl.pallas_call(
      body,
      grid=(n // _BR,),
      in_specs=[
          pl.BlockSpec((_BR, din), lambda i: (i, 0)),
          pl.BlockSpec((_BR, din), lambda i: (i, 0)),
          pl.BlockSpec((din, 1), lambda i: (0, 0)),
          pl.BlockSpec((1, 1), lambda i: (0, 0)),
          pl.BlockSpec((din, 1), lambda i: (0, 0)),
          pl.BlockSpec((1, 1), lambda i: (0, 0)),
          pl.BlockSpec((1, 1), lambda i: (0, 0)),
          pl.BlockSpec((1, 1), lambda i: (0, 0)),
      ],
      out_specs=[
          pl.BlockSpec((_BR, 1), lambda i: (i, 0)),
          pl.BlockSpec((_BR, 1), lambda i: (i, 0)),
      ],
      out_shape=[
          jax.ShapeDtypeStruct((n, 1), jnp.float32),
          jax.ShapeDtypeStruct((n, 1), jnp.float32),
      ],
  )(latent, agg, wm, bm.reshape(1, 1), wg1, bg1.reshape(1, 1),
    wg2.reshape(1, 1), bg2.reshape(1, 1))


def kernel(x, edge_index, params):
  n = x.shape[0]
  src = edge_index[0]
  dst = edge_index[1]
  g1 = params["gin1"]
  g2 = params["gin2"][0]

  h = jnp.pad(x, ((0, 0), (0, _D - x.shape[1])))
  w10 = jnp.pad(g1[0][0]["W"], ((0, _D - x.shape[1]), (0, 0)))

  for li in range(3):
    agg = _sc_segsum_wide(h, src, dst)[:n]
    w1 = w10 if li == 0 else g1[li][0]["W"]
    h = _tc_conv(h, agg, w1, g1[li][0]["b"], g1[li][1]["W"],
                 g1[li][1]["b"], trailing_relu=True)

  agg3 = _sc_segsum_wide(h, src, dst)[:n]
  w42 = jnp.pad(g1[3][1]["W"], ((0, 0), (0, _D - g1[3][1]["W"].shape[1])))
  b42 = jnp.pad(g1[3][1]["b"], (0, _D - g1[3][1]["b"].shape[0]))
  latent = _tc_conv(h, agg3, g1[3][0]["W"], g1[3][0]["b"], w42, b42,
                    trailing_relu=False)

  agg_l = _sc_segsum_wide(latent, src, dst)[:n]
  wm = jnp.pad(params["mmse"]["W"], ((0, _D - params["mmse"]["W"].shape[0]),
                                     (0, 0)))
  wg1 = jnp.pad(g2[0]["W"], ((0, _D - g2[0]["W"].shape[0]), (0, 0)))
  d, mmse = _tc_heads(latent, agg_l, wm, params["mmse"]["b"], wg1,
                      g2[0]["b"], g2[1]["W"], g2[1]["b"])
  return d, mmse

# --- scband reference (transcript-rebuilt; emitter-appended) ---
"""Pipeline reference for scband-dementia-conditioning-discriminator-13211319402666 (READ-ONLY COPY).

The authoritative reference and input builder live on the scoring server;
editing this copy changes nothing except your own understanding.
"""

import jax, jax.numpy as jnp
import numpy as np

N = 100000
E = 3200000

def _lin(k, i, o):
    k1, k2 = jax.random.split(k)
    s = 1.0 / np.sqrt(i)
    return {"W": jax.random.uniform(k1, (i, o), jnp.float32, -s, s),
            "b": jax.random.uniform(k2, (o,), jnp.float32, -s, s)}

def _mlp(k, dims):
    ks = jax.random.split(k, len(dims) - 1)
    return [_lin(ks[j], dims[j], dims[j + 1]) for j in range(len(dims) - 1)]

def setup_inputs(seed: int = 0):
    key = jax.random.key(seed)
    kx, ke, kp = jax.random.split(key, 3)
    x = jax.random.normal(kx, (N, 19), dtype=jnp.float32)
    edge_index = jax.random.randint(ke, (2, E), 0, N, dtype=jnp.int32)
    kps = jax.random.split(kp, 6)
    params = {
        "gin1": [_mlp(kps[0], [19, 128, 128]),
                 _mlp(kps[1], [128, 128, 128]),
                 _mlp(kps[2], [128, 128, 128]),
                 _mlp(kps[3], [128, 64, 64])],
        "gin2": [_mlp(kps[4], [64, 1, 1])],
        "mmse": _lin(kps[5], 64, 1),
    }
    return {"x": x, "edge_index": edge_index, "params": params}

def _gin_conv(h, src, dst, mlp, n):
    # GINConv with eps=0: mlp(x + sum_{j in N(i)} x_j)
    agg = jax.ops.segment_sum(h[src], dst, num_segments=n)
    z = h + agg
    z = z @ mlp[0]["W"] + mlp[0]["b"]
    z = jax.nn.relu(z)
    z = z @ mlp[1]["W"] + mlp[1]["b"]
    return z

def _forward(x, params, src, dst):
    n = x.shape[0]
    h = x
    layers = params["gin1"]
    for i in range(len(layers)):
        h = _gin_conv(h, src, dst, layers[i], n)
        if i < len(layers) - 1:
            h = jax.nn.relu(h)
    latent = h
    mmse = latent @ params["mmse"]["W"] + params["mmse"]["b"]
    mmse = jnp.where(mmse >= 0, mmse, 0.01 * mmse)  # LeakyReLU(0.01)
    d = _gin_conv(latent, src, dst, params["gin2"][0], n)
    return d, mmse

def reference(x, edge_index, params):
    return _forward(x, params, edge_index[0], edge_index[1])

if __name__ == "__main__":
    import jax
    _d = setup_inputs()
    print(jax.jit(kernel)(*tuple(_d.values())))

</pallas_src>

<mosaic_0001>
#map = affine_map<(d0, d1) -> (0, 0)>
#map1 = affine_map<(d0, d1) -> (0)>
module attributes {stable_mosaic.version = 14 : i64} {
  func.func @k(%arg0: i32, %arg1: i32, %arg2: memref<100000x128xf32, #tpu.memory_space<hbm>>, %arg3: memref<3200000xi32, #tpu.memory_space<hbm>>, %arg4: memref<3200000xi32, #tpu.memory_space<hbm>>, %arg5: memref<400x128xf32, #tpu.memory_space<hbm>>, %arg6: memref<113664x128xf32, #tpu.memory_space<hbm>>, %arg7: memref<400xi32, #tpu.memory_space<vmem>>, %arg8: memref<400xi32, #tpu.memory_space<vmem>>, %arg9: memref<400xi32, #tpu.memory_space<vmem>>, %arg10: memref<400xi32, #tpu.memory_space<vmem>>, %arg11: memref<400xi32, #tpu.memory_space<vmem>>, %arg12: memref<400xi32, #tpu.memory_space<vmem>>, %arg13: memref<400x128xf32, #tpu.memory_space<vmem>>, %arg14: memref<9472x128xf32, #tpu.memory_space<vmem_shared>>, %arg15: memref<!tpu.dma_semaphore, #tpu.memory_space<semaphore_mem>>, %arg16: memref<!tpu.dma_semaphore, #tpu.memory_space<semaphore_mem>>) attributes {dimension_semantics = [#tpu.dimension_semantics<core_parallel>, #tpu.dimension_semantics<subcore_parallel>], iteration_bounds = array<i64: 2, 16>, scalar_prefetch = 0 : i64, scratch_operands = 10 : i64, tpu.core_type = #tpu.core_type<sc_vector_subcore>, window_params = [{transform_indices = #map}, {transform_indices = #map1}, {transform_indices = #map1}, {transform_indices = #map}, {transform_indices = #map}]} {
    %mul3A = arith.constant 200000 : i32
    %mul3A_0 = arith.muli %arg1, %mul3A : i32
    %mul3A_1 = arith.constant 592 : i32
    %mul3A_2 = arith.muli %arg1, %mul3A_1 : i32
    %scan3A = arith.constant 0 : i32
    %scan3A_3 = arith.constant 0 : i32
    %scan3A_4 = arith.constant 6 : i32
    %scan3A_5 = arith.addi %scan3A_3, %scan3A_4 : i32
    %scan3A_6 = arith.constant 1 : i32
    scf.for %scan3A_8 = %scan3A_3 to %scan3A_5 step %scan3A_6  : i32 {
      %mul3A_9 = arith.constant 2 : i32
      %mul3A_10 = arith.muli %scan3A_8, %mul3A_9 : i32
      %add3A = arith.addi %mul3A_10, %arg0 : i32
      %mul3A_11 = arith.constant 9472 : i32
      %mul3A_12 = arith.muli %add3A, %mul3A_11 : i32
      "tpu.region"() ({
        %run_scoped3A = tpu.sem_alloc : memref<!tpu.dma_semaphore, #tpu.memory_space<semaphore_mem>>
        %dma_start3A_50 = arith.constant 0 : i32
        %dma_start3A_51 = arith.constant 0 : i32
        %dma_start3A_52 = tpu.memref_slice %arg13[%dma_start3A_50, %dma_start3A_51] : memref<400x128xf32, #tpu.memory_space<vmem>> -> memref<400x128xf32, #tpu.memory_space<vmem>>
        %dma_start3A_53 = arith.constant 0 : i32
        %dma_start3A_54 = arith.constant 0 : i32
        %dma_start3A_55 = tpu.memref_slice %arg5[%dma_start3A_53, %dma_start3A_54] : memref<400x128xf32, #tpu.memory_space<hbm>> -> memref<400x128xf32, #tpu.memory_space<hbm>>
        %dma_start3A_56 = arith.constant 0 : i32
        %dma_start3A_57 = arith.constant 0 : i32
        %dma_start3A_58 = tpu.memref_slice %arg13[%dma_start3A_56, %dma_start3A_57] : memref<400x128xf32, #tpu.memory_space<vmem>> -> memref<400x128xf32, #tpu.memory_space<vmem>>
        %dma_start3A_59 = arith.constant 0 : i32
        %dma_start3A_60 = arith.constant 0 : i32
        %dma_start3A_61 = tpu.memref_slice %arg5[%dma_start3A_59, %dma_start3A_60] : memref<400x128xf32, #tpu.memory_space<hbm>> -> memref<400x128xf32, #tpu.memory_space<hbm>>
        tpu.enqueue_dma source(%dma_start3A_61 : memref<400x128xf32, #tpu.memory_space<hbm>>) target(%dma_start3A_58 : memref<400x128xf32, #tpu.memory_space<vmem>>) target_semaphore(%run_scoped3A : memref<!tpu.dma_semaphore, #tpu.memory_space<semaphore_mem>>)
        %dma_wait3A_62 = arith.constant 0 : i32
        %dma_wait3A_63 = arith.constant 0 : i32
        %dma_wait3A_64 = tpu.memref_slice %arg13[%dma_wait3A_62, %dma_wait3A_63] : memref<400x128xf32, #tpu.memory_space<vmem>> -> memref<400x128xf32, #tpu.memory_space<vmem>>
        %dma_wait3A_65 = arith.constant 0 : i32
        %dma_wait3A_66 = arith.constant 0 : i32
        %dma_wait3A_67 = tpu.memref_slice %arg5[%dma_wait3A_65, %dma_wait3A_66] : memref<400x128xf32, #tpu.memory_space<hbm>> -> memref<400x128xf32, #tpu.memory_space<hbm>>
        %dma_wait3A_68 = arith.constant 0 : i32
        %dma_wait3A_69 = arith.constant 0 : i32
        %dma_wait3A_70 = tpu.memref_slice %arg13[%dma_wait3A_68, %dma_wait3A_69] : memref<400x128xf32, #tpu.memory_space<vmem>> -> memref<400x128xf32, #tpu.memory_space<vmem>>
        %dma_wait3A_71 = arith.constant 0 : i32
        %dma_wait3A_72 = arith.constant 0 : i32
        %dma_wait3A_73 = tpu.memref_slice %arg5[%dma_wait3A_71, %dma_wait3A_72] : memref<400x128xf32, #tpu.memory_space<hbm>> -> memref<400x128xf32, #tpu.memory_space<hbm>>
        tpu.wait_dma2 semaphore(%run_scoped3A : memref<!tpu.dma_semaphore, #tpu.memory_space<semaphore_mem>>) src(%dma_wait3A_73 : memref<400x128xf32, #tpu.memory_space<hbm>>) dst(%dma_wait3A_70 : memref<400x128xf32, #tpu.memory_space<vmem>>)
        tpu.yield
      }) : () -> ()
      %add3A_13 = arith.constant 0 : i32
      %add3A_14 = arith.addi %mul3A_2, %add3A_13 : i32
      "tpu.region"() ({
        %run_scoped3A = tpu.sem_alloc : memref<!tpu.dma_semaphore, #tpu.memory_space<semaphore_mem>>
        %dma_start3A_50 = arith.constant 0 : i32
        %dma_start3A_51 = arith.constant 0 : i32
        %dma_start3A_52 = tpu.memref_slice %arg13[%dma_start3A_50, %dma_start3A_51] : memref<400x128xf32, #tpu.memory_space<vmem>> -> memref<400x128xf32, #tpu.memory_space<vmem>>
        %dma_start3A_53 = arith.constant 0 : i32
        %dma_start3A_54 = tpu.memref_slice %arg14[%add3A_14, %dma_start3A_53] : memref<9472x128xf32, #tpu.memory_space<vmem_shared>> -> memref<400x128xf32, #tpu.memory_space<vmem_shared>>
        %dma_start3A_55 = arith.constant 0 : i32
        %dma_start3A_56 = tpu.memref_slice %arg14[%add3A_14, %dma_start3A_55] : memref<9472x128xf32, #tpu.memory_space<vmem_shared>> -> memref<400x128xf32, #tpu.memory_space<vmem_shared>>
        %dma_start3A_57 = arith.constant 0 : i32
        %dma_start3A_58 = arith.constant 0 : i32
        %dma_start3A_59 = tpu.memref_slice %arg13[%dma_start3A_57, %dma_start3A_58] : memref<400x128xf32, #tpu.memory_space<vmem>> -> memref<400x128xf32, #tpu.memory_space<vmem>>
        tpu.enqueue_dma source(%dma_start3A_59 : memref<400x128xf32, #tpu.memory_space<vmem>>) target(%dma_start3A_56 : memref<400x128xf32, #tpu.memory_space<vmem_shared>>) target_semaphore(%run_scoped3A : memref<!tpu.dma_semaphore, #tpu.memory_space<semaphore_mem>>)
        %dma_wait3A_60 = arith.constant 0 : i32
        %dma_wait3A_61 = arith.constant 0 : i32
        %dma_wait3A_62 = tpu.memref_slice %arg13[%dma_wait3A_60, %dma_wait3A_61] : memref<400x128xf32, #tpu.memory_space<vmem>> -> memref<400x128xf32, #tpu.memory_space<vmem>>
        %dma_wait3A_63 = arith.constant 0 : i32
        %dma_wait3A_64 = tpu.memref_slice %arg14[%add3A_14, %dma_wait3A_63] : memref<9472x128xf32, #tpu.memory_space<vmem_shared>> -> memref<400x128xf32, #tpu.memory_space<vmem_shared>>
        %dma_wait3A_65 = arith.constant 0 : i32
        %dma_wait3A_66 = tpu.memref_slice %arg14[%add3A_14, %dma_wait3A_65] : memref<9472x128xf32, #tpu.memory_space<vmem_shared>> -> memref<400x128xf32, #tpu.memory_space<vmem_shared>>
        %dma_wait3A_67 = arith.constant 0 : i32
        %dma_wait3A_68 = arith.constant 0 : i32
        %dma_wait3A_69 = tpu.memref_slice %arg13[%dma_wait3A_67, %dma_wait3A_68] : memref<400x128xf32, #tpu.memory_space<vmem>> -> memref<400x128xf32, #tpu.memory_space<vmem>>
        tpu.wait_dma2 semaphore(%run_scoped3A : memref<!tpu.dma_semaphore, #tpu.memory_space<semaphore_mem>>) src(%dma_wait3A_69 : memref<400x128xf32, #tpu.memory_space<vmem>>) dst(%dma_wait3A_66 : memref<400x128xf32, #tpu.memory_space<vmem_shared>>)
        tpu.yield
      }) : () -> ()
      "tpu.region"() ({
        %run_scoped3A = tpu.sem_alloc : memref<!tpu.dma_semaphore, #tpu.memory_space<semaphore_mem>>
        %dma_start3A_50 = arith.constant 0 : i32
        %dma_start3A_51 = arith.constant 0 : i32
        %dma_start3A_52 = tpu.memref_slice %arg13[%dma_start3A_50, %dma_start3A_51] : memref<400x128xf32, #tpu.memory_space<vmem>> -> memref<192x128xf32, #tpu.memory_space<vmem>>
        %dma_start3A_53 = arith.constant 0 : i32
        %dma_start3A_54 = arith.constant 0 : i32
        %dma_start3A_55 = tpu.memref_slice %arg5[%dma_start3A_53, %dma_start3A_54] : memref<400x128xf32, #tpu.memory_space<hbm>> -> memref<192x128xf32, #tpu.memory_space<hbm>>
        %dma_start3A_56 = arith.constant 0 : i32
        %dma_start3A_57 = arith.constant 0 : i32
        %dma_start3A_58 = tpu.memref_slice %arg13[%dma_start3A_56, %dma_start3A_57] : memref<400x128xf32, #tpu.memory_space<vmem>> -> memref<192x128xf32, #tpu.memory_space<vmem>>
        %dma_start3A_59 = arith.constant 0 : i32
        %dma_start3A_60 = arith.constant 0 : i32
        %dma_start3A_61 = tpu.memref_slice %arg5[%dma_start3A_59, %dma_start3A_60] : memref<400x128xf32, #tpu.memory_space<hbm>> -> memref<192x128xf32, #tpu.memory_space<hbm>>
        tpu.enqueue_dma source(%dma_start3A_61 : memref<192x128xf32, #tpu.memory_space<hbm>>) target(%dma_start3A_58 : memref<192x128xf32, #tpu.memory_space<vmem>>) target_semaphore(%run_scoped3A : memref<!tpu.dma_semaphore, #tpu.memory_space<semaphore_mem>>)
        %dma_wait3A_62 = arith.constant 0 : i32
        %dma_wait3A_63 = arith.constant 0 : i32
        %dma_wait3A_64 = tpu.memref_slice %arg13[%dma_wait3A_62, %dma_wait3A_63] : memref<400x128xf32, #tpu.memory_space<vmem>> -> memref<192x128xf32, #tpu.memory_space<vmem>>
        %dma_wait3A_65 = arith.constant 0 : i32
        %dma_wait3A_66 = arith.constant 0 : i32
        %dma_wait3A_67 = tpu.memref_slice %arg5[%dma_wait3A_65, %dma_wait3A_66] : memref<400x128xf32, #tpu.memory_space<hbm>> -> memref<192x128xf32, #tpu.memory_space<hbm>>
        %dma_wait3A_68 = arith.constant 0 : i32
        %dma_wait3A_69 = arith.constant 0 : i32
        %dma_wait3A_70 = tpu.memref_slice %arg13[%dma_wait3A_68, %dma_wait3A_69] : memref<400x128xf32, #tpu.memory_space<vmem>> -> memref<192x128xf32, #tpu.memory_space<vmem>>
        %dma_wait3A_71 = arith.constant 0 : i32
        %dma_wait3A_72 = arith.constant 0 : i32
        %dma_wait3A_73 = tpu.memref_slice %arg5[%dma_wait3A_71, %dma_wait3A_72] : memref<400x128xf32, #tpu.memory_space<hbm>> -> memref<192x128xf32, #tpu.memory_space<hbm>>
        tpu.wait_dma2 semaphore(%run_scoped3A : memref<!tpu.dma_semaphore, #tpu.memory_space<semaphore_mem>>) src(%dma_wait3A_73 : memref<192x128xf32, #tpu.memory_space<hbm>>) dst(%dma_wait3A_70 : memref<192x128xf32, #tpu.memory_space<vmem>>)
        tpu.yield
      }) : () -> ()
      %add3A_15 = arith.constant 400 : i32
      %add3A_16 = arith.addi %mul3A_2, %add3A_15 : i32
      "tpu.region"() ({
        %run_scoped3A = tpu.sem_alloc : memref<!tpu.dma_semaphore, #tpu.memory_space<semaphore_mem>>
        %dma_start3A_50 = arith.constant 0 : i32
        %dma_start3A_51 = arith.constant 0 : i32
        %dma_start3A_52 = tpu.memref_slice %arg13[%dma_start3A_50, %dma_start3A_51] : memref<400x128xf32, #tpu.memory_space<vmem>> -> memref<192x128xf32, #tpu.memory_space<vmem>>
        %dma_start3A_53 = arith.constant 0 : i32
        %dma_start3A_54 = tpu.memref_slice %arg14[%add3A_16, %dma_start3A_53] : memref<9472x128xf32, #tpu.memory_space<vmem_shared>> -> memref<192x128xf32, #tpu.memory_space<vmem_shared>>
        %dma_start3A_55 = arith.constant 0 : i32
        %dma_start3A_56 = tpu.memref_slice %arg14[%add3A_16, %dma_start3A_55] : memref<9472x128xf32, #tpu.memory_space<vmem_shared>> -> memref<192x128xf32, #tpu.memory_space<vmem_shared>>
        %dma_start3A_57 = arith.constant 0 : i32
        %dma_start3A_58 = arith.constant 0 : i32
        %dma_start3A_59 = tpu.memref_slice %arg13[%dma_start3A_57, %dma_start3A_58] : memref<400x128xf32, #tpu.memory_space<vmem>> -> memref<192x128xf32, #tpu.memory_space<vmem>>
        tpu.enqueue_dma source(%dma_start3A_59 : memref<192x128xf32, #tpu.memory_space<vmem>>) target(%dma_start3A_56 : memref<192x128xf32, #tpu.memory_space<vmem_shared>>) target_semaphore(%run_scoped3A : memref<!tpu.dma_semaphore, #tpu.memory_space<semaphore_mem>>)
        %dma_wait3A_60 = arith.constant 0 : i32
        %dma_wait3A_61 = arith.constant 0 : i32
        %dma_wait3A_62 = tpu.memref_slice %arg13[%dma_wait3A_60, %dma_wait3A_61] : memref<400x128xf32, #tpu.memory_space<vmem>> -> memref<192x128xf32, #tpu.memory_space<vmem>>
        %dma_wait3A_63 = arith.constant 0 : i32
        %dma_wait3A_64 = tpu.memref_slice %arg14[%add3A_16, %dma_wait3A_63] : memref<9472x128xf32, #tpu.memory_space<vmem_shared>> -> memref<192x128xf32, #tpu.memory_space<vmem_shared>>
        %dma_wait3A_65 = arith.constant 0 : i32
        %dma_wait3A_66 = tpu.memref_slice %arg14[%add3A_16, %dma_wait3A_65] : memref<9472x128xf32, #tpu.memory_space<vmem_shared>> -> memref<192x128xf32, #tpu.memory_space<vmem_shared>>
        %dma_wait3A_67 = arith.constant 0 : i32
        %dma_wait3A_68 = arith.constant 0 : i32
        %dma_wait3A_69 = tpu.memref_slice %arg13[%dma_wait3A_67, %dma_wait3A_68] : memref<400x128xf32, #tpu.memory_space<vmem>> -> memref<192x128xf32, #tpu.memory_space<vmem>>
        tpu.wait_dma2 semaphore(%run_scoped3A : memref<!tpu.dma_semaphore, #tpu.memory_space<semaphore_mem>>) src(%dma_wait3A_69 : memref<192x128xf32, #tpu.memory_space<vmem>>) dst(%dma_wait3A_66 : memref<192x128xf32, #tpu.memory_space<vmem_shared>>)
        tpu.yield
      }) : () -> ()
      %barrier3A = arith.constant 0 : index
      tpu.barrier barrier_id(%barrier3A)
      %min3A = arith.constant 0 : i32
      %min3A_17 = arith.constant 199600 : i32
      %min3A_18 = arith.minsi %min3A, %min3A_17 : i32
      %add3A_19 = arith.addi %mul3A_0, %min3A_18 : i32
      %dma_start3A = tpu.memref_slice %arg3[%add3A_19] : memref<3200000xi32, #tpu.memory_space<hbm>> -> memref<400xi32, #tpu.memory_space<hbm>>
      %dma_start3A_20 = tpu.memref_slice %arg3[%add3A_19] : memref<3200000xi32, #tpu.memory_space<hbm>> -> memref<400xi32, #tpu.memory_space<hbm>>
      tpu.enqueue_dma source(%dma_start3A_20 : memref<400xi32, #tpu.memory_space<hbm>>) target(%arg7 : memref<400xi32, #tpu.memory_space<vmem>>) target_semaphore(%arg16 : memref<!tpu.dma_semaphore, #tpu.memory_space<semaphore_mem>>)
      %dma_start3A_21 = tpu.memref_slice %arg4[%add3A_19] : memref<3200000xi32, #tpu.memory_space<hbm>> -> memref<400xi32, #tpu.memory_space<hbm>>
      %dma_start3A_22 = tpu.memref_slice %arg4[%add3A_19] : memref<3200000xi32, #tpu.memory_space<hbm>> -> memref<400xi32, #tpu.memory_space<hbm>>
      tpu.enqueue_dma source(%dma_start3A_22 : memref<400xi32, #tpu.memory_space<hbm>>) target(%arg8 : memref<400xi32, #tpu.memory_space<vmem>>) target_semaphore(%arg16 : memref<!tpu.dma_semaphore, #tpu.memory_space<semaphore_mem>>)
      %dma_wait3A = tpu.memref_slice %arg3[%add3A_19] : memref<3200000xi32, #tpu.memory_space<hbm>> -> memref<400xi32, #tpu.memory_space<hbm>>
      %dma_wait3A_23 = tpu.memref_slice %arg3[%add3A_19] : memref<3200000xi32, #tpu.memory_space<hbm>> -> memref<400xi32, #tpu.memory_space<hbm>>
      tpu.wait_dma2 semaphore(%arg16 : memref<!tpu.dma_semaphore, #tpu.memory_space<semaphore_mem>>) src(%dma_wait3A_23 : memref<400xi32, #tpu.memory_space<hbm>>) dst(%arg7 : memref<400xi32, #tpu.memory_space<vmem>>)
      %dma_wait3A_24 = tpu.memref_slice %arg4[%add3A_19] : memref<3200000xi32, #tpu.memory_space<hbm>> -> memref<400xi32, #tpu.memory_space<hbm>>
      %dma_wait3A_25 = tpu.memref_slice %arg4[%add3A_19] : memref<3200000xi32, #tpu.memory_space<hbm>> -> memref<400xi32, #tpu.memory_space<hbm>>
      tpu.wait_dma2 semaphore(%arg16 : memref<!tpu.dma_semaphore, #tpu.memory_space<semaphore_mem>>) src(%dma_wait3A_25 : memref<400xi32, #tpu.memory_space<hbm>>) dst(%arg8 : memref<400xi32, #tpu.memory_space<vmem>>)
      %scan3A_26 = arith.constant 0 : i32
      %scan3A_27 = arith.constant 0 : i32
      %scan3A_28 = arith.constant 25 : i32
      %scan3A_29 = arith.addi %scan3A_27, %scan3A_28 : i32
      %scan3A_30 = arith.constant 1 : i32
      scf.for %scan3A_50 = %scan3A_27 to %scan3A_29 step %scan3A_30  : i32 {
        %mul3A_51 = arith.constant 16 : i32
        %mul3A_52 = arith.muli %scan3A_50, %mul3A_51 : i32
        %get3A = arith.index_cast %mul3A_52 : i32 to index
        %get3A_53 = tpu.vector_load %arg8[%get3A] {strides = array<i32>} : memref<400xi32, #tpu.memory_space<vmem>>, vector<16xi32>,
        %get3A_54 = vector.shape_cast %get3A_53 : vector<16xi32> to vector<16xi32>
        %get3A_55 = arith.index_cast %mul3A_52 : i32 to index
        %get3A_56 = tpu.vector_load %arg7[%get3A_55] {strides = array<i32>} : memref<400xi32, #tpu.memory_space<vmem>>, vector<16xi32>,
        %get3A_57 = vector.shape_cast %get3A_56 : vector<16xi32> to vector<16xi32>
        %ge3A = vector.broadcast %mul3A_12 : i32 to vector<16xi32>
        %ge3A_58 = arith.cmpi sge, %get3A_54, %ge3A : vector<16xi32>
        %add3A_59 = arith.constant 9472 : i32
        %add3A_60 = arith.addi %mul3A_12, %add3A_59 : i32
        %lt3A = vector.broadcast %add3A_60 : i32 to vector<16xi32>
        %lt3A_61 = arith.cmpi slt, %get3A_54, %lt3A : vector<16xi32>
        %and3A = arith.andi %ge3A_58, %lt3A_61 : vector<16xi1>
        %jit3A = arith.constant -1 : i32
        %broadcast_in_dim3A = vector.broadcast %jit3A : i32 to vector<16xi32>
        %select_n3A = arith.select %and3A, %get3A_57, %broadcast_in_dim3A : vector<16xi1>, vector<16xi32>
        %swap3A = arith.index_cast %mul3A_52 : i32 to index
        %swap3A_62 = tpu.vector_load %arg9[%swap3A] {strides = array<i32>} : memref<400xi32, #tpu.memory_space<vmem>>, vector<16xi32>,
        %swap3A_63 = vector.shape_cast %swap3A_62 : vector<16xi32> to vector<16xi32>
        %swap3A_64 = vector.shape_cast %select_n3A : vector<16xi32> to vector<16xi32>
        tpu.vector_store %arg9[%swap3A], %swap3A_64 {strides = array<i32>} : memref<400xi32, #tpu.memory_space<vmem>>, vector<16xi32>,
        %sub3A = vector.broadcast %mul3A_12 : i32 to vector<16xi32>
        %sub3A_65 = arith.subi %get3A_54, %sub3A : vector<16xi32>
        %jit3A_66 = arith.constant -1 : i32
        %broadcast_in_dim3A_67 = vector.broadcast %jit3A_66 : i32 to vector<16xi32>
        %select_n3A_68 = arith.select %and3A, %sub3A_65, %broadcast_in_dim3A_67 : vector<16xi1>, vector<16xi32>
        %swap3A_69 = arith.index_cast %mul3A_52 : i32 to index
        %swap3A_70 = tpu.vector_load %arg10[%swap3A_69] {strides = array<i32>} : memref<400xi32, #tpu.memory_space<vmem>>, vector<16xi32>,
        %swap3A_71 = vector.shape_cast %swap3A_70 : vector<16xi32> to vector<16xi32>
        %swap3A_72 = vector.shape_cast %select_n3A_68 : vector<16xi32> to vector<16xi32>
        tpu.vector_store %arg10[%swap3A_69], %swap3A_72 {strides = array<i32>} : memref<400xi32, #tpu.memory_space<vmem>>, vector<16xi32>,
      }
      %scan3A_31 = arith.constant 25 : i32
      %scan3A_32 = arith.constant 0 : i32
      %scan3A_33 = arith.constant 0 : i32
      %scan3A_34 = arith.constant 250 : i32
      %scan3A_35 = arith.addi %scan3A_33, %scan3A_34 : i32
      %scan3A_36 = arith.constant 1 : i32
      scf.for %scan3A_50 = %scan3A_33 to %scan3A_35 step %scan3A_36  : i32 {
        %mul3A_51 = arith.constant 2 : i32
        %mul3A_52 = arith.muli %mul3A_51, %scan3A_50 : i32
        %add3A_53 = arith.constant 1 : i32
        %add3A_54 = arith.addi %mul3A_52, %add3A_53 : i32
        %dma_start3A_55 = arith.constant 0 : i32
        %dma_start3A_56 = arith.constant 0 : i32
        %dma_start3A_57 = tpu.memref_slice %arg2[%dma_start3A_55, %dma_start3A_56] : memref<100000x128xf32, #tpu.memory_space<hbm>> -> memref<100000x128xf32, #tpu.memory_space<hbm>>
        %dma_start3A_58 = arith.constant -1 : i32
        tpu.enqueue_indirect_dma source(%dma_start3A_57 : memref<100000x128xf32, #tpu.memory_space<hbm>>) target(%arg13 : memref<400x128xf32, #tpu.memory_space<vmem>>) offsets(%arg9 : memref<400xi32, #tpu.memory_space<vmem>>) offset_filter(%dma_start3A_58) semaphore(%arg15 : memref<!tpu.dma_semaphore, #tpu.memory_space<semaphore_mem>>)
        %mul3A_59 = arith.constant 400 : i32
        %mul3A_60 = arith.muli %add3A_54, %mul3A_59 : i32
        %min3A_61 = arith.constant 199600 : i32
        %min3A_62 = arith.minsi %mul3A_60, %min3A_61 : i32
        %add3A_63 = arith.addi %mul3A_0, %min3A_62 : i32
        %dma_start3A_64 = tpu.memref_slice %arg3[%add3A_63] : memref<3200000xi32, #tpu.memory_space<hbm>> -> memref<400xi32, #tpu.memory_space<hbm>>
        %dma_start3A_65 = tpu.memref_slice %arg3[%add3A_63] : memref<3200000xi32, #tpu.memory_space<hbm>> -> memref<400xi32, #tpu.memory_space<hbm>>
        tpu.enqueue_dma source(%dma_start3A_65 : memref<400xi32, #tpu.memory_space<hbm>>) target(%arg7 : memref<400xi32, #tpu.memory_space<vmem>>) target_semaphore(%arg16 : memref<!tpu.dma_semaphore, #tpu.memory_space<semaphore_mem>>)
        %dma_start3A_66 = tpu.memref_slice %arg4[%add3A_63] : memref<3200000xi32, #tpu.memory_space<hbm>> -> memref<400xi32, #tpu.memory_space<hbm>>
        %dma_start3A_67 = tpu.memref_slice %arg4[%add3A_63] : memref<3200000xi32, #tpu.memory_space<hbm>> -> memref<400xi32, #tpu.memory_space<hbm>>
        tpu.enqueue_dma source(%dma_start3A_67 : memref<400xi32, #tpu.memory_space<hbm>>) target(%arg8 : memref<400xi32, #tpu.memory_space<vmem>>) target_semaphore(%arg16 : memref<!tpu.dma_semaphore, #tpu.memory_space<semaphore_mem>>)
        %dma_wait3A_68 = tpu.memref_slice %arg3[%add3A_63] : memref<3200000xi32, #tpu.memory_space<hbm>> -> memref<400xi32, #tpu.memory_space<hbm>>
        %dma_wait3A_69 = tpu.memref_slice %arg3[%add3A_63] : memref<3200000xi32, #tpu.memory_space<hbm>> -> memref<400xi32, #tpu.memory_space<hbm>>
        tpu.wait_dma2 semaphore(%arg16 : memref<!tpu.dma_semaphore, #tpu.memory_space<semaphore_mem>>) src(%dma_wait3A_69 : memref<400xi32, #tpu.memory_space<hbm>>) dst(%arg7 : memref<400xi32, #tpu.memory_space<vmem>>)
        %dma_wait3A_70 = tpu.memref_slice %arg4[%add3A_63] : memref<3200000xi32, #tpu.memory_space<hbm>> -> memref<400xi32, #tpu.memory_space<hbm>>
        %dma_wait3A_71 = tpu.memref_slice %arg4[%add3A_63] : memref<3200000xi32, #tpu.memory_space<hbm>> -> memref<400xi32, #tpu.memory_space<hbm>>
        tpu.wait_dma2 semaphore(%arg16 : memref<!tpu.dma_semaphore, #tpu.memory_space<semaphore_mem>>) src(%dma_wait3A_71 : memref<400xi32, #tpu.memory_space<hbm>>) dst(%arg8 : memref<400xi32, #tpu.memory_space<vmem>>)
        %scan3A_72 = arith.constant 0 : i32
        %scan3A_73 = arith.constant 0 : i32
        %scan3A_74 = arith.constant 25 : i32
        %scan3A_75 = arith.addi %scan3A_73, %scan3A_74 : i32
        %scan3A_76 = arith.constant 1 : i32
        scf.for %scan3A_109 = %scan3A_73 to %scan3A_75 step %scan3A_76  : i32 {
          %mul3A_110 = arith.constant 16 : i32
          %mul3A_111 = arith.muli %scan3A_109, %mul3A_110 : i32
          %get3A = arith.index_cast %mul3A_111 : i32 to index
          %get3A_112 = tpu.vector_load %arg8[%get3A] {strides = array<i32>} : memref<400xi32, #tpu.memory_space<vmem>>, vector<16xi32>,
          %get3A_113 = vector.shape_cast %get3A_112 : vector<16xi32> to vector<16xi32>
          %get3A_114 = arith.index_cast %mul3A_111 : i32 to index
          %get3A_115 = tpu.vector_load %arg7[%get3A_114] {strides = array<i32>} : memref<400xi32, #tpu.memory_space<vmem>>, vector<16xi32>,
          %get3A_116 = vector.shape_cast %get3A_115 : vector<16xi32> to vector<16xi32>
          %ge3A = vector.broadcast %mul3A_12 : i32 to vector<16xi32>
          %ge3A_117 = arith.cmpi sge, %get3A_113, %ge3A : vector<16xi32>
          %add3A_118 = arith.constant 9472 : i32
          %add3A_119 = arith.addi %mul3A_12, %add3A_118 : i32
          %lt3A = vector.broadcast %add3A_119 : i32 to vector<16xi32>
          %lt3A_120 = arith.cmpi slt, %get3A_113, %lt3A : vector<16xi32>
          %and3A = arith.andi %ge3A_117, %lt3A_120 : vector<16xi1>
          %jit3A = arith.constant -1 : i32
          %broadcast_in_dim3A = vector.broadcast %jit3A : i32 to vector<16xi32>
          %select_n3A = arith.select %and3A, %get3A_116, %broadcast_in_dim3A : vector<16xi1>, vector<16xi32>
          %swap3A = arith.index_cast %mul3A_111 : i32 to index
          %swap3A_121 = tpu.vector_load %arg11[%swap3A] {strides = array<i32>} : memref<400xi32, #tpu.memory_space<vmem>>, vector<16xi32>,
          %swap3A_122 = vector.shape_cast %swap3A_121 : vector<16xi32> to vector<16xi32>
          %swap3A_123 = vector.shape_cast %select_n3A : vector<16xi32> to vector<16xi32>
          tpu.vector_store %arg11[%swap3A], %swap3A_123 {strides = array<i32>} : memref<400xi32, #tpu.memory_space<vmem>>, vector<16xi32>,
          %sub3A = vector.broadcast %mul3A_12 : i32 to vector<16xi32>
          %sub3A_124 = arith.subi %get3A_113, %sub3A : vector<16xi32>
          %jit3A_125 = arith.constant -1 : i32
          %broadcast_in_dim3A_126 = vector.broadcast %jit3A_125 : i32 to vector<16xi32>
          %select_n3A_127 = arith.select %and3A, %sub3A_124, %broadcast_in_dim3A_126 : vector<16xi1>, vector<16xi32>
          %swap3A_128 = arith.index_cast %mul3A_111 : i32 to index
          %swap3A_129 = tpu.vector_load %arg12[%swap3A_128] {strides = array<i32>} : memref<400xi32, #tpu.memory_space<vmem>>, vector<16xi32>,
          %swap3A_130 = vector.shape_cast %swap3A_129 : vector<16xi32> to vector<16xi32>
          %swap3A_131 = vector.shape_cast %select_n3A_127 : vector<16xi32> to vector<16xi32>
          tpu.vector_store %arg12[%swap3A_128], %swap3A_131 {strides = array<i32>} : memref<400xi32, #tpu.memory_space<vmem>>, vector<16xi32>,
        }
        %scan3A_77 = arith.constant 25 : i32
        %dma_wait3A_78 = arith.constant 0 : i32
        %dma_wait3A_79 = arith.constant 0 : i32
        %dma_wait3A_80 = tpu.memref_slice %arg2[%dma_wait3A_78, %dma_wait3A_79] : memref<100000x128xf32, #tpu.memory_space<hbm>> -> memref<100000x128xf32, #tpu.memory_space<hbm>>
        tpu.wait_indirect_dma semaphore(%arg15 : memref<!tpu.dma_semaphore, #tpu.memory_space<semaphore_mem>>) src(%dma_wait3A_80 : memref<100000x128xf32, #tpu.memory_space<hbm>>) dst(%arg13 : memref<400x128xf32, #tpu.memory_space<vmem>>)
        "tpu.region"() ({
          %run_scoped3A = tpu.sem_alloc : memref<!tpu.dma_semaphore, #tpu.memory_space<semaphore_mem>>
          %dma_start3A_109 = arith.constant 0 : i32
          %dma_start3A_110 = arith.constant 0 : i32
          %dma_start3A_111 = tpu.memref_slice %arg14[%dma_start3A_109, %dma_start3A_110] : memref<9472x128xf32, #tpu.memory_space<vmem_shared>> -> memref<9472x128xf32, #tpu.memory_space<vmem_shared>>
          %dma_start3A_112 = arith.constant -1 : i32
          tpu.enqueue_indirect_dma source(%arg13 : memref<400x128xf32, #tpu.memory_space<vmem>>) target(%dma_start3A_111 : memref<9472x128xf32, #tpu.memory_space<vmem_shared>>) offsets(%arg10 : memref<400xi32, #tpu.memory_space<vmem>>) offset_filter(%dma_start3A_112) semaphore(%run_scoped3A : memref<!tpu.dma_semaphore, #tpu.memory_space<semaphore_mem>>) {add = true}
          %dma_wait3A_113 = arith.constant 0 : i32
          %dma_wait3A_114 = arith.constant 0 : i32
          %dma_wait3A_115 = tpu.memref_slice %arg14[%dma_wait3A_113, %dma_wait3A_114] : memref<9472x128xf32, #tpu.memory_space<vmem_shared>> -> memref<9472x128xf32, #tpu.memory_space<vmem_shared>>
          tpu.wait_indirect_dma semaphore(%run_scoped3A : memref<!tpu.dma_semaphore, #tpu.memory_space<semaphore_mem>>) src(%arg13 : memref<400x128xf32, #tpu.memory_space<vmem>>) dst(%dma_wait3A_115 : memref<9472x128xf32, #tpu.memory_space<vmem_shared>>)
          tpu.yield
        }) : () -> ()
        %add3A_81 = arith.constant 2 : i32
        %add3A_82 = arith.addi %mul3A_52, %add3A_81 : i32
        %dma_start3A_83 = arith.constant 0 : i32
        %dma_start3A_84 = arith.constant 0 : i32
        %dma_start3A_85 = tpu.memref_slice %arg2[%dma_start3A_83, %dma_start3A_84] : memref<100000x128xf32, #tpu.memory_space<hbm>> -> memref<100000x128xf32, #tpu.memory_space<hbm>>
        %dma_start3A_86 = arith.constant -1 : i32
        tpu.enqueue_indirect_dma source(%dma_start3A_85 : memref<100000x128xf32, #tpu.memory_space<hbm>>) target(%arg13 : memref<400x128xf32, #tpu.memory_space<vmem>>) offsets(%arg11 : memref<400xi32, #tpu.memory_space<vmem>>) offset_filter(%dma_start3A_86) semaphore(%arg15 : memref<!tpu.dma_semaphore, #tpu.memory_space<semaphore_mem>>)
        %mul3A_87 = arith.constant 400 : i32
        %mul3A_88 = arith.muli %add3A_82, %mul3A_87 : i32
        %min3A_89 = arith.constant 199600 : i32
        %min3A_90 = arith.minsi %mul3A_88, %min3A_89 : i32
        %add3A_91 = arith.addi %mul3A_0, %min3A_90 : i32
        %dma_start3A_92 = tpu.memref_slice %arg3[%add3A_91] : memref<3200000xi32, #tpu.memory_space<hbm>> -> memref<400xi32, #tpu.memory_space<hbm>>
        %dma_start3A_93 = tpu.memref_slice %arg3[%add3A_91] : memref<3200000xi32, #tpu.memory_space<hbm>> -> memref<400xi32, #tpu.memory_space<hbm>>
        tpu.enqueue_dma source(%dma_start3A_93 : memref<400xi32, #tpu.memory_space<hbm>>) target(%arg7 : memref<400xi32, #tpu.memory_space<vmem>>) target_semaphore(%arg16 : memref<!tpu.dma_semaphore, #tpu.memory_space<semaphore_mem>>)
        %dma_start3A_94 = tpu.memref_slice %arg4[%add3A_91] : memref<3200000xi32, #tpu.memory_space<hbm>> -> memref<400xi32, #tpu.memory_space<hbm>>
        %dma_start3A_95 = tpu.memref_slice %arg4[%add3A_91] : memref<3200000xi32, #tpu.memory_space<hbm>> -> memref<400xi32, #tpu.memory_space<hbm>>
        tpu.enqueue_dma source(%dma_start3A_95 : memref<400xi32, #tpu.memory_space<hbm>>) target(%arg8 : memref<400xi32, #tpu.memory_space<vmem>>) target_semaphore(%arg16 : memref<!tpu.dma_semaphore, #tpu.memory_space<semaphore_mem>>)
        %dma_wait3A_96 = tpu.memref_slice %arg3[%add3A_91] : memref<3200000xi32, #tpu.memory_space<hbm>> -> memref<400xi32, #tpu.memory_space<hbm>>
        %dma_wait3A_97 = tpu.memref_slice %arg3[%add3A_91] : memref<3200000xi32, #tpu.memory_space<hbm>> -> memref<400xi32, #tpu.memory_space<hbm>>
        tpu.wait_dma2 semaphore(%arg16 : memref<!tpu.dma_semaphore, #tpu.memory_space<semaphore_mem>>) src(%dma_wait3A_97 : memref<400xi32, #tpu.memory_space<hbm>>) dst(%arg7 : memref<400xi32, #tpu.memory_space<vmem>>)
        %dma_wait3A_98 = tpu.memref_slice %arg4[%add3A_91] : memref<3200000xi32, #tpu.memory_space<hbm>> -> memref<400xi32, #tpu.memory_space<hbm>>
        %dma_wait3A_99 = tpu.memref_slice %arg4[%add3A_91] : memref<3200000xi32, #tpu.memory_space<hbm>> -> memref<400xi32, #tpu.memory_space<hbm>>
        tpu.wait_dma2 semaphore(%arg16 : memref<!tpu.dma_semaphore, #tpu.memory_space<semaphore_mem>>) src(%dma_wait3A_99 : memref<400xi32, #tpu.memory_space<hbm>>) dst(%arg8 : memref<400xi32, #tpu.memory_space<vmem>>)
        %scan3A_100 = arith.constant 0 : i32
        %scan3A_101 = arith.constant 0 : i32
        %scan3A_102 = arith.constant 25 : i32
        %scan3A_103 = arith.addi %scan3A_101, %scan3A_102 : i32
        %scan3A_104 = arith.constant 1 : i32
        scf.for %scan3A_109 = %scan3A_101 to %scan3A_103 step %scan3A_104  : i32 {
          %mul3A_110 = arith.constant 16 : i32
          %mul3A_111 = arith.muli %scan3A_109, %mul3A_110 : i32
          %get3A = arith.index_cast %mul3A_111 : i32 to index
          %get3A_112 = tpu.vector_load %arg8[%get3A] {strides = array<i32>} : memref<400xi32, #tpu.memory_space<vmem>>, vector<16xi32>,
          %get3A_113 = vector.shape_cast %get3A_112 : vector<16xi32> to vector<16xi32>
          %get3A_114 = arith.index_cast %mul3A_111 : i32 to index
          %get3A_115 = tpu.vector_load %arg7[%get3A_114] {strides = array<i32>} : memref<400xi32, #tpu.memory_space<vmem>>, vector<16xi32>,
          %get3A_116 = vector.shape_cast %get3A_115 : vector<16xi32> to vector<16xi32>
          %ge3A = vector.broadcast %mul3A_12 : i32 to vector<16xi32>
          %ge3A_117 = arith.cmpi sge, %get3A_113, %ge3A : vector<16xi32>
          %add3A_118 = arith.constant 9472 : i32
          %add3A_119 = arith.addi %mul3A_12, %add3A_118 : i32
          %lt3A = vector.broadcast %add3A_119 : i32 to vector<16xi32>
          %lt3A_120 = arith.cmpi slt, %get3A_113, %lt3A : vector<16xi32>
          %and3A = arith.andi %ge3A_117, %lt3A_120 : vector<16xi1>
          %jit3A = arith.constant -1 : i32
          %broadcast_in_dim3A = vector.broadcast %jit3A : i32 to vector<16xi32>
          %select_n3A = arith.select %and3A, %get3A_116, %broadcast_in_dim3A : vector<16xi1>, vector<16xi32>
          %swap3A = arith.index_cast %mul3A_111 : i32 to index
          %swap3A_121 = tpu.vector_load %arg9[%swap3A] {strides = array<i32>} : memref<400xi32, #tpu.memory_space<vmem>>, vector<16xi32>,
          %swap3A_122 = vector.shape_cast %swap3A_121 : vector<16xi32> to vector<16xi32>
          %swap3A_123 = vector.shape_cast %select_n3A : vector<16xi32> to vector<16xi32>
          tpu.vector_store %arg9[%swap3A], %swap3A_123 {strides = array<i32>} : memref<400xi32, #tpu.memory_space<vmem>>, vector<16xi32>,
          %sub3A = vector.broadcast %mul3A_12 : i32 to vector<16xi32>
          %sub3A_124 = arith.subi %get3A_113, %sub3A : vector<16xi32>
          %jit3A_125 = arith.constant -1 : i32
          %broadcast_in_dim3A_126 = vector.broadcast %jit3A_125 : i32 to vector<16xi32>
          %select_n3A_127 = arith.select %and3A, %sub3A_124, %broadcast_in_dim3A_126 : vector<16xi1>, vector<16xi32>
          %swap3A_128 = arith.index_cast %mul3A_111 : i32 to index
          %swap3A_129 = tpu.vector_load %arg10[%swap3A_128] {strides = array<i32>} : memref<400xi32, #tpu.memory_space<vmem>>, vector<16xi32>,
          %swap3A_130 = vector.shape_cast %swap3A_129 : vector<16xi32> to vector<16xi32>
          %swap3A_131 = vector.shape_cast %select_n3A_127 : vector<16xi32> to vector<16xi32>
          tpu.vector_store %arg10[%swap3A_128], %swap3A_131 {strides = array<i32>} : memref<400xi32, #tpu.memory_space<vmem>>, vector<16xi32>,
        }
        %scan3A_105 = arith.constant 25 : i32
        %dma_wait3A_106 = arith.constant 0 : i32
        %dma_wait3A_107 = arith.constant 0 : i32
        %dma_wait3A_108 = tpu.memref_slice %arg2[%dma_wait3A_106, %dma_wait3A_107] : memref<100000x128xf32, #tpu.memory_space<hbm>> -> memref<100000x128xf32, #tpu.memory_space<hbm>>
        tpu.wait_indirect_dma semaphore(%arg15 : memref<!tpu.dma_semaphore, #tpu.memory_space<semaphore_mem>>) src(%dma_wait3A_108 : memref<100000x128xf32, #tpu.memory_space<hbm>>) dst(%arg13 : memref<400x128xf32, #tpu.memory_space<vmem>>)
        "tpu.region"() ({
          %run_scoped3A = tpu.sem_alloc : memref<!tpu.dma_semaphore, #tpu.memory_space<semaphore_mem>>
          %dma_start3A_109 = arith.constant 0 : i32
          %dma_start3A_110 = arith.constant 0 : i32
          %dma_start3A_111 = tpu.memref_slice %arg14[%dma_start3A_109, %dma_start3A_110] : memref<9472x128xf32, #tpu.memory_space<vmem_shared>> -> memref<9472x128xf32, #tpu.memory_space<vmem_shared>>
          %dma_start3A_112 = arith.constant -1 : i32
          tpu.enqueue_indirect_dma source(%arg13 : memref<400x128xf32, #tpu.memory_space<vmem>>) target(%dma_start3A_111 : memref<9472x128xf32, #tpu.memory_space<vmem_shared>>) offsets(%arg12 : memref<400xi32, #tpu.memory_space<vmem>>) offset_filter(%dma_start3A_112) semaphore(%run_scoped3A : memref<!tpu.dma_semaphore, #tpu.memory_space<semaphore_mem>>) {add = true}
          %dma_wait3A_113 = arith.constant 0 : i32
          %dma_wait3A_114 = arith.constant 0 : i32
          %dma_wait3A_115 = tpu.memref_slice %arg14[%dma_wait3A_113, %dma_wait3A_114] : memref<9472x128xf32, #tpu.memory_space<vmem_shared>> -> memref<9472x128xf32, #tpu.memory_space<vmem_shared>>
          tpu.wait_indirect_dma semaphore(%run_scoped3A : memref<!tpu.dma_semaphore, #tpu.memory_space<semaphore_mem>>) src(%arg13 : memref<400x128xf32, #tpu.memory_space<vmem>>) dst(%dma_wait3A_115 : memref<9472x128xf32, #tpu.memory_space<vmem_shared>>)
          tpu.yield
        }) : () -> ()
      }
      %scan3A_37 = arith.constant 250 : i32
      %barrier3A_38 = arith.constant 0 : index
      tpu.barrier barrier_id(%barrier3A_38)
      %add3A_39 = arith.constant 0 : i32
      %add3A_40 = arith.addi %mul3A_2, %add3A_39 : i32
      "tpu.region"() ({
        %run_scoped3A = tpu.sem_alloc : memref<!tpu.dma_semaphore, #tpu.memory_space<semaphore_mem>>
        %dma_start3A_50 = arith.constant 0 : i32
        %dma_start3A_51 = arith.constant 0 : i32
        %dma_start3A_52 = tpu.memref_slice %arg13[%dma_start3A_50, %dma_start3A_51] : memref<400x128xf32, #tpu.memory_space<vmem>> -> memref<400x128xf32, #tpu.memory_space<vmem>>
        %dma_start3A_53 = arith.constant 0 : i32
        %dma_start3A_54 = tpu.memref_slice %arg14[%add3A_40, %dma_start3A_53] : memref<9472x128xf32, #tpu.memory_space<vmem_shared>> -> memref<400x128xf32, #tpu.memory_space<vmem_shared>>
        %dma_start3A_55 = arith.constant 0 : i32
        %dma_start3A_56 = arith.constant 0 : i32
        %dma_start3A_57 = tpu.memref_slice %arg13[%dma_start3A_55, %dma_start3A_56] : memref<400x128xf32, #tpu.memory_space<vmem>> -> memref<400x128xf32, #tpu.memory_space<vmem>>
        %dma_start3A_58 = arith.constant 0 : i32
        %dma_start3A_59 = tpu.memref_slice %arg14[%add3A_40, %dma_start3A_58] : memref<9472x128xf32, #tpu.memory_space<vmem_shared>> -> memref<400x128xf32, #tpu.memory_space<vmem_shared>>
        tpu.enqueue_dma source(%dma_start3A_59 : memref<400x128xf32, #tpu.memory_space<vmem_shared>>) target(%dma_start3A_57 : memref<400x128xf32, #tpu.memory_space<vmem>>) target_semaphore(%run_scoped3A : memref<!tpu.dma_semaphore, #tpu.memory_space<semaphore_mem>>)
        %dma_wait3A_60 = arith.constant 0 : i32
        %dma_wait3A_61 = arith.constant 0 : i32
        %dma_wait3A_62 = tpu.memref_slice %arg13[%dma_wait3A_60, %dma_wait3A_61] : memref<400x128xf32, #tpu.memory_space<vmem>> -> memref<400x128xf32, #tpu.memory_space<vmem>>
        %dma_wait3A_63 = arith.constant 0 : i32
        %dma_wait3A_64 = tpu.memref_slice %arg14[%add3A_40, %dma_wait3A_63] : memref<9472x128xf32, #tpu.memory_space<vmem_shared>> -> memref<400x128xf32, #tpu.memory_space<vmem_shared>>
        %dma_wait3A_65 = arith.constant 0 : i32
        %dma_wait3A_66 = arith.constant 0 : i32
        %dma_wait3A_67 = tpu.memref_slice %arg13[%dma_wait3A_65, %dma_wait3A_66] : memref<400x128xf32, #tpu.memory_space<vmem>> -> memref<400x128xf32, #tpu.memory_space<vmem>>
        %dma_wait3A_68 = arith.constant 0 : i32
        %dma_wait3A_69 = tpu.memref_slice %arg14[%add3A_40, %dma_wait3A_68] : memref<9472x128xf32, #tpu.memory_space<vmem_shared>> -> memref<400x128xf32, #tpu.memory_space<vmem_shared>>
        tpu.wait_dma2 semaphore(%run_scoped3A : memref<!tpu.dma_semaphore, #tpu.memory_space<semaphore_mem>>) src(%dma_wait3A_69 : memref<400x128xf32, #tpu.memory_space<vmem_shared>>) dst(%dma_wait3A_67 : memref<400x128xf32, #tpu.memory_space<vmem>>)
        tpu.yield
      }) : () -> ()
      %add3A_41 = arith.addi %mul3A_12, %mul3A_2 : i32
      %add3A_42 = arith.constant 0 : i32
      %add3A_43 = arith.addi %add3A_41, %add3A_42 : i32
      "tpu.region"() ({
        %run_scoped3A = tpu.sem_alloc : memref<!tpu.dma_semaphore, #tpu.memory_space<semaphore_mem>>
        %dma_start3A_50 = arith.constant 0 : i32
        %dma_start3A_51 = arith.constant 0 : i32
        %dma_start3A_52 = tpu.memref_slice %arg13[%dma_start3A_50, %dma_start3A_51] : memref<400x128xf32, #tpu.memory_space<vmem>> -> memref<400x128xf32, #tpu.memory_space<vmem>>
        %dma_start3A_53 = arith.constant 0 : i32
        %dma_start3A_54 = tpu.memref_slice %arg6[%add3A_43, %dma_start3A_53] : memref<113664x128xf32, #tpu.memory_space<hbm>> -> memref<400x128xf32, #tpu.memory_space<hbm>>
        %dma_start3A_55 = arith.constant 0 : i32
        %dma_start3A_56 = tpu.memref_slice %arg6[%add3A_43, %dma_start3A_55] : memref<113664x128xf32, #tpu.memory_space<hbm>> -> memref<400x128xf32, #tpu.memory_space<hbm>>
        %dma_start3A_57 = arith.constant 0 : i32
        %dma_start3A_58 = arith.constant 0 : i32
        %dma_start3A_59 = tpu.memref_slice %arg13[%dma_start3A_57, %dma_start3A_58] : memref<400x128xf32, #tpu.memory_space<vmem>> -> memref<400x128xf32, #tpu.memory_space<vmem>>
        tpu.enqueue_dma source(%dma_start3A_59 : memref<400x128xf32, #tpu.memory_space<vmem>>) target(%dma_start3A_56 : memref<400x128xf32, #tpu.memory_space<hbm>>) target_semaphore(%run_scoped3A : memref<!tpu.dma_semaphore, #tpu.memory_space<semaphore_mem>>)
        %dma_wait3A_60 = arith.constant 0 : i32
        %dma_wait3A_61 = arith.constant 0 : i32
        %dma_wait3A_62 = tpu.memref_slice %arg13[%dma_wait3A_60, %dma_wait3A_61] : memref<400x128xf32, #tpu.memory_space<vmem>> -> memref<400x128xf32, #tpu.memory_space<vmem>>
        %dma_wait3A_63 = arith.constant 0 : i32
        %dma_wait3A_64 = tpu.memref_slice %arg6[%add3A_43, %dma_wait3A_63] : memref<113664x128xf32, #tpu.memory_space<hbm>> -> memref<400x128xf32, #tpu.memory_space<hbm>>
        %dma_wait3A_65 = arith.constant 0 : i32
        %dma_wait3A_66 = tpu.memref_slice %arg6[%add3A_43, %dma_wait3A_65] : memref<113664x128xf32, #tpu.memory_space<hbm>> -> memref<400x128xf32, #tpu.memory_space<hbm>>
        %dma_wait3A_67 = arith.constant 0 : i32
        %dma_wait3A_68 = arith.constant 0 : i32
        %dma_wait3A_69 = tpu.memref_slice %arg13[%dma_wait3A_67, %dma_wait3A_68] : memref<400x128xf32, #tpu.memory_space<vmem>> -> memref<400x128xf32, #tpu.memory_space<vmem>>
        tpu.wait_dma2 semaphore(%run_scoped3A : memref<!tpu.dma_semaphore, #tpu.memory_space<semaphore_mem>>) src(%dma_wait3A_69 : memref<400x128xf32, #tpu.memory_space<vmem>>) dst(%dma_wait3A_66 : memref<400x128xf32, #tpu.memory_space<hbm>>)
        tpu.yield
      }) : () -> ()
      %add3A_44 = arith.constant 400 : i32
      %add3A_45 = arith.addi %mul3A_2, %add3A_44 : i32
      "tpu.region"() ({
        %run_scoped3A = tpu.sem_alloc : memref<!tpu.dma_semaphore, #tpu.memory_space<semaphore_mem>>
        %dma_start3A_50 = arith.constant 0 : i32
        %dma_start3A_51 = arith.constant 0 : i32
        %dma_start3A_52 = tpu.memref_slice %arg13[%dma_start3A_50, %dma_start3A_51] : memref<400x128xf32, #tpu.memory_space<vmem>> -> memref<192x128xf32, #tpu.memory_space<vmem>>
        %dma_start3A_53 = arith.constant 0 : i32
        %dma_start3A_54 = tpu.memref_slice %arg14[%add3A_45, %dma_start3A_53] : memref<9472x128xf32, #tpu.memory_space<vmem_shared>> -> memref<192x128xf32, #tpu.memory_space<vmem_shared>>
        %dma_start3A_55 = arith.constant 0 : i32
        %dma_start3A_56 = arith.constant 0 : i32
        %dma_start3A_57 = tpu.memref_slice %arg13[%dma_start3A_55, %dma_start3A_56] : memref<400x128xf32, #tpu.memory_space<vmem>> -> memref<192x128xf32, #tpu.memory_space<vmem>>
        %dma_start3A_58 = arith.constant 0 : i32
        %dma_start3A_59 = tpu.memref_slice %arg14[%add3A_45, %dma_start3A_58] : memref<9472x128xf32, #tpu.memory_space<vmem_shared>> -> memref<192x128xf32, #tpu.memory_space<vmem_shared>>
        tpu.enqueue_dma source(%dma_start3A_59 : memref<192x128xf32, #tpu.memory_space<vmem_shared>>) target(%dma_start3A_57 : memref<192x128xf32, #tpu.memory_space<vmem>>) target_semaphore(%run_scoped3A : memref<!tpu.dma_semaphore, #tpu.memory_space<semaphore_mem>>)
        %dma_wait3A_60 = arith.constant 0 : i32
        %dma_wait3A_61 = arith.constant 0 : i32
        %dma_wait3A_62 = tpu.memref_slice %arg13[%dma_wait3A_60, %dma_wait3A_61] : memref<400x128xf32, #tpu.memory_space<vmem>> -> memref<192x128xf32, #tpu.memory_space<vmem>>
        %dma_wait3A_63 = arith.constant 0 : i32
        %dma_wait3A_64 = tpu.memref_slice %arg14[%add3A_45, %dma_wait3A_63] : memref<9472x128xf32, #tpu.memory_space<vmem_shared>> -> memref<192x128xf32, #tpu.memory_space<vmem_shared>>
        %dma_wait3A_65 = arith.constant 0 : i32
        %dma_wait3A_66 = arith.constant 0 : i32
        %dma_wait3A_67 = tpu.memref_slice %arg13[%dma_wait3A_65, %dma_wait3A_66] : memref<400x128xf32, #tpu.memory_space<vmem>> -> memref<192x128xf32, #tpu.memory_space<vmem>>
        %dma_wait3A_68 = arith.constant 0 : i32
        %dma_wait3A_69 = tpu.memref_slice %arg14[%add3A_45, %dma_wait3A_68] : memref<9472x128xf32, #tpu.memory_space<vmem_shared>> -> memref<192x128xf32, #tpu.memory_space<vmem_shared>>
        tpu.wait_dma2 semaphore(%run_scoped3A : memref<!tpu.dma_semaphore, #tpu.memory_space<semaphore_mem>>) src(%dma_wait3A_69 : memref<192x128xf32, #tpu.memory_space<vmem_shared>>) dst(%dma_wait3A_67 : memref<192x128xf32, #tpu.memory_space<vmem>>)
        tpu.yield
      }) : () -> ()
      %add3A_46 = arith.addi %mul3A_12, %mul3A_2 : i32
      %add3A_47 = arith.constant 400 : i32
      %add3A_48 = arith.addi %add3A_46, %add3A_47 : i32
      "tpu.region"() ({
        %run_scoped3A = tpu.sem_alloc : memref<!tpu.dma_semaphore, #tpu.memory_space<semaphore_mem>>
        %dma_start3A_50 = arith.constant 0 : i32
        %dma_start3A_51 = arith.constant 0 : i32
        %dma_start3A_52 = tpu.memref_slice %arg13[%dma_start3A_50, %dma_start3A_51] : memref<400x128xf32, #tpu.memory_space<vmem>> -> memref<192x128xf32, #tpu.memory_space<vmem>>
        %dma_start3A_53 = arith.constant 0 : i32
        %dma_start3A_54 = tpu.memref_slice %arg6[%add3A_48, %dma_start3A_53] : memref<113664x128xf32, #tpu.memory_space<hbm>> -> memref<192x128xf32, #tpu.memory_space<hbm>>
        %dma_start3A_55 = arith.constant 0 : i32
        %dma_start3A_56 = tpu.memref_slice %arg6[%add3A_48, %dma_start3A_55] : memref<113664x128xf32, #tpu.memory_space<hbm>> -> memref<192x128xf32, #tpu.memory_space<hbm>>
        %dma_start3A_57 = arith.constant 0 : i32
        %dma_start3A_58 = arith.constant 0 : i32
        %dma_start3A_59 = tpu.memref_slice %arg13[%dma_start3A_57, %dma_start3A_58] : memref<400x128xf32, #tpu.memory_space<vmem>> -> memref<192x128xf32, #tpu.memory_space<vmem>>
        tpu.enqueue_dma source(%dma_start3A_59 : memref<192x128xf32, #tpu.memory_space<vmem>>) target(%dma_start3A_56 : memref<192x128xf32, #tpu.memory_space<hbm>>) target_semaphore(%run_scoped3A : memref<!tpu.dma_semaphore, #tpu.memory_space<semaphore_mem>>)
        %dma_wait3A_60 = arith.constant 0 : i32
        %dma_wait3A_61 = arith.constant 0 : i32
        %dma_wait3A_62 = tpu.memref_slice %arg13[%dma_wait3A_60, %dma_wait3A_61] : memref<400x128xf32, #tpu.memory_space<vmem>> -> memref<192x128xf32, #tpu.memory_space<vmem>>
        %dma_wait3A_63 = arith.constant 0 : i32
        %dma_wait3A_64 = tpu.memref_slice %arg6[%add3A_48, %dma_wait3A_63] : memref<113664x128xf32, #tpu.memory_space<hbm>> -> memref<192x128xf32, #tpu.memory_space<hbm>>
        %dma_wait3A_65 = arith.constant 0 : i32
        %dma_wait3A_66 = tpu.memref_slice %arg6[%add3A_48, %dma_wait3A_65] : memref<113664x128xf32, #tpu.memory_space<hbm>> -> memref<192x128xf32, #tpu.memory_space<hbm>>
        %dma_wait3A_67 = arith.constant 0 : i32
        %dma_wait3A_68 = arith.constant 0 : i32
        %dma_wait3A_69 = tpu.memref_slice %arg13[%dma_wait3A_67, %dma_wait3A_68] : memref<400x128xf32, #tpu.memory_space<vmem>> -> memref<192x128xf32, #tpu.memory_space<vmem>>
        tpu.wait_dma2 semaphore(%run_scoped3A : memref<!tpu.dma_semaphore, #tpu.memory_space<semaphore_mem>>) src(%dma_wait3A_69 : memref<192x128xf32, #tpu.memory_space<vmem>>) dst(%dma_wait3A_66 : memref<192x128xf32, #tpu.memory_space<hbm>>)
        tpu.yield
      }) : () -> ()
      %barrier3A_49 = arith.constant 0 : index
      tpu.barrier barrier_id(%barrier3A_49)
    }
    %scan3A_7 = arith.constant 6 : i32
    return
  }
}

#map = affine_map<(d0, d1) -> (0, 0)>
#map1 = affine_map<(d0, d1) -> (0)>
module attributes {stable_mosaic.version = 14 : i64} {
  func.func @k(%arg0: i32, %arg1: i32, %arg2: memref<100000x128xf32, #tpu.memory_space<hbm>>, %arg3: memref<3200000xi32, #tpu.memory_space<hbm>>, %arg4: memref<3200000xi32, #tpu.memory_space<hbm>>, %arg5: memref<400x128xf32, #tpu.memory_space<hbm>>, %arg6: memref<113664x128xf32, #tpu.memory_space<hbm>>, %arg7: memref<400xi32, #tpu.memory_space<vmem>>, %arg8: memref<400xi32, #tpu.memory_space<vmem>>, %arg9: memref<400xi32, #tpu.memory_space<vmem>>, %arg10: memref<400xi32, #tpu.memory_space<vmem>>, %arg11: memref<400xi32, #tpu.memory_space<vmem>>, %arg12: memref<400xi32, #tpu.memory_space<vmem>>, %arg13: memref<400x128xf32, #tpu.memory_space<vmem>>, %arg14: memref<9472x128xf32, #tpu.memory_space<vmem_shared>>, %arg15: memref<!tpu.dma_semaphore, #tpu.memory_space<semaphore_mem>>, %arg16: memref<!tpu.dma_semaphore, #tpu.memory_space<semaphore_mem>>) attributes {dimension_semantics = [#tpu.dimension_semantics<core_parallel>, #tpu.dimension_semantics<subcore_parallel>], iteration_bounds = array<i64: 2, 16>, scalar_prefetch = 0 : i64, scratch_operands = 10 : i64, tpu.core_type = #tpu.core_type<sc_vector_subcore>, window_params = [{transform_indices = #map}, {transform_indices = #map1}, {transform_indices = #map1}, {transform_indices = #map}, {transform_indices = #map}]} {
    %mul3A = arith.constant 200000 : i32
    %mul3A_0 = arith.muli %arg1, %mul3A : i32
    %mul3A_1 = arith.constant 592 : i32
    %mul3A_2 = arith.muli %arg1, %mul3A_1 : i32
    %scan3A = arith.constant 0 : i32
    %scan3A_3 = arith.constant 0 : i32
    %scan3A_4 = arith.constant 6 : i32
    %scan3A_5 = arith.addi %scan3A_3, %scan3A_4 : i32
    %scan3A_6 = arith.constant 1 : i32
    scf.for %scan3A_8 = %scan3A_3 to %scan3A_5 step %scan3A_6  : i32 {
      %mul3A_9 = arith.constant 2 : i32
      %mul3A_10 = arith.muli %scan3A_8, %mul3A_9 : i32
      %add3A = arith.addi %mul3A_10, %arg0 : i32
      %mul3A_11 = arith.constant 9472 : i32
      %mul3A_12 = arith.muli %add3A, %mul3A_11 : i32
      "tpu.region"() ({
        %run_scoped3A = tpu.sem_alloc : memref<!tpu.dma_semaphore, #tpu.memory_space<semaphore_mem>>
        %dma_start3A_50 = arith.constant 0 : i32
        %dma_start3A_51 = arith.constant 0 : i32
        %dma_start3A_52 = tpu.memref_slice %arg13[%dma_start3A_50, %dma_start3A_51] : memref<400x128xf32, #tpu.memory_space<vmem>> -> memref<400x128xf32, #tpu.memory_space<vmem>>
        %dma_start3A_53 = arith.constant 0 : i32
        %dma_start3A_54 = arith.constant 0 : i32
        %dma_start3A_55 = tpu.memref_slice %arg5[%dma_start3A_53, %dma_start3A_54] : memref<400x128xf32, #tpu.memory_space<hbm>> -> memref<400x128xf32, #tpu.memory_space<hbm>>
        %dma_start3A_56 = arith.constant 0 : i32
        %dma_start3A_57 = arith.constant 0 : i32
        %dma_start3A_58 = tpu.memref_slice %arg13[%dma_start3A_56, %dma_start3A_57] : memref<400x128xf32, #tpu.memory_space<vmem>> -> memref<400x128xf32, #tpu.memory_space<vmem>>
        %dma_start3A_59 = arith.constant 0 : i32
        %dma_start3A_60 = arith.constant 0 : i32
        %dma_start3A_61 = tpu.memref_slice %arg5[%dma_start3A_59, %dma_start3A_60] : memref<400x128xf32, #tpu.memory_space<hbm>> -> memref<400x128xf32, #tpu.memory_space<hbm>>
        tpu.enqueue_dma source(%dma_start3A_61 : memref<400x128xf32, #tpu.memory_space<hbm>>) target(%dma_start3A_58 : memref<400x128xf32, #tpu.memory_space<vmem>>) target_semaphore(%run_scoped3A : memref<!tpu.dma_semaphore, #tpu.memory_space<semaphore_mem>>)
        %dma_wait3A_62 = arith.constant 0 : i32
        %dma_wait3A_63 = arith.constant 0 : i32
        %dma_wait3A_64 = tpu.memref_slice %arg13[%dma_wait3A_62, %dma_wait3A_63] : memref<400x128xf32, #tpu.memory_space<vmem>> -> memref<400x128xf32, #tpu.memory_space<vmem>>
        %dma_wait3A_65 = arith.constant 0 : i32
        %dma_wait3A_66 = arith.constant 0 : i32
        %dma_wait3A_67 = tpu.memref_slice %arg5[%dma_wait3A_65, %dma_wait3A_66] : memref<400x128xf32, #tpu.memory_space<hbm>> -> memref<400x128xf32, #tpu.memory_space<hbm>>
        %dma_wait3A_68 = arith.constant 0 : i32
        %dma_wait3A_69 = arith.constant 0 : i32
        %dma_wait3A_70 = tpu.memref_slice %arg13[%dma_wait3A_68, %dma_wait3A_69] : memref<400x128xf32, #tpu.memory_space<vmem>> -> memref<400x128xf32, #tpu.memory_space<vmem>>
        %dma_wait3A_71 = arith.constant 0 : i32
        %dma_wait3A_72 = arith.constant 0 : i32
        %dma_wait3A_73 = tpu.memref_slice %arg5[%dma_wait3A_71, %dma_wait3A_72] : memref<400x128xf32, #tpu.memory_space<hbm>> -> memref<400x128xf32, #tpu.memory_space<hbm>>
        tpu.wait_dma2 semaphore(%run_scoped3A : memref<!tpu.dma_semaphore, #tpu.memory_space<semaphore_mem>>) src(%dma_wait3A_73 : memref<400x128xf32, #tpu.memory_space<hbm>>) dst(%dma_wait3A_70 : memref<400x128xf32, #tpu.memory_space<vmem>>)
        tpu.yield
      }) : () -> ()
      %add3A_13 = arith.constant 0 : i32
      %add3A_14 = arith.addi %mul3A_2, %add3A_13 : i32
      "tpu.region"() ({
        %run_scoped3A = tpu.sem_alloc : memref<!tpu.dma_semaphore, #tpu.memory_space<semaphore_mem>>
        %dma_start3A_50 = arith.constant 0 : i32
        %dma_start3A_51 = arith.constant 0 : i32
        %dma_start3A_52 = tpu.memref_slice %arg13[%dma_start3A_50, %dma_start3A_51] : memref<400x128xf32, #tpu.memory_space<vmem>> -> memref<400x128xf32, #tpu.memory_space<vmem>>
        %dma_start3A_53 = arith.constant 0 : i32
        %dma_start3A_54 = tpu.memref_slice %arg14[%add3A_14, %dma_start3A_53] : memref<9472x128xf32, #tpu.memory_space<vmem_shared>> -> memref<400x128xf32, #tpu.memory_space<vmem_shared>>
        %dma_start3A_55 = arith.constant 0 : i32
        %dma_start3A_56 = tpu.memref_slice %arg14[%add3A_14, %dma_start3A_55] : memref<9472x128xf32, #tpu.memory_space<vmem_shared>> -> memref<400x128xf32, #tpu.memory_space<vmem_shared>>
        %dma_start3A_57 = arith.constant 0 : i32
        %dma_start3A_58 = arith.constant 0 : i32
        %dma_start3A_59 = tpu.memref_slice %arg13[%dma_start3A_57, %dma_start3A_58] : memref<400x128xf32, #tpu.memory_space<vmem>> -> memref<400x128xf32, #tpu.memory_space<vmem>>
        tpu.enqueue_dma source(%dma_start3A_59 : memref<400x128xf32, #tpu.memory_space<vmem>>) target(%dma_start3A_56 : memref<400x128xf32, #tpu.memory_space<vmem_shared>>) target_semaphore(%run_scoped3A : memref<!tpu.dma_semaphore, #tpu.memory_space<semaphore_mem>>)
        %dma_wait3A_60 = arith.constant 0 : i32
        %dma_wait3A_61 = arith.constant 0 : i32
        %dma_wait3A_62 = tpu.memref_slice %arg13[%dma_wait3A_60, %dma_wait3A_61] : memref<400x128xf32, #tpu.memory_space<vmem>> -> memref<400x128xf32, #tpu.memory_space<vmem>>
        %dma_wait3A_63 = arith.constant 0 : i32
        %dma_wait3A_64 = tpu.memref_slice %arg14[%add3A_14, %dma_wait3A_63] : memref<9472x128xf32, #tpu.memory_space<vmem_shared>> -> memref<400x128xf32, #tpu.memory_space<vmem_shared>>
        %dma_wait3A_65 = arith.constant 0 : i32
        %dma_wait3A_66 = tpu.memref_slice %arg14[%add3A_14, %dma_wait3A_65] : memref<9472x128xf32, #tpu.memory_space<vmem_shared>> -> memref<400x128xf32, #tpu.memory_space<vmem_shared>>
        %dma_wait3A_67 = arith.constant 0 : i32
        %dma_wait3A_68 = arith.constant 0 : i32
        %dma_wait3A_69 = tpu.memref_slice %arg13[%dma_wait3A_67, %dma_wait3A_68] : memref<400x128xf32, #tpu.memory_space<vmem>> -> memref<400x128xf32, #tpu.memory_space<vmem>>
        tpu.wait_dma2 semaphore(%run_scoped3A : memref<!tpu.dma_semaphore, #tpu.memory_space<semaphore_mem>>) src(%dma_wait3A_69 : memref<400x128xf32, #tpu.memory_space<vmem>>) dst(%dma_wait3A_66 : memref<400x128xf32, #tpu.memory_space<vmem_shared>>)
        tpu.yield
      }) : () -> ()
      "tpu.region"() ({
        %run_scoped3A = tpu.sem_alloc : memref<!tpu.dma_semaphore, #tpu.memory_space<semaphore_mem>>
        %dma_start3A_50 = arith.constant 0 : i32
        %dma_start3A_51 = arith.constant 0 : i32
        %dma_start3A_52 = tpu.memref_slice %arg13[%dma_start3A_50, %dma_start3A_51] : memref<400x128xf32, #tpu.memory_space<vmem>> -> memref<192x128xf32, #tpu.memory_space<vmem>>
        %dma_start3A_53 = arith.constant 0 : i32
        %dma_start3A_54 = arith.constant 0 : i32
        %dma_start3A_55 = tpu.memref_slice %arg5[%dma_start3A_53, %dma_start3A_54] : memref<400x128xf32, #tpu.memory_space<hbm>> -> memref<192x128xf32, #tpu.memory_space<hbm>>
        %dma_start3A_56 = arith.constant 0 : i32
        %dma_start3A_57 = arith.constant 0 : i32
        %dma_start3A_58 = tpu.memref_slice %arg13[%dma_start3A_56, %dma_start3A_57] : memref<400x128xf32, #tpu.memory_space<vmem>> -> memref<192x128xf32, #tpu.memory_space<vmem>>
        %dma_start3A_59 = arith.constant 0 : i32
        %dma_start3A_60 = arith.constant 0 : i32
        %dma_start3A_61 = tpu.memref_slice %arg5[%dma_start3A_59, %dma_start3A_60] : memref<400x128xf32, #tpu.memory_space<hbm>> -> memref<192x128xf32, #tpu.memory_space<hbm>>
        tpu.enqueue_dma source(%dma_start3A_61 : memref<192x128xf32, #tpu.memory_space<hbm>>) target(%dma_start3A_58 : memref<192x128xf32, #tpu.memory_space<vmem>>) target_semaphore(%run_scoped3A : memref<!tpu.dma_semaphore, #tpu.memory_space<semaphore_mem>>)
        %dma_wait3A_62 = arith.constant 0 : i32
        %dma_wait3A_63 = arith.constant 0 : i32
        %dma_wait3A_64 = tpu.memref_slice %arg13[%dma_wait3A_62, %dma_wait3A_63] : memref<400x128xf32, #tpu.memory_space<vmem>> -> memref<192x128xf32, #tpu.memory_space<vmem>>
        %dma_wait3A_65 = arith.constant 0 : i32
        %dma_wait3A_66 = arith.constant 0 : i32
        %dma_wait3A_67 = tpu.memref_slice %arg5[%dma_wait3A_65, %dma_wait3A_66] : memref<400x128xf32, #tpu.memory_space<hbm>> -> memref<192x128xf32, #tpu.memory_space<hbm>>
        %dma_wait3A_68 = arith.constant 0 : i32
        %dma_wait3A_69 = arith.constant 0 : i32
        %dma_wait3A_70 = tpu.memref_slice %arg13[%dma_wait3A_68, %dma_wait3A_69] : memref<400x128xf32, #tpu.memory_space<vmem>> -> memref<192x128xf32, #tpu.memory_space<vmem>>
        %dma_wait3A_71 = arith.constant 0 : i32
        %dma_wait3A_72 = arith.constant 0 : i32
        %dma_wait3A_73 = tpu.memref_slice %arg5[%dma_wait3A_71, %dma_wait3A_72] : memref<400x128xf32, #tpu.memory_space<hbm>> -> memref<192x128xf32, #tpu.memory_space<hbm>>
        tpu.wait_dma2 semaphore(%run_scoped3A : memref<!tpu.dma_semaphore, #tpu.memory_space<semaphore_mem>>) src(%dma_wait3A_73 : memref<192x128xf32, #tpu.memory_space<hbm>>) dst(%dma_wait3A_70 : memref<192x128xf32, #tpu.memory_space<vmem>>)
        tpu.yield
      }) : () -> ()
      %add3A_15 = arith.constant 400 : i32
      %add3A_16 = arith.addi %mul3A_2, %add3A_15 : i32
      "tpu.region"() ({
        %run_scoped3A = tpu.sem_alloc : memref<!tpu.dma_semaphore, #tpu.memory_space<semaphore_mem>>
        %dma_start3A_50 = arith.constant 0 : i32
        %dma_start3A_51 = arith.constant 0 : i32
        %dma_start3A_52 = tpu.memref_slice %arg13[%dma_start3A_50, %dma_start3A_51] : memref<400x128xf32, #tpu.memory_space<vmem>> -> memref<192x128xf32, #tpu.memory_space<vmem>>
        %dma_start3A_53 = arith.constant 0 : i32
        %dma_start3A_54 = tpu.memref_slice %arg14[%add3A_16, %dma_start3A_53] : memref<9472x128xf32, #tpu.memory_space<vmem_shared>> -> memref<192x128xf32, #tpu.memory_space<vmem_shared>>
        %dma_start3A_55 = arith.constant 0 : i32
        %dma_start3A_56 = tpu.memref_slice %arg14[%add3A_16, %dma_start3A_55] : memref<9472x128xf32, #tpu.memory_space<vmem_shared>> -> memref<192x128xf32, #tpu.memory_space<vmem_shared>>
        %dma_start3A_57 = arith.constant 0 : i32
        %dma_start3A_58 = arith.constant 0 : i32
        %dma_start3A_59 = tpu.memref_slice %arg13[%dma_start3A_57, %dma_start3A_58] : memref<400x128xf32, #tpu.memory_space<vmem>> -> memref<192x128xf32, #tpu.memory_space<vmem>>
        tpu.enqueue_dma source(%dma_start3A_59 : memref<192x128xf32, #tpu.memory_space<vmem>>) target(%dma_start3A_56 : memref<192x128xf32, #tpu.memory_space<vmem_shared>>) target_semaphore(%run_scoped3A : memref<!tpu.dma_semaphore, #tpu.memory_space<semaphore_mem>>)
        %dma_wait3A_60 = arith.constant 0 : i32
        %dma_wait3A_61 = arith.constant 0 : i32
        %dma_wait3A_62 = tpu.memref_slice %arg13[%dma_wait3A_60, %dma_wait3A_61] : memref<400x128xf32, #tpu.memory_space<vmem>> -> memref<192x128xf32, #tpu.memory_space<vmem>>
        %dma_wait3A_63 = arith.constant 0 : i32
        %dma_wait3A_64 = tpu.memref_slice %arg14[%add3A_16, %dma_wait3A_63] : memref<9472x128xf32, #tpu.memory_space<vmem_shared>> -> memref<192x128xf32, #tpu.memory_space<vmem_shared>>
        %dma_wait3A_65 = arith.constant 0 : i32
        %dma_wait3A_66 = tpu.memref_slice %arg14[%add3A_16, %dma_wait3A_65] : memref<9472x128xf32, #tpu.memory_space<vmem_shared>> -> memref<192x128xf32, #tpu.memory_space<vmem_shared>>
        %dma_wait3A_67 = arith.constant 0 : i32
        %dma_wait3A_68 = arith.constant 0 : i32
        %dma_wait3A_69 = tpu.memref_slice %arg13[%dma_wait3A_67, %dma_wait3A_68] : memref<400x128xf32, #tpu.memory_space<vmem>> -> memref<192x128xf32, #tpu.memory_space<vmem>>
        tpu.wait_dma2 semaphore(%run_scoped3A : memref<!tpu.dma_semaphore, #tpu.memory_space<semaphore_mem>>) src(%dma_wait3A_69 : memref<192x128xf32, #tpu.memory_space<vmem>>) dst(%dma_wait3A_66 : memref<192x128xf32, #tpu.memory_space<vmem_shared>>)
        tpu.yield
      }) : () -> ()
      %barrier3A = arith.constant 0 : index
      tpu.barrier barrier_id(%barrier3A)
      %min3A = arith.constant 0 : i32
      %min3A_17 = arith.constant 199600 : i32
      %min3A_18 = arith.minsi %min3A, %min3A_17 : i32
      %add3A_19 = arith.addi %mul3A_0, %min3A_18 : i32
      %dma_start3A = tpu.memref_slice %arg3[%add3A_19] : memref<3200000xi32, #tpu.memory_space<hbm>> -> memref<400xi32, #tpu.memory_space<hbm>>
      %dma_start3A_20 = tpu.memref_slice %arg3[%add3A_19] : memref<3200000xi32, #tpu.memory_space<hbm>> -> memref<400xi32, #tpu.memory_space<hbm>>
      tpu.enqueue_dma source(%dma_start3A_20 : memref<400xi32, #tpu.memory_space<hbm>>) target(%arg7 : memref<400xi32, #tpu.memory_space<vmem>>) target_semaphore(%arg16 : memref<!tpu.dma_semaphore, #tpu.memory_space<semaphore_mem>>)
      %dma_start3A_21 = tpu.memref_slice %arg4[%add3A_19] : memref<3200000xi32, #tpu.memory_space<hbm>> -> memref<400xi32, #tpu.memory_space<hbm>>
      %dma_start3A_22 = tpu.memref_slice %arg4[%add3A_19] : memref<3200000xi32, #tpu.memory_space<hbm>> -> memref<400xi32, #tpu.memory_space<hbm>>
      tpu.enqueue_dma source(%dma_start3A_22 : memref<400xi32, #tpu.memory_space<hbm>>) target(%arg8 : memref<400xi32, #tpu.memory_space<vmem>>) target_semaphore(%arg16 : memref<!tpu.dma_semaphore, #tpu.memory_space<semaphore_mem>>)
      %dma_wait3A = tpu.memref_slice %arg3[%add3A_19] : memref<3200000xi32, #tpu.memory_space<hbm>> -> memref<400xi32, #tpu.memory_space<hbm>>
      %dma_wait3A_23 = tpu.memref_slice %arg3[%add3A_19] : memref<3200000xi32, #tpu.memory_space<hbm>> -> memref<400xi32, #tpu.memory_space<hbm>>
      tpu.wait_dma2 semaphore(%arg16 : memref<!tpu.dma_semaphore, #tpu.memory_space<semaphore_mem>>) src(%dma_wait3A_23 : memref<400xi32, #tpu.memory_space<hbm>>) dst(%arg7 : memref<400xi32, #tpu.memory_space<vmem>>)
      %dma_wait3A_24 = tpu.memref_slice %arg4[%add3A_19] : memref<3200000xi32, #tpu.memory_space<hbm>> -> memref<400xi32, #tpu.memory_space<hbm>>
      %dma_wait3A_25 = tpu.memref_slice %arg4[%add3A_19] : memref<3200000xi32, #tpu.memory_space<hbm>> -> memref<400xi32, #tpu.memory_space<hbm>>
      tpu.wait_dma2 semaphore(%arg16 : memref<!tpu.dma_semaphore, #tpu.memory_space<semaphore_mem>>) src(%dma_wait3A_25 : memref<400xi32, #tpu.memory_space<hbm>>) dst(%arg8 : memref<400xi32, #tpu.memory_space<vmem>>)
      %scan3A_26 = arith.constant 0 : i32
      %scan3A_27 = arith.constant 0 : i32
      %scan3A_28 = arith.constant 25 : i32
      %scan3A_29 = arith.addi %scan3A_27, %scan3A_28 : i32
      %scan3A_30 = arith.constant 1 : i32
      scf.for %scan3A_50 = %scan3A_27 to %scan3A_29 step %scan3A_30  : i32 {
        %mul3A_51 = arith.constant 16 : i32
        %mul3A_52 = arith.muli %scan3A_50, %mul3A_51 : i32
        %get3A = arith.index_cast %mul3A_52 : i32 to index
        %get3A_53 = tpu.vector_load %arg8[%get3A] {strides = array<i32>} : memref<400xi32, #tpu.memory_space<vmem>>, vector<16xi32>,
        %get3A_54 = vector.shape_cast %get3A_53 : vector<16xi32> to vector<16xi32>
        %get3A_55 = arith.index_cast %mul3A_52 : i32 to index
        %get3A_56 = tpu.vector_load %arg7[%get3A_55] {strides = array<i32>} : memref<400xi32, #tpu.memory_space<vmem>>, vector<16xi32>,
        %get3A_57 = vector.shape_cast %get3A_56 : vector<16xi32> to vector<16xi32>
        %ge3A = vector.broadcast %mul3A_12 : i32 to vector<16xi32>
        %ge3A_58 = arith.cmpi sge, %get3A_54, %ge3A : vector<16xi32>
        %add3A_59 = arith.constant 9472 : i32
        %add3A_60 = arith.addi %mul3A_12, %add3A_59 : i32
        %lt3A = vector.broadcast %add3A_60 : i32 to vector<16xi32>
        %lt3A_61 = arith.cmpi slt, %get3A_54, %lt3A : vector<16xi32>
        %and3A = arith.andi %ge3A_58, %lt3A_61 : vector<16xi1>
        %jit3A = arith.constant -1 : i32
        %broadcast_in_dim3A = vector.broadcast %jit3A : i32 to vector<16xi32>
        %select_n3A = arith.select %and3A, %get3A_57, %broadcast_in_dim3A : vector<16xi1>, vector<16xi32>
        %swap3A = arith.index_cast %mul3A_52 : i32 to index
        %swap3A_62 = tpu.vector_load %arg9[%swap3A] {strides = array<i32>} : memref<400xi32, #tpu.memory_space<vmem>>, vector<16xi32>,
        %swap3A_63 = vector.shape_cast %swap3A_62 : vector<16xi32> to vector<16xi32>
        %swap3A_64 = vector.shape_cast %select_n3A : vector<16xi32> to vector<16xi32>
        tpu.vector_store %arg9[%swap3A], %swap3A_64 {strides = array<i32>} : memref<400xi32, #tpu.memory_space<vmem>>, vector<16xi32>,
        %sub3A = vector.broadcast %mul3A_12 : i32 to vector<16xi32>
        %sub3A_65 = arith.subi %get3A_54, %sub3A : vector<16xi32>
        %jit3A_66 = arith.constant -1 : i32
        %broadcast_in_dim3A_67 = vector.broadcast %jit3A_66 : i32 to vector<16xi32>
        %select_n3A_68 = arith.select %and3A, %sub3A_65, %broadcast_in_dim3A_67 : vector<16xi1>, vector<16xi32>
        %swap3A_69 = arith.index_cast %mul3A_52 : i32 to index
        %swap3A_70 = tpu.vector_load %arg10[%swap3A_69] {strides = array<i32>} : memref<400xi32, #tpu.memory_space<vmem>>, vector<16xi32>,
        %swap3A_71 = vector.shape_cast %swap3A_70 : vector<16xi32> to vector<16xi32>
        %swap3A_72 = vector.shape_cast %select_n3A_68 : vector<16xi32> to vector<16xi32>
        tpu.vector_store %arg10[%swap3A_69], %swap3A_72 {strides = array<i32>} : memref<400xi32, #tpu.memory_space<vmem>>, vector<16xi32>,
      }
      %scan3A_31 = arith.constant 25 : i32
      %scan3A_32 = arith.constant 0 : i32
      %scan3A_33 = arith.constant 0 : i32
      %scan3A_34 = arith.constant 250 : i32
      %scan3A_35 = arith.addi %scan3A_33, %scan3A_34 : i32
      %scan3A_36 = arith.constant 1 : i32
      scf.for %scan3A_50 = %scan3A_33 to %scan3A_35 step %scan3A_36  : i32 {
        %mul3A_51 = arith.constant 2 : i32
        %mul3A_52 = arith.muli %mul3A_51, %scan3A_50 : i32
        %add3A_53 = arith.constant 1 : i32
        %add3A_54 = arith.addi %mul3A_52, %add3A_53 : i32
        %dma_start3A_55 = arith.constant 0 : i32
        %dma_start3A_56 = arith.constant 0 : i32
        %dma_start3A_57 = tpu.memref_slice %arg2[%dma_start3A_55, %dma_start3A_56] : memref<100000x128xf32, #tpu.memory_space<hbm>> -> memref<100000x128xf32, #tpu.memory_space<hbm>>
        %dma_start3A_58 = arith.constant -1 : i32
        tpu.enqueue_indirect_dma source(%dma_start3A_57 : memref<100000x128xf32, #tpu.memory_space<hbm>>) target(%arg13 : memref<400x128xf32, #tpu.memory_space<vmem>>) offsets(%arg9 : memref<400xi32, #tpu.memory_space<vmem>>) offset_filter(%dma_start3A_58) semaphore(%arg15 : memref<!tpu.dma_semaphore, #tpu.memory_space<semaphore_mem>>)
        %mul3A_59 = arith.constant 400 : i32
        %mul3A_60 = arith.muli %add3A_54, %mul3A_59 : i32
        %min3A_61 = arith.constant 199600 : i32
        %min3A_62 = arith.minsi %mul3A_60, %min3A_61 : i32
        %add3A_63 = arith.addi %mul3A_0, %min3A_62 : i32
        %dma_start3A_64 = tpu.memref_slice %arg3[%add3A_63] : memref<3200000xi32, #tpu.memory_space<hbm>> -> memref<400xi32, #tpu.memory_space<hbm>>
        %dma_start3A_65 = tpu.memref_slice %arg3[%add3A_63] : memref<3200000xi32, #tpu.memory_space<hbm>> -> memref<400xi32, #tpu.memory_space<hbm>>
        tpu.enqueue_dma source(%dma_start3A_65 : memref<400xi32, #tpu.memory_space<hbm>>) target(%arg7 : memref<400xi32, #tpu.memory_space<vmem>>) target_semaphore(%arg16 : memref<!tpu.dma_semaphore, #tpu.memory_space<semaphore_mem>>)
        %dma_start3A_66 = tpu.memref_slice %arg4[%add3A_63] : memref<3200000xi32, #tpu.memory_space<hbm>> -> memref<400xi32, #tpu.memory_space<hbm>>
        %dma_start3A_67 = tpu.memref_slice %arg4[%add3A_63] : memref<3200000xi32, #tpu.memory_space<hbm>> -> memref<400xi32, #tpu.memory_space<hbm>>
        tpu.enqueue_dma source(%dma_start3A_67 : memref<400xi32, #tpu.memory_space<hbm>>) target(%arg8 : memref<400xi32, #tpu.memory_space<vmem>>) target_semaphore(%arg16 : memref<!tpu.dma_semaphore, #tpu.memory_space<semaphore_mem>>)
        %dma_wait3A_68 = tpu.memref_slice %arg3[%add3A_63] : memref<3200000xi32, #tpu.memory_space<hbm>> -> memref<400xi32, #tpu.memory_space<hbm>>
        %dma_wait3A_69 = tpu.memref_slice %arg3[%add3A_63] : memref<3200000xi32, #tpu.memory_space<hbm>> -> memref<400xi32, #tpu.memory_space<hbm>>
        tpu.wait_dma2 semaphore(%arg16 : memref<!tpu.dma_semaphore, #tpu.memory_space<semaphore_mem>>) src(%dma_wait3A_69 : memref<400xi32, #tpu.memory_space<hbm>>) dst(%arg7 : memref<400xi32, #tpu.memory_space<vmem>>)
        %dma_wait3A_70 = tpu.memref_slice %arg4[%add3A_63] : memref<3200000xi32, #tpu.memory_space<hbm>> -> memref<400xi32, #tpu.memory_space<hbm>>
        %dma_wait3A_71 = tpu.memref_slice %arg4[%add3A_63] : memref<3200000xi32, #tpu.memory_space<hbm>> -> memref<400xi32, #tpu.memory_space<hbm>>
        tpu.wait_dma2 semaphore(%arg16 : memref<!tpu.dma_semaphore, #tpu.memory_space<semaphore_mem>>) src(%dma_wait3A_71 : memref<400xi32, #tpu.memory_space<hbm>>) dst(%arg8 : memref<400xi32, #tpu.memory_space<vmem>>)
        %scan3A_72 = arith.constant 0 : i32
        %scan3A_73 = arith.constant 0 : i32
        %scan3A_74 = arith.constant 25 : i32
        %scan3A_75 = arith.addi %scan3A_73, %scan3A_74 : i32
        %scan3A_76 = arith.constant 1 : i32
        scf.for %scan3A_109 = %scan3A_73 to %scan3A_75 step %scan3A_76  : i32 {
          %mul3A_110 = arith.constant 16 : i32
          %mul3A_111 = arith.muli %scan3A_109, %mul3A_110 : i32
          %get3A = arith.index_cast %mul3A_111 : i32 to index
          %get3A_112 = tpu.vector_load %arg8[%get3A] {strides = array<i32>} : memref<400xi32, #tpu.memory_space<vmem>>, vector<16xi32>,
          %get3A_113 = vector.shape_cast %get3A_112 : vector<16xi32> to vector<16xi32>
          %get3A_114 = arith.index_cast %mul3A_111 : i32 to index
          %get3A_115 = tpu.vector_load %arg7[%get3A_114] {strides = array<i32>} : memref<400xi32, #tpu.memory_space<vmem>>, vector<16xi32>,
          %get3A_116 = vector.shape_cast %get3A_115 : vector<16xi32> to vector<16xi32>
          %ge3A = vector.broadcast %mul3A_12 : i32 to vector<16xi32>
          %ge3A_117 = arith.cmpi sge, %get3A_113, %ge3A : vector<16xi32>
          %add3A_118 = arith.constant 9472 : i32
          %add3A_119 = arith.addi %mul3A_12, %add3A_118 : i32
          %lt3A = vector.broadcast %add3A_119 : i32 to vector<16xi32>
          %lt3A_120 = arith.cmpi slt, %get3A_113, %lt3A : vector<16xi32>
          %and3A = arith.andi %ge3A_117, %lt3A_120 : vector<16xi1>
          %jit3A = arith.constant -1 : i32
          %broadcast_in_dim3A = vector.broadcast %jit3A : i32 to vector<16xi32>
          %select_n3A = arith.select %and3A, %get3A_116, %broadcast_in_dim3A : vector<16xi1>, vector<16xi32>
          %swap3A = arith.index_cast %mul3A_111 : i32 to index
          %swap3A_121 = tpu.vector_load %arg11[%swap3A] {strides = array<i32>} : memref<400xi32, #tpu.memory_space<vmem>>, vector<16xi32>,
          %swap3A_122 = vector.shape_cast %swap3A_121 : vector<16xi32> to vector<16xi32>
          %swap3A_123 = vector.shape_cast %select_n3A : vector<16xi32> to vector<16xi32>
          tpu.vector_store %arg11[%swap3A], %swap3A_123 {strides = array<i32>} : memref<400xi32, #tpu.memory_space<vmem>>, vector<16xi32>,
          %sub3A = vector.broadcast %mul3A_12 : i32 to vector<16xi32>
          %sub3A_124 = arith.subi %get3A_113, %sub3A : vector<16xi32>
          %jit3A_125 = arith.constant -1 : i32
          %broadcast_in_dim3A_126 = vector.broadcast %jit3A_125 : i32 to vector<16xi32>
          %select_n3A_127 = arith.select %and3A, %sub3A_124, %broadcast_in_dim3A_126 : vector<16xi1>, vector<16xi32>
          %swap3A_128 = arith.index_cast %mul3A_111 : i32 to index
          %swap3A_129 = tpu.vector_load %arg12[%swap3A_128] {strides = array<i32>} : memref<400xi32, #tpu.memory_space<vmem>>, vector<16xi32>,
          %swap3A_130 = vector.shape_cast %swap3A_129 : vector<16xi32> to vector<16xi32>
          %swap3A_131 = vector.shape_cast %select_n3A_127 : vector<16xi32> to vector<16xi32>
          tpu.vector_store %arg12[%swap3A_128], %swap3A_131 {strides = array<i32>} : memref<400xi32, #tpu.memory_space<vmem>>, vector<16xi32>,
        }
        %scan3A_77 = arith.constant 25 : i32
        %dma_wait3A_78 = arith.constant 0 : i32
        %dma_wait3A_79 = arith.constant 0 : i32
        %dma_wait3A_80 = tpu.memref_slice %arg2[%dma_wait3A_78, %dma_wait3A_79] : memref<100000x128xf32, #tpu.memory_space<hbm>> -> memref<100000x128xf32, #tpu.memory_space<hbm>>
        tpu.wait_indirect_dma semaphore(%arg15 : memref<!tpu.dma_semaphore, #tpu.memory_space<semaphore_mem>>) src(%dma_wait3A_80 : memref<100000x128xf32, #tpu.memory_space<hbm>>) dst(%arg13 : memref<400x128xf32, #tpu.memory_space<vmem>>)
        "tpu.region"() ({
          %run_scoped3A = tpu.sem_alloc : memref<!tpu.dma_semaphore, #tpu.memory_space<semaphore_mem>>
          %dma_start3A_109 = arith.constant 0 : i32
          %dma_start3A_110 = arith.constant 0 : i32
          %dma_start3A_111 = tpu.memref_slice %arg14[%dma_start3A_109, %dma_start3A_110] : memref<9472x128xf32, #tpu.memory_space<vmem_shared>> -> memref<9472x128xf32, #tpu.memory_space<vmem_shared>>
          %dma_start3A_112 = arith.constant -1 : i32
          tpu.enqueue_indirect_dma source(%arg13 : memref<400x128xf32, #tpu.memory_space<vmem>>) target(%dma_start3A_111 : memref<9472x128xf32, #tpu.memory_space<vmem_shared>>) offsets(%arg10 : memref<400xi32, #tpu.memory_space<vmem>>) offset_filter(%dma_start3A_112) semaphore(%run_scoped3A : memref<!tpu.dma_semaphore, #tpu.memory_space<semaphore_mem>>) {add = true}
          %dma_wait3A_113 = arith.constant 0 : i32
          %dma_wait3A_114 = arith.constant 0 : i32
          %dma_wait3A_115 = tpu.memref_slice %arg14[%dma_wait3A_113, %dma_wait3A_114] : memref<9472x128xf32, #tpu.memory_space<vmem_shared>> -> memref<9472x128xf32, #tpu.memory_space<vmem_shared>>
          tpu.wait_indirect_dma semaphore(%run_scoped3A : memref<!tpu.dma_semaphore, #tpu.memory_space<semaphore_mem>>) src(%arg13 : memref<400x128xf32, #tpu.memory_space<vmem>>) dst(%dma_wait3A_115 : memref<9472x128xf32, #tpu.memory_space<vmem_shared>>)
          tpu.yield
        }) : () -> ()
        %add3A_81 = arith.constant 2 : i32
        %add3A_82 = arith.addi %mul3A_52, %add3A_81 : i32
        %dma_start3A_83 = arith.constant 0 : i32
        %dma_start3A_84 = arith.constant 0 : i32
        %dma_start3A_85 = tpu.memref_slice %arg2[%dma_start3A_83, %dma_start3A_84] : memref<100000x128xf32, #tpu.memory_space<hbm>> -> memref<100000x128xf32, #tpu.memory_space<hbm>>
        %dma_start3A_86 = arith.constant -1 : i32
        tpu.enqueue_indirect_dma source(%dma_start3A_85 : memref<100000x128xf32, #tpu.memory_space<hbm>>) target(%arg13 : memref<400x128xf32, #tpu.memory_space<vmem>>) offsets(%arg11 : memref<400xi32, #tpu.memory_space<vmem>>) offset_filter(%dma_start3A_86) semaphore(%arg15 : memref<!tpu.dma_semaphore, #tpu.memory_space<semaphore_mem>>)
        %mul3A_87 = arith.constant 400 : i32
        %mul3A_88 = arith.muli %add3A_82, %mul3A_87 : i32
        %min3A_89 = arith.constant 199600 : i32
        %min3A_90 = arith.minsi %mul3A_88, %min3A_89 : i32
        %add3A_91 = arith.addi %mul3A_0, %min3A_90 : i32
        %dma_start3A_92 = tpu.memref_slice %arg3[%add3A_91] : memref<3200000xi32, #tpu.memory_space<hbm>> -> memref<400xi32, #tpu.memory_space<hbm>>
        %dma_start3A_93 = tpu.memref_slice %arg3[%add3A_91] : memref<3200000xi32, #tpu.memory_space<hbm>> -> memref<400xi32, #tpu.memory_space<hbm>>
        tpu.enqueue_dma source(%dma_start3A_93 : memref<400xi32, #tpu.memory_space<hbm>>) target(%arg7 : memref<400xi32, #tpu.memory_space<vmem>>) target_semaphore(%arg16 : memref<!tpu.dma_semaphore, #tpu.memory_space<semaphore_mem>>)
        %dma_start3A_94 = tpu.memref_slice %arg4[%add3A_91] : memref<3200000xi32, #tpu.memory_space<hbm>> -> memref<400xi32, #tpu.memory_space<hbm>>
        %dma_start3A_95 = tpu.memref_slice %arg4[%add3A_91] : memref<3200000xi32, #tpu.memory_space<hbm>> -> memref<400xi32, #tpu.memory_space<hbm>>
        tpu.enqueue_dma source(%dma_start3A_95 : memref<400xi32, #tpu.memory_space<hbm>>) target(%arg8 : memref<400xi32, #tpu.memory_space<vmem>>) target_semaphore(%arg16 : memref<!tpu.dma_semaphore, #tpu.memory_space<semaphore_mem>>)
        %dma_wait3A_96 = tpu.memref_slice %arg3[%add3A_91] : memref<3200000xi32, #tpu.memory_space<hbm>> -> memref<400xi32, #tpu.memory_space<hbm>>
        %dma_wait3A_97 = tpu.memref_slice %arg3[%add3A_91] : memref<3200000xi32, #tpu.memory_space<hbm>> -> memref<400xi32, #tpu.memory_space<hbm>>
        tpu.wait_dma2 semaphore(%arg16 : memref<!tpu.dma_semaphore, #tpu.memory_space<semaphore_mem>>) src(%dma_wait3A_97 : memref<400xi32, #tpu.memory_space<hbm>>) dst(%arg7 : memref<400xi32, #tpu.memory_space<vmem>>)
        %dma_wait3A_98 = tpu.memref_slice %arg4[%add3A_91] : memref<3200000xi32, #tpu.memory_space<hbm>> -> memref<400xi32, #tpu.memory_space<hbm>>
        %dma_wait3A_99 = tpu.memref_slice %arg4[%add3A_91] : memref<3200000xi32, #tpu.memory_space<hbm>> -> memref<400xi32, #tpu.memory_space<hbm>>
        tpu.wait_dma2 semaphore(%arg16 : memref<!tpu.dma_semaphore, #tpu.memory_space<semaphore_mem>>) src(%dma_wait3A_99 : memref<400xi32, #tpu.memory_space<hbm>>) dst(%arg8 : memref<400xi32, #tpu.memory_space<vmem>>)
        %scan3A_100 = arith.constant 0 : i32
        %scan3A_101 = arith.constant 0 : i32
        %scan3A_102 = arith.constant 25 : i32
        %scan3A_103 = arith.addi %scan3A_101, %scan3A_102 : i32
        %scan3A_104 = arith.constant 1 : i32
        scf.for %scan3A_109 = %scan3A_101 to %scan3A_103 step %scan3A_104  : i32 {
          %mul3A_110 = arith.constant 16 : i32
          %mul3A_111 = arith.muli %scan3A_109, %mul3A_110 : i32
          %get3A = arith.index_cast %mul3A_111 : i32 to index
          %get3A_112 = tpu.vector_load %arg8[%get3A] {strides = array<i32>} : memref<400xi32, #tpu.memory_space<vmem>>, vector<16xi32>,
          %get3A_113 = vector.shape_cast %get3A_112 : vector<16xi32> to vector<16xi32>
          %get3A_114 = arith.index_cast %mul3A_111 : i32 to index
          %get3A_115 = tpu.vector_load %arg7[%get3A_114] {strides = array<i32>} : memref<400xi32, #tpu.memory_space<vmem>>, vector<16xi32>,
          %get3A_116 = vector.shape_cast %get3A_115 : vector<16xi32> to vector<16xi32>
          %ge3A = vector.broadcast %mul3A_12 : i32 to vector<16xi32>
          %ge3A_117 = arith.cmpi sge, %get3A_113, %ge3A : vector<16xi32>
          %add3A_118 = arith.constant 9472 : i32
          %add3A_119 = arith.addi %mul3A_12, %add3A_118 : i32
          %lt3A = vector.broadcast %add3A_119 : i32 to vector<16xi32>
          %lt3A_120 = arith.cmpi slt, %get3A_113, %lt3A : vector<16xi32>
          %and3A = arith.andi %ge3A_117, %lt3A_120 : vector<16xi1>
          %jit3A = arith.constant -1 : i32
          %broadcast_in_dim3A = vector.broadcast %jit3A : i32 to vector<16xi32>
          %select_n3A = arith.select %and3A, %get3A_116, %broadcast_in_dim3A : vector<16xi1>, vector<16xi32>
          %swap3A = arith.index_cast %mul3A_111 : i32 to index
          %swap3A_121 = tpu.vector_load %arg9[%swap3A] {strides = array<i32>} : memref<400xi32, #tpu.memory_space<vmem>>, vector<16xi32>,
          %swap3A_122 = vector.shape_cast %swap3A_121 : vector<16xi32> to vector<16xi32>
          %swap3A_123 = vector.shape_cast %select_n3A : vector<16xi32> to vector<16xi32>
          tpu.vector_store %arg9[%swap3A], %swap3A_123 {strides = array<i32>} : memref<400xi32, #tpu.memory_space<vmem>>, vector<16xi32>,
          %sub3A = vector.broadcast %mul3A_12 : i32 to vector<16xi32>
          %sub3A_124 = arith.subi %get3A_113, %sub3A : vector<16xi32>
          %jit3A_125 = arith.constant -1 : i32
          %broadcast_in_dim3A_126 = vector.broadcast %jit3A_125 : i32 to vector<16xi32>
          %select_n3A_127 = arith.select %and3A, %sub3A_124, %broadcast_in_dim3A_126 : vector<16xi1>, vector<16xi32>
          %swap3A_128 = arith.index_cast %mul3A_111 : i32 to index
          %swap3A_129 = tpu.vector_load %arg10[%swap3A_128] {strides = array<i32>} : memref<400xi32, #tpu.memory_space<vmem>>, vector<16xi32>,
          %swap3A_130 = vector.shape_cast %swap3A_129 : vector<16xi32> to vector<16xi32>
          %swap3A_131 = vector.shape_cast %select_n3A_127 : vector<16xi32> to vector<16xi32>
          tpu.vector_store %arg10[%swap3A_128], %swap3A_131 {strides = array<i32>} : memref<400xi32, #tpu.memory_space<vmem>>, vector<16xi32>,
        }
        %scan3A_105 = arith.constant 25 : i32
        %dma_wait3A_106 = arith.constant 0 : i32
        %dma_wait3A_107 = arith.constant 0 : i32
        %dma_wait3A_108 = tpu.memref_slice %arg2[%dma_wait3A_106, %dma_wait3A_107] : memref<100000x128xf32, #tpu.memory_space<hbm>> -> memref<100000x128xf32, #tpu.memory_space<hbm>>
        tpu.wait_indirect_dma semaphore(%arg15 : memref<!tpu.dma_semaphore, #tpu.memory_space<semaphore_mem>>) src(%dma_wait3A_108 : memref<100000x128xf32, #tpu.memory_space<hbm>>) dst(%arg13 : memref<400x128xf32, #tpu.memory_space<vmem>>)
        "tpu.region"() ({
          %run_scoped3A = tpu.sem_alloc : memref<!tpu.dma_semaphore, #tpu.memory_space<semaphore_mem>>
          %dma_start3A_109 = arith.constant 0 : i32
          %dma_start3A_110 = arith.constant 0 : i32
          %dma_start3A_111 = tpu.memref_slice %arg14[%dma_start3A_109, %dma_start3A_110] : memref<9472x128xf32, #tpu.memory_space<vmem_shared>> -> memref<9472x128xf32, #tpu.memory_space<vmem_shared>>
          %dma_start3A_112 = arith.constant -1 : i32
          tpu.enqueue_indirect_dma source(%arg13 : memref<400x128xf32, #tpu.memory_space<vmem>>) target(%dma_start3A_111 : memref<9472x128xf32, #tpu.memory_space<vmem_shared>>) offsets(%arg12 : memref<400xi32, #tpu.memory_space<vmem>>) offset_filter(%dma_start3A_112) semaphore(%run_scoped3A : memref<!tpu.dma_semaphore, #tpu.memory_space<semaphore_mem>>) {add = true}
          %dma_wait3A_113 = arith.constant 0 : i32
          %dma_wait3A_114 = arith.constant 0 : i32
          %dma_wait3A_115 = tpu.memref_slice %arg14[%dma_wait3A_113, %dma_wait3A_114] : memref<9472x128xf32, #tpu.memory_space<vmem_shared>> -> memref<9472x128xf32, #tpu.memory_space<vmem_shared>>
          tpu.wait_indirect_dma semaphore(%run_scoped3A : memref<!tpu.dma_semaphore, #tpu.memory_space<semaphore_mem>>) src(%arg13 : memref<400x128xf32, #tpu.memory_space<vmem>>) dst(%dma_wait3A_115 : memref<9472x128xf32, #tpu.memory_space<vmem_shared>>)
          tpu.yield
        }) : () -> ()
      }
      %scan3A_37 = arith.constant 250 : i32
      %barrier3A_38 = arith.constant 0 : index
      tpu.barrier barrier_id(%barrier3A_38)
      %add3A_39 = arith.constant 0 : i32
      %add3A_40 = arith.addi %mul3A_2, %add3A_39 : i32
      "tpu.region"() ({
        %run_scoped3A = tpu.sem_alloc : memref<!tpu.dma_semaphore, #tpu.memory_space<semaphore_mem>>
        %dma_start3A_50 = arith.constant 0 : i32
        %dma_start3A_51 = arith.constant 0 : i32
        %dma_start3A_52 = tpu.memref_slice %arg13[%dma_start3A_50, %dma_start3A_51] : memref<400x128xf32, #tpu.memory_space<vmem>> -> memref<400x128xf32, #tpu.memory_space<vmem>>
        %dma_start3A_53 = arith.constant 0 : i32
        %dma_start3A_54 = tpu.memref_slice %arg14[%add3A_40, %dma_start3A_53] : memref<9472x128xf32, #tpu.memory_space<vmem_shared>> -> memref<400x128xf32, #tpu.memory_space<vmem_shared>>
        %dma_start3A_55 = arith.constant 0 : i32
        %dma_start3A_56 = arith.constant 0 : i32
        %dma_start3A_57 = tpu.memref_slice %arg13[%dma_start3A_55, %dma_start3A_56] : memref<400x128xf32, #tpu.memory_space<vmem>> -> memref<400x128xf32, #tpu.memory_space<vmem>>
        %dma_start3A_58 = arith.constant 0 : i32
        %dma_start3A_59 = tpu.memref_slice %arg14[%add3A_40, %dma_start3A_58] : memref<9472x128xf32, #tpu.memory_space<vmem_shared>> -> memref<400x128xf32, #tpu.memory_space<vmem_shared>>
        tpu.enqueue_dma source(%dma_start3A_59 : memref<400x128xf32, #tpu.memory_space<vmem_shared>>) target(%dma_start3A_57 : memref<400x128xf32, #tpu.memory_space<vmem>>) target_semaphore(%run_scoped3A : memref<!tpu.dma_semaphore, #tpu.memory_space<semaphore_mem>>)
        %dma_wait3A_60 = arith.constant 0 : i32
        %dma_wait3A_61 = arith.constant 0 : i32
        %dma_wait3A_62 = tpu.memref_slice %arg13[%dma_wait3A_60, %dma_wait3A_61] : memref<400x128xf32, #tpu.memory_space<vmem>> -> memref<400x128xf32, #tpu.memory_space<vmem>>
        %dma_wait3A_63 = arith.constant 0 : i32
        %dma_wait3A_64 = tpu.memref_slice %arg14[%add3A_40, %dma_wait3A_63] : memref<9472x128xf32, #tpu.memory_space<vmem_shared>> -> memref<400x128xf32, #tpu.memory_space<vmem_shared>>
        %dma_wait3A_65 = arith.constant 0 : i32
        %dma_wait3A_66 = arith.constant 0 : i32
        %dma_wait3A_67 = tpu.memref_slice %arg13[%dma_wait3A_65, %dma_wait3A_66] : memref<400x128xf32, #tpu.memory_space<vmem>> -> memref<400x128xf32, #tpu.memory_space<vmem>>
        %dma_wait3A_68 = arith.constant 0 : i32
        %dma_wait3A_69 = tpu.memref_slice %arg14[%add3A_40, %dma_wait3A_68] : memref<9472x128xf32, #tpu.memory_space<vmem_shared>> -> memref<400x128xf32, #tpu.memory_space<vmem_shared>>
        tpu.wait_dma2 semaphore(%run_scoped3A : memref<!tpu.dma_semaphore, #tpu.memory_space<semaphore_mem>>) src(%dma_wait3A_69 : memref<400x128xf32, #tpu.memory_space<vmem_shared>>) dst(%dma_wait3A_67 : memref<400x128xf32, #tpu.memory_space<vmem>>)
        tpu.yield
      }) : () -> ()
      %add3A_41 = arith.addi %mul3A_12, %mul3A_2 : i32
      %add3A_42 = arith.constant 0 : i32
      %add3A_43 = arith.addi %add3A_41, %add3A_42 : i32
      "tpu.region"() ({
        %run_scoped3A = tpu.sem_alloc : memref<!tpu.dma_semaphore, #tpu.memory_space<semaphore_mem>>
        %dma_start3A_50 = arith.constant 0 : i32
        %dma_start3A_51 = arith.constant 0 : i32
        %dma_start3A_52 = tpu.memref_slice %arg13[%dma_start3A_50, %dma_start3A_51] : memref<400x128xf32, #tpu.memory_space<vmem>> -> memref<400x128xf32, #tpu.memory_space<vmem>>
        %dma_start3A_53 = arith.constant 0 : i32
        %dma_start3A_54 = tpu.memref_slice %arg6[%add3A_43, %dma_start3A_53] : memref<113664x128xf32, #tpu.memory_space<hbm>> -> memref<400x128xf32, #tpu.memory_space<hbm>>
        %dma_start3A_55 = arith.constant 0 : i32
        %dma_start3A_56 = tpu.memref_slice %arg6[%add3A_43, %dma_start3A_55] : memref<113664x128xf32, #tpu.memory_space<hbm>> -> memref<400x128xf32, #tpu.memory_space<hbm>>
        %dma_start3A_57 = arith.constant 0 : i32
        %dma_start3A_58 = arith.constant 0 : i32
        %dma_start3A_59 = tpu.memref_slice %arg13[%dma_start3A_57, %dma_start3A_58] : memref<400x128xf32, #tpu.memory_space<vmem>> -> memref<400x128xf32, #tpu.memory_space<vmem>>
        tpu.enqueue_dma source(%dma_start3A_59 : memref<400x128xf32, #tpu.memory_space<vmem>>) target(%dma_start3A_56 : memref<400x128xf32, #tpu.memory_space<hbm>>) target_semaphore(%run_scoped3A : memref<!tpu.dma_semaphore, #tpu.memory_space<semaphore_mem>>)
        %dma_wait3A_60 = arith.constant 0 : i32
        %dma_wait3A_61 = arith.constant 0 : i32
        %dma_wait3A_62 = tpu.memref_slice %arg13[%dma_wait3A_60, %dma_wait3A_61] : memref<400x128xf32, #tpu.memory_space<vmem>> -> memref<400x128xf32, #tpu.memory_space<vmem>>
        %dma_wait3A_63 = arith.constant 0 : i32
        %dma_wait3A_64 = tpu.memref_slice %arg6[%add3A_43, %dma_wait3A_63] : memref<113664x128xf32, #tpu.memory_space<hbm>> -> memref<400x128xf32, #tpu.memory_space<hbm>>
        %dma_wait3A_65 = arith.constant 0 : i32
        %dma_wait3A_66 = tpu.memref_slice %arg6[%add3A_43, %dma_wait3A_65] : memref<113664x128xf32, #tpu.memory_space<hbm>> -> memref<400x128xf32, #tpu.memory_space<hbm>>
        %dma_wait3A_67 = arith.constant 0 : i32
        %dma_wait3A_68 = arith.constant 0 : i32
        %dma_wait3A_69 = tpu.memref_slice %arg13[%dma_wait3A_67, %dma_wait3A_68] : memref<400x128xf32, #tpu.memory_space<vmem>> -> memref<400x128xf32, #tpu.memory_space<vmem>>
        tpu.wait_dma2 semaphore(%run_scoped3A : memref<!tpu.dma_semaphore, #tpu.memory_space<semaphore_mem>>) src(%dma_wait3A_69 : memref<400x128xf32, #tpu.memory_space<vmem>>) dst(%dma_wait3A_66 : memref<400x128xf32, #tpu.memory_space<hbm>>)
        tpu.yield
      }) : () -> ()
      %add3A_44 = arith.constant 400 : i32
      %add3A_45 = arith.addi %mul3A_2, %add3A_44 : i32
      "tpu.region"() ({
        %run_scoped3A = tpu.sem_alloc : memref<!tpu.dma_semaphore, #tpu.memory_space<semaphore_mem>>
        %dma_start3A_50 = arith.constant 0 : i32
        %dma_start3A_51 = arith.constant 0 : i32
        %dma_start3A_52 = tpu.memref_slice %arg13[%dma_start3A_50, %dma_start3A_51] : memref<400x128xf32, #tpu.memory_space<vmem>> -> memref<192x128xf32, #tpu.memory_space<vmem>>
        %dma_start3A_53 = arith.constant 0 : i32
        %dma_start3A_54 = tpu.memref_slice %arg14[%add3A_45, %dma_start3A_53] : memref<9472x128xf32, #tpu.memory_space<vmem_shared>> -> memref<192x128xf32, #tpu.memory_space<vmem_shared>>
        %dma_start3A_55 = arith.constant 0 : i32
        %dma_start3A_56 = arith.constant 0 : i32
        %dma_start3A_57 = tpu.memref_slice %arg13[%dma_start3A_55, %dma_start3A_56] : memref<400x128xf32, #tpu.memory_space<vmem>> -> memref<192x128xf32, #tpu.memory_space<vmem>>
        %dma_start3A_58 = arith.constant 0 : i32
        %dma_start3A_59 = tpu.memref_slice %arg14[%add3A_45, %dma_start3A_58] : memref<9472x128xf32, #tpu.memory_space<vmem_shared>> -> memref<192x128xf32, #tpu.memory_space<vmem_shared>>
        tpu.enqueue_dma source(%dma_start3A_59 : memref<192x128xf32, #tpu.memory_space<vmem_shared>>) target(%dma_start3A_57 : memref<192x128xf32, #tpu.memory_space<vmem>>) target_semaphore(%run_scoped3A : memref<!tpu.dma_semaphore, #tpu.memory_space<semaphore_mem>>)
        %dma_wait3A_60 = arith.constant 0 : i32
        %dma_wait3A_61 = arith.constant 0 : i32
        %dma_wait3A_62 = tpu.memref_slice %arg13[%dma_wait3A_60, %dma_wait3A_61] : memref<400x128xf32, #tpu.memory_space<vmem>> -> memref<192x128xf32, #tpu.memory_space<vmem>>
        %dma_wait3A_63 = arith.constant 0 : i32
        %dma_wait3A_64 = tpu.memref_slice %arg14[%add3A_45, %dma_wait3A_63] : memref<9472x128xf32, #tpu.memory_space<vmem_shared>> -> memref<192x128xf32, #tpu.memory_space<vmem_shared>>
        %dma_wait3A_65 = arith.constant 0 : i32
        %dma_wait3A_66 = arith.constant 0 : i32
        %dma_wait3A_67 = tpu.memref_slice %arg13[%dma_wait3A_65, %dma_wait3A_66] : memref<400x128xf32, #tpu.memory_space<vmem>> -> memref<192x128xf32, #tpu.memory_space<vmem>>
        %dma_wait3A_68 = arith.constant 0 : i32
        %dma_wait3A_69 = tpu.memref_slice %arg14[%add3A_45, %dma_wait3A_68] : memref<9472x128xf32, #tpu.memory_space<vmem_shared>> -> memref<192x128xf32, #tpu.memory_space<vmem_shared>>
        tpu.wait_dma2 semaphore(%run_scoped3A : memref<!tpu.dma_semaphore, #tpu.memory_space<semaphore_mem>>) src(%dma_wait3A_69 : memref<192x128xf32, #tpu.memory_space<vmem_shared>>) dst(%dma_wait3A_67 : memref<192x128xf32, #tpu.memory_space<vmem>>)
        tpu.yield
      }) : () -> ()
      %add3A_46 = arith.addi %mul3A_12, %mul3A_2 : i32
      %add3A_47 = arith.constant 400 : i32
      %add3A_48 = arith.addi %add3A_46, %add3A_47 : i32
      "tpu.region"() ({
        %run_scoped3A = tpu.sem_alloc : memref<!tpu.dma_semaphore, #tpu.memory_space<semaphore_mem>>
        %dma_start3A_50 = arith.constant 0 : i32
        %dma_start3A_51 = arith.constant 0 : i32
        %dma_start3A_52 = tpu.memref_slice %arg13[%dma_start3A_50, %dma_start3A_51] : memref<400x128xf32, #tpu.memory_space<vmem>> -> memref<192x128xf32, #tpu.memory_space<vmem>>
        %dma_start3A_53 = arith.constant 0 : i32
        %dma_start3A_54 = tpu.memref_slice %arg6[%add3A_48, %dma_start3A_53] : memref<113664x128xf32, #tpu.memory_space<hbm>> -> memref<192x128xf32, #tpu.memory_space<hbm>>
        %dma_start3A_55 = arith.constant 0 : i32
        %dma_start3A_56 = tpu.memref_slice %arg6[%add3A_48, %dma_start3A_55] : memref<113664x128xf32, #tpu.memory_space<hbm>> -> memref<192x128xf32, #tpu.memory_space<hbm>>
        %dma_start3A_57 = arith.constant 0 : i32
        %dma_start3A_58 = arith.constant 0 : i32
        %dma_start3A_59 = tpu.memref_slice %arg13[%dma_start3A_57, %dma_start3A_58] : memref<400x128xf32, #tpu.memory_space<vmem>> -> memref<192x128xf32, #tpu.memory_space<vmem>>
        tpu.enqueue_dma source(%dma_start3A_59 : memref<192x128xf32, #tpu.memory_space<vmem>>) target(%dma_start3A_56 : memref<192x128xf32, #tpu.memory_space<hbm>>) target_semaphore(%run_scoped3A : memref<!tpu.dma_semaphore, #tpu.memory_space<semaphore_mem>>)
        %dma_wait3A_60 = arith.constant 0 : i32
        %dma_wait3A_61 = arith.constant 0 : i32
        %dma_wait3A_62 = tpu.memref_slice %arg13[%dma_wait3A_60, %dma_wait3A_61] : memref<400x128xf32, #tpu.memory_space<vmem>> -> memref<192x128xf32, #tpu.memory_space<vmem>>
        %dma_wait3A_63 = arith.constant 0 : i32
        %dma_wait3A_64 = tpu.memref_slice %arg6[%add3A_48, %dma_wait3A_63] : memref<113664x128xf32, #tpu.memory_space<hbm>> -> memref<192x128xf32, #tpu.memory_space<hbm>>
        %dma_wait3A_65 = arith.constant 0 : i32
        %dma_wait3A_66 = tpu.memref_slice %arg6[%add3A_48, %dma_wait3A_65] : memref<113664x128xf32, #tpu.memory_space<hbm>> -> memref<192x128xf32, #tpu.memory_space<hbm>>
        %dma_wait3A_67 = arith.constant 0 : i32
        %dma_wait3A_68 = arith.constant 0 : i32
        %dma_wait3A_69 = tpu.memref_slice %arg13[%dma_wait3A_67, %dma_wait3A_68] : memref<400x128xf32, #tpu.memory_space<vmem>> -> memref<192x128xf32, #tpu.memory_space<vmem>>
        tpu.wait_dma2 semaphore(%run_scoped3A : memref<!tpu.dma_semaphore, #tpu.memory_space<semaphore_mem>>) src(%dma_wait3A_69 : memref<192x128xf32, #tpu.memory_space<vmem>>) dst(%dma_wait3A_66 : memref<192x128xf32, #tpu.memory_space<hbm>>)
        tpu.yield
      }) : () -> ()
      %barrier3A_49 = arith.constant 0 : index
      tpu.barrier barrier_id(%barrier3A_49)
    }
    %scan3A_7 = arith.constant 6 : i32
    return
  }
}

#map = affine_map<(d0, d1) -> (0, 0)>
#map1 = affine_map<(d0, d1) -> (0)>
module attributes {stable_mosaic.version = 14 : i64} {
  func.func @k(%arg0: i32, %arg1: i32, %arg2: memref<100000x128xf32, #tpu.memory_space<hbm>>, %arg3: memref<3200000xi32, #tpu.memory_space<hbm>>, %arg4: memref<3200000xi32, #tpu.memory_space<hbm>>, %arg5: memref<400x128xf32, #tpu.memory_space<hbm>>, %arg6: memref<113664x128xf32, #tpu.memory_space<hbm>>, %arg7: memref<400xi32, #tpu.memory_space<vmem>>, %arg8: memref<400xi32, #tpu.memory_space<vmem>>, %arg9: memref<400xi32, #tpu.memory_space<vmem>>, %arg10: memref<400xi32, #tpu.memory_space<vmem>>, %arg11: memref<400xi32, #tpu.memory_space<vmem>>, %arg12: memref<400xi32, #tpu.memory_space<vmem>>, %arg13: memref<400x128xf32, #tpu.memory_space<vmem>>, %arg14: memref<9472x128xf32, #tpu.memory_space<vmem_shared>>, %arg15: memref<!tpu.dma_semaphore, #tpu.memory_space<semaphore_mem>>, %arg16: memref<!tpu.dma_semaphore, #tpu.memory_space<semaphore_mem>>) attributes {dimension_semantics = [#tpu.dimension_semantics<core_parallel>, #tpu.dimension_semantics<subcore_parallel>], iteration_bounds = array<i64: 2, 16>, scalar_prefetch = 0 : i64, scratch_operands = 10 : i64, tpu.core_type = #tpu.core_type<sc_vector_subcore>, window_params = [{transform_indices = #map}, {transform_indices = #map1}, {transform_indices = #map1}, {transform_indices = #map}, {transform_indices = #map}]} {
    %mul3A = arith.constant 200000 : i32
    %mul3A_0 = arith.muli %arg1, %mul3A : i32
    %mul3A_1 = arith.constant 592 : i32
    %mul3A_2 = arith.muli %arg1, %mul3A_1 : i32
    %scan3A = arith.constant 0 : i32
    %scan3A_3 = arith.constant 0 : i32
    %scan3A_4 = arith.constant 6 : i32
    %scan3A_5 = arith.addi %scan3A_3, %scan3A_4 : i32
    %scan3A_6 = arith.constant 1 : i32
    scf.for %scan3A_8 = %scan3A_3 to %scan3A_5 step %scan3A_6  : i32 {
      %mul3A_9 = arith.constant 2 : i32
      %mul3A_10 = arith.muli %scan3A_8, %mul3A_9 : i32
      %add3A = arith.addi %mul3A_10, %arg0 : i32
      %mul3A_11 = arith.constant 9472 : i32
      %mul3A_12 = arith.muli %add3A, %mul3A_11 : i32
      "tpu.region"() ({
        %run_scoped3A = tpu.sem_alloc : memref<!tpu.dma_semaphore, #tpu.memory_space<semaphore_mem>>
        %dma_start3A_50 = arith.constant 0 : i32
        %dma_start3A_51 = arith.constant 0 : i32
        %dma_start3A_52 = tpu.memref_slice %arg13[%dma_start3A_50, %dma_start3A_51] : memref<400x128xf32, #tpu.memory_space<vmem>> -> memref<400x128xf32, #tpu.memory_space<vmem>>
        %dma_start3A_53 = arith.constant 0 : i32
        %dma_start3A_54 = arith.constant 0 : i32
        %dma_start3A_55 = tpu.memref_slice %arg5[%dma_start3A_53, %dma_start3A_54] : memref<400x128xf32, #tpu.memory_space<hbm>> -> memref<400x128xf32, #tpu.memory_space<hbm>>
        %dma_start3A_56 = arith.constant 0 : i32
        %dma_start3A_57 = arith.constant 0 : i32
        %dma_start3A_58 = tpu.memref_slice %arg13[%dma_start3A_56, %dma_start3A_57] : memref<400x128xf32, #tpu.memory_space<vmem>> -> memref<400x128xf32, #tpu.memory_space<vmem>>
        %dma_start3A_59 = arith.constant 0 : i32
        %dma_start3A_60 = arith.constant 0 : i32
        %dma_start3A_61 = tpu.memref_slice %arg5[%dma_start3A_59, %dma_start3A_60] : memref<400x128xf32, #tpu.memory_space<hbm>> -> memref<400x128xf32, #tpu.memory_space<hbm>>
        tpu.enqueue_dma source(%dma_start3A_61 : memref<400x128xf32, #tpu.memory_space<hbm>>) target(%dma_start3A_58 : memref<400x128xf32, #tpu.memory_space<vmem>>) target_semaphore(%run_scoped3A : memref<!tpu.dma_semaphore, #tpu.memory_space<semaphore_mem>>)
        %dma_wait3A_62 = arith.constant 0 : i32
        %dma_wait3A_63 = arith.constant 0 : i32
        %dma_wait3A_64 = tpu.memref_slice %arg13[%dma_wait3A_62, %dma_wait3A_63] : memref<400x128xf32, #tpu.memory_space<vmem>> -> memref<400x128xf32, #tpu.memory_space<vmem>>
        %dma_wait3A_65 = arith.constant 0 : i32
        %dma_wait3A_66 = arith.constant 0 : i32
        %dma_wait3A_67 = tpu.memref_slice %arg5[%dma_wait3A_65, %dma_wait3A_66] : memref<400x128xf32, #tpu.memory_space<hbm>> -> memref<400x128xf32, #tpu.memory_space<hbm>>
        %dma_wait3A_68 = arith.constant 0 : i32
        %dma_wait3A_69 = arith.constant 0 : i32
        %dma_wait3A_70 = tpu.memref_slice %arg13[%dma_wait3A_68, %dma_wait3A_69] : memref<400x128xf32, #tpu.memory_space<vmem>> -> memref<400x128xf32, #tpu.memory_space<vmem>>
        %dma_wait3A_71 = arith.constant 0 : i32
        %dma_wait3A_72 = arith.constant 0 : i32
        %dma_wait3A_73 = tpu.memref_slice %arg5[%dma_wait3A_71, %dma_wait3A_72] : memref<400x128xf32, #tpu.memory_space<hbm>> -> memref<400x128xf32, #tpu.memory_space<hbm>>
        tpu.wait_dma2 semaphore(%run_scoped3A : memref<!tpu.dma_semaphore, #tpu.memory_space<semaphore_mem>>) src(%dma_wait3A_73 : memref<400x128xf32, #tpu.memory_space<hbm>>) dst(%dma_wait3A_70 : memref<400x128xf32, #tpu.memory_space<vmem>>)
        tpu.yield
      }) : () -> ()
      %add3A_13 = arith.constant 0 : i32
      %add3A_14 = arith.addi %mul3A_2, %add3A_13 : i32
      "tpu.region"() ({
        %run_scoped3A = tpu.sem_alloc : memref<!tpu.dma_semaphore, #tpu.memory_space<semaphore_mem>>
        %dma_start3A_50 = arith.constant 0 : i32
        %dma_start3A_51 = arith.constant 0 : i32
        %dma_start3A_52 = tpu.memref_slice %arg13[%dma_start3A_50, %dma_start3A_51] : memref<400x128xf32, #tpu.memory_space<vmem>> -> memref<400x128xf32, #tpu.memory_space<vmem>>
        %dma_start3A_53 = arith.constant 0 : i32
        %dma_start3A_54 = tpu.memref_slice %arg14[%add3A_14, %dma_start3A_53] : memref<9472x128xf32, #tpu.memory_space<vmem_shared>> -> memref<400x128xf32, #tpu.memory_space<vmem_shared>>
        %dma_start3A_55 = arith.constant 0 : i32
        %dma_start3A_56 = tpu.memref_slice %arg14[%add3A_14, %dma_start3A_55] : memref<9472x128xf32, #tpu.memory_space<vmem_shared>> -> memref<400x128xf32, #tpu.memory_space<vmem_shared>>
        %dma_start3A_57 = arith.constant 0 : i32
        %dma_start3A_58 = arith.constant 0 : i32
        %dma_start3A_59 = tpu.memref_slice %arg13[%dma_start3A_57, %dma_start3A_58] : memref<400x128xf32, #tpu.memory_space<vmem>> -> memref<400x128xf32, #tpu.memory_space<vmem>>
        tpu.enqueue_dma source(%dma_start3A_59 : memref<400x128xf32, #tpu.memory_space<vmem>>) target(%dma_start3A_56 : memref<400x128xf32, #tpu.memory_space<vmem_shared>>) target_semaphore(%run_scoped3A : memref<!tpu.dma_semaphore, #tpu.memory_space<semaphore_mem>>)
        %dma_wait3A_60 = arith.constant 0 : i32
        %dma_wait3A_61 = arith.constant 0 : i32
        %dma_wait3A_62 = tpu.memref_slice %arg13[%dma_wait3A_60, %dma_wait3A_61] : memref<400x128xf32, #tpu.memory_space<vmem>> -> memref<400x128xf32, #tpu.memory_space<vmem>>
        %dma_wait3A_63 = arith.constant 0 : i32
        %dma_wait3A_64 = tpu.memref_slice %arg14[%add3A_14, %dma_wait3A_63] : memref<9472x128xf32, #tpu.memory_space<vmem_shared>> -> memref<400x128xf32, #tpu.memory_space<vmem_shared>>
        %dma_wait3A_65 = arith.constant 0 : i32
        %dma_wait3A_66 = tpu.memref_slice %arg14[%add3A_14, %dma_wait3A_65] : memref<9472x128xf32, #tpu.memory_space<vmem_shared>> -> memref<400x128xf32, #tpu.memory_space<vmem_shared>>
        %dma_wait3A_67 = arith.constant 0 : i32
        %dma_wait3A_68 = arith.constant 0 : i32
        %dma_wait3A_69 = tpu.memref_slice %arg13[%dma_wait3A_67, %dma_wait3A_68] : memref<400x128xf32, #tpu.memory_space<vmem>> -> memref<400x128xf32, #tpu.memory_space<vmem>>
        tpu.wait_dma2 semaphore(%run_scoped3A : memref<!tpu.dma_semaphore, #tpu.memory_space<semaphore_mem>>) src(%dma_wait3A_69 : memref<400x128xf32, #tpu.memory_space<vmem>>) dst(%dma_wait3A_66 : memref<400x128xf32, #tpu.memory_space<vmem_shared>>)
        tpu.yield
      }) : () -> ()
      "tpu.region"() ({
        %run_scoped3A = tpu.sem_alloc : memref<!tpu.dma_semaphore, #tpu.memory_space<semaphore_mem>>
        %dma_start3A_50 = arith.constant 0 : i32
        %dma_start3A_51 = arith.constant 0 : i32
        %dma_start3A_52 = tpu.memref_slice %arg13[%dma_start3A_50, %dma_start3A_51] : memref<400x128xf32, #tpu.memory_space<vmem>> -> memref<192x128xf32, #tpu.memory_space<vmem>>
        %dma_start3A_53 = arith.constant 0 : i32
        %dma_start3A_54 = arith.constant 0 : i32
        %dma_start3A_55 = tpu.memref_slice %arg5[%dma_start3A_53, %dma_start3A_54] : memref<400x128xf32, #tpu.memory_space<hbm>> -> memref<192x128xf32, #tpu.memory_space<hbm>>
        %dma_start3A_56 = arith.constant 0 : i32
        %dma_start3A_57 = arith.constant 0 : i32
        %dma_start3A_58 = tpu.memref_slice %arg13[%dma_start3A_56, %dma_start3A_57] : memref<400x128xf32, #tpu.memory_space<vmem>> -> memref<192x128xf32, #tpu.memory_space<vmem>>
        %dma_start3A_59 = arith.constant 0 : i32
        %dma_start3A_60 = arith.constant 0 : i32
        %dma_start3A_61 = tpu.memref_slice %arg5[%dma_start3A_59, %dma_start3A_60] : memref<400x128xf32, #tpu.memory_space<hbm>> -> memref<192x128xf32, #tpu.memory_space<hbm>>
        tpu.enqueue_dma source(%dma_start3A_61 : memref<192x128xf32, #tpu.memory_space<hbm>>) target(%dma_start3A_58 : memref<192x128xf32, #tpu.memory_space<vmem>>) target_semaphore(%run_scoped3A : memref<!tpu.dma_semaphore, #tpu.memory_space<semaphore_mem>>)
        %dma_wait3A_62 = arith.constant 0 : i32
        %dma_wait3A_63 = arith.constant 0 : i32
        %dma_wait3A_64 = tpu.memref_slice %arg13[%dma_wait3A_62, %dma_wait3A_63] : memref<400x128xf32, #tpu.memory_space<vmem>> -> memref<192x128xf32, #tpu.memory_space<vmem>>
        %dma_wait3A_65 = arith.constant 0 : i32
        %dma_wait3A_66 = arith.constant 0 : i32
        %dma_wait3A_67 = tpu.memref_slice %arg5[%dma_wait3A_65, %dma_wait3A_66] : memref<400x128xf32, #tpu.memory_space<hbm>> -> memref<192x128xf32, #tpu.memory_space<hbm>>
        %dma_wait3A_68 = arith.constant 0 : i32
        %dma_wait3A_69 = arith.constant 0 : i32
        %dma_wait3A_70 = tpu.memref_slice %arg13[%dma_wait3A_68, %dma_wait3A_69] : memref<400x128xf32, #tpu.memory_space<vmem>> -> memref<192x128xf32, #tpu.memory_space<vmem>>
        %dma_wait3A_71 = arith.constant 0 : i32
        %dma_wait3A_72 = arith.constant 0 : i32
        %dma_wait3A_73 = tpu.memref_slice %arg5[%dma_wait3A_71, %dma_wait3A_72] : memref<400x128xf32, #tpu.memory_space<hbm>> -> memref<192x128xf32, #tpu.memory_space<hbm>>
        tpu.wait_dma2 semaphore(%run_scoped3A : memref<!tpu.dma_semaphore, #tpu.memory_space<semaphore_mem>>) src(%dma_wait3A_73 : memref<192x128xf32, #tpu.memory_space<hbm>>) dst(%dma_wait3A_70 : memref<192x128xf32, #tpu.memory_space<vmem>>)
        tpu.yield
      }) : () -> ()
      %add3A_15 = arith.constant 400 : i32
      %add3A_16 = arith.addi %mul3A_2, %add3A_15 : i32
      "tpu.region"() ({
        %run_scoped3A = tpu.sem_alloc : memref<!tpu.dma_semaphore, #tpu.memory_space<semaphore_mem>>
        %dma_start3A_50 = arith.constant 0 : i32
        %dma_start3A_51 = arith.constant 0 : i32
        %dma_start3A_52 = tpu.memref_slice %arg13[%dma_start3A_50, %dma_start3A_51] : memref<400x128xf32, #tpu.memory_space<vmem>> -> memref<192x128xf32, #tpu.memory_space<vmem>>
        %dma_start3A_53 = arith.constant 0 : i32
        %dma_start3A_54 = tpu.memref_slice %arg14[%add3A_16, %dma_start3A_53] : memref<9472x128xf32, #tpu.memory_space<vmem_shared>> -> memref<192x128xf32, #tpu.memory_space<vmem_shared>>
        %dma_start3A_55 = arith.constant 0 : i32
        %dma_start3A_56 = tpu.memref_slice %arg14[%add3A_16, %dma_start3A_55] : memref<9472x128xf32, #tpu.memory_space<vmem_shared>> -> memref<192x128xf32, #tpu.memory_space<vmem_shared>>
        %dma_start3A_57 = arith.constant 0 : i32
        %dma_start3A_58 = arith.constant 0 : i32
        %dma_start3A_59 = tpu.memref_slice %arg13[%dma_start3A_57, %dma_start3A_58] : memref<400x128xf32, #tpu.memory_space<vmem>> -> memref<192x128xf32, #tpu.memory_space<vmem>>
        tpu.enqueue_dma source(%dma_start3A_59 : memref<192x128xf32, #tpu.memory_space<vmem>>) target(%dma_start3A_56 : memref<192x128xf32, #tpu.memory_space<vmem_shared>>) target_semaphore(%run_scoped3A : memref<!tpu.dma_semaphore, #tpu.memory_space<semaphore_mem>>)
        %dma_wait3A_60 = arith.constant 0 : i32
        %dma_wait3A_61 = arith.constant 0 : i32
        %dma_wait3A_62 = tpu.memref_slice %arg13[%dma_wait3A_60, %dma_wait3A_61] : memref<400x128xf32, #tpu.memory_space<vmem>> -> memref<192x128xf32, #tpu.memory_space<vmem>>
        %dma_wait3A_63 = arith.constant 0 : i32
        %dma_wait3A_64 = tpu.memref_slice %arg14[%add3A_16, %dma_wait3A_63] : memref<9472x128xf32, #tpu.memory_space<vmem_shared>> -> memref<192x128xf32, #tpu.memory_space<vmem_shared>>
        %dma_wait3A_65 = arith.constant 0 : i32
        %dma_wait3A_66 = tpu.memref_slice %arg14[%add3A_16, %dma_wait3A_65] : memref<9472x128xf32, #tpu.memory_space<vmem_shared>> -> memref<192x128xf32, #tpu.memory_space<vmem_shared>>
        %dma_wait3A_67 = arith.constant 0 : i32
        %dma_wait3A_68 = arith.constant 0 : i32
        %dma_wait3A_69 = tpu.memref_slice %arg13[%dma_wait3A_67, %dma_wait3A_68] : memref<400x128xf32, #tpu.memory_space<vmem>> -> memref<192x128xf32, #tpu.memory_space<vmem>>
        tpu.wait_dma2 semaphore(%run_scoped3A : memref<!tpu.dma_semaphore, #tpu.memory_space<semaphore_mem>>) src(%dma_wait3A_69 : memref<192x128xf32, #tpu.memory_space<vmem>>) dst(%dma_wait3A_66 : memref<192x128xf32, #tpu.memory_space<vmem_shared>>)
        tpu.yield
      }) : () -> ()
      %barrier3A = arith.constant 0 : index
      tpu.barrier barrier_id(%barrier3A)
      %min3A = arith.constant 0 : i32
      %min3A_17 = arith.constant 199600 : i32
      %min3A_18 = arith.minsi %min3A, %min3A_17 : i32
      %add3A_19 = arith.addi %mul3A_0, %min3A_18 : i32
      %dma_start3A = tpu.memref_slice %arg3[%add3A_19] : memref<3200000xi32, #tpu.memory_space<hbm>> -> memref<400xi32, #tpu.memory_space<hbm>>
      %dma_start3A_20 = tpu.memref_slice %arg3[%add3A_19] : memref<3200000xi32, #tpu.memory_space<hbm>> -> memref<400xi32, #tpu.memory_space<hbm>>
      tpu.enqueue_dma source(%dma_start3A_20 : memref<400xi32, #tpu.memory_space<hbm>>) target(%arg7 : memref<400xi32, #tpu.memory_space<vmem>>) target_semaphore(%arg16 : memref<!tpu.dma_semaphore, #tpu.memory_space<semaphore_mem>>)
      %dma_start3A_21 = tpu.memref_slice %arg4[%add3A_19] : memref<3200000xi32, #tpu.memory_space<hbm>> -> memref<400xi32, #tpu.memory_space<hbm>>
      %dma_start3A_22 = tpu.memref_slice %arg4[%add3A_19] : memref<3200000xi32, #tpu.memory_space<hbm>> -> memref<400xi32, #tpu.memory_space<hbm>>
      tpu.enqueue_dma source(%dma_start3A_22 : memref<400xi32, #tpu.memory_space<hbm>>) target(%arg8 : memref<400xi32, #tpu.memory_space<vmem>>) target_semaphore(%arg16 : memref<!tpu.dma_semaphore, #tpu.memory_space<semaphore_mem>>)
      %dma_wait3A = tpu.memref_slice %arg3[%add3A_19] : memref<3200000xi32, #tpu.memory_space<hbm>> -> memref<400xi32, #tpu.memory_space<hbm>>
      %dma_wait3A_23 = tpu.memref_slice %arg3[%add3A_19] : memref<3200000xi32, #tpu.memory_space<hbm>> -> memref<400xi32, #tpu.memory_space<hbm>>
      tpu.wait_dma2 semaphore(%arg16 : memref<!tpu.dma_semaphore, #tpu.memory_space<semaphore_mem>>) src(%dma_wait3A_23 : memref<400xi32, #tpu.memory_space<hbm>>) dst(%arg7 : memref<400xi32, #tpu.memory_space<vmem>>)
      %dma_wait3A_24 = tpu.memref_slice %arg4[%add3A_19] : memref<3200000xi32, #tpu.memory_space<hbm>> -> memref<400xi32, #tpu.memory_space<hbm>>
      %dma_wait3A_25 = tpu.memref_slice %arg4[%add3A_19] : memref<3200000xi32, #tpu.memory_space<hbm>> -> memref<400xi32, #tpu.memory_space<hbm>>
      tpu.wait_dma2 semaphore(%arg16 : memref<!tpu.dma_semaphore, #tpu.memory_space<semaphore_mem>>) src(%dma_wait3A_25 : memref<400xi32, #tpu.memory_space<hbm>>) dst(%arg8 : memref<400xi32, #tpu.memory_space<vmem>>)
      %scan3A_26 = arith.constant 0 : i32
      %scan3A_27 = arith.constant 0 : i32
      %scan3A_28 = arith.constant 25 : i32
      %scan3A_29 = arith.addi %scan3A_27, %scan3A_28 : i32
      %scan3A_30 = arith.constant 1 : i32
      scf.for %scan3A_50 = %scan3A_27 to %scan3A_29 step %scan3A_30  : i32 {
        %mul3A_51 = arith.constant 16 : i32
        %mul3A_52 = arith.muli %scan3A_50, %mul3A_51 : i32
        %get3A = arith.index_cast %mul3A_52 : i32 to index
        %get3A_53 = tpu.vector_load %arg8[%get3A] {strides = array<i32>} : memref<400xi32, #tpu.memory_space<vmem>>, vector<16xi32>,
        %get3A_54 = vector.shape_cast %get3A_53 : vector<16xi32> to vector<16xi32>
        %get3A_55 = arith.index_cast %mul3A_52 : i32 to index
        %get3A_56 = tpu.vector_load %arg7[%get3A_55] {strides = array<i32>} : memref<400xi32, #tpu.memory_space<vmem>>, vector<16xi32>,
        %get3A_57 = vector.shape_cast %get3A_56 : vector<16xi32> to vector<16xi32>
        %ge3A = vector.broadcast %mul3A_12 : i32 to vector<16xi32>
        %ge3A_58 = arith.cmpi sge, %get3A_54, %ge3A : vector<16xi32>
        %add3A_59 = arith.constant 9472 : i32
        %add3A_60 = arith.addi %mul3A_12, %add3A_59 : i32
        %lt3A = vector.broadcast %add3A_60 : i32 to vector<16xi32>
        %lt3A_61 = arith.cmpi slt, %get3A_54, %lt3A : vector<16xi32>
        %and3A = arith.andi %ge3A_58, %lt3A_61 : vector<16xi1>
        %jit3A = arith.constant -1 : i32
        %broadcast_in_dim3A = vector.broadcast %jit3A : i32 to vector<16xi32>
        %select_n3A = arith.select %and3A, %get3A_57, %broadcast_in_dim3A : vector<16xi1>, vector<16xi32>
        %swap3A = arith.index_cast %mul3A_52 : i32 to index
        %swap3A_62 = tpu.vector_load %arg9[%swap3A] {strides = array<i32>} : memref<400xi32, #tpu.memory_space<vmem>>, vector<16xi32>,
        %swap3A_63 = vector.shape_cast %swap3A_62 : vector<16xi32> to vector<16xi32>
        %swap3A_64 = vector.shape_cast %select_n3A : vector<16xi32> to vector<16xi32>
        tpu.vector_store %arg9[%swap3A], %swap3A_64 {strides = array<i32>} : memref<400xi32, #tpu.memory_space<vmem>>, vector<16xi32>,
        %sub3A = vector.broadcast %mul3A_12 : i32 to vector<16xi32>
        %sub3A_65 = arith.subi %get3A_54, %sub3A : vector<16xi32>
        %jit3A_66 = arith.constant -1 : i32
        %broadcast_in_dim3A_67 = vector.broadcast %jit3A_66 : i32 to vector<16xi32>
        %select_n3A_68 = arith.select %and3A, %sub3A_65, %broadcast_in_dim3A_67 : vector<16xi1>, vector<16xi32>
        %swap3A_69 = arith.index_cast %mul3A_52 : i32 to index
        %swap3A_70 = tpu.vector_load %arg10[%swap3A_69] {strides = array<i32>} : memref<400xi32, #tpu.memory_space<vmem>>, vector<16xi32>,
        %swap3A_71 = vector.shape_cast %swap3A_70 : vector<16xi32> to vector<16xi32>
        %swap3A_72 = vector.shape_cast %select_n3A_68 : vector<16xi32> to vector<16xi32>
        tpu.vector_store %arg10[%swap3A_69], %swap3A_72 {strides = array<i32>} : memref<400xi32, #tpu.memory_space<vmem>>, vector<16xi32>,
      }
      %scan3A_31 = arith.constant 25 : i32
      %scan3A_32 = arith.constant 0 : i32
      %scan3A_33 = arith.constant 0 : i32
      %scan3A_34 = arith.constant 250 : i32
      %scan3A_35 = arith.addi %scan3A_33, %scan3A_34 : i32
      %scan3A_36 = arith.constant 1 : i32
      scf.for %scan3A_50 = %scan3A_33 to %scan3A_35 step %scan3A_36  : i32 {
        %mul3A_51 = arith.constant 2 : i32
        %mul3A_52 = arith.muli %mul3A_51, %scan3A_50 : i32
        %add3A_53 = arith.constant 1 : i32
        %add3A_54 = arith.addi %mul3A_52, %add3A_53 : i32
        %dma_start3A_55 = arith.constant 0 : i32
        %dma_start3A_56 = arith.constant 0 : i32
        %dma_start3A_57 = tpu.memref_slice %arg2[%dma_start3A_55, %dma_start3A_56] : memref<100000x128xf32, #tpu.memory_space<hbm>> -> memref<100000x128xf32, #tpu.memory_space<hbm>>
        %dma_start3A_58 = arith.constant -1 : i32
        tpu.enqueue_indirect_dma source(%dma_start3A_57 : memref<100000x128xf32, #tpu.memory_space<hbm>>) target(%arg13 : memref<400x128xf32, #tpu.memory_space<vmem>>) offsets(%arg9 : memref<400xi32, #tpu.memory_space<vmem>>) offset_filter(%dma_start3A_58) semaphore(%arg15 : memref<!tpu.dma_semaphore, #tpu.memory_space<semaphore_mem>>)
        %mul3A_59 = arith.constant 400 : i32
        %mul3A_60 = arith.muli %add3A_54, %mul3A_59 : i32
        %min3A_61 = arith.constant 199600 : i32
        %min3A_62 = arith.minsi %mul3A_60, %min3A_61 : i32
        %add3A_63 = arith.addi %mul3A_0, %min3A_62 : i32
        %dma_start3A_64 = tpu.memref_slice %arg3[%add3A_63] : memref<3200000xi32, #tpu.memory_space<hbm>> -> memref<400xi32, #tpu.memory_space<hbm>>
        %dma_start3A_65 = tpu.memref_slice %arg3[%add3A_63] : memref<3200000xi32, #tpu.memory_space<hbm>> -> memref<400xi32, #tpu.memory_space<hbm>>
        tpu.enqueue_dma source(%dma_start3A_65 : memref<400xi32, #tpu.memory_space<hbm>>) target(%arg7 : memref<400xi32, #tpu.memory_space<vmem>>) target_semaphore(%arg16 : memref<!tpu.dma_semaphore, #tpu.memory_space<semaphore_mem>>)
        %dma_start3A_66 = tpu.memref_slice %arg4[%add3A_63] : memref<3200000xi32, #tpu.memory_space<hbm>> -> memref<400xi32, #tpu.memory_space<hbm>>
        %dma_start3A_67 = tpu.memref_slice %arg4[%add3A_63] : memref<3200000xi32, #tpu.memory_space<hbm>> -> memref<400xi32, #tpu.memory_space<hbm>>
        tpu.enqueue_dma source(%dma_start3A_67 : memref<400xi32, #tpu.memory_space<hbm>>) target(%arg8 : memref<400xi32, #tpu.memory_space<vmem>>) target_semaphore(%arg16 : memref<!tpu.dma_semaphore, #tpu.memory_space<semaphore_mem>>)
        %dma_wait3A_68 = tpu.memref_slice %arg3[%add3A_63] : memref<3200000xi32, #tpu.memory_space<hbm>> -> memref<400xi32, #tpu.memory_space<hbm>>
        %dma_wait3A_69 = tpu.memref_slice %arg3[%add3A_63] : memref<3200000xi32, #tpu.memory_space<hbm>> -> memref<400xi32, #tpu.memory_space<hbm>>
        tpu.wait_dma2 semaphore(%arg16 : memref<!tpu.dma_semaphore, #tpu.memory_space<semaphore_mem>>) src(%dma_wait3A_69 : memref<400xi32, #tpu.memory_space<hbm>>) dst(%arg7 : memref<400xi32, #tpu.memory_space<vmem>>)
        %dma_wait3A_70 = tpu.memref_slice %arg4[%add3A_63] : memref<3200000xi32, #tpu.memory_space<hbm>> -> memref<400xi32, #tpu.memory_space<hbm>>
        %dma_wait3A_71 = tpu.memref_slice %arg4[%add3A_63] : memref<3200000xi32, #tpu.memory_space<hbm>> -> memref<400xi32, #tpu.memory_space<hbm>>
        tpu.wait_dma2 semaphore(%arg16 : memref<!tpu.dma_semaphore, #tpu.memory_space<semaphore_mem>>) src(%dma_wait3A_71 : memref<400xi32, #tpu.memory_space<hbm>>) dst(%arg8 : memref<400xi32, #tpu.memory_space<vmem>>)
        %scan3A_72 = arith.constant 0 : i32
        %scan3A_73 = arith.constant 0 : i32
        %scan3A_74 = arith.constant 25 : i32
        %scan3A_75 = arith.addi %scan3A_73, %scan3A_74 : i32
        %scan3A_76 = arith.constant 1 : i32
        scf.for %scan3A_109 = %scan3A_73 to %scan3A_75 step %scan3A_76  : i32 {
          %mul3A_110 = arith.constant 16 : i32
          %mul3A_111 = arith.muli %scan3A_109, %mul3A_110 : i32
          %get3A = arith.index_cast %mul3A_111 : i32 to index
          %get3A_112 = tpu.vector_load %arg8[%get3A] {strides = array<i32>} : memref<400xi32, #tpu.memory_space<vmem>>, vector<16xi32>,
          %get3A_113 = vector.shape_cast %get3A_112 : vector<16xi32> to vector<16xi32>
          %get3A_114 = arith.index_cast %mul3A_111 : i32 to index
          %get3A_115 = tpu.vector_load %arg7[%get3A_114] {strides = array<i32>} : memref<400xi32, #tpu.memory_space<vmem>>, vector<16xi32>,
          %get3A_116 = vector.shape_cast %get3A_115 : vector<16xi32> to vector<16xi32>
          %ge3A = vector.broadcast %mul3A_12 : i32 to vector<16xi32>
          %ge3A_117 = arith.cmpi sge, %get3A_113, %ge3A : vector<16xi32>
          %add3A_118 = arith.constant 9472 : i32
          %add3A_119 = arith.addi %mul3A_12, %add3A_118 : i32
          %lt3A = vector.broadcast %add3A_119 : i32 to vector<16xi32>
          %lt3A_120 = arith.cmpi slt, %get3A_113, %lt3A : vector<16xi32>
          %and3A = arith.andi %ge3A_117, %lt3A_120 : vector<16xi1>
          %jit3A = arith.constant -1 : i32
          %broadcast_in_dim3A = vector.broadcast %jit3A : i32 to vector<16xi32>
          %select_n3A = arith.select %and3A, %get3A_116, %broadcast_in_dim3A : vector<16xi1>, vector<16xi32>
          %swap3A = arith.index_cast %mul3A_111 : i32 to index
          %swap3A_121 = tpu.vector_load %arg11[%swap3A] {strides = array<i32>} : memref<400xi32, #tpu.memory_space<vmem>>, vector<16xi32>,
          %swap3A_122 = vector.shape_cast %swap3A_121 : vector<16xi32> to vector<16xi32>
          %swap3A_123 = vector.shape_cast %select_n3A : vector<16xi32> to vector<16xi32>
          tpu.vector_store %arg11[%swap3A], %swap3A_123 {strides = array<i32>} : memref<400xi32, #tpu.memory_space<vmem>>, vector<16xi32>,
          %sub3A = vector.broadcast %mul3A_12 : i32 to vector<16xi32>
          %sub3A_124 = arith.subi %get3A_113, %sub3A : vector<16xi32>
          %jit3A_125 = arith.constant -1 : i32
          %broadcast_in_dim3A_126 = vector.broadcast %jit3A_125 : i32 to vector<16xi32>
          %select_n3A_127 = arith.select %and3A, %sub3A_124, %broadcast_in_dim3A_126 : vector<16xi1>, vector<16xi32>
          %swap3A_128 = arith.index_cast %mul3A_111 : i32 to index
          %swap3A_129 = tpu.vector_load %arg12[%swap3A_128] {strides = array<i32>} : memref<400xi32, #tpu.memory_space<vmem>>, vector<16xi32>,
          %swap3A_130 = vector.shape_cast %swap3A_129 : vector<16xi32> to vector<16xi32>
          %swap3A_131 = vector.shape_cast %select_n3A_127 : vector<16xi32> to vector<16xi32>
          tpu.vector_store %arg12[%swap3A_128], %swap3A_131 {strides = array<i32>} : memref<400xi32, #tpu.memory_space<vmem>>, vector<16xi32>,
        }
        %scan3A_77 = arith.constant 25 : i32
        %dma_wait3A_78 = arith.constant 0 : i32
        %dma_wait3A_79 = arith.constant 0 : i32
        %dma_wait3A_80 = tpu.memref_slice %arg2[%dma_wait3A_78, %dma_wait3A_79] : memref<100000x128xf32, #tpu.memory_space<hbm>> -> memref<100000x128xf32, #tpu.memory_space<hbm>>
        tpu.wait_indirect_dma semaphore(%arg15 : memref<!tpu.dma_semaphore, #tpu.memory_space<semaphore_mem>>) src(%dma_wait3A_80 : memref<100000x128xf32, #tpu.memory_space<hbm>>) dst(%arg13 : memref<400x128xf32, #tpu.memory_space<vmem>>)
        "tpu.region"() ({
          %run_scoped3A = tpu.sem_alloc : memref<!tpu.dma_semaphore, #tpu.memory_space<semaphore_mem>>
          %dma_start3A_109 = arith.constant 0 : i32
          %dma_start3A_110 = arith.constant 0 : i32
          %dma_start3A_111 = tpu.memref_slice %arg14[%dma_start3A_109, %dma_start3A_110] : memref<9472x128xf32, #tpu.memory_space<vmem_shared>> -> memref<9472x128xf32, #tpu.memory_space<vmem_shared>>
          %dma_start3A_112 = arith.constant -1 : i32
          tpu.enqueue_indirect_dma source(%arg13 : memref<400x128xf32, #tpu.memory_space<vmem>>) target(%dma_start3A_111 : memref<9472x128xf32, #tpu.memory_space<vmem_shared>>) offsets(%arg10 : memref<400xi32, #tpu.memory_space<vmem>>) offset_filter(%dma_start3A_112) semaphore(%run_scoped3A : memref<!tpu.dma_semaphore, #tpu.memory_space<semaphore_mem>>) {add = true}
          %dma_wait3A_113 = arith.constant 0 : i32
          %dma_wait3A_114 = arith.constant 0 : i32
          %dma_wait3A_115 = tpu.memref_slice %arg14[%dma_wait3A_113, %dma_wait3A_114] : memref<9472x128xf32, #tpu.memory_space<vmem_shared>> -> memref<9472x128xf32, #tpu.memory_space<vmem_shared>>
          tpu.wait_indirect_dma semaphore(%run_scoped3A : memref<!tpu.dma_semaphore, #tpu.memory_space<semaphore_mem>>) src(%arg13 : memref<400x128xf32, #tpu.memory_space<vmem>>) dst(%dma_wait3A_115 : memref<9472x128xf32, #tpu.memory_space<vmem_shared>>)
          tpu.yield
        }) : () -> ()
        %add3A_81 = arith.constant 2 : i32
        %add3A_82 = arith.addi %mul3A_52, %add3A_81 : i32
        %dma_start3A_83 = arith.constant 0 : i32
        %dma_start3A_84 = arith.constant 0 : i32
        %dma_start3A_85 = tpu.memref_slice %arg2[%dma_start3A_83, %dma_start3A_84] : memref<100000x128xf32, #tpu.memory_space<hbm>> -> memref<100000x128xf32, #tpu.memory_space<hbm>>
        %dma_start3A_86 = arith.constant -1 : i32
        tpu.enqueue_indirect_dma source(%dma_start3A_85 : memref<100000x128xf32, #tpu.memory_space<hbm>>) target(%arg13 : memref<400x128xf32, #tpu.memory_space<vmem>>) offsets(%arg11 : memref<400xi32, #tpu.memory_space<vmem>>) offset_filter(%dma_start3A_86) semaphore(%arg15 : memref<!tpu.dma_semaphore, #tpu.memory_space<semaphore_mem>>)
        %mul3A_87 = arith.constant 400 : i32
        %mul3A_88 = arith.muli %add3A_82, %mul3A_87 : i32
        %min3A_89 = arith.constant 199600 : i32
        %min3A_90 = arith.minsi %mul3A_88, %min3A_89 : i32
        %add3A_91 = arith.addi %mul3A_0, %min3A_90 : i32
        %dma_start3A_92 = tpu.memref_slice %arg3[%add3A_91] : memref<3200000xi32, #tpu.memory_space<hbm>> -> memref<400xi32, #tpu.memory_space<hbm>>
        %dma_start3A_93 = tpu.memref_slice %arg3[%add3A_91] : memref<3200000xi32, #tpu.memory_space<hbm>> -> memref<400xi32, #tpu.memory_space<hbm>>
        tpu.enqueue_dma source(%dma_start3A_93 : memref<400xi32, #tpu.memory_space<hbm>>) target(%arg7 : memref<400xi32, #tpu.memory_space<vmem>>) target_semaphore(%arg16 : memref<!tpu.dma_semaphore, #tpu.memory_space<semaphore_mem>>)
        %dma_start3A_94 = tpu.memref_slice %arg4[%add3A_91] : memref<3200000xi32, #tpu.memory_space<hbm>> -> memref<400xi32, #tpu.memory_space<hbm>>
        %dma_start3A_95 = tpu.memref_slice %arg4[%add3A_91] : memref<3200000xi32, #tpu.memory_space<hbm>> -> memref<400xi32, #tpu.memory_space<hbm>>
        tpu.enqueue_dma source(%dma_start3A_95 : memref<400xi32, #tpu.memory_space<hbm>>) target(%arg8 : memref<400xi32, #tpu.memory_space<vmem>>) target_semaphore(%arg16 : memref<!tpu.dma_semaphore, #tpu.memory_space<semaphore_mem>>)
        %dma_wait3A_96 = tpu.memref_slice %arg3[%add3A_91] : memref<3200000xi32, #tpu.memory_space<hbm>> -> memref<400xi32, #tpu.memory_space<hbm>>
        %dma_wait3A_97 = tpu.memref_slice %arg3[%add3A_91] : memref<3200000xi32, #tpu.memory_space<hbm>> -> memref<400xi32, #tpu.memory_space<hbm>>
        tpu.wait_dma2 semaphore(%arg16 : memref<!tpu.dma_semaphore, #tpu.memory_space<semaphore_mem>>) src(%dma_wait3A_97 : memref<400xi32, #tpu.memory_space<hbm>>) dst(%arg7 : memref<400xi32, #tpu.memory_space<vmem>>)
        %dma_wait3A_98 = tpu.memref_slice %arg4[%add3A_91] : memref<3200000xi32, #tpu.memory_space<hbm>> -> memref<400xi32, #tpu.memory_space<hbm>>
        %dma_wait3A_99 = tpu.memref_slice %arg4[%add3A_91] : memref<3200000xi32, #tpu.memory_space<hbm>> -> memref<400xi32, #tpu.memory_space<hbm>>
        tpu.wait_dma2 semaphore(%arg16 : memref<!tpu.dma_semaphore, #tpu.memory_space<semaphore_mem>>) src(%dma_wait3A_99 : memref<400xi32, #tpu.memory_space<hbm>>) dst(%arg8 : memref<400xi32, #tpu.memory_space<vmem>>)
        %scan3A_100 = arith.constant 0 : i32
        %scan3A_101 = arith.constant 0 : i32
        %scan3A_102 = arith.constant 25 : i32
        %scan3A_103 = arith.addi %scan3A_101, %scan3A_102 : i32
        %scan3A_104 = arith.constant 1 : i32
        scf.for %scan3A_109 = %scan3A_101 to %scan3A_103 step %scan3A_104  : i32 {
          %mul3A_110 = arith.constant 16 : i32
          %mul3A_111 = arith.muli %scan3A_109, %mul3A_110 : i32
          %get3A = arith.index_cast %mul3A_111 : i32 to index
          %get3A_112 = tpu.vector_load %arg8[%get3A] {strides = array<i32>} : memref<400xi32, #tpu.memory_space<vmem>>, vector<16xi32>,
          %get3A_113 = vector.shape_cast %get3A_112 : vector<16xi32> to vector<16xi32>
          %get3A_114 = arith.index_cast %mul3A_111 : i32 to index
          %get3A_115 = tpu.vector_load %arg7[%get3A_114] {strides = array<i32>} : memref<400xi32, #tpu.memory_space<vmem>>, vector<16xi32>,
          %get3A_116 = vector.shape_cast %get3A_115 : vector<16xi32> to vector<16xi32>
          %ge3A = vector.broadcast %mul3A_12 : i32 to vector<16xi32>
          %ge3A_117 = arith.cmpi sge, %get3A_113, %ge3A : vector<16xi32>
          %add3A_118 = arith.constant 9472 : i32
          %add3A_119 = arith.addi %mul3A_12, %add3A_118 : i32
          %lt3A = vector.broadcast %add3A_119 : i32 to vector<16xi32>
          %lt3A_120 = arith.cmpi slt, %get3A_113, %lt3A : vector<16xi32>
          %and3A = arith.andi %ge3A_117, %lt3A_120 : vector<16xi1>
          %jit3A = arith.constant -1 : i32
          %broadcast_in_dim3A = vector.broadcast %jit3A : i32 to vector<16xi32>
          %select_n3A = arith.select %and3A, %get3A_116, %broadcast_in_dim3A : vector<16xi1>, vector<16xi32>
          %swap3A = arith.index_cast %mul3A_111 : i32 to index
          %swap3A_121 = tpu.vector_load %arg9[%swap3A] {strides = array<i32>} : memref<400xi32, #tpu.memory_space<vmem>>, vector<16xi32>,
          %swap3A_122 = vector.shape_cast %swap3A_121 : vector<16xi32> to vector<16xi32>
          %swap3A_123 = vector.shape_cast %select_n3A : vector<16xi32> to vector<16xi32>
          tpu.vector_store %arg9[%swap3A], %swap3A_123 {strides = array<i32>} : memref<400xi32, #tpu.memory_space<vmem>>, vector<16xi32>,
          %sub3A = vector.broadcast %mul3A_12 : i32 to vector<16xi32>
          %sub3A_124 = arith.subi %get3A_113, %sub3A : vector<16xi32>
          %jit3A_125 = arith.constant -1 : i32
          %broadcast_in_dim3A_126 = vector.broadcast %jit3A_125 : i32 to vector<16xi32>
          %select_n3A_127 = arith.select %and3A, %sub3A_124, %broadcast_in_dim3A_126 : vector<16xi1>, vector<16xi32>
          %swap3A_128 = arith.index_cast %mul3A_111 : i32 to index
          %swap3A_129 = tpu.vector_load %arg10[%swap3A_128] {strides = array<i32>} : memref<400xi32, #tpu.memory_space<vmem>>, vector<16xi32>,
          %swap3A_130 = vector.shape_cast %swap3A_129 : vector<16xi32> to vector<16xi32>
          %swap3A_131 = vector.shape_cast %select_n3A_127 : vector<16xi32> to vector<16xi32>
          tpu.vector_store %arg10[%swap3A_128], %swap3A_131 {strides = array<i32>} : memref<400xi32, #tpu.memory_space<vmem>>, vector<16xi32>,
        }
        %scan3A_105 = arith.constant 25 : i32
        %dma_wait3A_106 = arith.constant 0 : i32
        %dma_wait3A_107 = arith.constant 0 : i32
        %dma_wait3A_108 = tpu.memref_slice %arg2[%dma_wait3A_106, %dma_wait3A_107] : memref<100000x128xf32, #tpu.memory_space<hbm>> -> memref<100000x128xf32, #tpu.memory_space<hbm>>
        tpu.wait_indirect_dma semaphore(%arg15 : memref<!tpu.dma_semaphore, #tpu.memory_space<semaphore_mem>>) src(%dma_wait3A_108 : memref<100000x128xf32, #tpu.memory_space<hbm>>) dst(%arg13 : memref<400x128xf32, #tpu.memory_space<vmem>>)
        "tpu.region"() ({
          %run_scoped3A = tpu.sem_alloc : memref<!tpu.dma_semaphore, #tpu.memory_space<semaphore_mem>>
          %dma_start3A_109 = arith.constant 0 : i32
          %dma_start3A_110 = arith.constant 0 : i32
          %dma_start3A_111 = tpu.memref_slice %arg14[%dma_start3A_109, %dma_start3A_110] : memref<9472x128xf32, #tpu.memory_space<vmem_shared>> -> memref<9472x128xf32, #tpu.memory_space<vmem_shared>>
          %dma_start3A_112 = arith.constant -1 : i32
          tpu.enqueue_indirect_dma source(%arg13 : memref<400x128xf32, #tpu.memory_space<vmem>>) target(%dma_start3A_111 : memref<9472x128xf32, #tpu.memory_space<vmem_shared>>) offsets(%arg12 : memref<400xi32, #tpu.memory_space<vmem>>) offset_filter(%dma_start3A_112) semaphore(%run_scoped3A : memref<!tpu.dma_semaphore, #tpu.memory_space<semaphore_mem>>) {add = true}
          %dma_wait3A_113 = arith.constant 0 : i32
          %dma_wait3A_114 = arith.constant 0 : i32
          %dma_wait3A_115 = tpu.memref_slice %arg14[%dma_wait3A_113, %dma_wait3A_114] : memref<9472x128xf32, #tpu.memory_space<vmem_shared>> -> memref<9472x128xf32, #tpu.memory_space<vmem_shared>>
          tpu.wait_indirect_dma semaphore(%run_scoped3A : memref<!tpu.dma_semaphore, #tpu.memory_space<semaphore_mem>>) src(%arg13 : memref<400x128xf32, #tpu.memory_space<vmem>>) dst(%dma_wait3A_115 : memref<9472x128xf32, #tpu.memory_space<vmem_shared>>)
          tpu.yield
        }) : () -> ()
      }
      %scan3A_37 = arith.constant 250 : i32
      %barrier3A_38 = arith.constant 0 : index
      tpu.barrier barrier_id(%barrier3A_38)
      %add3A_39 = arith.constant 0 : i32
      %add3A_40 = arith.addi %mul3A_2, %add3A_39 : i32
      "tpu.region"() ({
        %run_scoped3A = tpu.sem_alloc : memref<!tpu.dma_semaphore, #tpu.memory_space<semaphore_mem>>
        %dma_start3A_50 = arith.constant 0 : i32
        %dma_start3A_51 = arith.constant 0 : i32
        %dma_start3A_52 = tpu.memref_slice %arg13[%dma_start3A_50, %dma_start3A_51] : memref<400x128xf32, #tpu.memory_space<vmem>> -> memref<400x128xf32, #tpu.memory_space<vmem>>
        %dma_start3A_53 = arith.constant 0 : i32
        %dma_start3A_54 = tpu.memref_slice %arg14[%add3A_40, %dma_start3A_53] : memref<9472x128xf32, #tpu.memory_space<vmem_shared>> -> memref<400x128xf32, #tpu.memory_space<vmem_shared>>
        %dma_start3A_55 = arith.constant 0 : i32
        %dma_start3A_56 = arith.constant 0 : i32
        %dma_start3A_57 = tpu.memref_slice %arg13[%dma_start3A_55, %dma_start3A_56] : memref<400x128xf32, #tpu.memory_space<vmem>> -> memref<400x128xf32, #tpu.memory_space<vmem>>
        %dma_start3A_58 = arith.constant 0 : i32
        %dma_start3A_59 = tpu.memref_slice %arg14[%add3A_40, %dma_start3A_58] : memref<9472x128xf32, #tpu.memory_space<vmem_shared>> -> memref<400x128xf32, #tpu.memory_space<vmem_shared>>
        tpu.enqueue_dma source(%dma_start3A_59 : memref<400x128xf32, #tpu.memory_space<vmem_shared>>) target(%dma_start3A_57 : memref<400x128xf32, #tpu.memory_space<vmem>>) target_semaphore(%run_scoped3A : memref<!tpu.dma_semaphore, #tpu.memory_space<semaphore_mem>>)
        %dma_wait3A_60 = arith.constant 0 : i32
        %dma_wait3A_61 = arith.constant 0 : i32
        %dma_wait3A_62 = tpu.memref_slice %arg13[%dma_wait3A_60, %dma_wait3A_61] : memref<400x128xf32, #tpu.memory_space<vmem>> -> memref<400x128xf32, #tpu.memory_space<vmem>>
        %dma_wait3A_63 = arith.constant 0 : i32
        %dma_wait3A_64 = tpu.memref_slice %arg14[%add3A_40, %dma_wait3A_63] : memref<9472x128xf32, #tpu.memory_space<vmem_shared>> -> memref<400x128xf32, #tpu.memory_space<vmem_shared>>
        %dma_wait3A_65 = arith.constant 0 : i32
        %dma_wait3A_66 = arith.constant 0 : i32
        %dma_wait3A_67 = tpu.memref_slice %arg13[%dma_wait3A_65, %dma_wait3A_66] : memref<400x128xf32, #tpu.memory_space<vmem>> -> memref<400x128xf32, #tpu.memory_space<vmem>>
        %dma_wait3A_68 = arith.constant 0 : i32
        %dma_wait3A_69 = tpu.memref_slice %arg14[%add3A_40, %dma_wait3A_68] : memref<9472x128xf32, #tpu.memory_space<vmem_shared>> -> memref<400x128xf32, #tpu.memory_space<vmem_shared>>
        tpu.wait_dma2 semaphore(%run_scoped3A : memref<!tpu.dma_semaphore, #tpu.memory_space<semaphore_mem>>) src(%dma_wait3A_69 : memref<400x128xf32, #tpu.memory_space<vmem_shared>>) dst(%dma_wait3A_67 : memref<400x128xf32, #tpu.memory_space<vmem>>)
        tpu.yield
      }) : () -> ()
      %add3A_41 = arith.addi %mul3A_12, %mul3A_2 : i32
      %add3A_42 = arith.constant 0 : i32
      %add3A_43 = arith.addi %add3A_41, %add3A_42 : i32
      "tpu.region"() ({
        %run_scoped3A = tpu.sem_alloc : memref<!tpu.dma_semaphore, #tpu.memory_space<semaphore_mem>>
        %dma_start3A_50 = arith.constant 0 : i32
        %dma_start3A_51 = arith.constant 0 : i32
        %dma_start3A_52 = tpu.memref_slice %arg13[%dma_start3A_50, %dma_start3A_51] : memref<400x128xf32, #tpu.memory_space<vmem>> -> memref<400x128xf32, #tpu.memory_space<vmem>>
        %dma_start3A_53 = arith.constant 0 : i32
        %dma_start3A_54 = tpu.memref_slice %arg6[%add3A_43, %dma_start3A_53] : memref<113664x128xf32, #tpu.memory_space<hbm>> -> memref<400x128xf32, #tpu.memory_space<hbm>>
        %dma_start3A_55 = arith.constant 0 : i32
        %dma_start3A_56 = tpu.memref_slice %arg6[%add3A_43, %dma_start3A_55] : memref<113664x128xf32, #tpu.memory_space<hbm>> -> memref<400x128xf32, #tpu.memory_space<hbm>>
        %dma_start3A_57 = arith.constant 0 : i32
        %dma_start3A_58 = arith.constant 0 : i32
        %dma_start3A_59 = tpu.memref_slice %arg13[%dma_start3A_57, %dma_start3A_58] : memref<400x128xf32, #tpu.memory_space<vmem>> -> memref<400x128xf32, #tpu.memory_space<vmem>>
        tpu.enqueue_dma source(%dma_start3A_59 : memref<400x128xf32, #tpu.memory_space<vmem>>) target(%dma_start3A_56 : memref<400x128xf32, #tpu.memory_space<hbm>>) target_semaphore(%run_scoped3A : memref<!tpu.dma_semaphore, #tpu.memory_space<semaphore_mem>>)
        %dma_wait3A_60 = arith.constant 0 : i32
        %dma_wait3A_61 = arith.constant 0 : i32
        %dma_wait3A_62 = tpu.memref_slice %arg13[%dma_wait3A_60, %dma_wait3A_61] : memref<400x128xf32, #tpu.memory_space<vmem>> -> memref<400x128xf32, #tpu.memory_space<vmem>>
        %dma_wait3A_63 = arith.constant 0 : i32
        %dma_wait3A_64 = tpu.memref_slice %arg6[%add3A_43, %dma_wait3A_63] : memref<113664x128xf32, #tpu.memory_space<hbm>> -> memref<400x128xf32, #tpu.memory_space<hbm>>
        %dma_wait3A_65 = arith.constant 0 : i32
        %dma_wait3A_66 = tpu.memref_slice %arg6[%add3A_43, %dma_wait3A_65] : memref<113664x128xf32, #tpu.memory_space<hbm>> -> memref<400x128xf32, #tpu.memory_space<hbm>>
        %dma_wait3A_67 = arith.constant 0 : i32
        %dma_wait3A_68 = arith.constant 0 : i32
        %dma_wait3A_69 = tpu.memref_slice %arg13[%dma_wait3A_67, %dma_wait3A_68] : memref<400x128xf32, #tpu.memory_space<vmem>> -> memref<400x128xf32, #tpu.memory_space<vmem>>
        tpu.wait_dma2 semaphore(%run_scoped3A : memref<!tpu.dma_semaphore, #tpu.memory_space<semaphore_mem>>) src(%dma_wait3A_69 : memref<400x128xf32, #tpu.memory_space<vmem>>) dst(%dma_wait3A_66 : memref<400x128xf32, #tpu.memory_space<hbm>>)
        tpu.yield
      }) : () -> ()
      %add3A_44 = arith.constant 400 : i32
      %add3A_45 = arith.addi %mul3A_2, %add3A_44 : i32
      "tpu.region"() ({
        %run_scoped3A = tpu.sem_alloc : memref<!tpu.dma_semaphore, #tpu.memory_space<semaphore_mem>>
        %dma_start3A_50 = arith.constant 0 : i32
        %dma_start3A_51 = arith.constant 0 : i32
        %dma_start3A_52 = tpu.memref_slice %arg13[%dma_start3A_50, %dma_start3A_51] : memref<400x128xf32, #tpu.memory_space<vmem>> -> memref<192x128xf32, #tpu.memory_space<vmem>>
        %dma_start3A_53 = arith.constant 0 : i32
        %dma_start3A_54 = tpu.memref_slice %arg14[%add3A_45, %dma_start3A_53] : memref<9472x128xf32, #tpu.memory_space<vmem_shared>> -> memref<192x128xf32, #tpu.memory_space<vmem_shared>>
        %dma_start3A_55 = arith.constant 0 : i32
        %dma_start3A_56 = arith.constant 0 : i32
        %dma_start3A_57 = tpu.memref_slice %arg13[%dma_start3A_55, %dma_start3A_56] : memref<400x128xf32, #tpu.memory_space<vmem>> -> memref<192x128xf32, #tpu.memory_space<vmem>>
        %dma_start3A_58 = arith.constant 0 : i32
        %dma_start3A_59 = tpu.memref_slice %arg14[%add3A_45, %dma_start3A_58] : memref<9472x128xf32, #tpu.memory_space<vmem_shared>> -> memref<192x128xf32, #tpu.memory_space<vmem_shared>>
        tpu.enqueue_dma source(%dma_start3A_59 : memref<192x128xf32, #tpu.memory_space<vmem_shared>>) target(%dma_start3A_57 : memref<192x128xf32, #tpu.memory_space<vmem>>) target_semaphore(%run_scoped3A : memref<!tpu.dma_semaphore, #tpu.memory_space<semaphore_mem>>)
        %dma_wait3A_60 = arith.constant 0 : i32
        %dma_wait3A_61 = arith.constant 0 : i32
        %dma_wait3A_62 = tpu.memref_slice %arg13[%dma_wait3A_60, %dma_wait3A_61] : memref<400x128xf32, #tpu.memory_space<vmem>> -> memref<192x128xf32, #tpu.memory_space<vmem>>
        %dma_wait3A_63 = arith.constant 0 : i32
        %dma_wait3A_64 = tpu.memref_slice %arg14[%add3A_45, %dma_wait3A_63] : memref<9472x128xf32, #tpu.memory_space<vmem_shared>> -> memref<192x128xf32, #tpu.memory_space<vmem_shared>>
        %dma_wait3A_65 = arith.constant 0 : i32
        %dma_wait3A_66 = arith.constant 0 : i32
        %dma_wait3A_67 = tpu.memref_slice %arg13[%dma_wait3A_65, %dma_wait3A_66] : memref<400x128xf32, #tpu.memory_space<vmem>> -> memref<192x128xf32, #tpu.memory_space<vmem>>
        %dma_wait3A_68 = arith.constant 0 : i32
        %dma_wait3A_69 = tpu.memref_slice %arg14[%add3A_45, %dma_wait3A_68] : memref<9472x128xf32, #tpu.memory_space<vmem_shared>> -> memref<192x128xf32, #tpu.memory_space<vmem_shared>>
        tpu.wait_dma2 semaphore(%run_scoped3A : memref<!tpu.dma_semaphore, #tpu.memory_space<semaphore_mem>>) src(%dma_wait3A_69 : memref<192x128xf32, #tpu.memory_space<vmem_shared>>) dst(%dma_wait3A_67 : memref<192x128xf32, #tpu.memory_space<vmem>>)
        tpu.yield
      }) : () -> ()
      %add3A_46 = arith.addi %mul3A_12, %mul3A_2 : i32
      %add3A_47 = arith.constant 400 : i32
      %add3A_48 = arith.addi %add3A_46, %add3A_47 : i32
      "tpu.region"() ({
        %run_scoped3A = tpu.sem_alloc : memref<!tpu.dma_semaphore, #tpu.memory_space<semaphore_mem>>
        %dma_start3A_50 = arith.constant 0 : i32
        %dma_start3A_51 = arith.constant 0 : i32
        %dma_start3A_52 = tpu.memref_slice %arg13[%dma_start3A_50, %dma_start3A_51] : memref<400x128xf32, #tpu.memory_space<vmem>> -> memref<192x128xf32, #tpu.memory_space<vmem>>
        %dma_start3A_53 = arith.constant 0 : i32
        %dma_start3A_54 = tpu.memref_slice %arg6[%add3A_48, %dma_start3A_53] : memref<113664x128xf32, #tpu.memory_space<hbm>> -> memref<192x128xf32, #tpu.memory_space<hbm>>
        %dma_start3A_55 = arith.constant 0 : i32
        %dma_start3A_56 = tpu.memref_slice %arg6[%add3A_48, %dma_start3A_55] : memref<113664x128xf32, #tpu.memory_space<hbm>> -> memref<192x128xf32, #tpu.memory_space<hbm>>
        %dma_start3A_57 = arith.constant 0 : i32
        %dma_start3A_58 = arith.constant 0 : i32
        %dma_start3A_59 = tpu.memref_slice %arg13[%dma_start3A_57, %dma_start3A_58] : memref<400x128xf32, #tpu.memory_space<vmem>> -> memref<192x128xf32, #tpu.memory_space<vmem>>
        tpu.enqueue_dma source(%dma_start3A_59 : memref<192x128xf32, #tpu.memory_space<vmem>>) target(%dma_start3A_56 : memref<192x128xf32, #tpu.memory_space<hbm>>) target_semaphore(%run_scoped3A : memref<!tpu.dma_semaphore, #tpu.memory_space<semaphore_mem>>)
        %dma_wait3A_60 = arith.constant 0 : i32
        %dma_wait3A_61 = arith.constant 0 : i32
        %dma_wait3A_62 = tpu.memref_slice %arg13[%dma_wait3A_60, %dma_wait3A_61] : memref<400x128xf32, #tpu.memory_space<vmem>> -> memref<192x128xf32, #tpu.memory_space<vmem>>
        %dma_wait3A_63 = arith.constant 0 : i32
        %dma_wait3A_64 = tpu.memref_slice %arg6[%add3A_48, %dma_wait3A_63] : memref<113664x128xf32, #tpu.memory_space<hbm>> -> memref<192x128xf32, #tpu.memory_space<hbm>>
        %dma_wait3A_65 = arith.constant 0 : i32
        %dma_wait3A_66 = tpu.memref_slice %arg6[%add3A_48, %dma_wait3A_65] : memref<113664x128xf32, #tpu.memory_space<hbm>> -> memref<192x128xf32, #tpu.memory_space<hbm>>
        %dma_wait3A_67 = arith.constant 0 : i32
        %dma_wait3A_68 = arith.constant 0 : i32
        %dma_wait3A_69 = tpu.memref_slice %arg13[%dma_wait3A_67, %dma_wait3A_68] : memref<400x128xf32, #tpu.memory_space<vmem>> -> memref<192x128xf32, #tpu.memory_space<vmem>>
        tpu.wait_dma2 semaphore(%run_scoped3A : memref<!tpu.dma_semaphore, #tpu.memory_space<semaphore_mem>>) src(%dma_wait3A_69 : memref<192x128xf32, #tpu.memory_space<vmem>>) dst(%dma_wait3A_66 : memref<192x128xf32, #tpu.memory_space<hbm>>)
        tpu.yield
      }) : () -> ()
      %barrier3A_49 = arith.constant 0 : index
      tpu.barrier barrier_id(%barrier3A_49)
    }
    %scan3A_7 = arith.constant 6 : i32
    return
  }
}

#map = affine_map<(d0, d1) -> (0, 0)>
#map1 = affine_map<(d0, d1) -> (0)>
module attributes {stable_mosaic.version = 14 : i64} {
  func.func @k(%arg0: i32, %arg1: i32, %arg2: memref<100000x128xf32, #tpu.memory_space<hbm>>, %arg3: memref<3200000xi32, #tpu.memory_space<hbm>>, %arg4: memref<3200000xi32, #tpu.memory_space<hbm>>, %arg5: memref<400x128xf32, #tpu.memory_space<hbm>>, %arg6: memref<113664x128xf32, #tpu.memory_space<hbm>>, %arg7: memref<400xi32, #tpu.memory_space<vmem>>, %arg8: memref<400xi32, #tpu.memory_space<vmem>>, %arg9: memref<400xi32, #tpu.memory_space<vmem>>, %arg10: memref<400xi32, #tpu.memory_space<vmem>>, %arg11: memref<400xi32, #tpu.memory_space<vmem>>, %arg12: memref<400xi32, #tpu.memory_space<vmem>>, %arg13: memref<400x128xf32, #tpu.memory_space<vmem>>, %arg14: memref<9472x128xf32, #tpu.memory_space<vmem_shared>>, %arg15: memref<!tpu.dma_semaphore, #tpu.memory_space<semaphore_mem>>, %arg16: memref<!tpu.dma_semaphore, #tpu.memory_space<semaphore_mem>>) attributes {dimension_semantics = [#tpu.dimension_semantics<core_parallel>, #tpu.dimension_semantics<subcore_parallel>], iteration_bounds = array<i64: 2, 16>, scalar_prefetch = 0 : i64, scratch_operands = 10 : i64, tpu.core_type = #tpu.core_type<sc_vector_subcore>, window_params = [{transform_indices = #map}, {transform_indices = #map1}, {transform_indices = #map1}, {transform_indices = #map}, {transform_indices = #map}]} {
    %mul3A = arith.constant 200000 : i32
    %mul3A_0 = arith.muli %arg1, %mul3A : i32
    %mul3A_1 = arith.constant 592 : i32
    %mul3A_2 = arith.muli %arg1, %mul3A_1 : i32
    %scan3A = arith.constant 0 : i32
    %scan3A_3 = arith.constant 0 : i32
    %scan3A_4 = arith.constant 6 : i32
    %scan3A_5 = arith.addi %scan3A_3, %scan3A_4 : i32
    %scan3A_6 = arith.constant 1 : i32
    scf.for %scan3A_8 = %scan3A_3 to %scan3A_5 step %scan3A_6  : i32 {
      %mul3A_9 = arith.constant 2 : i32
      %mul3A_10 = arith.muli %scan3A_8, %mul3A_9 : i32
      %add3A = arith.addi %mul3A_10, %arg0 : i32
      %mul3A_11 = arith.constant 9472 : i32
      %mul3A_12 = arith.muli %add3A, %mul3A_11 : i32
      "tpu.region"() ({
        %run_scoped3A = tpu.sem_alloc : memref<!tpu.dma_semaphore, #tpu.memory_space<semaphore_mem>>
        %dma_start3A_50 = arith.constant 0 : i32
        %dma_start3A_51 = arith.constant 0 : i32
        %dma_start3A_52 = tpu.memref_slice %arg13[%dma_start3A_50, %dma_start3A_51] : memref<400x128xf32, #tpu.memory_space<vmem>> -> memref<400x128xf32, #tpu.memory_space<vmem>>
        %dma_start3A_53 = arith.constant 0 : i32
        %dma_start3A_54 = arith.constant 0 : i32
        %dma_start3A_55 = tpu.memref_slice %arg5[%dma_start3A_53, %dma_start3A_54] : memref<400x128xf32, #tpu.memory_space<hbm>> -> memref<400x128xf32, #tpu.memory_space<hbm>>
        %dma_start3A_56 = arith.constant 0 : i32
        %dma_start3A_57 = arith.constant 0 : i32
        %dma_start3A_58 = tpu.memref_slice %arg13[%dma_start3A_56, %dma_start3A_57] : memref<400x128xf32, #tpu.memory_space<vmem>> -> memref<400x128xf32, #tpu.memory_space<vmem>>
        %dma_start3A_59 = arith.constant 0 : i32
        %dma_start3A_60 = arith.constant 0 : i32
        %dma_start3A_61 = tpu.memref_slice %arg5[%dma_start3A_59, %dma_start3A_60] : memref<400x128xf32, #tpu.memory_space<hbm>> -> memref<400x128xf32, #tpu.memory_space<hbm>>
        tpu.enqueue_dma source(%dma_start3A_61 : memref<400x128xf32, #tpu.memory_space<hbm>>) target(%dma_start3A_58 : memref<400x128xf32, #tpu.memory_space<vmem>>) target_semaphore(%run_scoped3A : memref<!tpu.dma_semaphore, #tpu.memory_space<semaphore_mem>>)
        %dma_wait3A_62 = arith.constant 0 : i32
        %dma_wait3A_63 = arith.constant 0 : i32
        %dma_wait3A_64 = tpu.memref_slice %arg13[%dma_wait3A_62, %dma_wait3A_63] : memref<400x128xf32, #tpu.memory_space<vmem>> -> memref<400x128xf32, #tpu.memory_space<vmem>>
        %dma_wait3A_65 = arith.constant 0 : i32
        %dma_wait3A_66 = arith.constant 0 : i32
        %dma_wait3A_67 = tpu.memref_slice %arg5[%dma_wait3A_65, %dma_wait3A_66] : memref<400x128xf32, #tpu.memory_space<hbm>> -> memref<400x128xf32, #tpu.memory_space<hbm>>
        %dma_wait3A_68 = arith.constant 0 : i32
        %dma_wait3A_69 = arith.constant 0 : i32
        %dma_wait3A_70 = tpu.memref_slice %arg13[%dma_wait3A_68, %dma_wait3A_69] : memref<400x128xf32, #tpu.memory_space<vmem>> -> memref<400x128xf32, #tpu.memory_space<vmem>>
        %dma_wait3A_71 = arith.constant 0 : i32
        %dma_wait3A_72 = arith.constant 0 : i32
        %dma_wait3A_73 = tpu.memref_slice %arg5[%dma_wait3A_71, %dma_wait3A_72] : memref<400x128xf32, #tpu.memory_space<hbm>> -> memref<400x128xf32, #tpu.memory_space<hbm>>
        tpu.wait_dma2 semaphore(%run_scoped3A : memref<!tpu.dma_semaphore, #tpu.memory_space<semaphore_mem>>) src(%dma_wait3A_73 : memref<400x128xf32, #tpu.memory_space<hbm>>) dst(%dma_wait3A_70 : memref<400x128xf32, #tpu.memory_space<vmem>>)
        tpu.yield
      }) : () -> ()
      %add3A_13 = arith.constant 0 : i32
      %add3A_14 = arith.addi %mul3A_2, %add3A_13 : i32
      "tpu.region"() ({
        %run_scoped3A = tpu.sem_alloc : memref<!tpu.dma_semaphore, #tpu.memory_space<semaphore_mem>>
        %dma_start3A_50 = arith.constant 0 : i32
        %dma_start3A_51 = arith.constant 0 : i32
        %dma_start3A_52 = tpu.memref_slice %arg13[%dma_start3A_50, %dma_start3A_51] : memref<400x128xf32, #tpu.memory_space<vmem>> -> memref<400x128xf32, #tpu.memory_space<vmem>>
        %dma_start3A_53 = arith.constant 0 : i32
        %dma_start3A_54 = tpu.memref_slice %arg14[%add3A_14, %dma_start3A_53] : memref<9472x128xf32, #tpu.memory_space<vmem_shared>> -> memref<400x128xf32, #tpu.memory_space<vmem_shared>>
        %dma_start3A_55 = arith.constant 0 : i32
        %dma_start3A_56 = tpu.memref_slice %arg14[%add3A_14, %dma_start3A_55] : memref<9472x128xf32, #tpu.memory_space<vmem_shared>> -> memref<400x128xf32, #tpu.memory_space<vmem_shared>>
        %dma_start3A_57 = arith.constant 0 : i32
        %dma_start3A_58 = arith.constant 0 : i32
        %dma_start3A_59 = tpu.memref_slice %arg13[%dma_start3A_57, %dma_start3A_58] : memref<400x128xf32, #tpu.memory_space<vmem>> -> memref<400x128xf32, #tpu.memory_space<vmem>>
        tpu.enqueue_dma source(%dma_start3A_59 : memref<400x128xf32, #tpu.memory_space<vmem>>) target(%dma_start3A_56 : memref<400x128xf32, #tpu.memory_space<vmem_shared>>) target_semaphore(%run_scoped3A : memref<!tpu.dma_semaphore, #tpu.memory_space<semaphore_mem>>)
        %dma_wait3A_60 = arith.constant 0 : i32
        %dma_wait3A_61 = arith.constant 0 : i32
        %dma_wait3A_62 = tpu.memref_slice %arg13[%dma_wait3A_60, %dma_wait3A_61] : memref<400x128xf32, #tpu.memory_space<vmem>> -> memref<400x128xf32, #tpu.memory_space<vmem>>
        %dma_wait3A_63 = arith.constant 0 : i32
        %dma_wait3A_64 = tpu.memref_slice %arg14[%add3A_14, %dma_wait3A_63] : memref<9472x128xf32, #tpu.memory_space<vmem_shared>> -> memref<400x128xf32, #tpu.memory_space<vmem_shared>>
        %dma_wait3A_65 = arith.constant 0 : i32
        %dma_wait3A_66 = tpu.memref_slice %arg14[%add3A_14, %dma_wait3A_65] : memref<9472x128xf32, #tpu.memory_space<vmem_shared>> -> memref<400x128xf32, #tpu.memory_space<vmem_shared>>
        %dma_wait3A_67 = arith.constant 0 : i32
        %dma_wait3A_68 = arith.constant 0 : i32
        %dma_wait3A_69 = tpu.memref_slice %arg13[%dma_wait3A_67, %dma_wait3A_68] : memref<400x128xf32, #tpu.memory_space<vmem>> -> memref<400x128xf32, #tpu.memory_space<vmem>>
        tpu.wait_dma2 semaphore(%run_scoped3A : memref<!tpu.dma_semaphore, #tpu.memory_space<semaphore_mem>>) src(%dma_wait3A_69 : memref<400x128xf32, #tpu.memory_space<vmem>>) dst(%dma_wait3A_66 : memref<400x128xf32, #tpu.memory_space<vmem_shared>>)
        tpu.yield
      }) : () -> ()
      "tpu.region"() ({
        %run_scoped3A = tpu.sem_alloc : memref<!tpu.dma_semaphore, #tpu.memory_space<semaphore_mem>>
        %dma_start3A_50 = arith.constant 0 : i32
        %dma_start3A_51 = arith.constant 0 : i32
        %dma_start3A_52 = tpu.memref_slice %arg13[%dma_start3A_50, %dma_start3A_51] : memref<400x128xf32, #tpu.memory_space<vmem>> -> memref<192x128xf32, #tpu.memory_space<vmem>>
        %dma_start3A_53 = arith.constant 0 : i32
        %dma_start3A_54 = arith.constant 0 : i32
        %dma_start3A_55 = tpu.memref_slice %arg5[%dma_start3A_53, %dma_start3A_54] : memref<400x128xf32, #tpu.memory_space<hbm>> -> memref<192x128xf32, #tpu.memory_space<hbm>>
        %dma_start3A_56 = arith.constant 0 : i32
        %dma_start3A_57 = arith.constant 0 : i32
        %dma_start3A_58 = tpu.memref_slice %arg13[%dma_start3A_56, %dma_start3A_57] : memref<400x128xf32, #tpu.memory_space<vmem>> -> memref<192x128xf32, #tpu.memory_space<vmem>>
        %dma_start3A_59 = arith.constant 0 : i32
        %dma_start3A_60 = arith.constant 0 : i32
        %dma_start3A_61 = tpu.memref_slice %arg5[%dma_start3A_59, %dma_start3A_60] : memref<400x128xf32, #tpu.memory_space<hbm>> -> memref<192x128xf32, #tpu.memory_space<hbm>>
        tpu.enqueue_dma source(%dma_start3A_61 : memref<192x128xf32, #tpu.memory_space<hbm>>) target(%dma_start3A_58 : memref<192x128xf32, #tpu.memory_space<vmem>>) target_semaphore(%run_scoped3A : memref<!tpu.dma_semaphore, #tpu.memory_space<semaphore_mem>>)
        %dma_wait3A_62 = arith.constant 0 : i32
        %dma_wait3A_63 = arith.constant 0 : i32
        %dma_wait3A_64 = tpu.memref_slice %arg13[%dma_wait3A_62, %dma_wait3A_63] : memref<400x128xf32, #tpu.memory_space<vmem>> -> memref<192x128xf32, #tpu.memory_space<vmem>>
        %dma_wait3A_65 = arith.constant 0 : i32
        %dma_wait3A_66 = arith.constant 0 : i32
        %dma_wait3A_67 = tpu.memref_slice %arg5[%dma_wait3A_65, %dma_wait3A_66] : memref<400x128xf32, #tpu.memory_space<hbm>> -> memref<192x128xf32, #tpu.memory_space<hbm>>
        %dma_wait3A_68 = arith.constant 0 : i32
        %dma_wait3A_69 = arith.constant 0 : i32
        %dma_wait3A_70 = tpu.memref_slice %arg13[%dma_wait3A_68, %dma_wait3A_69] : memref<400x128xf32, #tpu.memory_space<vmem>> -> memref<192x128xf32, #tpu.memory_space<vmem>>
        %dma_wait3A_71 = arith.constant 0 : i32
        %dma_wait3A_72 = arith.constant 0 : i32
        %dma_wait3A_73 = tpu.memref_slice %arg5[%dma_wait3A_71, %dma_wait3A_72] : memref<400x128xf32, #tpu.memory_space<hbm>> -> memref<192x128xf32, #tpu.memory_space<hbm>>
        tpu.wait_dma2 semaphore(%run_scoped3A : memref<!tpu.dma_semaphore, #tpu.memory_space<semaphore_mem>>) src(%dma_wait3A_73 : memref<192x128xf32, #tpu.memory_space<hbm>>) dst(%dma_wait3A_70 : memref<192x128xf32, #tpu.memory_space<vmem>>)
        tpu.yield
      }) : () -> ()
      %add3A_15 = arith.constant 400 : i32
      %add3A_16 = arith.addi %mul3A_2, %add3A_15 : i32
      "tpu.region"() ({
        %run_scoped3A = tpu.sem_alloc : memref<!tpu.dma_semaphore, #tpu.memory_space<semaphore_mem>>
        %dma_start3A_50 = arith.constant 0 : i32
        %dma_start3A_51 = arith.constant 0 : i32
        %dma_start3A_52 = tpu.memref_slice %arg13[%dma_start3A_50, %dma_start3A_51] : memref<400x128xf32, #tpu.memory_space<vmem>> -> memref<192x128xf32, #tpu.memory_space<vmem>>
        %dma_start3A_53 = arith.constant 0 : i32
        %dma_start3A_54 = tpu.memref_slice %arg14[%add3A_16, %dma_start3A_53] : memref<9472x128xf32, #tpu.memory_space<vmem_shared>> -> memref<192x128xf32, #tpu.memory_space<vmem_shared>>
        %dma_start3A_55 = arith.constant 0 : i32
        %dma_start3A_56 = tpu.memref_slice %arg14[%add3A_16, %dma_start3A_55] : memref<9472x128xf32, #tpu.memory_space<vmem_shared>> -> memref<192x128xf32, #tpu.memory_space<vmem_shared>>
        %dma_start3A_57 = arith.constant 0 : i32
        %dma_start3A_58 = arith.constant 0 : i32
        %dma_start3A_59 = tpu.memref_slice %arg13[%dma_start3A_57, %dma_start3A_58] : memref<400x128xf32, #tpu.memory_space<vmem>> -> memref<192x128xf32, #tpu.memory_space<vmem>>
        tpu.enqueue_dma source(%dma_start3A_59 : memref<192x128xf32, #tpu.memory_space<vmem>>) target(%dma_start3A_56 : memref<192x128xf32, #tpu.memory_space<vmem_shared>>) target_semaphore(%run_scoped3A : memref<!tpu.dma_semaphore, #tpu.memory_space<semaphore_mem>>)
        %dma_wait3A_60 = arith.constant 0 : i32
        %dma_wait3A_61 = arith.constant 0 : i32
        %dma_wait3A_62 = tpu.memref_slice %arg13[%dma_wait3A_60, %dma_wait3A_61] : memref<400x128xf32, #tpu.memory_space<vmem>> -> memref<192x128xf32, #tpu.memory_space<vmem>>
        %dma_wait3A_63 = arith.constant 0 : i32
        %dma_wait3A_64 = tpu.memref_slice %arg14[%add3A_16, %dma_wait3A_63] : memref<9472x128xf32, #tpu.memory_space<vmem_shared>> -> memref<192x128xf32, #tpu.memory_space<vmem_shared>>
        %dma_wait3A_65 = arith.constant 0 : i32
        %dma_wait3A_66 = tpu.memref_slice %arg14[%add3A_16, %dma_wait3A_65] : memref<9472x128xf32, #tpu.memory_space<vmem_shared>> -> memref<192x128xf32, #tpu.memory_space<vmem_shared>>
        %dma_wait3A_67 = arith.constant 0 : i32
        %dma_wait3A_68 = arith.constant 0 : i32
        %dma_wait3A_69 = tpu.memref_slice %arg13[%dma_wait3A_67, %dma_wait3A_68] : memref<400x128xf32, #tpu.memory_space<vmem>> -> memref<192x128xf32, #tpu.memory_space<vmem>>
        tpu.wait_dma2 semaphore(%run_scoped3A : memref<!tpu.dma_semaphore, #tpu.memory_space<semaphore_mem>>) src(%dma_wait3A_69 : memref<192x128xf32, #tpu.memory_space<vmem>>) dst(%dma_wait3A_66 : memref<192x128xf32, #tpu.memory_space<vmem_shared>>)
        tpu.yield
      }) : () -> ()
      %barrier3A = arith.constant 0 : index
      tpu.barrier barrier_id(%barrier3A)
      %min3A = arith.constant 0 : i32
      %min3A_17 = arith.constant 199600 : i32
      %min3A_18 = arith.minsi %min3A, %min3A_17 : i32
      %add3A_19 = arith.addi %mul3A_0, %min3A_18 : i32
      %dma_start3A = tpu.memref_slice %arg3[%add3A_19] : memref<3200000xi32, #tpu.memory_space<hbm>> -> memref<400xi32, #tpu.memory_space<hbm>>
      %dma_start3A_20 = tpu.memref_slice %arg3[%add3A_19] : memref<3200000xi32, #tpu.memory_space<hbm>> -> memref<400xi32, #tpu.memory_space<hbm>>
      tpu.enqueue_dma source(%dma_start3A_20 : memref<400xi32, #tpu.memory_space<hbm>>) target(%arg7 : memref<400xi32, #tpu.memory_space<vmem>>) target_semaphore(%arg16 : memref<!tpu.dma_semaphore, #tpu.memory_space<semaphore_mem>>)
      %dma_start3A_21 = tpu.memref_slice %arg4[%add3A_19] : memref<3200000xi32, #tpu.memory_space<hbm>> -> memref<400xi32, #tpu.memory_space<hbm>>
      %dma_start3A_22 = tpu.memref_slice %arg4[%add3A_19] : memref<3200000xi32, #tpu.memory_space<hbm>> -> memref<400xi32, #tpu.memory_space<hbm>>
      tpu.enqueue_dma source(%dma_start3A_22 : memref<400xi32, #tpu.memory_space<hbm>>) target(%arg8 : memref<400xi32, #tpu.memory_space<vmem>>) target_semaphore(%arg16 : memref<!tpu.dma_semaphore, #tpu.memory_space<semaphore_mem>>)
      %dma_wait3A = tpu.memref_slice %arg3[%add3A_19] : memref<3200000xi32, #tpu.memory_space<hbm>> -> memref<400xi32, #tpu.memory_space<hbm>>
      %dma_wait3A_23 = tpu.memref_slice %arg3[%add3A_19] : memref<3200000xi32, #tpu.memory_space<hbm>> -> memref<400xi32, #tpu.memory_space<hbm>>
      tpu.wait_dma2 semaphore(%arg16 : memref<!tpu.dma_semaphore, #tpu.memory_space<semaphore_mem>>) src(%dma_wait3A_23 : memref<400xi32, #tpu.memory_space<hbm>>) dst(%arg7 : memref<400xi32, #tpu.memory_space<vmem>>)
      %dma_wait3A_24 = tpu.memref_slice %arg4[%add3A_19] : memref<3200000xi32, #tpu.memory_space<hbm>> -> memref<400xi32, #tpu.memory_space<hbm>>
      %dma_wait3A_25 = tpu.memref_slice %arg4[%add3A_19] : memref<3200000xi32, #tpu.memory_space<hbm>> -> memref<400xi32, #tpu.memory_space<hbm>>
      tpu.wait_dma2 semaphore(%arg16 : memref<!tpu.dma_semaphore, #tpu.memory_space<semaphore_mem>>) src(%dma_wait3A_25 : memref<400xi32, #tpu.memory_space<hbm>>) dst(%arg8 : memref<400xi32, #tpu.memory_space<vmem>>)
      %scan3A_26 = arith.constant 0 : i32
      %scan3A_27 = arith.constant 0 : i32
      %scan3A_28 = arith.constant 25 : i32
      %scan3A_29 = arith.addi %scan3A_27, %scan3A_28 : i32
      %scan3A_30 = arith.constant 1 : i32
      scf.for %scan3A_50 = %scan3A_27 to %scan3A_29 step %scan3A_30  : i32 {
        %mul3A_51 = arith.constant 16 : i32
        %mul3A_52 = arith.muli %scan3A_50, %mul3A_51 : i32
        %get3A = arith.index_cast %mul3A_52 : i32 to index
        %get3A_53 = tpu.vector_load %arg8[%get3A] {strides = array<i32>} : memref<400xi32, #tpu.memory_space<vmem>>, vector<16xi32>,
        %get3A_54 = vector.shape_cast %get3A_53 : vector<16xi32> to vector<16xi32>
        %get3A_55 = arith.index_cast %mul3A_52 : i32 to index
        %get3A_56 = tpu.vector_load %arg7[%get3A_55] {strides = array<i32>} : memref<400xi32, #tpu.memory_space<vmem>>, vector<16xi32>,
        %get3A_57 = vector.shape_cast %get3A_56 : vector<16xi32> to vector<16xi32>
        %ge3A = vector.broadcast %mul3A_12 : i32 to vector<16xi32>
        %ge3A_58 = arith.cmpi sge, %get3A_54, %ge3A : vector<16xi32>
        %add3A_59 = arith.constant 9472 : i32
        %add3A_60 = arith.addi %mul3A_12, %add3A_59 : i32
        %lt3A = vector.broadcast %add3A_60 : i32 to vector<16xi32>
        %lt3A_61 = arith.cmpi slt, %get3A_54, %lt3A : vector<16xi32>
        %and3A = arith.andi %ge3A_58, %lt3A_61 : vector<16xi1>
        %jit3A = arith.constant -1 : i32
        %broadcast_in_dim3A = vector.broadcast %jit3A : i32 to vector<16xi32>
        %select_n3A = arith.select %and3A, %get3A_57, %broadcast_in_dim3A : vector<16xi1>, vector<16xi32>
        %swap3A = arith.index_cast %mul3A_52 : i32 to index
        %swap3A_62 = tpu.vector_load %arg9[%swap3A] {strides = array<i32>} : memref<400xi32, #tpu.memory_space<vmem>>, vector<16xi32>,
        %swap3A_63 = vector.shape_cast %swap3A_62 : vector<16xi32> to vector<16xi32>
        %swap3A_64 = vector.shape_cast %select_n3A : vector<16xi32> to vector<16xi32>
        tpu.vector_store %arg9[%swap3A], %swap3A_64 {strides = array<i32>} : memref<400xi32, #tpu.memory_space<vmem>>, vector<16xi32>,
        %sub3A = vector.broadcast %mul3A_12 : i32 to vector<16xi32>
        %sub3A_65 = arith.subi %get3A_54, %sub3A : vector<16xi32>
        %jit3A_66 = arith.constant -1 : i32
        %broadcast_in_dim3A_67 = vector.broadcast %jit3A_66 : i32 to vector<16xi32>
        %select_n3A_68 = arith.select %and3A, %sub3A_65, %broadcast_in_dim3A_67 : vector<16xi1>, vector<16xi32>
        %swap3A_69 = arith.index_cast %mul3A_52 : i32 to index
        %swap3A_70 = tpu.vector_load %arg10[%swap3A_69] {strides = array<i32>} : memref<400xi32, #tpu.memory_space<vmem>>, vector<16xi32>,
        %swap3A_71 = vector.shape_cast %swap3A_70 : vector<16xi32> to vector<16xi32>
        %swap3A_72 = vector.shape_cast %select_n3A_68 : vector<16xi32> to vector<16xi32>
        tpu.vector_store %arg10[%swap3A_69], %swap3A_72 {strides = array<i32>} : memref<400xi32, #tpu.memory_space<vmem>>, vector<16xi32>,
      }
      %scan3A_31 = arith.constant 25 : i32
      %scan3A_32 = arith.constant 0 : i32
      %scan3A_33 = arith.constant 0 : i32
      %scan3A_34 = arith.constant 250 : i32
      %scan3A_35 = arith.addi %scan3A_33, %scan3A_34 : i32
      %scan3A_36 = arith.constant 1 : i32
      scf.for %scan3A_50 = %scan3A_33 to %scan3A_35 step %scan3A_36  : i32 {
        %mul3A_51 = arith.constant 2 : i32
        %mul3A_52 = arith.muli %mul3A_51, %scan3A_50 : i32
        %add3A_53 = arith.constant 1 : i32
        %add3A_54 = arith.addi %mul3A_52, %add3A_53 : i32
        %dma_start3A_55 = arith.constant 0 : i32
        %dma_start3A_56 = arith.constant 0 : i32
        %dma_start3A_57 = tpu.memref_slice %arg2[%dma_start3A_55, %dma_start3A_56] : memref<100000x128xf32, #tpu.memory_space<hbm>> -> memref<100000x128xf32, #tpu.memory_space<hbm>>
        %dma_start3A_58 = arith.constant -1 : i32
        tpu.enqueue_indirect_dma source(%dma_start3A_57 : memref<100000x128xf32, #tpu.memory_space<hbm>>) target(%arg13 : memref<400x128xf32, #tpu.memory_space<vmem>>) offsets(%arg9 : memref<400xi32, #tpu.memory_space<vmem>>) offset_filter(%dma_start3A_58) semaphore(%arg15 : memref<!tpu.dma_semaphore, #tpu.memory_space<semaphore_mem>>)
        %mul3A_59 = arith.constant 400 : i32
        %mul3A_60 = arith.muli %add3A_54, %mul3A_59 : i32
        %min3A_61 = arith.constant 199600 : i32
        %min3A_62 = arith.minsi %mul3A_60, %min3A_61 : i32
        %add3A_63 = arith.addi %mul3A_0, %min3A_62 : i32
        %dma_start3A_64 = tpu.memref_slice %arg3[%add3A_63] : memref<3200000xi32, #tpu.memory_space<hbm>> -> memref<400xi32, #tpu.memory_space<hbm>>
        %dma_start3A_65 = tpu.memref_slice %arg3[%add3A_63] : memref<3200000xi32, #tpu.memory_space<hbm>> -> memref<400xi32, #tpu.memory_space<hbm>>
        tpu.enqueue_dma source(%dma_start3A_65 : memref<400xi32, #tpu.memory_space<hbm>>) target(%arg7 : memref<400xi32, #tpu.memory_space<vmem>>) target_semaphore(%arg16 : memref<!tpu.dma_semaphore, #tpu.memory_space<semaphore_mem>>)
        %dma_start3A_66 = tpu.memref_slice %arg4[%add3A_63] : memref<3200000xi32, #tpu.memory_space<hbm>> -> memref<400xi32, #tpu.memory_space<hbm>>
        %dma_start3A_67 = tpu.memref_slice %arg4[%add3A_63] : memref<3200000xi32, #tpu.memory_space<hbm>> -> memref<400xi32, #tpu.memory_space<hbm>>
        tpu.enqueue_dma source(%dma_start3A_67 : memref<400xi32, #tpu.memory_space<hbm>>) target(%arg8 : memref<400xi32, #tpu.memory_space<vmem>>) target_semaphore(%arg16 : memref<!tpu.dma_semaphore, #tpu.memory_space<semaphore_mem>>)
        %dma_wait3A_68 = tpu.memref_slice %arg3[%add3A_63] : memref<3200000xi32, #tpu.memory_space<hbm>> -> memref<400xi32, #tpu.memory_space<hbm>>
        %dma_wait3A_69 = tpu.memref_slice %arg3[%add3A_63] : memref<3200000xi32, #tpu.memory_space<hbm>> -> memref<400xi32, #tpu.memory_space<hbm>>
        tpu.wait_dma2 semaphore(%arg16 : memref<!tpu.dma_semaphore, #tpu.memory_space<semaphore_mem>>) src(%dma_wait3A_69 : memref<400xi32, #tpu.memory_space<hbm>>) dst(%arg7 : memref<400xi32, #tpu.memory_space<vmem>>)
        %dma_wait3A_70 = tpu.memref_slice %arg4[%add3A_63] : memref<3200000xi32, #tpu.memory_space<hbm>> -> memref<400xi32, #tpu.memory_space<hbm>>
        %dma_wait3A_71 = tpu.memref_slice %arg4[%add3A_63] : memref<3200000xi32, #tpu.memory_space<hbm>> -> memref<400xi32, #tpu.memory_space<hbm>>
        tpu.wait_dma2 semaphore(%arg16 : memref<!tpu.dma_semaphore, #tpu.memory_space<semaphore_mem>>) src(%dma_wait3A_71 : memref<400xi32, #tpu.memory_space<hbm>>) dst(%arg8 : memref<400xi32, #tpu.memory_space<vmem>>)
        %scan3A_72 = arith.constant 0 : i32
        %scan3A_73 = arith.constant 0 : i32
        %scan3A_74 = arith.constant 25 : i32
        %scan3A_75 = arith.addi %scan3A_73, %scan3A_74 : i32
        %scan3A_76 = arith.constant 1 : i32
        scf.for %scan3A_109 = %scan3A_73 to %scan3A_75 step %scan3A_76  : i32 {
          %mul3A_110 = arith.constant 16 : i32
          %mul3A_111 = arith.muli %scan3A_109, %mul3A_110 : i32
          %get3A = arith.index_cast %mul3A_111 : i32 to index
          %get3A_112 = tpu.vector_load %arg8[%get3A] {strides = array<i32>} : memref<400xi32, #tpu.memory_space<vmem>>, vector<16xi32>,
          %get3A_113 = vector.shape_cast %get3A_112 : vector<16xi32> to vector<16xi32>
          %get3A_114 = arith.index_cast %mul3A_111 : i32 to index
          %get3A_115 = tpu.vector_load %arg7[%get3A_114] {strides = array<i32>} : memref<400xi32, #tpu.memory_space<vmem>>, vector<16xi32>,
          %get3A_116 = vector.shape_cast %get3A_115 : vector<16xi32> to vector<16xi32>
          %ge3A = vector.broadcast %mul3A_12 : i32 to vector<16xi32>
          %ge3A_117 = arith.cmpi sge, %get3A_113, %ge3A : vector<16xi32>
          %add3A_118 = arith.constant 9472 : i32
          %add3A_119 = arith.addi %mul3A_12, %add3A_118 : i32
          %lt3A = vector.broadcast %add3A_119 : i32 to vector<16xi32>
          %lt3A_120 = arith.cmpi slt, %get3A_113, %lt3A : vector<16xi32>
          %and3A = arith.andi %ge3A_117, %lt3A_120 : vector<16xi1>
          %jit3A = arith.constant -1 : i32
          %broadcast_in_dim3A = vector.broadcast %jit3A : i32 to vector<16xi32>
          %select_n3A = arith.select %and3A, %get3A_116, %broadcast_in_dim3A : vector<16xi1>, vector<16xi32>
          %swap3A = arith.index_cast %mul3A_111 : i32 to index
          %swap3A_121 = tpu.vector_load %arg11[%swap3A] {strides = array<i32>} : memref<400xi32, #tpu.memory_space<vmem>>, vector<16xi32>,
          %swap3A_122 = vector.shape_cast %swap3A_121 : vector<16xi32> to vector<16xi32>
          %swap3A_123 = vector.shape_cast %select_n3A : vector<16xi32> to vector<16xi32>
          tpu.vector_store %arg11[%swap3A], %swap3A_123 {strides = array<i32>} : memref<400xi32, #tpu.memory_space<vmem>>, vector<16xi32>,
          %sub3A = vector.broadcast %mul3A_12 : i32 to vector<16xi32>
          %sub3A_124 = arith.subi %get3A_113, %sub3A : vector<16xi32>
          %jit3A_125 = arith.constant -1 : i32
          %broadcast_in_dim3A_126 = vector.broadcast %jit3A_125 : i32 to vector<16xi32>
          %select_n3A_127 = arith.select %and3A, %sub3A_124, %broadcast_in_dim3A_126 : vector<16xi1>, vector<16xi32>
          %swap3A_128 = arith.index_cast %mul3A_111 : i32 to index
          %swap3A_129 = tpu.vector_load %arg12[%swap3A_128] {strides = array<i32>} : memref<400xi32, #tpu.memory_space<vmem>>, vector<16xi32>,
          %swap3A_130 = vector.shape_cast %swap3A_129 : vector<16xi32> to vector<16xi32>
          %swap3A_131 = vector.shape_cast %select_n3A_127 : vector<16xi32> to vector<16xi32>
          tpu.vector_store %arg12[%swap3A_128], %swap3A_131 {strides = array<i32>} : memref<400xi32, #tpu.memory_space<vmem>>, vector<16xi32>,
        }
        %scan3A_77 = arith.constant 25 : i32
        %dma_wait3A_78 = arith.constant 0 : i32
        %dma_wait3A_79 = arith.constant 0 : i32
        %dma_wait3A_80 = tpu.memref_slice %arg2[%dma_wait3A_78, %dma_wait3A_79] : memref<100000x128xf32, #tpu.memory_space<hbm>> -> memref<100000x128xf32, #tpu.memory_space<hbm>>
        tpu.wait_indirect_dma semaphore(%arg15 : memref<!tpu.dma_semaphore, #tpu.memory_space<semaphore_mem>>) src(%dma_wait3A_80 : memref<100000x128xf32, #tpu.memory_space<hbm>>) dst(%arg13 : memref<400x128xf32, #tpu.memory_space<vmem>>)
        "tpu.region"() ({
          %run_scoped3A = tpu.sem_alloc : memref<!tpu.dma_semaphore, #tpu.memory_space<semaphore_mem>>
          %dma_start3A_109 = arith.constant 0 : i32
          %dma_start3A_110 = arith.constant 0 : i32
          %dma_start3A_111 = tpu.memref_slice %arg14[%dma_start3A_109, %dma_start3A_110] : memref<9472x128xf32, #tpu.memory_space<vmem_shared>> -> memref<9472x128xf32, #tpu.memory_space<vmem_shared>>
          %dma_start3A_112 = arith.constant -1 : i32
          tpu.enqueue_indirect_dma source(%arg13 : memref<400x128xf32, #tpu.memory_space<vmem>>) target(%dma_start3A_111 : memref<9472x128xf32, #tpu.memory_space<vmem_shared>>) offsets(%arg10 : memref<400xi32, #tpu.memory_space<vmem>>) offset_filter(%dma_start3A_112) semaphore(%run_scoped3A : memref<!tpu.dma_semaphore, #tpu.memory_space<semaphore_mem>>) {add = true}
          %dma_wait3A_113 = arith.constant 0 : i32
          %dma_wait3A_114 = arith.constant 0 : i32
          %dma_wait3A_115 = tpu.memref_slice %arg14[%dma_wait3A_113, %dma_wait3A_114] : memref<9472x128xf32, #tpu.memory_space<vmem_shared>> -> memref<9472x128xf32, #tpu.memory_space<vmem_shared>>
          tpu.wait_indirect_dma semaphore(%run_scoped3A : memref<!tpu.dma_semaphore, #tpu.memory_space<semaphore_mem>>) src(%arg13 : memref<400x128xf32, #tpu.memory_space<vmem>>) dst(%dma_wait3A_115 : memref<9472x128xf32, #tpu.memory_space<vmem_shared>>)
          tpu.yield
        }) : () -> ()
        %add3A_81 = arith.constant 2 : i32
        %add3A_82 = arith.addi %mul3A_52, %add3A_81 : i32
        %dma_start3A_83 = arith.constant 0 : i32
        %dma_start3A_84 = arith.constant 0 : i32
        %dma_start3A_85 = tpu.memref_slice %arg2[%dma_start3A_83, %dma_start3A_84] : memref<100000x128xf32, #tpu.memory_space<hbm>> -> memref<100000x128xf32, #tpu.memory_space<hbm>>
        %dma_start3A_86 = arith.constant -1 : i32
        tpu.enqueue_indirect_dma source(%dma_start3A_85 : memref<100000x128xf32, #tpu.memory_space<hbm>>) target(%arg13 : memref<400x128xf32, #tpu.memory_space<vmem>>) offsets(%arg11 : memref<400xi32, #tpu.memory_space<vmem>>) offset_filter(%dma_start3A_86) semaphore(%arg15 : memref<!tpu.dma_semaphore, #tpu.memory_space<semaphore_mem>>)
        %mul3A_87 = arith.constant 400 : i32
        %mul3A_88 = arith.muli %add3A_82, %mul3A_87 : i32
        %min3A_89 = arith.constant 199600 : i32
        %min3A_90 = arith.minsi %mul3A_88, %min3A_89 : i32
        %add3A_91 = arith.addi %mul3A_0, %min3A_90 : i32
        %dma_start3A_92 = tpu.memref_slice %arg3[%add3A_91] : memref<3200000xi32, #tpu.memory_space<hbm>> -> memref<400xi32, #tpu.memory_space<hbm>>
        %dma_start3A_93 = tpu.memref_slice %arg3[%add3A_91] : memref<3200000xi32, #tpu.memory_space<hbm>> -> memref<400xi32, #tpu.memory_space<hbm>>
        tpu.enqueue_dma source(%dma_start3A_93 : memref<400xi32, #tpu.memory_space<hbm>>) target(%arg7 : memref<400xi32, #tpu.memory_space<vmem>>) target_semaphore(%arg16 : memref<!tpu.dma_semaphore, #tpu.memory_space<semaphore_mem>>)
        %dma_start3A_94 = tpu.memref_slice %arg4[%add3A_91] : memref<3200000xi32, #tpu.memory_space<hbm>> -> memref<400xi32, #tpu.memory_space<hbm>>
        %dma_start3A_95 = tpu.memref_slice %arg4[%add3A_91] : memref<3200000xi32, #tpu.memory_space<hbm>> -> memref<400xi32, #tpu.memory_space<hbm>>
        tpu.enqueue_dma source(%dma_start3A_95 : memref<400xi32, #tpu.memory_space<hbm>>) target(%arg8 : memref<400xi32, #tpu.memory_space<vmem>>) target_semaphore(%arg16 : memref<!tpu.dma_semaphore, #tpu.memory_space<semaphore_mem>>)
        %dma_wait3A_96 = tpu.memref_slice %arg3[%add3A_91] : memref<3200000xi32, #tpu.memory_space<hbm>> -> memref<400xi32, #tpu.memory_space<hbm>>
        %dma_wait3A_97 = tpu.memref_slice %arg3[%add3A_91] : memref<3200000xi32, #tpu.memory_space<hbm>> -> memref<400xi32, #tpu.memory_space<hbm>>
        tpu.wait_dma2 semaphore(%arg16 : memref<!tpu.dma_semaphore, #tpu.memory_space<semaphore_mem>>) src(%dma_wait3A_97 : memref<400xi32, #tpu.memory_space<hbm>>) dst(%arg7 : memref<400xi32, #tpu.memory_space<vmem>>)
        %dma_wait3A_98 = tpu.memref_slice %arg4[%add3A_91] : memref<3200000xi32, #tpu.memory_space<hbm>> -> memref<400xi32, #tpu.memory_space<hbm>>
        %dma_wait3A_99 = tpu.memref_slice %arg4[%add3A_91] : memref<3200000xi32, #tpu.memory_space<hbm>> -> memref<400xi32, #tpu.memory_space<hbm>>
        tpu.wait_dma2 semaphore(%arg16 : memref<!tpu.dma_semaphore, #tpu.memory_space<semaphore_mem>>) src(%dma_wait3A_99 : memref<400xi32, #tpu.memory_space<hbm>>) dst(%arg8 : memref<400xi32, #tpu.memory_space<vmem>>)
        %scan3A_100 = arith.constant 0 : i32
        %scan3A_101 = arith.constant 0 : i32
        %scan3A_102 = arith.constant 25 : i32
        %scan3A_103 = arith.addi %scan3A_101, %scan3A_102 : i32
        %scan3A_104 = arith.constant 1 : i32
        scf.for %scan3A_109 = %scan3A_101 to %scan3A_103 step %scan3A_104  : i32 {
          %mul3A_110 = arith.constant 16 : i32
          %mul3A_111 = arith.muli %scan3A_109, %mul3A_110 : i32
          %get3A = arith.index_cast %mul3A_111 : i32 to index
          %get3A_112 = tpu.vector_load %arg8[%get3A] {strides = array<i32>} : memref<400xi32, #tpu.memory_space<vmem>>, vector<16xi32>,
          %get3A_113 = vector.shape_cast %get3A_112 : vector<16xi32> to vector<16xi32>
          %get3A_114 = arith.index_cast %mul3A_111 : i32 to index
          %get3A_115 = tpu.vector_load %arg7[%get3A_114] {strides = array<i32>} : memref<400xi32, #tpu.memory_space<vmem>>, vector<16xi32>,
          %get3A_116 = vector.shape_cast %get3A_115 : vector<16xi32> to vector<16xi32>
          %ge3A = vector.broadcast %mul3A_12 : i32 to vector<16xi32>
          %ge3A_117 = arith.cmpi sge, %get3A_113, %ge3A : vector<16xi32>
          %add3A_118 = arith.constant 9472 : i32
          %add3A_119 = arith.addi %mul3A_12, %add3A_118 : i32
          %lt3A = vector.broadcast %add3A_119 : i32 to vector<16xi32>
          %lt3A_120 = arith.cmpi slt, %get3A_113, %lt3A : vector<16xi32>
          %and3A = arith.andi %ge3A_117, %lt3A_120 : vector<16xi1>
          %jit3A = arith.constant -1 : i32
          %broadcast_in_dim3A = vector.broadcast %jit3A : i32 to vector<16xi32>
          %select_n3A = arith.select %and3A, %get3A_116, %broadcast_in_dim3A : vector<16xi1>, vector<16xi32>
          %swap3A = arith.index_cast %mul3A_111 : i32 to index
          %swap3A_121 = tpu.vector_load %arg9[%swap3A] {strides = array<i32>} : memref<400xi32, #tpu.memory_space<vmem>>, vector<16xi32>,
          %swap3A_122 = vector.shape_cast %swap3A_121 : vector<16xi32> to vector<16xi32>
          %swap3A_123 = vector.shape_cast %select_n3A : vector<16xi32> to vector<16xi32>
          tpu.vector_store %arg9[%swap3A], %swap3A_123 {strides = array<i32>} : memref<400xi32, #tpu.memory_space<vmem>>, vector<16xi32>,
          %sub3A = vector.broadcast %mul3A_12 : i32 to vector<16xi32>
          %sub3A_124 = arith.subi %get3A_113, %sub3A : vector<16xi32>
          %jit3A_125 = arith.constant -1 : i32
          %broadcast_in_dim3A_126 = vector.broadcast %jit3A_125 : i32 to vector<16xi32>
          %select_n3A_127 = arith.select %and3A, %sub3A_124, %broadcast_in_dim3A_126 : vector<16xi1>, vector<16xi32>
          %swap3A_128 = arith.index_cast %mul3A_111 : i32 to index
          %swap3A_129 = tpu.vector_load %arg10[%swap3A_128] {strides = array<i32>} : memref<400xi32, #tpu.memory_space<vmem>>, vector<16xi32>,
          %swap3A_130 = vector.shape_cast %swap3A_129 : vector<16xi32> to vector<16xi32>
          %swap3A_131 = vector.shape_cast %select_n3A_127 : vector<16xi32> to vector<16xi32>
          tpu.vector_store %arg10[%swap3A_128], %swap3A_131 {strides = array<i32>} : memref<400xi32, #tpu.memory_space<vmem>>, vector<16xi32>,
        }
        %scan3A_105 = arith.constant 25 : i32
        %dma_wait3A_106 = arith.constant 0 : i32
        %dma_wait3A_107 = arith.constant 0 : i32
        %dma_wait3A_108 = tpu.memref_slice %arg2[%dma_wait3A_106, %dma_wait3A_107] : memref<100000x128xf32, #tpu.memory_space<hbm>> -> memref<100000x128xf32, #tpu.memory_space<hbm>>
        tpu.wait_indirect_dma semaphore(%arg15 : memref<!tpu.dma_semaphore, #tpu.memory_space<semaphore_mem>>) src(%dma_wait3A_108 : memref<100000x128xf32, #tpu.memory_space<hbm>>) dst(%arg13 : memref<400x128xf32, #tpu.memory_space<vmem>>)
        "tpu.region"() ({
          %run_scoped3A = tpu.sem_alloc : memref<!tpu.dma_semaphore, #tpu.memory_space<semaphore_mem>>
          %dma_start3A_109 = arith.constant 0 : i32
          %dma_start3A_110 = arith.constant 0 : i32
          %dma_start3A_111 = tpu.memref_slice %arg14[%dma_start3A_109, %dma_start3A_110] : memref<9472x128xf32, #tpu.memory_space<vmem_shared>> -> memref<9472x128xf32, #tpu.memory_space<vmem_shared>>
          %dma_start3A_112 = arith.constant -1 : i32
          tpu.enqueue_indirect_dma source(%arg13 : memref<400x128xf32, #tpu.memory_space<vmem>>) target(%dma_start3A_111 : memref<9472x128xf32, #tpu.memory_space<vmem_shared>>) offsets(%arg12 : memref<400xi32, #tpu.memory_space<vmem>>) offset_filter(%dma_start3A_112) semaphore(%run_scoped3A : memref<!tpu.dma_semaphore, #tpu.memory_space<semaphore_mem>>) {add = true}
          %dma_wait3A_113 = arith.constant 0 : i32
          %dma_wait3A_114 = arith.constant 0 : i32
          %dma_wait3A_115 = tpu.memref_slice %arg14[%dma_wait3A_113, %dma_wait3A_114] : memref<9472x128xf32, #tpu.memory_space<vmem_shared>> -> memref<9472x128xf32, #tpu.memory_space<vmem_shared>>
          tpu.wait_indirect_dma semaphore(%run_scoped3A : memref<!tpu.dma_semaphore, #tpu.memory_space<semaphore_mem>>) src(%arg13 : memref<400x128xf32, #tpu.memory_space<vmem>>) dst(%dma_wait3A_115 : memref<9472x128xf32, #tpu.memory_space<vmem_shared>>)
          tpu.yield
        }) : () -> ()
      }
      %scan3A_37 = arith.constant 250 : i32
      %barrier3A_38 = arith.constant 0 : index
      tpu.barrier barrier_id(%barrier3A_38)
      %add3A_39 = arith.constant 0 : i32
      %add3A_40 = arith.addi %mul3A_2, %add3A_39 : i32
      "tpu.region"() ({
        %run_scoped3A = tpu.sem_alloc : memref<!tpu.dma_semaphore, #tpu.memory_space<semaphore_mem>>
        %dma_start3A_50 = arith.constant 0 : i32
        %dma_start3A_51 = arith.constant 0 : i32
        %dma_start3A_52 = tpu.memref_slice %arg13[%dma_start3A_50, %dma_start3A_51] : memref<400x128xf32, #tpu.memory_space<vmem>> -> memref<400x128xf32, #tpu.memory_space<vmem>>
        %dma_start3A_53 = arith.constant 0 : i32
        %dma_start3A_54 = tpu.memref_slice %arg14[%add3A_40, %dma_start3A_53] : memref<9472x128xf32, #tpu.memory_space<vmem_shared>> -> memref<400x128xf32, #tpu.memory_space<vmem_shared>>
        %dma_start3A_55 = arith.constant 0 : i32
        %dma_start3A_56 = arith.constant 0 : i32
        %dma_start3A_57 = tpu.memref_slice %arg13[%dma_start3A_55, %dma_start3A_56] : memref<400x128xf32, #tpu.memory_space<vmem>> -> memref<400x128xf32, #tpu.memory_space<vmem>>
        %dma_start3A_58 = arith.constant 0 : i32
        %dma_start3A_59 = tpu.memref_slice %arg14[%add3A_40, %dma_start3A_58] : memref<9472x128xf32, #tpu.memory_space<vmem_shared>> -> memref<400x128xf32, #tpu.memory_space<vmem_shared>>
        tpu.enqueue_dma source(%dma_start3A_59 : memref<400x128xf32, #tpu.memory_space<vmem_shared>>) target(%dma_start3A_57 : memref<400x128xf32, #tpu.memory_space<vmem>>) target_semaphore(%run_scoped3A : memref<!tpu.dma_semaphore, #tpu.memory_space<semaphore_mem>>)
        %dma_wait3A_60 = arith.constant 0 : i32
        %dma_wait3A_61 = arith.constant 0 : i32
        %dma_wait3A_62 = tpu.memref_slice %arg13[%dma_wait3A_60, %dma_wait3A_61] : memref<400x128xf32, #tpu.memory_space<vmem>> -> memref<400x128xf32, #tpu.memory_space<vmem>>
        %dma_wait3A_63 = arith.constant 0 : i32
        %dma_wait3A_64 = tpu.memref_slice %arg14[%add3A_40, %dma_wait3A_63] : memref<9472x128xf32, #tpu.memory_space<vmem_shared>> -> memref<400x128xf32, #tpu.memory_space<vmem_shared>>
        %dma_wait3A_65 = arith.constant 0 : i32
        %dma_wait3A_66 = arith.constant 0 : i32
        %dma_wait3A_67 = tpu.memref_slice %arg13[%dma_wait3A_65, %dma_wait3A_66] : memref<400x128xf32, #tpu.memory_space<vmem>> -> memref<400x128xf32, #tpu.memory_space<vmem>>
        %dma_wait3A_68 = arith.constant 0 : i32
        %dma_wait3A_69 = tpu.memref_slice %arg14[%add3A_40, %dma_wait3A_68] : memref<9472x128xf32, #tpu.memory_space<vmem_shared>> -> memref<400x128xf32, #tpu.memory_space<vmem_shared>>
        tpu.wait_dma2 semaphore(%run_scoped3A : memref<!tpu.dma_semaphore, #tpu.memory_space<semaphore_mem>>) src(%dma_wait3A_69 : memref<400x128xf32, #tpu.memory_space<vmem_shared>>) dst(%dma_wait3A_67 : memref<400x128xf32, #tpu.memory_space<vmem>>)
        tpu.yield
      }) : () -> ()
      %add3A_41 = arith.addi %mul3A_12, %mul3A_2 : i32
      %add3A_42 = arith.constant 0 : i32
      %add3A_43 = arith.addi %add3A_41, %add3A_42 : i32
      "tpu.region"() ({
        %run_scoped3A = tpu.sem_alloc : memref<!tpu.dma_semaphore, #tpu.memory_space<semaphore_mem>>
        %dma_start3A_50 = arith.constant 0 : i32
        %dma_start3A_51 = arith.constant 0 : i32
        %dma_start3A_52 = tpu.memref_slice %arg13[%dma_start3A_50, %dma_start3A_51] : memref<400x128xf32, #tpu.memory_space<vmem>> -> memref<400x128xf32, #tpu.memory_space<vmem>>
        %dma_start3A_53 = arith.constant 0 : i32
        %dma_start3A_54 = tpu.memref_slice %arg6[%add3A_43, %dma_start3A_53] : memref<113664x128xf32, #tpu.memory_space<hbm>> -> memref<400x128xf32, #tpu.memory_space<hbm>>
        %dma_start3A_55 = arith.constant 0 : i32
        %dma_start3A_56 = tpu.memref_slice %arg6[%add3A_43, %dma_start3A_55] : memref<113664x128xf32, #tpu.memory_space<hbm>> -> memref<400x128xf32, #tpu.memory_space<hbm>>
        %dma_start3A_57 = arith.constant 0 : i32
        %dma_start3A_58 = arith.constant 0 : i32
        %dma_start3A_59 = tpu.memref_slice %arg13[%dma_start3A_57, %dma_start3A_58] : memref<400x128xf32, #tpu.memory_space<vmem>> -> memref<400x128xf32, #tpu.memory_space<vmem>>
        tpu.enqueue_dma source(%dma_start3A_59 : memref<400x128xf32, #tpu.memory_space<vmem>>) target(%dma_start3A_56 : memref<400x128xf32, #tpu.memory_space<hbm>>) target_semaphore(%run_scoped3A : memref<!tpu.dma_semaphore, #tpu.memory_space<semaphore_mem>>)
        %dma_wait3A_60 = arith.constant 0 : i32
        %dma_wait3A_61 = arith.constant 0 : i32
        %dma_wait3A_62 = tpu.memref_slice %arg13[%dma_wait3A_60, %dma_wait3A_61] : memref<400x128xf32, #tpu.memory_space<vmem>> -> memref<400x128xf32, #tpu.memory_space<vmem>>
        %dma_wait3A_63 = arith.constant 0 : i32
        %dma_wait3A_64 = tpu.memref_slice %arg6[%add3A_43, %dma_wait3A_63] : memref<113664x128xf32, #tpu.memory_space<hbm>> -> memref<400x128xf32, #tpu.memory_space<hbm>>
        %dma_wait3A_65 = arith.constant 0 : i32
        %dma_wait3A_66 = tpu.memref_slice %arg6[%add3A_43, %dma_wait3A_65] : memref<113664x128xf32, #tpu.memory_space<hbm>> -> memref<400x128xf32, #tpu.memory_space<hbm>>
        %dma_wait3A_67 = arith.constant 0 : i32
        %dma_wait3A_68 = arith.constant 0 : i32
        %dma_wait3A_69 = tpu.memref_slice %arg13[%dma_wait3A_67, %dma_wait3A_68] : memref<400x128xf32, #tpu.memory_space<vmem>> -> memref<400x128xf32, #tpu.memory_space<vmem>>
        tpu.wait_dma2 semaphore(%run_scoped3A : memref<!tpu.dma_semaphore, #tpu.memory_space<semaphore_mem>>) src(%dma_wait3A_69 : memref<400x128xf32, #tpu.memory_space<vmem>>) dst(%dma_wait3A_66 : memref<400x128xf32, #tpu.memory_space<hbm>>)
        tpu.yield
      }) : () -> ()
      %add3A_44 = arith.constant 400 : i32
      %add3A_45 = arith.addi %mul3A_2, %add3A_44 : i32
      "tpu.region"() ({
        %run_scoped3A = tpu.sem_alloc : memref<!tpu.dma_semaphore, #tpu.memory_space<semaphore_mem>>
        %dma_start3A_50 = arith.constant 0 : i32
        %dma_start3A_51 = arith.constant 0 : i32
        %dma_start3A_52 = tpu.memref_slice %arg13[%dma_start3A_50, %dma_start3A_51] : memref<400x128xf32, #tpu.memory_space<vmem>> -> memref<192x128xf32, #tpu.memory_space<vmem>>
        %dma_start3A_53 = arith.constant 0 : i32
        %dma_start3A_54 = tpu.memref_slice %arg14[%add3A_45, %dma_start3A_53] : memref<9472x128xf32, #tpu.memory_space<vmem_shared>> -> memref<192x128xf32, #tpu.memory_space<vmem_shared>>
        %dma_start3A_55 = arith.constant 0 : i32
        %dma_start3A_56 = arith.constant 0 : i32
        %dma_start3A_57 = tpu.memref_slice %arg13[%dma_start3A_55, %dma_start3A_56] : memref<400x128xf32, #tpu.memory_space<vmem>> -> memref<192x128xf32, #tpu.memory_space<vmem>>
        %dma_start3A_58 = arith.constant 0 : i32
        %dma_start3A_59 = tpu.memref_slice %arg14[%add3A_45, %dma_start3A_58] : memref<9472x128xf32, #tpu.memory_space<vmem_shared>> -> memref<192x128xf32, #tpu.memory_space<vmem_shared>>
        tpu.enqueue_dma source(%dma_start3A_59 : memref<192x128xf32, #tpu.memory_space<vmem_shared>>) target(%dma_start3A_57 : memref<192x128xf32, #tpu.memory_space<vmem>>) target_semaphore(%run_scoped3A : memref<!tpu.dma_semaphore, #tpu.memory_space<semaphore_mem>>)
        %dma_wait3A_60 = arith.constant 0 : i32
        %dma_wait3A_61 = arith.constant 0 : i32
        %dma_wait3A_62 = tpu.memref_slice %arg13[%dma_wait3A_60, %dma_wait3A_61] : memref<400x128xf32, #tpu.memory_space<vmem>> -> memref<192x128xf32, #tpu.memory_space<vmem>>
        %dma_wait3A_63 = arith.constant 0 : i32
        %dma_wait3A_64 = tpu.memref_slice %arg14[%add3A_45, %dma_wait3A_63] : memref<9472x128xf32, #tpu.memory_space<vmem_shared>> -> memref<192x128xf32, #tpu.memory_space<vmem_shared>>
        %dma_wait3A_65 = arith.constant 0 : i32
        %dma_wait3A_66 = arith.constant 0 : i32
        %dma_wait3A_67 = tpu.memref_slice %arg13[%dma_wait3A_65, %dma_wait3A_66] : memref<400x128xf32, #tpu.memory_space<vmem>> -> memref<192x128xf32, #tpu.memory_space<vmem>>
        %dma_wait3A_68 = arith.constant 0 : i32
        %dma_wait3A_69 = tpu.memref_slice %arg14[%add3A_45, %dma_wait3A_68] : memref<9472x128xf32, #tpu.memory_space<vmem_shared>> -> memref<192x128xf32, #tpu.memory_space<vmem_shared>>
        tpu.wait_dma2 semaphore(%run_scoped3A : memref<!tpu.dma_semaphore, #tpu.memory_space<semaphore_mem>>) src(%dma_wait3A_69 : memref<192x128xf32, #tpu.memory_space<vmem_shared>>) dst(%dma_wait3A_67 : memref<192x128xf32, #tpu.memory_space<vmem>>)
        tpu.yield
      }) : () -> ()
      %add3A_46 = arith.addi %mul3A_12, %mul3A_2 : i32
      %add3A_47 = arith.constant 400 : i32
      %add3A_48 = arith.addi %add3A_46, %add3A_47 : i32
      "tpu.region"() ({
        %run_scoped3A = tpu.sem_alloc : memref<!tpu.dma_semaphore, #tpu.memory_space<semaphore_mem>>
        %dma_start3A_50 = arith.constant 0 : i32
        %dma_start3A_51 = arith.constant 0 : i32
        %dma_start3A_52 = tpu.memref_slice %arg13[%dma_start3A_50, %dma_start3A_51] : memref<400x128xf32, #tpu.memory_space<vmem>> -> memref<192x128xf32, #tpu.memory_space<vmem>>
        %dma_start3A_53 = arith.constant 0 : i32
        %dma_start3A_54 = tpu.memref_slice %arg6[%add3A_48, %dma_start3A_53] : memref<113664x128xf32, #tpu.memory_space<hbm>> -> memref<192x128xf32, #tpu.memory_space<hbm>>
        %dma_start3A_55 = arith.constant 0 : i32
        %dma_start3A_56 = tpu.memref_slice %arg6[%add3A_48, %dma_start3A_55] : memref<113664x128xf32, #tpu.memory_space<hbm>> -> memref<192x128xf32, #tpu.memory_space<hbm>>
        %dma_start3A_57 = arith.constant 0 : i32
        %dma_start3A_58 = arith.constant 0 : i32
        %dma_start3A_59 = tpu.memref_slice %arg13[%dma_start3A_57, %dma_start3A_58] : memref<400x128xf32, #tpu.memory_space<vmem>> -> memref<192x128xf32, #tpu.memory_space<vmem>>
        tpu.enqueue_dma source(%dma_start3A_59 : memref<192x128xf32, #tpu.memory_space<vmem>>) target(%dma_start3A_56 : memref<192x128xf32, #tpu.memory_space<hbm>>) target_semaphore(%run_scoped3A : memref<!tpu.dma_semaphore, #tpu.memory_space<semaphore_mem>>)
        %dma_wait3A_60 = arith.constant 0 : i32
        %dma_wait3A_61 = arith.constant 0 : i32
        %dma_wait3A_62 = tpu.memref_slice %arg13[%dma_wait3A_60, %dma_wait3A_61] : memref<400x128xf32, #tpu.memory_space<vmem>> -> memref<192x128xf32, #tpu.memory_space<vmem>>
        %dma_wait3A_63 = arith.constant 0 : i32
        %dma_wait3A_64 = tpu.memref_slice %arg6[%add3A_48, %dma_wait3A_63] : memref<113664x128xf32, #tpu.memory_space<hbm>> -> memref<192x128xf32, #tpu.memory_space<hbm>>
        %dma_wait3A_65 = arith.constant 0 : i32
        %dma_wait3A_66 = tpu.memref_slice %arg6[%add3A_48, %dma_wait3A_65] : memref<113664x128xf32, #tpu.memory_space<hbm>> -> memref<192x128xf32, #tpu.memory_space<hbm>>
        %dma_wait3A_67 = arith.constant 0 : i32
        %dma_wait3A_68 = arith.constant 0 : i32
        %dma_wait3A_69 = tpu.memref_slice %arg13[%dma_wait3A_67, %dma_wait3A_68] : memref<400x128xf32, #tpu.memory_space<vmem>> -> memref<192x128xf32, #tpu.memory_space<vmem>>
        tpu.wait_dma2 semaphore(%run_scoped3A : memref<!tpu.dma_semaphore, #tpu.memory_space<semaphore_mem>>) src(%dma_wait3A_69 : memref<192x128xf32, #tpu.memory_space<vmem>>) dst(%dma_wait3A_66 : memref<192x128xf32, #tpu.memory_space<hbm>>)
        tpu.yield
      }) : () -> ()
      %barrier3A_49 = arith.constant 0 : index
      tpu.barrier barrier_id(%barrier3A_49)
    }
    %scan3A_7 = arith.constant 6 : i32
    return
  }
}

#map = affine_map<(d0, d1) -> (0, 0)>
#map1 = affine_map<(d0, d1) -> (0)>
module attributes {stable_mosaic.version = 14 : i64} {
  func.func @k(%arg0: i32, %arg1: i32, %arg2: memref<100000x128xf32, #tpu.memory_space<hbm>>, %arg3: memref<3200000xi32, #tpu.memory_space<hbm>>, %arg4: memref<3200000xi32, #tpu.memory_space<hbm>>, %arg5: memref<400x128xf32, #tpu.memory_space<hbm>>, %arg6: memref<113664x128xf32, #tpu.memory_space<hbm>>, %arg7: memref<400xi32, #tpu.memory_space<vmem>>, %arg8: memref<400xi32, #tpu.memory_space<vmem>>, %arg9: memref<400xi32, #tpu.memory_space<vmem>>, %arg10: memref<400xi32, #tpu.memory_space<vmem>>, %arg11: memref<400xi32, #tpu.memory_space<vmem>>, %arg12: memref<400xi32, #tpu.memory_space<vmem>>, %arg13: memref<400x128xf32, #tpu.memory_space<vmem>>, %arg14: memref<9472x128xf32, #tpu.memory_space<vmem_shared>>, %arg15: memref<!tpu.dma_semaphore, #tpu.memory_space<semaphore_mem>>, %arg16: memref<!tpu.dma_semaphore, #tpu.memory_space<semaphore_mem>>) attributes {dimension_semantics = [#tpu.dimension_semantics<core_parallel>, #tpu.dimension_semantics<subcore_parallel>], iteration_bounds = array<i64: 2, 16>, scalar_prefetch = 0 : i64, scratch_operands = 10 : i64, tpu.core_type = #tpu.core_type<sc_vector_subcore>, window_params = [{transform_indices = #map}, {transform_indices = #map1}, {transform_indices = #map1}, {transform_indices = #map}, {transform_indices = #map}]} {
    %mul3A = arith.constant 200000 : i32
    %mul3A_0 = arith.muli %arg1, %mul3A : i32
    %mul3A_1 = arith.constant 592 : i32
    %mul3A_2 = arith.muli %arg1, %mul3A_1 : i32
    %scan3A = arith.constant 0 : i32
    %scan3A_3 = arith.constant 0 : i32
    %scan3A_4 = arith.constant 6 : i32
    %scan3A_5 = arith.addi %scan3A_3, %scan3A_4 : i32
    %scan3A_6 = arith.constant 1 : i32
    scf.for %scan3A_8 = %scan3A_3 to %scan3A_5 step %scan3A_6  : i32 {
      %mul3A_9 = arith.constant 2 : i32
      %mul3A_10 = arith.muli %scan3A_8, %mul3A_9 : i32
      %add3A = arith.addi %mul3A_10, %arg0 : i32
      %mul3A_11 = arith.constant 9472 : i32
      %mul3A_12 = arith.muli %add3A, %mul3A_11 : i32
      "tpu.region"() ({
        %run_scoped3A = tpu.sem_alloc : memref<!tpu.dma_semaphore, #tpu.memory_space<semaphore_mem>>
        %dma_start3A_50 = arith.constant 0 : i32
        %dma_start3A_51 = arith.constant 0 : i32
        %dma_start3A_52 = tpu.memref_slice %arg13[%dma_start3A_50, %dma_start3A_51] : memref<400x128xf32, #tpu.memory_space<vmem>> -> memref<400x128xf32, #tpu.memory_space<vmem>>
        %dma_start3A_53 = arith.constant 0 : i32
        %dma_start3A_54 = arith.constant 0 : i32
        %dma_start3A_55 = tpu.memref_slice %arg5[%dma_start3A_53, %dma_start3A_54] : memref<400x128xf32, #tpu.memory_space<hbm>> -> memref<400x128xf32, #tpu.memory_space<hbm>>
        %dma_start3A_56 = arith.constant 0 : i32
        %dma_start3A_57 = arith.constant 0 : i32
        %dma_start3A_58 = tpu.memref_slice %arg13[%dma_start3A_56, %dma_start3A_57] : memref<400x128xf32, #tpu.memory_space<vmem>> -> memref<400x128xf32, #tpu.memory_space<vmem>>
        %dma_start3A_59 = arith.constant 0 : i32
        %dma_start3A_60 = arith.constant 0 : i32
        %dma_start3A_61 = tpu.memref_slice %arg5[%dma_start3A_59, %dma_start3A_60] : memref<400x128xf32, #tpu.memory_space<hbm>> -> memref<400x128xf32, #tpu.memory_space<hbm>>
        tpu.enqueue_dma source(%dma_start3A_61 : memref<400x128xf32, #tpu.memory_space<hbm>>) target(%dma_start3A_58 : memref<400x128xf32, #tpu.memory_space<vmem>>) target_semaphore(%run_scoped3A : memref<!tpu.dma_semaphore, #tpu.memory_space<semaphore_mem>>)
        %dma_wait3A_62 = arith.constant 0 : i32
        %dma_wait3A_63 = arith.constant 0 : i32
        %dma_wait3A_64 = tpu.memref_slice %arg13[%dma_wait3A_62, %dma_wait3A_63] : memref<400x128xf32, #tpu.memory_space<vmem>> -> memref<400x128xf32, #tpu.memory_space<vmem>>
        %dma_wait3A_65 = arith.constant 0 : i32
        %dma_wait3A_66 = arith.constant 0 : i32
        %dma_wait3A_67 = tpu.memref_slice %arg5[%dma_wait3A_65, %dma_wait3A_66] : memref<400x128xf32, #tpu.memory_space<hbm>> -> memref<400x128xf32, #tpu.memory_space<hbm>>
        %dma_wait3A_68 = arith.constant 0 : i32
        %dma_wait3A_69 = arith.constant 0 : i32
        %dma_wait3A_70 = tpu.memref_slice %arg13[%dma_wait3A_68, %dma_wait3A_69] : memref<400x128xf32, #tpu.memory_space<vmem>> -> memref<400x128xf32, #tpu.memory_space<vmem>>
        %dma_wait3A_71 = arith.constant 0 : i32
        %dma_wait3A_72 = arith.constant 0 : i32
        %dma_wait3A_73 = tpu.memref_slice %arg5[%dma_wait3A_71, %dma_wait3A_72] : memref<400x128xf32, #tpu.memory_space<hbm>> -> memref<400x128xf32, #tpu.memory_space<hbm>>
        tpu.wait_dma2 semaphore(%run_scoped3A : memref<!tpu.dma_semaphore, #tpu.memory_space<semaphore_mem>>) src(%dma_wait3A_73 : memref<400x128xf32, #tpu.memory_space<hbm>>) dst(%dma_wait3A_70 : memref<400x128xf32, #tpu.memory_space<vmem>>)
        tpu.yield
      }) : () -> ()
      %add3A_13 = arith.constant 0 : i32
      %add3A_14 = arith.addi %mul3A_2, %add3A_13 : i32
      "tpu.region"() ({
        %run_scoped3A = tpu.sem_alloc : memref<!tpu.dma_semaphore, #tpu.memory_space<semaphore_mem>>
        %dma_start3A_50 = arith.constant 0 : i32
        %dma_start3A_51 = arith.constant 0 : i32
        %dma_start3A_52 = tpu.memref_slice %arg13[%dma_start3A_50, %dma_start3A_51] : memref<400x128xf32, #tpu.memory_space<vmem>> -> memref<400x128xf32, #tpu.memory_space<vmem>>
        %dma_start3A_53 = arith.constant 0 : i32
        %dma_start3A_54 = tpu.memref_slice %arg14[%add3A_14, %dma_start3A_53] : memref<9472x128xf32, #tpu.memory_space<vmem_shared>> -> memref<400x128xf32, #tpu.memory_space<vmem_shared>>
        %dma_start3A_55 = arith.constant 0 : i32
        %dma_start3A_56 = tpu.memref_slice %arg14[%add3A_14, %dma_start3A_55] : memref<9472x128xf32, #tpu.memory_space<vmem_shared>> -> memref<400x128xf32, #tpu.memory_space<vmem_shared>>
        %dma_start3A_57 = arith.constant 0 : i32
        %dma_start3A_58 = arith.constant 0 : i32
        %dma_start3A_59 = tpu.memref_slice %arg13[%dma_start3A_57, %dma_start3A_58] : memref<400x128xf32, #tpu.memory_space<vmem>> -> memref<400x128xf32, #tpu.memory_space<vmem>>
        tpu.enqueue_dma source(%dma_start3A_59 : memref<400x128xf32, #tpu.memory_space<vmem>>) target(%dma_start3A_56 : memref<400x128xf32, #tpu.memory_space<vmem_shared>>) target_semaphore(%run_scoped3A : memref<!tpu.dma_semaphore, #tpu.memory_space<semaphore_mem>>)
        %dma_wait3A_60 = arith.constant 0 : i32
        %dma_wait3A_61 = arith.constant 0 : i32
        %dma_wait3A_62 = tpu.memref_slice %arg13[%dma_wait3A_60, %dma_wait3A_61] : memref<400x128xf32, #tpu.memory_space<vmem>> -> memref<400x128xf32, #tpu.memory_space<vmem>>
        %dma_wait3A_63 = arith.constant 0 : i32
        %dma_wait3A_64 = tpu.memref_slice %arg14[%add3A_14, %dma_wait3A_63] : memref<9472x128xf32, #tpu.memory_space<vmem_shared>> -> memref<400x128xf32, #tpu.memory_space<vmem_shared>>
        %dma_wait3A_65 = arith.constant 0 : i32
        %dma_wait3A_66 = tpu.memref_slice %arg14[%add3A_14, %dma_wait3A_65] : memref<9472x128xf32, #tpu.memory_space<vmem_shared>> -> memref<400x128xf32, #tpu.memory_space<vmem_shared>>
        %dma_wait3A_67 = arith.constant 0 : i32
        %dma_wait3A_68 = arith.constant 0 : i32
        %dma_wait3A_69 = tpu.memref_slice %arg13[%dma_wait3A_67, %dma_wait3A_68] : memref<400x128xf32, #tpu.memory_space<vmem>> -> memref<400x128xf32, #tpu.memory_space<vmem>>
        tpu.wait_dma2 semaphore(%run_scoped3A : memref<!tpu.dma_semaphore, #tpu.memory_space<semaphore_mem>>) src(%dma_wait3A_69 : memref<400x128xf32, #tpu.memory_space<vmem>>) dst(%dma_wait3A_66 : memref<400x128xf32, #tpu.memory_space<vmem_shared>>)
        tpu.yield
      }) : () -> ()
      "tpu.region"() ({
        %run_scoped3A = tpu.sem_alloc : memref<!tpu.dma_semaphore, #tpu.memory_space<semaphore_mem>>
        %dma_start3A_50 = arith.constant 0 : i32
        %dma_start3A_51 = arith.constant 0 : i32
        %dma_start3A_52 = tpu.memref_slice %arg13[%dma_start3A_50, %dma_start3A_51] : memref<400x128xf32, #tpu.memory_space<vmem>> -> memref<192x128xf32, #tpu.memory_space<vmem>>
        %dma_start3A_53 = arith.constant 0 : i32
        %dma_start3A_54 = arith.constant 0 : i32
        %dma_start3A_55 = tpu.memref_slice %arg5[%dma_start3A_53, %dma_start3A_54] : memref<400x128xf32, #tpu.memory_space<hbm>> -> memref<192x128xf32, #tpu.memory_space<hbm>>
        %dma_start3A_56 = arith.constant 0 : i32
        %dma_start3A_57 = arith.constant 0 : i32
        %dma_start3A_58 = tpu.memref_slice %arg13[%dma_start3A_56, %dma_start3A_57] : memref<400x128xf32, #tpu.memory_space<vmem>> -> memref<192x128xf32, #tpu.memory_space<vmem>>
        %dma_start3A_59 = arith.constant 0 : i32
        %dma_start3A_60 = arith.constant 0 : i32
        %dma_start3A_61 = tpu.memref_slice %arg5[%dma_start3A_59, %dma_start3A_60] : memref<400x128xf32, #tpu.memory_space<hbm>> -> memref<192x128xf32, #tpu.memory_space<hbm>>
        tpu.enqueue_dma source(%dma_start3A_61 : memref<192x128xf32, #tpu.memory_space<hbm>>) target(%dma_start3A_58 : memref<192x128xf32, #tpu.memory_space<vmem>>) target_semaphore(%run_scoped3A : memref<!tpu.dma_semaphore, #tpu.memory_space<semaphore_mem>>)
        %dma_wait3A_62 = arith.constant 0 : i32
        %dma_wait3A_63 = arith.constant 0 : i32
        %dma_wait3A_64 = tpu.memref_slice %arg13[%dma_wait3A_62, %dma_wait3A_63] : memref<400x128xf32, #tpu.memory_space<vmem>> -> memref<192x128xf32, #tpu.memory_space<vmem>>
        %dma_wait3A_65 = arith.constant 0 : i32
        %dma_wait3A_66 = arith.constant 0 : i32
        %dma_wait3A_67 = tpu.memref_slice %arg5[%dma_wait3A_65, %dma_wait3A_66] : memref<400x128xf32, #tpu.memory_space<hbm>> -> memref<192x128xf32, #tpu.memory_space<hbm>>
        %dma_wait3A_68 = arith.constant 0 : i32
        %dma_wait3A_69 = arith.constant 0 : i32
        %dma_wait3A_70 = tpu.memref_slice %arg13[%dma_wait3A_68, %dma_wait3A_69] : memref<400x128xf32, #tpu.memory_space<vmem>> -> memref<192x128xf32, #tpu.memory_space<vmem>>
        %dma_wait3A_71 = arith.constant 0 : i32
        %dma_wait3A_72 = arith.constant 0 : i32
        %dma_wait3A_73 = tpu.memref_slice %arg5[%dma_wait3A_71, %dma_wait3A_72] : memref<400x128xf32, #tpu.memory_space<hbm>> -> memref<192x128xf32, #tpu.memory_space<hbm>>
        tpu.wait_dma2 semaphore(%run_scoped3A : memref<!tpu.dma_semaphore, #tpu.memory_space<semaphore_mem>>) src(%dma_wait3A_73 : memref<192x128xf32, #tpu.memory_space<hbm>>) dst(%dma_wait3A_70 : memref<192x128xf32, #tpu.memory_space<vmem>>)
        tpu.yield
      }) : () -> ()
      %add3A_15 = arith.constant 400 : i32
      %add3A_16 = arith.addi %mul3A_2, %add3A_15 : i32
      "tpu.region"() ({
        %run_scoped3A = tpu.sem_alloc : memref<!tpu.dma_semaphore, #tpu.memory_space<semaphore_mem>>
        %dma_start3A_50 = arith.constant 0 : i32
        %dma_start3A_51 = arith.constant 0 : i32
        %dma_start3A_52 = tpu.memref_slice %arg13[%dma_start3A_50, %dma_start3A_51] : memref<400x128xf32, #tpu.memory_space<vmem>> -> memref<192x128xf32, #tpu.memory_space<vmem>>
        %dma_start3A_53 = arith.constant 0 : i32
        %dma_start3A_54 = tpu.memref_slice %arg14[%add3A_16, %dma_start3A_53] : memref<9472x128xf32, #tpu.memory_space<vmem_shared>> -> memref<192x128xf32, #tpu.memory_space<vmem_shared>>
        %dma_start3A_55 = arith.constant 0 : i32
        %dma_start3A_56 = tpu.memref_slice %arg14[%add3A_16, %dma_start3A_55] : memref<9472x128xf32, #tpu.memory_space<vmem_shared>> -> memref<192x128xf32, #tpu.memory_space<vmem_shared>>
        %dma_start3A_57 = arith.constant 0 : i32
        %dma_start3A_58 = arith.constant 0 : i32
        %dma_start3A_59 = tpu.memref_slice %arg13[%dma_start3A_57, %dma_start3A_58] : memref<400x128xf32, #tpu.memory_space<vmem>> -> memref<192x128xf32, #tpu.memory_space<vmem>>
        tpu.enqueue_dma source(%dma_start3A_59 : memref<192x128xf32, #tpu.memory_space<vmem>>) target(%dma_start3A_56 : memref<192x128xf32, #tpu.memory_space<vmem_shared>>) target_semaphore(%run_scoped3A : memref<!tpu.dma_semaphore, #tpu.memory_space<semaphore_mem>>)
        %dma_wait3A_60 = arith.constant 0 : i32
        %dma_wait3A_61 = arith.constant 0 : i32
        %dma_wait3A_62 = tpu.memref_slice %arg13[%dma_wait3A_60, %dma_wait3A_61] : memref<400x128xf32, #tpu.memory_space<vmem>> -> memref<192x128xf32, #tpu.memory_space<vmem>>
        %dma_wait3A_63 = arith.constant 0 : i32
        %dma_wait3A_64 = tpu.memref_slice %arg14[%add3A_16, %dma_wait3A_63] : memref<9472x128xf32, #tpu.memory_space<vmem_shared>> -> memref<192x128xf32, #tpu.memory_space<vmem_shared>>
        %dma_wait3A_65 = arith.constant 0 : i32
        %dma_wait3A_66 = tpu.memref_slice %arg14[%add3A_16, %dma_wait3A_65] : memref<9472x128xf32, #tpu.memory_space<vmem_shared>> -> memref<192x128xf32, #tpu.memory_space<vmem_shared>>
        %dma_wait3A_67 = arith.constant 0 : i32
        %dma_wait3A_68 = arith.constant 0 : i32
        %dma_wait3A_69 = tpu.memref_slice %arg13[%dma_wait3A_67, %dma_wait3A_68] : memref<400x128xf32, #tpu.memory_space<vmem>> -> memref<192x128xf32, #tpu.memory_space<vmem>>
        tpu.wait_dma2 semaphore(%run_scoped3A : memref<!tpu.dma_semaphore, #tpu.memory_space<semaphore_mem>>) src(%dma_wait3A_69 : memref<192x128xf32, #tpu.memory_space<vmem>>) dst(%dma_wait3A_66 : memref<192x128xf32, #tpu.memory_space<vmem_shared>>)
        tpu.yield
      }) : () -> ()
      %barrier3A = arith.constant 0 : index
      tpu.barrier barrier_id(%barrier3A)
      %min3A = arith.constant 0 : i32
      %min3A_17 = arith.constant 199600 : i32
      %min3A_18 = arith.minsi %min3A, %min3A_17 : i32
      %add3A_19 = arith.addi %mul3A_0, %min3A_18 : i32
      %dma_start3A = tpu.memref_slice %arg3[%add3A_19] : memref<3200000xi32, #tpu.memory_space<hbm>> -> memref<400xi32, #tpu.memory_space<hbm>>
      %dma_start3A_20 = tpu.memref_slice %arg3[%add3A_19] : memref<3200000xi32, #tpu.memory_space<hbm>> -> memref<400xi32, #tpu.memory_space<hbm>>
      tpu.enqueue_dma source(%dma_start3A_20 : memref<400xi32, #tpu.memory_space<hbm>>) target(%arg7 : memref<400xi32, #tpu.memory_space<vmem>>) target_semaphore(%arg16 : memref<!tpu.dma_semaphore, #tpu.memory_space<semaphore_mem>>)
      %dma_start3A_21 = tpu.memref_slice %arg4[%add3A_19] : memref<3200000xi32, #tpu.memory_space<hbm>> -> memref<400xi32, #tpu.memory_space<hbm>>
      %dma_start3A_22 = tpu.memref_slice %arg4[%add3A_19] : memref<3200000xi32, #tpu.memory_space<hbm>> -> memref<400xi32, #tpu.memory_space<hbm>>
      tpu.enqueue_dma source(%dma_start3A_22 : memref<400xi32, #tpu.memory_space<hbm>>) target(%arg8 : memref<400xi32, #tpu.memory_space<vmem>>) target_semaphore(%arg16 : memref<!tpu.dma_semaphore, #tpu.memory_space<semaphore_mem>>)
      %dma_wait3A = tpu.memref_slice %arg3[%add3A_19] : memref<3200000xi32, #tpu.memory_space<hbm>> -> memref<400xi32, #tpu.memory_space<hbm>>
      %dma_wait3A_23 = tpu.memref_slice %arg3[%add3A_19] : memref<3200000xi32, #tpu.memory_space<hbm>> -> memref<400xi32, #tpu.memory_space<hbm>>
      tpu.wait_dma2 semaphore(%arg16 : memref<!tpu.dma_semaphore, #tpu.memory_space<semaphore_mem>>) src(%dma_wait3A_23 : memref<400xi32, #tpu.memory_space<hbm>>) dst(%arg7 : memref<400xi32, #tpu.memory_space<vmem>>)
      %dma_wait3A_24 = tpu.memref_slice %arg4[%add3A_19] : memref<3200000xi32, #tpu.memory_space<hbm>> -> memref<400xi32, #tpu.memory_space<hbm>>
      %dma_wait3A_25 = tpu.memref_slice %arg4[%add3A_19] : memref<3200000xi32, #tpu.memory_space<hbm>> -> memref<400xi32, #tpu.memory_space<hbm>>
      tpu.wait_dma2 semaphore(%arg16 : memref<!tpu.dma_semaphore, #tpu.memory_space<semaphore_mem>>) src(%dma_wait3A_25 : memref<400xi32, #tpu.memory_space<hbm>>) dst(%arg8 : memref<400xi32, #tpu.memory_space<vmem>>)
      %scan3A_26 = arith.constant 0 : i32
      %scan3A_27 = arith.constant 0 : i32
      %scan3A_28 = arith.constant 25 : i32
      %scan3A_29 = arith.addi %scan3A_27, %scan3A_28 : i32
      %scan3A_30 = arith.constant 1 : i32
      scf.for %scan3A_50 = %scan3A_27 to %scan3A_29 step %scan3A_30  : i32 {
        %mul3A_51 = arith.constant 16 : i32
        %mul3A_52 = arith.muli %scan3A_50, %mul3A_51 : i32
        %get3A = arith.index_cast %mul3A_52 : i32 to index
        %get3A_53 = tpu.vector_load %arg8[%get3A] {strides = array<i32>} : memref<400xi32, #tpu.memory_space<vmem>>, vector<16xi32>,
        %get3A_54 = vector.shape_cast %get3A_53 : vector<16xi32> to vector<16xi32>
        %get3A_55 = arith.index_cast %mul3A_52 : i32 to index
        %get3A_56 = tpu.vector_load %arg7[%get3A_55] {strides = array<i32>} : memref<400xi32, #tpu.memory_space<vmem>>, vector<16xi32>,
        %get3A_57 = vector.shape_cast %get3A_56 : vector<16xi32> to vector<16xi32>
        %ge3A = vector.broadcast %mul3A_12 : i32 to vector<16xi32>
        %ge3A_58 = arith.cmpi sge, %get3A_54, %ge3A : vector<16xi32>
        %add3A_59 = arith.constant 9472 : i32
        %add3A_60 = arith.addi %mul3A_12, %add3A_59 : i32
        %lt3A = vector.broadcast %add3A_60 : i32 to vector<16xi32>
        %lt3A_61 = arith.cmpi slt, %get3A_54, %lt3A : vector<16xi32>
        %and3A = arith.andi %ge3A_58, %lt3A_61 : vector<16xi1>
        %jit3A = arith.constant -1 : i32
        %broadcast_in_dim3A = vector.broadcast %jit3A : i32 to vector<16xi32>
        %select_n3A = arith.select %and3A, %get3A_57, %broadcast_in_dim3A : vector<16xi1>, vector<16xi32>
        %swap3A = arith.index_cast %mul3A_52 : i32 to index
        %swap3A_62 = tpu.vector_load %arg9[%swap3A] {strides = array<i32>} : memref<400xi32, #tpu.memory_space<vmem>>, vector<16xi32>,
        %swap3A_63 = vector.shape_cast %swap3A_62 : vector<16xi32> to vector<16xi32>
        %swap3A_64 = vector.shape_cast %select_n3A : vector<16xi32> to vector<16xi32>
        tpu.vector_store %arg9[%swap3A], %swap3A_64 {strides = array<i32>} : memref<400xi32, #tpu.memory_space<vmem>>, vector<16xi32>,
        %sub3A = vector.broadcast %mul3A_12 : i32 to vector<16xi32>
        %sub3A_65 = arith.subi %get3A_54, %sub3A : vector<16xi32>
        %jit3A_66 = arith.constant -1 : i32
        %broadcast_in_dim3A_67 = vector.broadcast %jit3A_66 : i32 to vector<16xi32>
        %select_n3A_68 = arith.select %and3A, %sub3A_65, %broadcast_in_dim3A_67 : vector<16xi1>, vector<16xi32>
        %swap3A_69 = arith.index_cast %mul3A_52 : i32 to index
        %swap3A_70 = tpu.vector_load %arg10[%swap3A_69] {strides = array<i32>} : memref<400xi32, #tpu.memory_space<vmem>>, vector<16xi32>,
        %swap3A_71 = vector.shape_cast %swap3A_70 : vector<16xi32> to vector<16xi32>
        %swap3A_72 = vector.shape_cast %select_n3A_68 : vector<16xi32> to vector<16xi32>
        tpu.vector_store %arg10[%swap3A_69], %swap3A_72 {strides = array<i32>} : memref<400xi32, #tpu.memory_space<vmem>>, vector<16xi32>,
      }
      %scan3A_31 = arith.constant 25 : i32
      %scan3A_32 = arith.constant 0 : i32
      %scan3A_33 = arith.constant 0 : i32
      %scan3A_34 = arith.constant 250 : i32
      %scan3A_35 = arith.addi %scan3A_33, %scan3A_34 : i32
      %scan3A_36 = arith.constant 1 : i32
      scf.for %scan3A_50 = %scan3A_33 to %scan3A_35 step %scan3A_36  : i32 {
        %mul3A_51 = arith.constant 2 : i32
        %mul3A_52 = arith.muli %mul3A_51, %scan3A_50 : i32
        %add3A_53 = arith.constant 1 : i32
        %add3A_54 = arith.addi %mul3A_52, %add3A_53 : i32
        %dma_start3A_55 = arith.constant 0 : i32
        %dma_start3A_56 = arith.constant 0 : i32
        %dma_start3A_57 = tpu.memref_slice %arg2[%dma_start3A_55, %dma_start3A_56] : memref<100000x128xf32, #tpu.memory_space<hbm>> -> memref<100000x128xf32, #tpu.memory_space<hbm>>
        %dma_start3A_58 = arith.constant -1 : i32
        tpu.enqueue_indirect_dma source(%dma_start3A_57 : memref<100000x128xf32, #tpu.memory_space<hbm>>) target(%arg13 : memref<400x128xf32, #tpu.memory_space<vmem>>) offsets(%arg9 : memref<400xi32, #tpu.memory_space<vmem>>) offset_filter(%dma_start3A_58) semaphore(%arg15 : memref<!tpu.dma_semaphore, #tpu.memory_space<semaphore_mem>>)
        %mul3A_59 = arith.constant 400 : i32
        %mul3A_60 = arith.muli %add3A_54, %mul3A_59 : i32
        %min3A_61 = arith.constant 199600 : i32
        %min3A_62 = arith.minsi %mul3A_60, %min3A_61 : i32
        %add3A_63 = arith.addi %mul3A_0, %min3A_62 : i32
        %dma_start3A_64 = tpu.memref_slice %arg3[%add3A_63] : memref<3200000xi32, #tpu.memory_space<hbm>> -> memref<400xi32, #tpu.memory_space<hbm>>
        %dma_start3A_65 = tpu.memref_slice %arg3[%add3A_63] : memref<3200000xi32, #tpu.memory_space<hbm>> -> memref<400xi32, #tpu.memory_space<hbm>>
        tpu.enqueue_dma source(%dma_start3A_65 : memref<400xi32, #tpu.memory_space<hbm>>) target(%arg7 : memref<400xi32, #tpu.memory_space<vmem>>) target_semaphore(%arg16 : memref<!tpu.dma_semaphore, #tpu.memory_space<semaphore_mem>>)
        %dma_start3A_66 = tpu.memref_slice %arg4[%add3A_63] : memref<3200000xi32, #tpu.memory_space<hbm>> -> memref<400xi32, #tpu.memory_space<hbm>>
        %dma_start3A_67 = tpu.memref_slice %arg4[%add3A_63] : memref<3200000xi32, #tpu.memory_space<hbm>> -> memref<400xi32, #tpu.memory_space<hbm>>
        tpu.enqueue_dma source(%dma_start3A_67 : memref<400xi32, #tpu.memory_space<hbm>>) target(%arg8 : memref<400xi32, #tpu.memory_space<vmem>>) target_semaphore(%arg16 : memref<!tpu.dma_semaphore, #tpu.memory_space<semaphore_mem>>)
        %dma_wait3A_68 = tpu.memref_slice %arg3[%add3A_63] : memref<3200000xi32, #tpu.memory_space<hbm>> -> memref<400xi32, #tpu.memory_space<hbm>>
        %dma_wait3A_69 = tpu.memref_slice %arg3[%add3A_63] : memref<3200000xi32, #tpu.memory_space<hbm>> -> memref<400xi32, #tpu.memory_space<hbm>>
        tpu.wait_dma2 semaphore(%arg16 : memref<!tpu.dma_semaphore, #tpu.memory_space<semaphore_mem>>) src(%dma_wait3A_69 : memref<400xi32, #tpu.memory_space<hbm>>) dst(%arg7 : memref<400xi32, #tpu.memory_space<vmem>>)
        %dma_wait3A_70 = tpu.memref_slice %arg4[%add3A_63] : memref<3200000xi32, #tpu.memory_space<hbm>> -> memref<400xi32, #tpu.memory_space<hbm>>
        %dma_wait3A_71 = tpu.memref_slice %arg4[%add3A_63] : memref<3200000xi32, #tpu.memory_space<hbm>> -> memref<400xi32, #tpu.memory_space<hbm>>
        tpu.wait_dma2 semaphore(%arg16 : memref<!tpu.dma_semaphore, #tpu.memory_space<semaphore_mem>>) src(%dma_wait3A_71 : memref<400xi32, #tpu.memory_space<hbm>>) dst(%arg8 : memref<400xi32, #tpu.memory_space<vmem>>)
        %scan3A_72 = arith.constant 0 : i32
        %scan3A_73 = arith.constant 0 : i32
        %scan3A_74 = arith.constant 25 : i32
        %scan3A_75 = arith.addi %scan3A_73, %scan3A_74 : i32
        %scan3A_76 = arith.constant 1 : i32
        scf.for %scan3A_109 = %scan3A_73 to %scan3A_75 step %scan3A_76  : i32 {
          %mul3A_110 = arith.constant 16 : i32
          %mul3A_111 = arith.muli %scan3A_109, %mul3A_110 : i32
          %get3A = arith.index_cast %mul3A_111 : i32 to index
          %get3A_112 = tpu.vector_load %arg8[%get3A] {strides = array<i32>} : memref<400xi32, #tpu.memory_space<vmem>>, vector<16xi32>,
          %get3A_113 = vector.shape_cast %get3A_112 : vector<16xi32> to vector<16xi32>
          %get3A_114 = arith.index_cast %mul3A_111 : i32 to index
          %get3A_115 = tpu.vector_load %arg7[%get3A_114] {strides = array<i32>} : memref<400xi32, #tpu.memory_space<vmem>>, vector<16xi32>,
          %get3A_116 = vector.shape_cast %get3A_115 : vector<16xi32> to vector<16xi32>
          %ge3A = vector.broadcast %mul3A_12 : i32 to vector<16xi32>
          %ge3A_117 = arith.cmpi sge, %get3A_113, %ge3A : vector<16xi32>
          %add3A_118 = arith.constant 9472 : i32
          %add3A_119 = arith.addi %mul3A_12, %add3A_118 : i32
          %lt3A = vector.broadcast %add3A_119 : i32 to vector<16xi32>
          %lt3A_120 = arith.cmpi slt, %get3A_113, %lt3A : vector<16xi32>
          %and3A = arith.andi %ge3A_117, %lt3A_120 : vector<16xi1>
          %jit3A = arith.constant -1 : i32
          %broadcast_in_dim3A = vector.broadcast %jit3A : i32 to vector<16xi32>
          %select_n3A = arith.select %and3A, %get3A_116, %broadcast_in_dim3A : vector<16xi1>, vector<16xi32>
          %swap3A = arith.index_cast %mul3A_111 : i32 to index
          %swap3A_121 = tpu.vector_load %arg11[%swap3A] {strides = array<i32>} : memref<400xi32, #tpu.memory_space<vmem>>, vector<16xi32>,
          %swap3A_122 = vector.shape_cast %swap3A_121 : vector<16xi32> to vector<16xi32>
          %swap3A_123 = vector.shape_cast %select_n3A : vector<16xi32> to vector<16xi32>
          tpu.vector_store %arg11[%swap3A], %swap3A_123 {strides = array<i32>} : memref<400xi32, #tpu.memory_space<vmem>>, vector<16xi32>,
          %sub3A = vector.broadcast %mul3A_12 : i32 to vector<16xi32>
          %sub3A_124 = arith.subi %get3A_113, %sub3A : vector<16xi32>
          %jit3A_125 = arith.constant -1 : i32
          %broadcast_in_dim3A_126 = vector.broadcast %jit3A_125 : i32 to vector<16xi32>
          %select_n3A_127 = arith.select %and3A, %sub3A_124, %broadcast_in_dim3A_126 : vector<16xi1>, vector<16xi32>
          %swap3A_128 = arith.index_cast %mul3A_111 : i32 to index
          %swap3A_129 = tpu.vector_load %arg12[%swap3A_128] {strides = array<i32>} : memref<400xi32, #tpu.memory_space<vmem>>, vector<16xi32>,
          %swap3A_130 = vector.shape_cast %swap3A_129 : vector<16xi32> to vector<16xi32>
          %swap3A_131 = vector.shape_cast %select_n3A_127 : vector<16xi32> to vector<16xi32>
          tpu.vector_store %arg12[%swap3A_128], %swap3A_131 {strides = array<i32>} : memref<400xi32, #tpu.memory_space<vmem>>, vector<16xi32>,
        }
        %scan3A_77 = arith.constant 25 : i32
        %dma_wait3A_78 = arith.constant 0 : i32
        %dma_wait3A_79 = arith.constant 0 : i32
        %dma_wait3A_80 = tpu.memref_slice %arg2[%dma_wait3A_78, %dma_wait3A_79] : memref<100000x128xf32, #tpu.memory_space<hbm>> -> memref<100000x128xf32, #tpu.memory_space<hbm>>
        tpu.wait_indirect_dma semaphore(%arg15 : memref<!tpu.dma_semaphore, #tpu.memory_space<semaphore_mem>>) src(%dma_wait3A_80 : memref<100000x128xf32, #tpu.memory_space<hbm>>) dst(%arg13 : memref<400x128xf32, #tpu.memory_space<vmem>>)
        "tpu.region"() ({
          %run_scoped3A = tpu.sem_alloc : memref<!tpu.dma_semaphore, #tpu.memory_space<semaphore_mem>>
          %dma_start3A_109 = arith.constant 0 : i32
          %dma_start3A_110 = arith.constant 0 : i32
          %dma_start3A_111 = tpu.memref_slice %arg14[%dma_start3A_109, %dma_start3A_110] : memref<9472x128xf32, #tpu.memory_space<vmem_shared>> -> memref<9472x128xf32, #tpu.memory_space<vmem_shared>>
          %dma_start3A_112 = arith.constant -1 : i32
          tpu.enqueue_indirect_dma source(%arg13 : memref<400x128xf32, #tpu.memory_space<vmem>>) target(%dma_start3A_111 : memref<9472x128xf32, #tpu.memory_space<vmem_shared>>) offsets(%arg10 : memref<400xi32, #tpu.memory_space<vmem>>) offset_filter(%dma_start3A_112) semaphore(%run_scoped3A : memref<!tpu.dma_semaphore, #tpu.memory_space<semaphore_mem>>) {add = true}
          %dma_wait3A_113 = arith.constant 0 : i32
          %dma_wait3A_114 = arith.constant 0 : i32
          %dma_wait3A_115 = tpu.memref_slice %arg14[%dma_wait3A_113, %dma_wait3A_114] : memref<9472x128xf32, #tpu.memory_space<vmem_shared>> -> memref<9472x128xf32, #tpu.memory_space<vmem_shared>>
          tpu.wait_indirect_dma semaphore(%run_scoped3A : memref<!tpu.dma_semaphore, #tpu.memory_space<semaphore_mem>>) src(%arg13 : memref<400x128xf32, #tpu.memory_space<vmem>>) dst(%dma_wait3A_115 : memref<9472x128xf32, #tpu.memory_space<vmem_shared>>)
          tpu.yield
        }) : () -> ()
        %add3A_81 = arith.constant 2 : i32
        %add3A_82 = arith.addi %mul3A_52, %add3A_81 : i32
        %dma_start3A_83 = arith.constant 0 : i32
        %dma_start3A_84 = arith.constant 0 : i32
        %dma_start3A_85 = tpu.memref_slice %arg2[%dma_start3A_83, %dma_start3A_84] : memref<100000x128xf32, #tpu.memory_space<hbm>> -> memref<100000x128xf32, #tpu.memory_space<hbm>>
        %dma_start3A_86 = arith.constant -1 : i32
        tpu.enqueue_indirect_dma source(%dma_start3A_85 : memref<100000x128xf32, #tpu.memory_space<hbm>>) target(%arg13 : memref<400x128xf32, #tpu.memory_space<vmem>>) offsets(%arg11 : memref<400xi32, #tpu.memory_space<vmem>>) offset_filter(%dma_start3A_86) semaphore(%arg15 : memref<!tpu.dma_semaphore, #tpu.memory_space<semaphore_mem>>)
        %mul3A_87 = arith.constant 400 : i32
        %mul3A_88 = arith.muli %add3A_82, %mul3A_87 : i32
        %min3A_89 = arith.constant 199600 : i32
        %min3A_90 = arith.minsi %mul3A_88, %min3A_89 : i32
        %add3A_91 = arith.addi %mul3A_0, %min3A_90 : i32
        %dma_start3A_92 = tpu.memref_slice %arg3[%add3A_91] : memref<3200000xi32, #tpu.memory_space<hbm>> -> memref<400xi32, #tpu.memory_space<hbm>>
        %dma_start3A_93 = tpu.memref_slice %arg3[%add3A_91] : memref<3200000xi32, #tpu.memory_space<hbm>> -> memref<400xi32, #tpu.memory_space<hbm>>
        tpu.enqueue_dma source(%dma_start3A_93 : memref<400xi32, #tpu.memory_space<hbm>>) target(%arg7 : memref<400xi32, #tpu.memory_space<vmem>>) target_semaphore(%arg16 : memref<!tpu.dma_semaphore, #tpu.memory_space<semaphore_mem>>)
        %dma_start3A_94 = tpu.memref_slice %arg4[%add3A_91] : memref<3200000xi32, #tpu.memory_space<hbm>> -> memref<400xi32, #tpu.memory_space<hbm>>
        %dma_start3A_95 = tpu.memref_slice %arg4[%add3A_91] : memref<3200000xi32, #tpu.memory_space<hbm>> -> memref<400xi32, #tpu.memory_space<hbm>>
        tpu.enqueue_dma source(%dma_start3A_95 : memref<400xi32, #tpu.memory_space<hbm>>) target(%arg8 : memref<400xi32, #tpu.memory_space<vmem>>) target_semaphore(%arg16 : memref<!tpu.dma_semaphore, #tpu.memory_space<semaphore_mem>>)
        %dma_wait3A_96 = tpu.memref_slice %arg3[%add3A_91] : memref<3200000xi32, #tpu.memory_space<hbm>> -> memref<400xi32, #tpu.memory_space<hbm>>
        %dma_wait3A_97 = tpu.memref_slice %arg3[%add3A_91] : memref<3200000xi32, #tpu.memory_space<hbm>> -> memref<400xi32, #tpu.memory_space<hbm>>
        tpu.wait_dma2 semaphore(%arg16 : memref<!tpu.dma_semaphore, #tpu.memory_space<semaphore_mem>>) src(%dma_wait3A_97 : memref<400xi32, #tpu.memory_space<hbm>>) dst(%arg7 : memref<400xi32, #tpu.memory_space<vmem>>)
        %dma_wait3A_98 = tpu.memref_slice %arg4[%add3A_91] : memref<3200000xi32, #tpu.memory_space<hbm>> -> memref<400xi32, #tpu.memory_space<hbm>>
        %dma_wait3A_99 = tpu.memref_slice %arg4[%add3A_91] : memref<3200000xi32, #tpu.memory_space<hbm>> -> memref<400xi32, #tpu.memory_space<hbm>>
        tpu.wait_dma2 semaphore(%arg16 : memref<!tpu.dma_semaphore, #tpu.memory_space<semaphore_mem>>) src(%dma_wait3A_99 : memref<400xi32, #tpu.memory_space<hbm>>) dst(%arg8 : memref<400xi32, #tpu.memory_space<vmem>>)
        %scan3A_100 = arith.constant 0 : i32
        %scan3A_101 = arith.constant 0 : i32
        %scan3A_102 = arith.constant 25 : i32
        %scan3A_103 = arith.addi %scan3A_101, %scan3A_102 : i32
        %scan3A_104 = arith.constant 1 : i32
        scf.for %scan3A_109 = %scan3A_101 to %scan3A_103 step %scan3A_104  : i32 {
          %mul3A_110 = arith.constant 16 : i32
          %mul3A_111 = arith.muli %scan3A_109, %mul3A_110 : i32
          %get3A = arith.index_cast %mul3A_111 : i32 to index
          %get3A_112 = tpu.vector_load %arg8[%get3A] {strides = array<i32>} : memref<400xi32, #tpu.memory_space<vmem>>, vector<16xi32>,
          %get3A_113 = vector.shape_cast %get3A_112 : vector<16xi32> to vector<16xi32>
          %get3A_114 = arith.index_cast %mul3A_111 : i32 to index
          %get3A_115 = tpu.vector_load %arg7[%get3A_114] {strides = array<i32>} : memref<400xi32, #tpu.memory_space<vmem>>, vector<16xi32>,
          %get3A_116 = vector.shape_cast %get3A_115 : vector<16xi32> to vector<16xi32>
          %ge3A = vector.broadcast %mul3A_12 : i32 to vector<16xi32>
          %ge3A_117 = arith.cmpi sge, %get3A_113, %ge3A : vector<16xi32>
          %add3A_118 = arith.constant 9472 : i32
          %add3A_119 = arith.addi %mul3A_12, %add3A_118 : i32
          %lt3A = vector.broadcast %add3A_119 : i32 to vector<16xi32>
          %lt3A_120 = arith.cmpi slt, %get3A_113, %lt3A : vector<16xi32>
          %and3A = arith.andi %ge3A_117, %lt3A_120 : vector<16xi1>
          %jit3A = arith.constant -1 : i32
          %broadcast_in_dim3A = vector.broadcast %jit3A : i32 to vector<16xi32>
          %select_n3A = arith.select %and3A, %get3A_116, %broadcast_in_dim3A : vector<16xi1>, vector<16xi32>
          %swap3A = arith.index_cast %mul3A_111 : i32 to index
          %swap3A_121 = tpu.vector_load %arg9[%swap3A] {strides = array<i32>} : memref<400xi32, #tpu.memory_space<vmem>>, vector<16xi32>,
          %swap3A_122 = vector.shape_cast %swap3A_121 : vector<16xi32> to vector<16xi32>
          %swap3A_123 = vector.shape_cast %select_n3A : vector<16xi32> to vector<16xi32>
          tpu.vector_store %arg9[%swap3A], %swap3A_123 {strides = array<i32>} : memref<400xi32, #tpu.memory_space<vmem>>, vector<16xi32>,
          %sub3A = vector.broadcast %mul3A_12 : i32 to vector<16xi32>
          %sub3A_124 = arith.subi %get3A_113, %sub3A : vector<16xi32>
          %jit3A_125 = arith.constant -1 : i32
          %broadcast_in_dim3A_126 = vector.broadcast %jit3A_125 : i32 to vector<16xi32>
          %select_n3A_127 = arith.select %and3A, %sub3A_124, %broadcast_in_dim3A_126 : vector<16xi1>, vector<16xi32>
          %swap3A_128 = arith.index_cast %mul3A_111 : i32 to index
          %swap3A_129 = tpu.vector_load %arg10[%swap3A_128] {strides = array<i32>} : memref<400xi32, #tpu.memory_space<vmem>>, vector<16xi32>,
          %swap3A_130 = vector.shape_cast %swap3A_129 : vector<16xi32> to vector<16xi32>
          %swap3A_131 = vector.shape_cast %select_n3A_127 : vector<16xi32> to vector<16xi32>
          tpu.vector_store %arg10[%swap3A_128], %swap3A_131 {strides = array<i32>} : memref<400xi32, #tpu.memory_space<vmem>>, vector<16xi32>,
        }
        %scan3A_105 = arith.constant 25 : i32
        %dma_wait3A_106 = arith.constant 0 : i32
        %dma_wait3A_107 = arith.constant 0 : i32
        %dma_wait3A_108 = tpu.memref_slice %arg2[%dma_wait3A_106, %dma_wait3A_107] : memref<100000x128xf32, #tpu.memory_space<hbm>> -> memref<100000x128xf32, #tpu.memory_space<hbm>>
        tpu.wait_indirect_dma semaphore(%arg15 : memref<!tpu.dma_semaphore, #tpu.memory_space<semaphore_mem>>) src(%dma_wait3A_108 : memref<100000x128xf32, #tpu.memory_space<hbm>>) dst(%arg13 : memref<400x128xf32, #tpu.memory_space<vmem>>)
        "tpu.region"() ({
          %run_scoped3A = tpu.sem_alloc : memref<!tpu.dma_semaphore, #tpu.memory_space<semaphore_mem>>
          %dma_start3A_109 = arith.constant 0 : i32
          %dma_start3A_110 = arith.constant 0 : i32
          %dma_start3A_111 = tpu.memref_slice %arg14[%dma_start3A_109, %dma_start3A_110] : memref<9472x128xf32, #tpu.memory_space<vmem_shared>> -> memref<9472x128xf32, #tpu.memory_space<vmem_shared>>
          %dma_start3A_112 = arith.constant -1 : i32
          tpu.enqueue_indirect_dma source(%arg13 : memref<400x128xf32, #tpu.memory_space<vmem>>) target(%dma_start3A_111 : memref<9472x128xf32, #tpu.memory_space<vmem_shared>>) offsets(%arg12 : memref<400xi32, #tpu.memory_space<vmem>>) offset_filter(%dma_start3A_112) semaphore(%run_scoped3A : memref<!tpu.dma_semaphore, #tpu.memory_space<semaphore_mem>>) {add = true}
          %dma_wait3A_113 = arith.constant 0 : i32
          %dma_wait3A_114 = arith.constant 0 : i32
          %dma_wait3A_115 = tpu.memref_slice %arg14[%dma_wait3A_113, %dma_wait3A_114] : memref<9472x128xf32, #tpu.memory_space<vmem_shared>> -> memref<9472x128xf32, #tpu.memory_space<vmem_shared>>
          tpu.wait_indirect_dma semaphore(%run_scoped3A : memref<!tpu.dma_semaphore, #tpu.memory_space<semaphore_mem>>) src(%arg13 : memref<400x128xf32, #tpu.memory_space<vmem>>) dst(%dma_wait3A_115 : memref<9472x128xf32, #tpu.memory_space<vmem_shared>>)
          tpu.yield
        }) : () -> ()
      }
      %scan3A_37 = arith.constant 250 : i32
      %barrier3A_38 = arith.constant 0 : index
      tpu.barrier barrier_id(%barrier3A_38)
      %add3A_39 = arith.constant 0 : i32
      %add3A_40 = arith.addi %mul3A_2, %add3A_39 : i32
      "tpu.region"() ({
        %run_scoped3A = tpu.sem_alloc : memref<!tpu.dma_semaphore, #tpu.memory_space<semaphore_mem>>
        %dma_start3A_50 = arith.constant 0 : i32
        %dma_start3A_51 = arith.constant 0 : i32
        %dma_start3A_52 = tpu.memref_slice %arg13[%dma_start3A_50, %dma_start3A_51] : memref<400x128xf32, #tpu.memory_space<vmem>> -> memref<400x128xf32, #tpu.memory_space<vmem>>
        %dma_start3A_53 = arith.constant 0 : i32
        %dma_start3A_54 = tpu.memref_slice %arg14[%add3A_40, %dma_start3A_53] : memref<9472x128xf32, #tpu.memory_space<vmem_shared>> -> memref<400x128xf32, #tpu.memory_space<vmem_shared>>
        %dma_start3A_55 = arith.constant 0 : i32
        %dma_start3A_56 = arith.constant 0 : i32
        %dma_start3A_57 = tpu.memref_slice %arg13[%dma_start3A_55, %dma_start3A_56] : memref<400x128xf32, #tpu.memory_space<vmem>> -> memref<400x128xf32, #tpu.memory_space<vmem>>
        %dma_start3A_58 = arith.constant 0 : i32
        %dma_start3A_59 = tpu.memref_slice %arg14[%add3A_40, %dma_start3A_58] : memref<9472x128xf32, #tpu.memory_space<vmem_shared>> -> memref<400x128xf32, #tpu.memory_space<vmem_shared>>
        tpu.enqueue_dma source(%dma_start3A_59 : memref<400x128xf32, #tpu.memory_space<vmem_shared>>) target(%dma_start3A_57 : memref<400x128xf32, #tpu.memory_space<vmem>>) target_semaphore(%run_scoped3A : memref<!tpu.dma_semaphore, #tpu.memory_space<semaphore_mem>>)
        %dma_wait3A_60 = arith.constant 0 : i32
        %dma_wait3A_61 = arith.constant 0 : i32
        %dma_wait3A_62 = tpu.memref_slice %arg13[%dma_wait3A_60, %dma_wait3A_61] : memref<400x128xf32, #tpu.memory_space<vmem>> -> memref<400x128xf32, #tpu.memory_space<vmem>>
        %dma_wait3A_63 = arith.constant 0 : i32
        %dma_wait3A_64 = tpu.memref_slice %arg14[%add3A_40, %dma_wait3A_63] : memref<9472x128xf32, #tpu.memory_space<vmem_shared>> -> memref<400x128xf32, #tpu.memory_space<vmem_shared>>
        %dma_wait3A_65 = arith.constant 0 : i32
        %dma_wait3A_66 = arith.constant 0 : i32
        %dma_wait3A_67 = tpu.memref_slice %arg13[%dma_wait3A_65, %dma_wait3A_66] : memref<400x128xf32, #tpu.memory_space<vmem>> -> memref<400x128xf32, #tpu.memory_space<vmem>>
        %dma_wait3A_68 = arith.constant 0 : i32
        %dma_wait3A_69 = tpu.memref_slice %arg14[%add3A_40, %dma_wait3A_68] : memref<9472x128xf32, #tpu.memory_space<vmem_shared>> -> memref<400x128xf32, #tpu.memory_space<vmem_shared>>
        tpu.wait_dma2 semaphore(%run_scoped3A : memref<!tpu.dma_semaphore, #tpu.memory_space<semaphore_mem>>) src(%dma_wait3A_69 : memref<400x128xf32, #tpu.memory_space<vmem_shared>>) dst(%dma_wait3A_67 : memref<400x128xf32, #tpu.memory_space<vmem>>)
        tpu.yield
      }) : () -> ()
      %add3A_41 = arith.addi %mul3A_12, %mul3A_2 : i32
      %add3A_42 = arith.constant 0 : i32
      %add3A_43 = arith.addi %add3A_41, %add3A_42 : i32
      "tpu.region"() ({
        %run_scoped3A = tpu.sem_alloc : memref<!tpu.dma_semaphore, #tpu.memory_space<semaphore_mem>>
        %dma_start3A_50 = arith.constant 0 : i32
        %dma_start3A_51 = arith.constant 0 : i32
        %dma_start3A_52 = tpu.memref_slice %arg13[%dma_start3A_50, %dma_start3A_51] : memref<400x128xf32, #tpu.memory_space<vmem>> -> memref<400x128xf32, #tpu.memory_space<vmem>>
        %dma_start3A_53 = arith.constant 0 : i32
        %dma_start3A_54 = tpu.memref_slice %arg6[%add3A_43, %dma_start3A_53] : memref<113664x128xf32, #tpu.memory_space<hbm>> -> memref<400x128xf32, #tpu.memory_space<hbm>>
        %dma_start3A_55 = arith.constant 0 : i32
        %dma_start3A_56 = tpu.memref_slice %arg6[%add3A_43, %dma_start3A_55] : memref<113664x128xf32, #tpu.memory_space<hbm>> -> memref<400x128xf32, #tpu.memory_space<hbm>>
        %dma_start3A_57 = arith.constant 0 : i32
        %dma_start3A_58 = arith.constant 0 : i32
        %dma_start3A_59 = tpu.memref_slice %arg13[%dma_start3A_57, %dma_start3A_58] : memref<400x128xf32, #tpu.memory_space<vmem>> -> memref<400x128xf32, #tpu.memory_space<vmem>>
        tpu.enqueue_dma source(%dma_start3A_59 : memref<400x128xf32, #tpu.memory_space<vmem>>) target(%dma_start3A_56 : memref<400x128xf32, #tpu.memory_space<hbm>>) target_semaphore(%run_scoped3A : memref<!tpu.dma_semaphore, #tpu.memory_space<semaphore_mem>>)
        %dma_wait3A_60 = arith.constant 0 : i32
        %dma_wait3A_61 = arith.constant 0 : i32
        %dma_wait3A_62 = tpu.memref_slice %arg13[%dma_wait3A_60, %dma_wait3A_61] : memref<400x128xf32, #tpu.memory_space<vmem>> -> memref<400x128xf32, #tpu.memory_space<vmem>>
        %dma_wait3A_63 = arith.constant 0 : i32
        %dma_wait3A_64 = tpu.memref_slice %arg6[%add3A_43, %dma_wait3A_63] : memref<113664x128xf32, #tpu.memory_space<hbm>> -> memref<400x128xf32, #tpu.memory_space<hbm>>
        %dma_wait3A_65 = arith.constant 0 : i32
        %dma_wait3A_66 = tpu.memref_slice %arg6[%add3A_43, %dma_wait3A_65] : memref<113664x128xf32, #tpu.memory_space<hbm>> -> memref<400x128xf32, #tpu.memory_space<hbm>>
        %dma_wait3A_67 = arith.constant 0 : i32
        %dma_wait3A_68 = arith.constant 0 : i32
        %dma_wait3A_69 = tpu.memref_slice %arg13[%dma_wait3A_67, %dma_wait3A_68] : memref<400x128xf32, #tpu.memory_space<vmem>> -> memref<400x128xf32, #tpu.memory_space<vmem>>
        tpu.wait_dma2 semaphore(%run_scoped3A : memref<!tpu.dma_semaphore, #tpu.memory_space<semaphore_mem>>) src(%dma_wait3A_69 : memref<400x128xf32, #tpu.memory_space<vmem>>) dst(%dma_wait3A_66 : memref<400x128xf32, #tpu.memory_space<hbm>>)
        tpu.yield
      }) : () -> ()
      %add3A_44 = arith.constant 400 : i32
      %add3A_45 = arith.addi %mul3A_2, %add3A_44 : i32
      "tpu.region"() ({
        %run_scoped3A = tpu.sem_alloc : memref<!tpu.dma_semaphore, #tpu.memory_space<semaphore_mem>>
        %dma_start3A_50 = arith.constant 0 : i32
        %dma_start3A_51 = arith.constant 0 : i32
        %dma_start3A_52 = tpu.memref_slice %arg13[%dma_start3A_50, %dma_start3A_51] : memref<400x128xf32, #tpu.memory_space<vmem>> -> memref<192x128xf32, #tpu.memory_space<vmem>>
        %dma_start3A_53 = arith.constant 0 : i32
        %dma_start3A_54 = tpu.memref_slice %arg14[%add3A_45, %dma_start3A_53] : memref<9472x128xf32, #tpu.memory_space<vmem_shared>> -> memref<192x128xf32, #tpu.memory_space<vmem_shared>>
        %dma_start3A_55 = arith.constant 0 : i32
        %dma_start3A_56 = arith.constant 0 : i32
        %dma_start3A_57 = tpu.memref_slice %arg13[%dma_start3A_55, %dma_start3A_56] : memref<400x128xf32, #tpu.memory_space<vmem>> -> memref<192x128xf32, #tpu.memory_space<vmem>>
        %dma_start3A_58 = arith.constant 0 : i32
        %dma_start3A_59 = tpu.memref_slice %arg14[%add3A_45, %dma_start3A_58] : memref<9472x128xf32, #tpu.memory_space<vmem_shared>> -> memref<192x128xf32, #tpu.memory_space<vmem_shared>>
        tpu.enqueue_dma source(%dma_start3A_59 : memref<192x128xf32, #tpu.memory_space<vmem_shared>>) target(%dma_start3A_57 : memref<192x128xf32, #tpu.memory_space<vmem>>) target_semaphore(%run_scoped3A : memref<!tpu.dma_semaphore, #tpu.memory_space<semaphore_mem>>)
        %dma_wait3A_60 = arith.constant 0 : i32
        %dma_wait3A_61 = arith.constant 0 : i32
        %dma_wait3A_62 = tpu.memref_slice %arg13[%dma_wait3A_60, %dma_wait3A_61] : memref<400x128xf32, #tpu.memory_space<vmem>> -> memref<192x128xf32, #tpu.memory_space<vmem>>
        %dma_wait3A_63 = arith.constant 0 : i32
        %dma_wait3A_64 = tpu.memref_slice %arg14[%add3A_45, %dma_wait3A_63] : memref<9472x128xf32, #tpu.memory_space<vmem_shared>> -> memref<192x128xf32, #tpu.memory_space<vmem_shared>>
        %dma_wait3A_65 = arith.constant 0 : i32
        %dma_wait3A_66 = arith.constant 0 : i32
        %dma_wait3A_67 = tpu.memref_slice %arg13[%dma_wait3A_65, %dma_wait3A_66] : memref<400x128xf32, #tpu.memory_space<vmem>> -> memref<192x128xf32, #tpu.memory_space<vmem>>
        %dma_wait3A_68 = arith.constant 0 : i32
        %dma_wait3A_69 = tpu.memref_slice %arg14[%add3A_45, %dma_wait3A_68] : memref<9472x128xf32, #tpu.memory_space<vmem_shared>> -> memref<192x128xf32, #tpu.memory_space<vmem_shared>>
        tpu.wait_dma2 semaphore(%run_scoped3A : memref<!tpu.dma_semaphore, #tpu.memory_space<semaphore_mem>>) src(%dma_wait3A_69 : memref<192x128xf32, #tpu.memory_space<vmem_shared>>) dst(%dma_wait3A_67 : memref<192x128xf32, #tpu.memory_space<vmem>>)
        tpu.yield
      }) : () -> ()
      %add3A_46 = arith.addi %mul3A_12, %mul3A_2 : i32
      %add3A_47 = arith.constant 400 : i32
      %add3A_48 = arith.addi %add3A_46, %add3A_47 : i32
      "tpu.region"() ({
        %run_scoped3A = tpu.sem_alloc : memref<!tpu.dma_semaphore, #tpu.memory_space<semaphore_mem>>
        %dma_start3A_50 = arith.constant 0 : i32
        %dma_start3A_51 = arith.constant 0 : i32
        %dma_start3A_52 = tpu.memref_slice %arg13[%dma_start3A_50, %dma_start3A_51] : memref<400x128xf32, #tpu.memory_space<vmem>> -> memref<192x128xf32, #tpu.memory_space<vmem>>
        %dma_start3A_53 = arith.constant 0 : i32
        %dma_start3A_54 = tpu.memref_slice %arg6[%add3A_48, %dma_start3A_53] : memref<113664x128xf32, #tpu.memory_space<hbm>> -> memref<192x128xf32, #tpu.memory_space<hbm>>
        %dma_start3A_55 = arith.constant 0 : i32
        %dma_start3A_56 = tpu.memref_slice %arg6[%add3A_48, %dma_start3A_55] : memref<113664x128xf32, #tpu.memory_space<hbm>> -> memref<192x128xf32, #tpu.memory_space<hbm>>
        %dma_start3A_57 = arith.constant 0 : i32
        %dma_start3A_58 = arith.constant 0 : i32
        %dma_start3A_59 = tpu.memref_slice %arg13[%dma_start3A_57, %dma_start3A_58] : memref<400x128xf32, #tpu.memory_space<vmem>> -> memref<192x128xf32, #tpu.memory_space<vmem>>
        tpu.enqueue_dma source(%dma_start3A_59 : memref<192x128xf32, #tpu.memory_space<vmem>>) target(%dma_start3A_56 : memref<192x128xf32, #tpu.memory_space<hbm>>) target_semaphore(%run_scoped3A : memref<!tpu.dma_semaphore, #tpu.memory_space<semaphore_mem>>)
        %dma_wait3A_60 = arith.constant 0 : i32
        %dma_wait3A_61 = arith.constant 0 : i32
        %dma_wait3A_62 = tpu.memref_slice %arg13[%dma_wait3A_60, %dma_wait3A_61] : memref<400x128xf32, #tpu.memory_space<vmem>> -> memref<192x128xf32, #tpu.memory_space<vmem>>
        %dma_wait3A_63 = arith.constant 0 : i32
        %dma_wait3A_64 = tpu.memref_slice %arg6[%add3A_48, %dma_wait3A_63] : memref<113664x128xf32, #tpu.memory_space<hbm>> -> memref<192x128xf32, #tpu.memory_space<hbm>>
        %dma_wait3A_65 = arith.constant 0 : i32
        %dma_wait3A_66 = tpu.memref_slice %arg6[%add3A_48, %dma_wait3A_65] : memref<113664x128xf32, #tpu.memory_space<hbm>> -> memref<192x128xf32, #tpu.memory_space<hbm>>
        %dma_wait3A_67 = arith.constant 0 : i32
        %dma_wait3A_68 = arith.constant 0 : i32
        %dma_wait3A_69 = tpu.memref_slice %arg13[%dma_wait3A_67, %dma_wait3A_68] : memref<400x128xf32, #tpu.memory_space<vmem>> -> memref<192x128xf32, #tpu.memory_space<vmem>>
        tpu.wait_dma2 semaphore(%run_scoped3A : memref<!tpu.dma_semaphore, #tpu.memory_space<semaphore_mem>>) src(%dma_wait3A_69 : memref<192x128xf32, #tpu.memory_space<vmem>>) dst(%dma_wait3A_66 : memref<192x128xf32, #tpu.memory_space<hbm>>)
        tpu.yield
      }) : () -> ()
      %barrier3A_49 = arith.constant 0 : index
      tpu.barrier barrier_id(%barrier3A_49)
    }
    %scan3A_7 = arith.constant 6 : i32
    return
  }
}

module attributes {stable_mosaic.version = 14 : i64} {
  func.func @body(%arg0: i32, %arg1: memref<2000x128xf32, #tpu.memory_space<vmem>>, %arg2: memref<2000x128xf32, #tpu.memory_space<vmem>>, %arg3: memref<128x128xf32, #tpu.memory_space<vmem>>, %arg4: memref<1x128xf32, #tpu.memory_space<vmem>>, %arg5: memref<128x128xf32, #tpu.memory_space<vmem>>, %arg6: memref<1x128xf32, #tpu.memory_space<vmem>>, %arg7: memref<2000x128xf32, #tpu.memory_space<vmem>>) attributes {dimension_semantics = [#tpu.dimension_semantics<arbitrary>], iteration_bounds = array<i64: 50>, scalar_prefetch = 0 : i64, scratch_operands = 0 : i64, tpu.core_type = #tpu.core_type<tc>, window_params = [{transform_indices = @transform_0, window_bounds = array<i64: 2000, 128>}, {transform_indices = @transform_1, window_bounds = array<i64: 2000, 128>}, {pipeline_mode = #tpu.pipeline_mode<synchronous>, transform_indices = @transform_2, window_bounds = array<i64: 128, 128>}, {pipeline_mode = #tpu.pipeline_mode<synchronous>, transform_indices = @transform_3, window_bounds = array<i64: 1, 128>}, {pipeline_mode = #tpu.pipeline_mode<synchronous>, transform_indices = @transform_4, window_bounds = array<i64: 128, 128>}, {pipeline_mode = #tpu.pipeline_mode<synchronous>, transform_indices = @transform_5, window_bounds = array<i64: 1, 128>}, {transform_indices = @transform_6, window_bounds = array<i64: 2000, 128>}]} {
    %get3A = arith.constant 0 : index
    %get3A_0 = arith.constant 0 : index
    %get3A_1 = vector.load %arg1[%get3A, %get3A_0] : memref<2000x128xf32, #tpu.memory_space<vmem>>, vector<2000x128xf32>
    %get3A_2 = arith.constant 0 : index
    %get3A_3 = arith.constant 0 : index
    %get3A_4 = vector.load %arg2[%get3A_2, %get3A_3] : memref<2000x128xf32, #tpu.memory_space<vmem>>, vector<2000x128xf32>
    %add3A = arith.addf %get3A_1, %get3A_4 : vector<2000x128xf32>
    %get3A_5 = arith.constant 0 : index
    %get3A_6 = arith.constant 0 : index
    %get3A_7 = vector.load %arg3[%get3A_5, %get3A_6] : memref<128x128xf32, #tpu.memory_space<vmem>>, vector<128x128xf32>
    %convert_element_type3A = arith.truncf %add3A : vector<2000x128xf32> to vector<2000x128xbf16>
    %convert_element_type3A_8 = arith.truncf %get3A_7 : vector<128x128xf32> to vector<128x128xbf16>
    %dot_general3A = arith.constant dense<0.000000e+00> : vector<2000x128xf32>
    %dot_general3A_9 = tpu.matmul %convert_element_type3A, %convert_element_type3A_8, %dot_general3A {dimension_numbers = #tpu.dot_dimension_numbers<[1], [0], [0], [1], [0, 0, 1, 1], [], []>, transpose_lhs_hint = false} : vector<2000x128xbf16>, vector<128x128xbf16>, vector<2000x128xf32> -> vector<2000x128xf32>
    %get3A_10 = arith.constant 0 : index
    %get3A_11 = arith.constant 0 : index
    %get3A_12 = vector.load %arg4[%get3A_10, %get3A_11] : memref<1x128xf32, #tpu.memory_space<vmem>>, vector<1x128xf32>
    %add3A_13 = vector.broadcast %get3A_12 : vector<1x128xf32> to vector<2000x128xf32>
    %add3A_14 = arith.addf %dot_general3A_9, %add3A_13 : vector<2000x128xf32>
    %max3A = arith.constant 0.000000e+00 : f32
    %max3A_15 = vector.broadcast %max3A : f32 to vector<2000x128xf32>
    %max3A_16 = arith.maximumf %add3A_14, %max3A_15 : vector<2000x128xf32>
    %get3A_17 = arith.constant 0 : index
    %get3A_18 = arith.constant 0 : index
    %get3A_19 = vector.load %arg5[%get3A_17, %get3A_18] : memref<128x128xf32, #tpu.memory_space<vmem>>, vector<128x128xf32>
    %convert_element_type3A_20 = arith.truncf %max3A_16 : vector<2000x128xf32> to vector<2000x128xbf16>
    %convert_element_type3A_21 = arith.truncf %get3A_19 : vector<128x128xf32> to vector<128x128xbf16>
    %dot_general3A_22 = arith.constant dense<0.000000e+00> : vector<2000x128xf32>
    %dot_general3A_23 = tpu.matmul %convert_element_type3A_20, %convert_element_type3A_21, %dot_general3A_22 {dimension_numbers = #tpu.dot_dimension_numbers<[1], [0], [0], [1], [0, 0, 1, 1], [], []>, transpose_lhs_hint = false} : vector<2000x128xbf16>, vector<128x128xbf16>, vector<2000x128xf32> -> vector<2000x128xf32>
    %get3A_24 = arith.constant 0 : index
    %get3A_25 = arith.constant 0 : index
    %get3A_26 = vector.load %arg6[%get3A_24, %get3A_25] : memref<1x128xf32, #tpu.memory_space<vmem>>, vector<1x128xf32>
    %add3A_27 = vector.broadcast %get3A_26 : vector<1x128xf32> to vector<2000x128xf32>
    %add3A_28 = arith.addf %dot_general3A_23, %add3A_27 : vector<2000x128xf32>
    %max3A_29 = arith.constant 0.000000e+00 : f32
    %max3A_30 = vector.broadcast %max3A_29 : f32 to vector<2000x128xf32>
    %max3A_31 = arith.maximumf %add3A_28, %max3A_30 : vector<2000x128xf32>
    %swap3A = arith.constant 0 : index
    %swap3A_32 = arith.constant 0 : index
    %swap3A_33 = vector.load %arg7[%swap3A, %swap3A_32] : memref<2000x128xf32, #tpu.memory_space<vmem>>, vector<2000x128xf32>
    tpu.vector_store %arg7[%swap3A, %swap3A_32], %max3A_31 {strides = array<i32>} : memref<2000x128xf32, #tpu.memory_space<vmem>>, vector<2000x128xf32>,
    return
  }
  func.func @transform_0(%arg0: i32) -> (i32, i32) {
    %c0_i32 = arith.constant 0 : i32
    %c0_i32_0 = arith.constant 0 : i32
    return %arg0, %c0_i32 : i32, i32
  }
  func.func @transform_1(%arg0: i32) -> (i32, i32) {
    %c0_i32 = arith.constant 0 : i32
    %c0_i32_0 = arith.constant 0 : i32
    return %arg0, %c0_i32 : i32, i32
  }
  func.func @transform_2(%arg0: i32) -> (i32, i32) {
    %c0_i32 = arith.constant 0 : i32
    %c0_i32_0 = arith.constant 0 : i32
    %c0_i32_1 = arith.constant 0 : i32
    return %c0_i32, %c0_i32_0 : i32, i32
  }
  func.func @transform_3(%arg0: i32) -> (i32, i32) {
    %c0_i32 = arith.constant 0 : i32
    %c0_i32_0 = arith.constant 0 : i32
    %c0_i32_1 = arith.constant 0 : i32
    return %c0_i32, %c0_i32_0 : i32, i32
  }
  func.func @transform_4(%arg0: i32) -> (i32, i32) {
    %c0_i32 = arith.constant 0 : i32
    %c0_i32_0 = arith.constant 0 : i32
    %c0_i32_1 = arith.constant 0 : i32
    return %c0_i32, %c0_i32_0 : i32, i32
  }
  func.func @transform_5(%arg0: i32) -> (i32, i32) {
    %c0_i32 = arith.constant 0 : i32
    %c0_i32_0 = arith.constant 0 : i32
    %c0_i32_1 = arith.constant 0 : i32
    return %c0_i32, %c0_i32_0 : i32, i32
  }
  func.func @transform_6(%arg0: i32) -> (i32, i32) {
    %c0_i32 = arith.constant 0 : i32
    %c0_i32_0 = arith.constant 0 : i32
    return %arg0, %c0_i32 : i32, i32
  }
}

module attributes {stable_mosaic.version = 14 : i64} {
  func.func @body(%arg0: i32, %arg1: memref<2000x128xf32, #tpu.memory_space<vmem>>, %arg2: memref<2000x128xf32, #tpu.memory_space<vmem>>, %arg3: memref<128x64xf32, #tpu.memory_space<vmem>>, %arg4: memref<1x64xf32, #tpu.memory_space<vmem>>, %arg5: memref<64x128xf32, #tpu.memory_space<vmem>>, %arg6: memref<1x128xf32, #tpu.memory_space<vmem>>, %arg7: memref<2000x128xf32, #tpu.memory_space<vmem>>) attributes {dimension_semantics = [#tpu.dimension_semantics<arbitrary>], iteration_bounds = array<i64: 50>, scalar_prefetch = 0 : i64, scratch_operands = 0 : i64, tpu.core_type = #tpu.core_type<tc>, window_params = [{transform_indices = @transform_0, window_bounds = array<i64: 2000, 128>}, {transform_indices = @transform_1, window_bounds = array<i64: 2000, 128>}, {pipeline_mode = #tpu.pipeline_mode<synchronous>, transform_indices = @transform_2, window_bounds = array<i64: 128, 64>}, {pipeline_mode = #tpu.pipeline_mode<synchronous>, transform_indices = @transform_3, window_bounds = array<i64: 1, 64>}, {pipeline_mode = #tpu.pipeline_mode<synchronous>, transform_indices = @transform_4, window_bounds = array<i64: 64, 128>}, {pipeline_mode = #tpu.pipeline_mode<synchronous>, transform_indices = @transform_5, window_bounds = array<i64: 1, 128>}, {transform_indices = @transform_6, window_bounds = array<i64: 2000, 128>}]} {
    %get3A = arith.constant 0 : index
    %get3A_0 = arith.constant 0 : index
    %get3A_1 = vector.load %arg1[%get3A, %get3A_0] : memref<2000x128xf32, #tpu.memory_space<vmem>>, vector<2000x128xf32>
    %get3A_2 = arith.constant 0 : index
    %get3A_3 = arith.constant 0 : index
    %get3A_4 = vector.load %arg2[%get3A_2, %get3A_3] : memref<2000x128xf32, #tpu.memory_space<vmem>>, vector<2000x128xf32>
    %add3A = arith.addf %get3A_1, %get3A_4 : vector<2000x128xf32>
    %get3A_5 = arith.constant 0 : index
    %get3A_6 = arith.constant 0 : index
    %get3A_7 = vector.load %arg3[%get3A_5, %get3A_6] : memref<128x64xf32, #tpu.memory_space<vmem>>, vector<128x64xf32>
    %convert_element_type3A = arith.truncf %add3A : vector<2000x128xf32> to vector<2000x128xbf16>
    %convert_element_type3A_8 = arith.truncf %get3A_7 : vector<128x64xf32> to vector<128x64xbf16>
    %dot_general3A = arith.constant dense<0.000000e+00> : vector<2000x64xf32>
    %dot_general3A_9 = tpu.matmul %convert_element_type3A, %convert_element_type3A_8, %dot_general3A {dimension_numbers = #tpu.dot_dimension_numbers<[1], [0], [0], [1], [0, 0, 1, 1], [], []>, transpose_lhs_hint = false} : vector<2000x128xbf16>, vector<128x64xbf16>, vector<2000x64xf32> -> vector<2000x64xf32>
    %get3A_10 = arith.constant 0 : index
    %get3A_11 = arith.constant 0 : index
    %get3A_12 = vector.load %arg4[%get3A_10, %get3A_11] : memref<1x64xf32, #tpu.memory_space<vmem>>, vector<1x64xf32>
    %add3A_13 = vector.broadcast %get3A_12 : vector<1x64xf32> to vector<2000x64xf32>
    %add3A_14 = arith.addf %dot_general3A_9, %add3A_13 : vector<2000x64xf32>
    %max3A = arith.constant 0.000000e+00 : f32
    %max3A_15 = vector.broadcast %max3A : f32 to vector<2000x64xf32>
    %max3A_16 = arith.maximumf %add3A_14, %max3A_15 : vector<2000x64xf32>
    %get3A_17 = arith.constant 0 : index
    %get3A_18 = arith.constant 0 : index
    %get3A_19 = vector.load %arg5[%get3A_17, %get3A_18] : memref<64x128xf32, #tpu.memory_space<vmem>>, vector<64x128xf32>
    %convert_element_type3A_20 = arith.truncf %max3A_16 : vector<2000x64xf32> to vector<2000x64xbf16>
    %convert_element_type3A_21 = arith.truncf %get3A_19 : vector<64x128xf32> to vector<64x128xbf16>
    %dot_general3A_22 = arith.constant dense<0.000000e+00> : vector<2000x128xf32>
    %dot_general3A_23 = tpu.matmul %convert_element_type3A_20, %convert_element_type3A_21, %dot_general3A_22 {dimension_numbers = #tpu.dot_dimension_numbers<[1], [0], [0], [1], [0, 0, 1, 1], [], []>, transpose_lhs_hint = false} : vector<2000x64xbf16>, vector<64x128xbf16>, vector<2000x128xf32> -> vector<2000x128xf32>
    %get3A_24 = arith.constant 0 : index
    %get3A_25 = arith.constant 0 : index
    %get3A_26 = vector.load %arg6[%get3A_24, %get3A_25] : memref<1x128xf32, #tpu.memory_space<vmem>>, vector<1x128xf32>
    %add3A_27 = vector.broadcast %get3A_26 : vector<1x128xf32> to vector<2000x128xf32>
    %add3A_28 = arith.addf %dot_general3A_23, %add3A_27 : vector<2000x128xf32>
    %swap3A = arith.constant 0 : index
    %swap3A_29 = arith.constant 0 : index
    %swap3A_30 = vector.load %arg7[%swap3A, %swap3A_29] : memref<2000x128xf32, #tpu.memory_space<vmem>>, vector<2000x128xf32>
    tpu.vector_store %arg7[%swap3A, %swap3A_29], %add3A_28 {strides = array<i32>} : memref<2000x128xf32, #tpu.memory_space<vmem>>, vector<2000x128xf32>,
    return
  }
  func.func @transform_0(%arg0: i32) -> (i32, i32) {
    %c0_i32 = arith.constant 0 : i32
    %c0_i32_0 = arith.constant 0 : i32
    return %arg0, %c0_i32 : i32, i32
  }
  func.func @transform_1(%arg0: i32) -> (i32, i32) {
    %c0_i32 = arith.constant 0 : i32
    %c0_i32_0 = arith.constant 0 : i32
    return %arg0, %c0_i32 : i32, i32
  }
  func.func @transform_2(%arg0: i32) -> (i32, i32) {
    %c0_i32 = arith.constant 0 : i32
    %c0_i32_0 = arith.constant 0 : i32
    %c0_i32_1 = arith.constant 0 : i32
    return %c0_i32, %c0_i32_0 : i32, i32
  }
  func.func @transform_3(%arg0: i32) -> (i32, i32) {
    %c0_i32 = arith.constant 0 : i32
    %c0_i32_0 = arith.constant 0 : i32
    %c0_i32_1 = arith.constant 0 : i32
    return %c0_i32, %c0_i32_0 : i32, i32
  }
  func.func @transform_4(%arg0: i32) -> (i32, i32) {
    %c0_i32 = arith.constant 0 : i32
    %c0_i32_0 = arith.constant 0 : i32
    %c0_i32_1 = arith.constant 0 : i32
    return %c0_i32, %c0_i32_0 : i32, i32
  }
  func.func @transform_5(%arg0: i32) -> (i32, i32) {
    %c0_i32 = arith.constant 0 : i32
    %c0_i32_0 = arith.constant 0 : i32
    %c0_i32_1 = arith.constant 0 : i32
    return %c0_i32, %c0_i32_0 : i32, i32
  }
  func.func @transform_6(%arg0: i32) -> (i32, i32) {
    %c0_i32 = arith.constant 0 : i32
    %c0_i32_0 = arith.constant 0 : i32
    return %arg0, %c0_i32 : i32, i32
  }
}

module attributes {stable_mosaic.version = 14 : i64} {
  func.func @body(%arg0: i32, %arg1: memref<2000x128xf32, #tpu.memory_space<vmem>>, %arg2: memref<2000x128xf32, #tpu.memory_space<vmem>>, %arg3: memref<128x1xf32, #tpu.memory_space<vmem>>, %arg4: memref<1x1xf32, #tpu.memory_space<vmem>>, %arg5: memref<128x1xf32, #tpu.memory_space<vmem>>, %arg6: memref<1x1xf32, #tpu.memory_space<vmem>>, %arg7: memref<1x1xf32, #tpu.memory_space<vmem>>, %arg8: memref<1x1xf32, #tpu.memory_space<vmem>>, %arg9: memref<2000x1xf32, #tpu.memory_space<vmem>>, %arg10: memref<2000x1xf32, #tpu.memory_space<vmem>>) attributes {dimension_semantics = [#tpu.dimension_semantics<arbitrary>], iteration_bounds = array<i64: 50>, scalar_prefetch = 0 : i64, scratch_operands = 0 : i64, tpu.core_type = #tpu.core_type<tc>, window_params = [{transform_indices = @transform_0, window_bounds = array<i64: 2000, 128>}, {transform_indices = @transform_1, window_bounds = array<i64: 2000, 128>}, {pipeline_mode = #tpu.pipeline_mode<synchronous>, transform_indices = @transform_2, window_bounds = array<i64: 128, 1>}, {pipeline_mode = #tpu.pipeline_mode<synchronous>, transform_indices = @transform_3, window_bounds = array<i64: 1, 1>}, {pipeline_mode = #tpu.pipeline_mode<synchronous>, transform_indices = @transform_4, window_bounds = array<i64: 128, 1>}, {pipeline_mode = #tpu.pipeline_mode<synchronous>, transform_indices = @transform_5, window_bounds = array<i64: 1, 1>}, {pipeline_mode = #tpu.pipeline_mode<synchronous>, transform_indices = @transform_6, window_bounds = array<i64: 1, 1>}, {pipeline_mode = #tpu.pipeline_mode<synchronous>, transform_indices = @transform_7, window_bounds = array<i64: 1, 1>}, {transform_indices = @transform_8, window_bounds = array<i64: 2000, 1>}, {transform_indices = @transform_9, window_bounds = array<i64: 2000, 1>}]} {
    %get3A = arith.constant 0 : index
    %get3A_0 = arith.constant 0 : index
    %get3A_1 = vector.load %arg1[%get3A, %get3A_0] : memref<2000x128xf32, #tpu.memory_space<vmem>>, vector<2000x128xf32>
    %get3A_2 = arith.constant 0 : index
    %get3A_3 = arith.constant 0 : index
    %get3A_4 = vector.load %arg3[%get3A_2, %get3A_3] : memref<128x1xf32, #tpu.memory_space<vmem>>, vector<128x1xf32>
    %convert_element_type3A = arith.truncf %get3A_1 : vector<2000x128xf32> to vector<2000x128xbf16>
    %convert_element_type3A_5 = arith.truncf %get3A_4 : vector<128x1xf32> to vector<128x1xbf16>
    %dot_general3A = arith.constant dense<0.000000e+00> : vector<2000x1xf32>
    %dot_general3A_6 = tpu.matmul %convert_element_type3A, %convert_element_type3A_5, %dot_general3A {dimension_numbers = #tpu.dot_dimension_numbers<[1], [0], [0], [1], [0, 0, 1, 1], [], []>, transpose_lhs_hint = false} : vector<2000x128xbf16>, vector<128x1xbf16>, vector<2000x1xf32> -> vector<2000x1xf32>
    %get3A_7 = arith.constant 0 : index
    %get3A_8 = arith.constant 0 : index
    %get3A_9 = vector.load %arg4[%get3A_7, %get3A_8] : memref<1x1xf32, #tpu.memory_space<vmem>>, vector<1x1xf32>
    %add3A = vector.broadcast %get3A_9 : vector<1x1xf32> to vector<2000x1xf32>
    %add3A_10 = arith.addf %dot_general3A_6, %add3A : vector<2000x1xf32>
    %ge3A = arith.constant 0.000000e+00 : f32
    %ge3A_11 = vector.broadcast %ge3A : f32 to vector<2000x1xf32>
    %ge3A_12 = arith.cmpf oge, %add3A_10, %ge3A_11 : vector<2000x1xf32>
    %mul3A = arith.constant 0.00999999977 : f32
    %mul3A_13 = vector.broadcast %mul3A : f32 to vector<2000x1xf32>
    %mul3A_14 = arith.mulf %mul3A_13, %add3A_10 : vector<2000x1xf32>
    %select_n3A = arith.select %ge3A_12, %add3A_10, %mul3A_14 : vector<2000x1xi1>, vector<2000x1xf32>
    %swap3A = arith.constant 0 : index
    %swap3A_15 = arith.constant 0 : index
    %swap3A_16 = vector.load %arg10[%swap3A, %swap3A_15] : memref<2000x1xf32, #tpu.memory_space<vmem>>, vector<2000x1xf32>
    tpu.vector_store %arg10[%swap3A, %swap3A_15], %select_n3A {strides = array<i32>} : memref<2000x1xf32, #tpu.memory_space<vmem>>, vector<2000x1xf32>,
    %get3A_17 = arith.constant 0 : index
    %get3A_18 = arith.constant 0 : index
    %get3A_19 = vector.load %arg2[%get3A_17, %get3A_18] : memref<2000x128xf32, #tpu.memory_space<vmem>>, vector<2000x128xf32>
    %add3A_20 = arith.addf %get3A_1, %get3A_19 : vector<2000x128xf32>
    %get3A_21 = arith.constant 0 : index
    %get3A_22 = arith.constant 0 : index
    %get3A_23 = vector.load %arg5[%get3A_21, %get3A_22] : memref<128x1xf32, #tpu.memory_space<vmem>>, vector<128x1xf32>
    %convert_element_type3A_24 = arith.truncf %add3A_20 : vector<2000x128xf32> to vector<2000x128xbf16>
    %convert_element_type3A_25 = arith.truncf %get3A_23 : vector<128x1xf32> to vector<128x1xbf16>
    %dot_general3A_26 = arith.constant dense<0.000000e+00> : vector<2000x1xf32>
    %dot_general3A_27 = tpu.matmul %convert_element_type3A_24, %convert_element_type3A_25, %dot_general3A_26 {dimension_numbers = #tpu.dot_dimension_numbers<[1], [0], [0], [1], [0, 0, 1, 1], [], []>, transpose_lhs_hint = false} : vector<2000x128xbf16>, vector<128x1xbf16>, vector<2000x1xf32> -> vector<2000x1xf32>
    %get3A_28 = arith.constant 0 : index
    %get3A_29 = arith.constant 0 : index
    %get3A_30 = vector.load %arg6[%get3A_28, %get3A_29] : memref<1x1xf32, #tpu.memory_space<vmem>>, vector<1x1xf32>
    %add3A_31 = vector.broadcast %get3A_30 : vector<1x1xf32> to vector<2000x1xf32>
    %add3A_32 = arith.addf %dot_general3A_27, %add3A_31 : vector<2000x1xf32>
    %max3A = arith.constant 0.000000e+00 : f32
    %max3A_33 = vector.broadcast %max3A : f32 to vector<2000x1xf32>
    %max3A_34 = arith.maximumf %add3A_32, %max3A_33 : vector<2000x1xf32>
    %get3A_35 = arith.constant 0 : index
    %get3A_36 = arith.constant 0 : index
    %get3A_37 = vector.load %arg7[%get3A_35, %get3A_36] : memref<1x1xf32, #tpu.memory_space<vmem>>, vector<1x1xf32>
    %convert_element_type3A_38 = arith.truncf %max3A_34 : vector<2000x1xf32> to vector<2000x1xbf16>
    %convert_element_type3A_39 = arith.truncf %get3A_37 : vector<1x1xf32> to vector<1x1xbf16>
    %dot_general3A_40 = arith.constant dense<0.000000e+00> : vector<2000x1xf32>
    %dot_general3A_41 = tpu.matmul %convert_element_type3A_38, %convert_element_type3A_39, %dot_general3A_40 {dimension_numbers = #tpu.dot_dimension_numbers<[1], [0], [0], [1], [0, 0, 1, 1], [], []>, transpose_lhs_hint = false} : vector<2000x1xbf16>, vector<1x1xbf16>, vector<2000x1xf32> -> vector<2000x1xf32>
    %get3A_42 = arith.constant 0 : index
    %get3A_43 = arith.constant 0 : index
    %get3A_44 = vector.load %arg8[%get3A_42, %get3A_43] : memref<1x1xf32, #tpu.memory_space<vmem>>, vector<1x1xf32>
    %add3A_45 = vector.broadcast %get3A_44 : vector<1x1xf32> to vector<2000x1xf32>
    %add3A_46 = arith.addf %dot_general3A_41, %add3A_45 : vector<2000x1xf32>
    %swap3A_47 = arith.constant 0 : index
    %swap3A_48 = arith.constant 0 : index
    %swap3A_49 = vector.load %arg9[%swap3A_47, %swap3A_48] : memref<2000x1xf32, #tpu.memory_space<vmem>>, vector<2000x1xf32>
    tpu.vector_store %arg9[%swap3A_47, %swap3A_48], %add3A_46 {strides = array<i32>} : memref<2000x1xf32, #tpu.memory_space<vmem>>, vector<2000x1xf32>,
    return
  }
  func.func @transform_0(%arg0: i32) -> (i32, i32) {
    %c0_i32 = arith.constant 0 : i32
    %c0_i32_0 = arith.constant 0 : i32
    return %arg0, %c0_i32 : i32, i32
  }
  func.func @transform_1(%arg0: i32) -> (i32, i32) {
    %c0_i32 = arith.constant 0 : i32
    %c0_i32_0 = arith.constant 0 : i32
    return %arg0, %c0_i32 : i32, i32
  }
  func.func @transform_2(%arg0: i32) -> (i32, i32) {
    %c0_i32 = arith.constant 0 : i32
    %c0_i32_0 = arith.constant 0 : i32
    %c0_i32_1 = arith.constant 0 : i32
    return %c0_i32, %c0_i32_0 : i32, i32
  }
  func.func @transform_3(%arg0: i32) -> (i32, i32) {
    %c0_i32 = arith.constant 0 : i32
    %c0_i32_0 = arith.constant 0 : i32
    %c0_i32_1 = arith.constant 0 : i32
    return %c0_i32, %c0_i32_0 : i32, i32
  }
  func.func @transform_4(%arg0: i32) -> (i32, i32) {
    %c0_i32 = arith.constant 0 : i32
    %c0_i32_0 = arith.constant 0 : i32
    %c0_i32_1 = arith.constant 0 : i32
    return %c0_i32, %c0_i32_0 : i32, i32
  }
  func.func @transform_5(%arg0: i32) -> (i32, i32) {
    %c0_i32 = arith.constant 0 : i32
    %c0_i32_0 = arith.constant 0 : i32
    %c0_i32_1 = arith.constant 0 : i32
    return %c0_i32, %c0_i32_0 : i32, i32
  }
  func.func @transform_6(%arg0: i32) -> (i32, i32) {
    %c0_i32 = arith.constant 0 : i32
    %c0_i32_0 = arith.constant 0 : i32
    %c0_i32_1 = arith.constant 0 : i32
    return %c0_i32, %c0_i32_0 : i32, i32
  }
  func.func @transform_7(%arg0: i32) -> (i32, i32) {
    %c0_i32 = arith.constant 0 : i32
    %c0_i32_0 = arith.constant 0 : i32
    %c0_i32_1 = arith.constant 0 : i32
    return %c0_i32, %c0_i32_0 : i32, i32
  }
  func.func @transform_8(%arg0: i32) -> (i32, i32) {
    %c0_i32 = arith.constant 0 : i32
    %c0_i32_0 = arith.constant 0 : i32
    return %arg0, %c0_i32 : i32, i32
  }
  func.func @transform_9(%arg0: i32) -> (i32, i32) {
    %c0_i32 = arith.constant 0 : i32
    %c0_i32_0 = arith.constant 0 : i32
    return %arg0, %c0_i32 : i32, i32
  }
}

</mosaic_0001>

<sc_bundles>
// kernel: kernel.12.cloned.1.call-start
scs
__scs_entry_jumppad:
0x0: {  	(pc) =	sbr.rel $0x88, $3  }
0x1: {  	(tag) =	ssettag $0x0;
	lr =	simm.s32 $0x1  }
0x2: {  	[smem:$0x3F89] =	sst lr;
	_ =	strace $0xD0000000  }
0x3: {  	_ = 	snop  }
0x4: {  	_ = 	snop  }
0x5: {  	_ = 	snop  }
0x6: {  	_ = 	snop  }
0x7: {  	_ = 	snop  }
__scs_overlays_trampoline_lowered:
0x8: {  	[smem:$0x3F98] =	sst s0  }
0x9: {  	[smem:$0x3F99] =	sst s1  }
0xa: {  	[smem:$0x3F9A] =	sst s2  }
0xb: {  	[smem:$0x3F9B] =	sst s3  }
0xc: {  	[smem:$0x3F9C] =	sst s4  }
0xd: {  	[smem:$0x3F9D] =	sst s5  }
0xe: {  	[smem:$0x3F9E] =	sst s6  }
0xf: {  	[smem:$0x3F9F] =	sst s7  }
0x10: {  	[smem:$0x3FA0] =	sst s8  }
0x11: {  	[smem:$0x3FA1] =	sst s9;
	s0 =	simm.s32 @!p0 $0x0  }
0x12: {  	s1 =	sld [smem:$0x3F87];
	s0 =	simm.s32 @p0 $0x1  }
0x13: {  	[smem:$0x3FA2] =	sst s0;
	s0 =	simm.s32 @!p1 $0x0  }
0x14: {  	s2 =	sld [smem:$0x3F86];
	s0 =	simm.s32 @p1 $0x1  }
0x15: {  	[smem:$0x3FA3] =	sst s0;
	s0 =	simm.s32 @!p2 $0x0  }
0x16: {  	s3 =	sld [smem:$0x3FDB];
	s0 =	simm.s32 @p2 $0x1  }
0x17: {  	s4 =	simm.s32 $0x1BF5;
	[smem:$0x3FA5] =	sst s0  }
0x18: {  	s0 =	sld [smem:$0x3F88];
	_ =	swait.ge [sflag:s4], $0x0  }
0x19: {  	s7 =	sld [smem:$0x3F89]  }
0x1a: {  	s8 =	sadd.s32 $0xFFFFE003, lr  }
0x1b: {  	s9 =	sadd.s32 $0xFFFFFEF7, lr;
	s5 =	simm.s32 $0xFFFFFFFF;
	p2 =	slt.u32 s8, $0xFFFFF086  }
0x1c: {  	p1 =	slt.u32 s9, $0xF7A;
	s5 =	simm.s32 @!p2 $0x0  }
0x1d: {  	s5 =	simm.s32 @p1 $0x1;
	p0 =	seq.s32 s7, s2  }
0x1e: {  	s7 =	smul.u32 @!p0 $0xF7A, s2;
	p2 =	seq.s32 @!p0 s5, $0x0  }
0x1f: {  	s9 =	smul.u32 $0xF7A, s1;
	s8 =	simm.s32 @!p0 $0x1BF5;
	p2 =	por !p2, p0  }
0x20: {  	[sflag:s8] =	ssyncset.s32 @!p0 $0xFFFFF086;
	s6 =	sadd.s32 @!p0 s3, s7;
	s7 =	simm.s32 @!p0 $0x108  }
0x21: {  	s3 =	sadd.s32 s3, s9;
	s6 =	sadd.s32 @!p0 $0x88, s6;
	s7 =	simm.s32 @p2 $0x1082  }
0x22: {  	[simem:s7], [sflag:s8] =	dma.local @!p0 [hbm:s6], $0xF7A  }
0x23: {  	s9 =	sor.u32 $0xD0000000, s2;
	s6 =	simm.s32 $0x108;
	_ =	swait.ge @!p0 [sflag:s8], $0x0  }
0x24: {  	s3 =	sadd.s32 $0x88, s3;
	s6 =	simm.s32 @!p1 $0x1082;
	[sflag:s4] =	ssyncset.s32 $0xFFFFF086  }
0x25: {  	[simem:s6], [sflag:s4] =	dma.local [hbm:s3], $0xF7A  }
0x26: {  	[smem:$0x3F89] =	sst s1;
	(tag) =	ssettag s2;
	_ =	strace s9  }
0x27: {  	s1 =	sld [smem:$0x3F99]  }
0x28: {  	s2 =	sld [smem:$0x3F9A]  }
0x29: {  	s4 =	sld [smem:$0x3F9C]  }
0x2a: {  	p0 =	seq.s32 s5, $0x0;
	s5 =	sld [smem:$0x3F9D]  }
0x2b: {  	s6 =	sld [smem:$0x3F9E]  }
0x2c: {  	s7 =	sld [smem:$0x3F9F]  }
0x2d: {  	s3 =	simm.s32 $0x108;
	s8 =	sld [smem:$0x3FA0]  }
0x2e: {  	s3 =	simm.s32 @!p0 $0x1082;
	s9 =	sld [smem:$0x3FA1]  }
0x2f: {  	lr =	sadd.s32 s0, s3;
	s0 =	sld [smem:$0x3F98]  }
0x30: {  	s3 =	sld [smem:$0x3F9B]  }
0x31: {  	[smem:$0x3FA4] =	sst s10  }
0x32: {  	s10 =	sld [smem:$0x3FA2];
	_ =	sdelay $0x3  }
0x33: {  	p0 =	seq.s32 s10, $0x1;
	s10 =	sld [smem:$0x3FA4];
	_ =	sdelay $0x3  }
0x34: {  	[smem:$0x3FA4] =	sst s10  }
0x35: {  	s10 =	sld [smem:$0x3FA3];
	_ =	sdelay $0x3  }
0x36: {  	p1 =	seq.s32 s10, $0x1;
	s10 =	sld [smem:$0x3FA4];
	_ =	sdelay $0x3  }
0x37: {  	[smem:$0x3FA4] =	sst s10  }
0x38: {  	s10 =	sld [smem:$0x3FA5]  }
0x39: {  	_ = 	snop;
	(pc) =	sbr.ind lr, $3  }
0x3a: {  	_ = 	snop  }
0x3b: {  	_ = 	snop  }
0x3c: {  	p2 =	seq.s32 s10, $0x1;
	s10 =	sld [smem:$0x3FA4]  }
0x3d: {  	_ =	shalt  }
0x3e: {  	_ =	shalt  }
0x3f: {  	_ =	shalt  }
0x40: {  	_ =	shalt  }
0x41: {  	_ =	shalt  }
0x42: {  	_ =	shalt  }
0x43: {  	_ =	shalt  }
0x44: {  	_ =	shalt  }
0x45: {  	_ =	shalt  }
0x46: {  	_ =	shalt  }
0x47: {  	_ =	shalt  }
0x48: {  	_ =	shalt  }
0x49: {  	_ =	shalt  }
0x4a: {  	_ =	shalt  }
0x4b: {  	_ =	shalt  }
0x4c: {  	_ =	shalt  }
0x4d: {  	_ =	shalt  }
0x4e: {  	_ =	shalt  }
0x4f: {  	_ =	shalt  }
0x50: {  	_ =	shalt  }
0x51: {  	_ =	shalt  }
0x52: {  	_ =	shalt  }
0x53: {  	_ =	shalt  }
0x54: {  	_ =	shalt  }
0x55: {  	_ =	shalt  }
0x56: {  	_ =	shalt  }
0x57: {  	_ =	shalt  }
0x58: {  	_ =	shalt  }
0x59: {  	_ =	shalt  }
0x5a: {  	_ =	shalt  }
0x5b: {  	_ =	shalt  }
0x5c: {  	_ =	shalt  }
0x5d: {  	_ =	shalt  }
0x5e: {  	_ =	shalt  }
0x5f: {  	_ =	shalt  }
0x60: {  	_ =	shalt  }
0x61: {  	_ =	shalt  }
0x62: {  	_ =	shalt  }
0x63: {  	_ =	shalt  }
0x64: {  	_ =	shalt  }
0x65: {  	_ =	shalt  }
0x66: {  	_ =	shalt  }
0x67: {  	_ =	shalt  }
0x68: {  	_ =	shalt  }
0x69: {  	_ =	shalt  }
0x6a: {  	_ =	shalt  }
0x6b: {  	_ =	shalt  }
0x6c: {  	_ =	shalt  }
0x6d: {  	_ =	shalt  }
0x6e: {  	_ =	shalt  }
0x6f: {  	_ =	shalt  }
0x70: {  	_ =	shalt  }
0x71: {  	_ =	shalt  }
0x72: {  	_ =	shalt  }
0x73: {  	_ =	shalt  }
0x74: {  	_ =	shalt  }
0x75: {  	_ =	shalt  }
0x76: {  	_ =	shalt  }
0x77: {  	_ =	shalt  }
0x78: {  	_ =	shalt  }
0x79: {  	_ =	shalt  }
0x7a: {  	_ =	shalt  }
0x7b: {  	_ =	shalt  }
0x7c: {  	_ =	shalt  }
0x7d: {  	_ =	shalt  }
0x7e: {  	_ =	shalt  }
0x7f: {  	_ =	shalt  }
0x80: {  	_ =	shalt  }
0x81: {  	_ =	shalt  }
0x82: {  	_ =	shalt  }
0x83: {  	_ =	shalt  }
0x84: {  	_ =	shalt  }
0x85: {  	_ =	shalt  }
0x86: {  	_ =	shalt  }
0x87: {  	_ =	shalt  }
.Lfunc_end0:
.L_simem_size_0:
called_computation_lowered:
.L_overlay_start_0:
0x88: {  	s2 =	sld [smem:$0x3FD9]  }
0x89: {  	s3 =	sld [smem:$0x3FFE];
	_ =	sdelay $0x1  }
0x8a: {  	s1 =	srdreg.scid  }
0x8b: {  	s0 =	sand.u32 $0x1, s1  }
0x8c: {  	s14 =	sshll.u32 s0, $0xA;
	s2 =	sadd.s32 s3, s2  }
0x8d: {  	s2 =	sadd.s32 s2, s14  }
0x8e: {  	[smem:$0x3FB0] =	sst s2  }
0x8f: {  	_ = 	snop  }
0x90: {  	s2 =	sld [smem:$0x3FD0];
	_ =	sdelay $0x2  }
0x91: {  	s15 =	simm.s32 $0xA;
	s4 =	simm.s32 $0x10  }
0x92: {  	[smem:s4], [sflag:s15] =	dma.local [hbm:s2], $0x1  }
0x93: {  	_ =	swait.eq [sflag:s15], $0x1  }
0x94: {  	[sflag:s15] =	ssyncset.done $0x0  }
0x95: {  	[sflag:s15] =	ssyncadd.s32 $0xFFFFFFFF  }
0x96: {  	s16 =	sld [smem:$0x11];
	(tm) =	ssettm $0x1  }
0x97: {  	s17 =	sld [smem:$0x3FFB];
	_ =	sdelay $0x3  }
0x98: {  	_ =	strace s17  }
0x99: {  	s3 =	sld [smem:$0x3FFC];
	_ =	sdelay $0x3  }
0x9a: {  	_ =	strace s3  }
0x9b: {  	s3 =	sld [smem:$0x3FFD];
	_ =	sdelay $0x3  }
0x9c: {  	_ =	strace s3  }
0x9d: {  	_ =	strace $0x8FFFFFFF  }
0x9e: {  	s18 =	sld [smem:$0x3FDB];
	_ =	sdelay $0x1  }
0x9f: {  	s19 =	simm.s32 $_scs_section_size  }
0xa0: {  	s5 =	simm.s32 $_size__tile_overlayer_lowered;
	s6 =	simm.s32 $_tile_overlayer_lowered  }
0xa1: {  	s22 =	simm.s32 $0x1BFF;
	s21 =	sshll.u32 s6, $0x1;
	s3 =	sadd.s32 s19, s18  }
0xa2: {  	s7 =	simm.s32 $0x0;
	s20 =	sshll.u32 s5, $0x1;
	s5 =	sadd.s32 s21, s3  }
0xa3: {  	[timem:s7], [sflag:s22] =	dma.local [hbm:s5], s20  }
0xa4: {  	_ =	swait.ge [sflag:s22], s20  }
0xa5: {  	s4 =	ssub.s32 $0x0, s20;
	[sflag:s22] =	ssyncset.done $0x0  }
0xa6: {  	[sflag:s22] =	ssyncadd.s32 s4;
	_ =	sdelay $0x1  }
0xa7: {  	s23 =	simm.s32 $0x1B8B  }
0xa8: {  	_ =	swait.ge [sflag:s23], $0x1  }
0xa9: {  	[sflag:s23] =	ssyncset.done $0x0  }
0xaa: {  	s25 =	simm.s32 $0x1B8E;
	s24 =	sld [smem:$0x3FFE];
	[sflag:s23] =	ssyncadd.s32 $0xFFFFFFFF  }
0xab: {  	s26 =	simm.s32 $execute0_lowered;
	[smem:$0x3FD2] =	sst s25  }
0xac: {  	s5 =	sshll.u32 s26, $0x1;
	_ =	strace $0x80000046;
	[dreg:$0x1] =	wrdreg $0xFFFFFFFF  }
0xad: {  	s28 =	simm.s32 $_size_execute0_lowered;
	s3 =	sadd.s32 s3, s5;
	[dreg:$0x0] =	wrdreg $0x0  }
0xae: {  	s5 =	sshll.u32 s28, $0x1;
	[dreg:$0x2] =	wrdreg s3  }
0xaf: {  	[dreg:$0x3] =	wrdreg s5  }
0xb0: {  	[dreg:$0x4] =	wrdreg $0xC0  }
0xb1: {  	_ =	task [dreg:s7], $0x5FFFF  }
0xb2: {  	[dreg:$0x1] =	wrdreg $0xFFFFFFFF  }
0xb3: {  	[dreg:$0x0] =	wrdreg $0x60  }
0xb4: {  	[dreg:$0x2] =	wrdreg s24  }
0xb5: {  	[dreg:$0x3] =	wrdreg s16  }
0xb6: {  	[dreg:$0x4] =	wrdreg $0xD4000  }
0xb7: {  	[dreg:$0x5] =	wrdreg $0x9  }
0xb8: {  	_ =	task.clear_ibuf [dreg:s7], $0x6FFFF;
	_ =	strace $0x90000046  }
0xb9: {  	s29 =	simm.s32 $0x9;
	_ =	strace $0x80000048  }
0xba: {  	_ =	swait.ge [sflag:s29], $0x1  }
0xbb: {  	[sflag:s29] =	ssyncadd.s32 $0xFFFFFFFF  }
0xbc: {  	_ =	strace $0x90000048  }
0xbd: {  	_ =	sfence  }
0xbe: {  	s30 =	sld [smem:$0x0];
	_ =	sdelay $0x2  }
0xbf: {  	s31 =	sshll.u32 s1, $0xD;
	s1 =	sshrl.u32 s1, $0x2  }
0xc0: {  	s3 =	sand.u32 $0x4000, s31;
	s1 =	sadd.s32 s1, s30  }
0xc1: {  	s0 =	sor.u32 s3, s0;
	s1 =	sshll.u32 s1, $0x11  }
0xc2: {  	s0 =	sor.u32 s1, s0  }
0xc3: {  	s0 =	sadd.s32 $0x8F2B, s0  }
0xc4: {  	[sflag:s0] =	ssyncadd.remote.s32 $0x1  }
0xc5: {  	_ =	sfence.sel $0xFFFF  }
0xc6: {  	[dreg:$0x0] =	wrdreg $0xFFFFFFFF;
	(pc) =	sbr.abs _section_cstart, $3  }
0xc7: {  	[dreg:$0x1] =	wrdreg $0xFFFFFFFF  }
0xc8: {  	_ =	task.clear_ibuf [dreg:s7], $0x2FFFF;
	_ =	strace $0x9FFFFFFF  }
0xc9: {  	(tm) =	ssettm $0x7FFFFFFF  }
tec
execute0_lowered:
.L_overlay_start_1:
0x0: {  	(tag) =	ssettag $0x1  }
0x1: {  	s0 =	rddreg [dreg:$0x0]  }
0x2: {  	s2 =	rddreg [dreg:$0x2];
	s1 =	simm.s32 $0x0;
	s26 =	srdreg.scid  }
0x3: {  	s3 =	stileid.u32;
	s19 =	simm.s32 $0xC00;
	s20 =	simm.s32 $0x3  }
0x4: {  	s21 =	simm.s32 $0x200;
	s22 =	simm.s32 $0x2;
	s23 =	simm.s32 $0x190  }
0x5: {  	s24 =	simm.s32 $0x400;
	s25 =	simm.s32 $0x1;
	s28 =	simm.s32 $0x800  }
0x6: {  	s29 =	simm.s32 $0xA00;
	[smem:$0x7FF] =	sst s1;
	s5 =	sadd.s32 $0x24EA00, s0  }
0x7: {  	s6 =	sand.u32 $0x1, s26;
	s7 =	sadd.s32 $0x66400, s0;
	s4 =	smul.u32 $0x4A000, s3  }
0x8: {  	s8 =	sadd.s32 $0x4800, s0;
	s16 =	smul.u32 $0x30D40, s3;
	s9 =	sadd.s32 $0x3D5400, s0  }
0x9: {  	s17 =	sadd.s32 $0x3D6D00, s0;
	s26 =	simm.s32 $0x600;
	s1 =	ssub.s32 $0x2, s6  }
0xa: {  	_ =	strace $0x80000047;
	s10 =	sshrl.u32 s1, $0x1;
	s4 =	sshrl.u32 s4, $0x2  }
0xb: {  	s30 =	sshrl.u32 s16, $0x3;
	s15 =	sadd.s32 $0x190, s16;
	s16 =	sadd.s32 $0x320, s16  }
0xc: {  	s1 =	ssub.s32 s1, s10;
	s10 =	smul.u32 $0x250, s3;
	s11 =	sadd.s32 s4, s2  }
0xd: {  	s13 =	sadd.s32 s7, s30;
	s14 =	sadd.s32 s8, s30;
	s31 =	smax.u32 s1, $0x1  }
0xe: {  	s12 =	sadd.s32 $0xC800, s11;
	s1 =	simm.s32 $0x0;
	[dreg:$0x4] =	wrdreg s31  }
.LBB2_1:
0xf: {  	[dreg:$0x5] =	wrdreg s1;
	s31 =	simm.s32 $0x0  }
.LBB2_2:
0x10: {  	s0 =	simm.s32 $0x0;
	s1 =	rddreg [dreg:$0x1]  }
0x11: {  	[tilespmem:s19], [sflag:$0x3] =	stream.linear.gather [hbm4b:s1+s0], $0xC800, $0x38;
	[tilespmem:$0x1FC00] =	vst v63  }
0x12: {  	_ =	swait.ge [sflag:s20], $0xC800  }
0x13: {  	[sflag:s20] =	ssyncset.done $0x0  }
0x14: {  	[sflag:s20] =	ssyncadd.s32 $0xFFFF3800  }
0x15: {  	[spmem:s11] =	stream.linear.scatter [tilespmem:s19], [sflag:$0x3], $0xC800, $0x38;
	[tilespmem:$0x1FC00] =	vst v63  }
0x16: {  	_ =	swait.ge [sflag:s20], $0xC800  }
0x17: {  	[sflag:s20] =	ssyncset.done $0x0  }
0x18: {  	[sflag:s20] =	ssyncadd.s32 $0xFFFF3800  }
0x19: {  	[tilespmem:s19], [sflag:$0x3] =	stream.linear.gather [hbm4b:s1+s0], $0x6000, $0x38;
	[tilespmem:$0x1FC00] =	vst v63  }
0x1a: {  	_ =	swait.ge [sflag:s20], $0x6000  }
0x1b: {  	[sflag:s20] =	ssyncset.done $0x0  }
0x1c: {  	[sflag:s20] =	ssyncadd.s32 $0xFFFFA000  }
0x1d: {  	[spmem:s12] =	stream.linear.scatter [tilespmem:s19], [sflag:$0x3], $0x6000, $0x38;
	[tilespmem:$0x1FC00] =	vst v63  }
0x1e: {  	_ =	swait.ge [sflag:s20], $0x6000  }
0x1f: {  	[sflag:s20] =	ssyncset.done $0x0  }
0x20: {  	[sflag:s20] =	ssyncadd.s32 $0xFFFFA000  }
0x21: {  	[bflag:$0x0] =	sbarrier.arrive $0xFFFF  }
0x22: {  	[tilespmem:s0], [sflag:$0x2] =	stream.linear.gather [hbm4b:s13+s0], $0x190, $0x38;
	[tilespmem:$0x1FC00] =	vst v63  }
0x23: {  	_ = 	snop  }
0x24: {  	[tilespmem:s21], [sflag:$0x2] =	stream.linear.gather [hbm4b:s14+s0], $0x190, $0x38;
	[tilespmem:$0x1FC00] =	vst v63  }
0x25: {  	_ =	swait.ge [sflag:s22], $0x190  }
0x26: {  	[sflag:s22] =	ssyncset.done $0x0  }
0x27: {  	[sflag:s22] =	ssyncadd.s32 $0xFFFFFE70  }
0x28: {  	_ =	swait.ge [sflag:s22], $0x190  }
0x29: {  	s18 =	sshll.u32 s31, $0x1;
	[sflag:s22] =	ssyncset.done $0x0  }
0x2a: {  	s1 =	sor.u32 s6, s18;
	s18 =	simm.s32 $0x0;
	[sflag:s22] =	ssyncadd.s32 $0xFFFFFE70  }
0x2b: {  	s4 =	smul.u32 $0x2500, s1;
	v2 =	vld [tilespmem:s18+$0x200];
	_ =	sdelay $0x1  }
0x2c: {  	s1 =	sadd.s32 $0x2500, s4;
	v3 =	vld [tilespmem:s18+$0x0]  }
0x2d: {  	s30 =	simm.s32 $0x40;
	v0 =	vmov s4;
	v1 =	vmov s1  }
.LBB2_3:
0x2e: {  	p0 =	sne.s32 s30, $0x600  }
.Ltmp0:
0x2f: {  	s1 =	sshra.s32 s30, $0x2;
	s30 =	sadd.s32 $0x40, s30;
	vm0 =	vge.s32 v2, v0;
	vm1 =	vlt.s32 v2, v1;
	(pc) =	sbr.rel @p0 .LBB2_3-.Ltmp0, $4  }
0x30: {  	v4 =	vsub.s32 v2, v0;
	vm0 =	vmand vm0, vm1;
	v2 =	vld [tilespmem:s1+$0x200]  }
0x31: {  	v5 =	vnsel vm0, $0xFFFFFFFF, v3;
	v3 =	vld [tilespmem:s1+$0x0];
	v4 =	vnsel vm0, $0xFFFFFFFF, v4  }
0x32: {  	[tilespmem:s18+$0x600] =	vst v4  }
0x33: {  	[tilespmem:s18+$0x400] =	vst v5;
	s18 =	smov.u32 s1  }
0x34: {  	_ = 	snop  }
0x35: {  	vm0 =	vge.s32 v2, v0;
	vm1 =	vlt.s32 v2, v1  }
0x36: {  	v2 =	vsub.s32 v2, v0;
	vm0 =	vmand vm0, vm1  }
0x37: {  	v2 =	vnsel vm0, $0xFFFFFFFF, v2  }
0x38: {  	v3 =	vnsel vm0, $0xFFFFFFFF, v3;
	[tilespmem:s18+$0x600] =	vst v2  }
0x39: {  	[tilespmem:s18+$0x400] =	vst v3  }
.LBB2_5:
0x3a: {  	(ifvalue) =	ssetifvalue $0xFFFFFFFF  }
0x3b: {  	s18 =	smul.u32 $0x320, s0;
	(ifvalue) =	ssetifvalue $0xFFFFFFFF  }
0x3c: {  	[tilespmem:s19], [sflag:$0x1] =	stream.indirect.gather [hbm4b:s5+s23], $0x80, s24, s23, $0x40b8;
	[tilespmem:$0x1FC00] =	vst v63  }
0x3d: {  	s1 =	sadd.s32 s18, s15  }
0x3e: {  	s1 =	sshrl.u32 s1, $0x3  }
0x3f: {  	s3 =	simm.s32 $0x0;
	s30 =	sadd.s32 s7, s1  }
0x40: {  	[tilespmem:s3], [sflag:$0x2] =	stream.linear.gather [hbm4b:s30+s3], $0x190, $0x38;
	[tilespmem:$0x1FC00] =	vst v63  }
0x41: {  	s1 =	sadd.s32 s8, s1  }
0x42: {  	[tilespmem:s21], [sflag:$0x2] =	stream.linear.gather [hbm4b:s1+s3], $0x190, $0x38;
	[tilespmem:$0x1FC00] =	vst v63  }
0x43: {  	_ =	swait.ge [sflag:s22], $0x190  }
0x44: {  	[sflag:s22] =	ssyncset.done $0x0  }
0x45: {  	[sflag:s22] =	ssyncadd.s32 $0xFFFFFE70  }
0x46: {  	_ =	swait.ge [sflag:s22], $0x190  }
0x47: {  	[sflag:s22] =	ssyncset.done $0x0  }
0x48: {  	s30 =	simm.s32 $0x0;
	[sflag:s22] =	ssyncadd.s32 $0xFFFFFE70  }
0x49: {  	v2 =	vld [tilespmem:s30+$0x200];
	_ =	sdelay $0x1  }
0x4a: {  	v3 =	vld [tilespmem:s30+$0x0]  }
0x4b: {  	s1 =	simm.s32 $0x40  }
.LBB2_6:
0x4c: {  	p0 =	sne.s32 s1, $0x600  }
.Ltmp1:
0x4d: {  	s3 =	sshra.s32 s1, $0x2;
	s1 =	sadd.s32 $0x40, s1;
	vm0 =	vge.s32 v2, v0;
	vm1 =	vlt.s32 v2, v1;
	(pc) =	sbr.rel @p0 .LBB2_6-.Ltmp1, $4  }
0x4e: {  	v4 =	vsub.s32 v2, v0;
	vm0 =	vmand vm0, vm1;
	v2 =	vld [tilespmem:s3+$0x200]  }
0x4f: {  	v5 =	vnsel vm0, $0xFFFFFFFF, v3;
	v3 =	vld [tilespmem:s3+$0x0];
	v4 =	vnsel vm0, $0xFFFFFFFF, v4  }
0x50: {  	[tilespmem:s30+$0xA00] =	vst v4  }
0x51: {  	[tilespmem:s30+$0x800] =	vst v5;
	s30 =	smov.u32 s3  }
0x52: {  	_ = 	snop  }
0x53: {  	vm0 =	vge.s32 v2, v0;
	vm1 =	vlt.s32 v2, v1  }
0x54: {  	v2 =	vsub.s32 v2, v0;
	vm0 =	vmand vm0, vm1  }
0x55: {  	v2 =	vnsel vm0, $0xFFFFFFFF, v2  }
0x56: {  	v3 =	vnsel vm0, $0xFFFFFFFF, v3;
	[tilespmem:s30+$0xA00] =	vst v2  }
0x57: {  	[tilespmem:s30+$0x800] =	vst v3  }
0x58: {  	_ =	swait.ge [sflag:s25], $0xC800  }
0x59: {  	[sflag:s25] =	ssyncset.done $0x0  }
0x5a: {  	[sflag:s25] =	ssyncadd.s32 $0xFFFF3800;
	(ifvalue) =	ssetifvalue $0xFFFFFFFF  }
0x5b: {  	[spmem:s2] =	stream.indirect.scatter.add.f32 [tilespmem:s19], [sflag:$0x3], $0x80, s26, s23, $0x40b8;
	[tilespmem:$0x1FC00] =	vst v63  }
0x5c: {  	_ =	swait.ge [sflag:s20], $0xC800  }
0x5d: {  	s1 =	smin.u32 s18, $0x30890;
	[sflag:s20] =	ssyncset.done $0x0  }
0x5e: {  	s1 =	sadd.s32 s1, s16;
	[sflag:s20] =	ssyncadd.s32 $0xFFFF3800;
	(ifvalue) =	ssetifvalue $0xFFFFFFFF  }
0x5f: {  	s1 =	sshrl.u32 s1, $0x3;
	(ifvalue) =	ssetifvalue $0xFFFFFFFF  }
0x60: {  	[tilespmem:s19], [sflag:$0x1] =	stream.indirect.gather [hbm4b:s5+s23], $0x80, s28, s23, $0x40b8;
	[tilespmem:$0x1FC00] =	vst v63  }
0x61: {  	s3 =	sadd.s32 s7, s1;
	s30 =	simm.s32 $0x0  }
0x62: {  	[tilespmem:s30], [sflag:$0x2] =	stream.linear.gather [hbm4b:s3+s30], $0x190, $0x38;
	[tilespmem:$0x1FC00] =	vst v63  }
0x63: {  	s1 =	sadd.s32 s8, s1  }
0x64: {  	[tilespmem:s21], [sflag:$0x2] =	stream.linear.gather [hbm4b:s1+s30], $0x190, $0x38;
	[tilespmem:$0x1FC00] =	vst v63  }
0x65: {  	_ =	swait.ge [sflag:s22], $0x190  }
0x66: {  	[sflag:s22] =	ssyncset.done $0x0  }
0x67: {  	[sflag:s22] =	ssyncadd.s32 $0xFFFFFE70  }
0x68: {  	_ =	swait.ge [sflag:s22], $0x190  }
0x69: {  	[sflag:s22] =	ssyncset.done $0x0  }
0x6a: {  	s18 =	simm.s32 $0x0;
	[sflag:s22] =	ssyncadd.s32 $0xFFFFFE70  }
0x6b: {  	v2 =	vld [tilespmem:s18+$0x200];
	_ =	sdelay $0x1  }
0x6c: {  	v3 =	vld [tilespmem:s18+$0x0]  }
0x6d: {  	s1 =	simm.s32 $0x40  }
.LBB2_8:
0x6e: {  	p0 =	sne.s32 s1, $0x600  }
.Ltmp2:
0x6f: {  	s3 =	sshra.s32 s1, $0x2;
	s1 =	sadd.s32 $0x40, s1;
	vm0 =	vge.s32 v2, v0;
	vm1 =	vlt.s32 v2, v1;
	(pc) =	sbr.rel @p0 .LBB2_8-.Ltmp2, $4  }
0x70: {  	v4 =	vsub.s32 v2, v0;
	vm0 =	vmand vm0, vm1;
	v2 =	vld [tilespmem:s3+$0x200]  }
0x71: {  	v5 =	vnsel vm0, $0xFFFFFFFF, v3;
	v3 =	vld [tilespmem:s3+$0x0];
	v4 =	vnsel vm0, $0xFFFFFFFF, v4  }
0x72: {  	[tilespmem:s18+$0x600] =	vst v4  }
0x73: {  	[tilespmem:s18+$0x400] =	vst v5;
	s18 =	smov.u32 s3  }
0x74: {  	_ = 	snop  }
0x75: {  	vm0 =	vge.s32 v2, v0;
	vm1 =	vlt.s32 v2, v1  }
0x76: {  	v2 =	vsub.s32 v2, v0;
	vm0 =	vmand vm0, vm1  }
0x77: {  	v2 =	vnsel vm0, $0xFFFFFFFF, v2  }
0x78: {  	v3 =	vnsel vm0, $0xFFFFFFFF, v3;
	[tilespmem:s18+$0x600] =	vst v2  }
0x79: {  	[tilespmem:s18+$0x400] =	vst v3  }
0x7a: {  	s0 =	sadd.s32 $0x1, s0;
	_ =	swait.ge [sflag:s25], $0xC800  }
0x7b: {  	p0 =	sne.s32 s0, $0xFA;
	[sflag:s25] =	ssyncset.done $0x0  }
.Ltmp3:
0x7c: {  	[sflag:s25] =	ssyncadd.s32 $0xFFFF3800;
	(ifvalue) =	ssetifvalue $0xFFFFFFFF;
	(pc) =	sbr.rel @p0 .LBB2_5-.Ltmp3, $4  }
0x7d: {  	[spmem:s2] =	stream.indirect.scatter.add.f32 [tilespmem:s19], [sflag:$0x3], $0x80, s29, s23, $0x40b8;
	[tilespmem:$0x1FC00] =	vst v63  }
0x7e: {  	_ =	swait.ge [sflag:s20], $0xC800  }
0x7f: {  	[sflag:s20] =	ssyncset.done $0x0  }
0x80: {  	[sflag:s20] =	ssyncadd.s32 $0xFFFF3800  }
0x81: {  	[bflag:$0x0] =	sbarrier.arrive $0xFFFF  }
0x82: {  	[tilespmem:s19], [sflag:$0x3] =	stream.linear.gather [spmem:s11], $0xC800, $0x38;
	[tilespmem:$0x1FC00] =	vst v63  }
0x83: {  	s0 =	sadd.s32 s10, s4;
	_ =	swait.ge [sflag:s20], $0xC800  }
0x84: {  	s0 =	sshll.u32 s0, $0x4;
	[sflag:s20] =	ssyncset.done $0x0  }
0x85: {  	s3 =	simm.s32 $0x0;
	s1 =	sadd.s32 s9, s0;
	[sflag:s20] =	ssyncadd.s32 $0xFFFF3800  }
0x86: {  	[hbm4b:s1+s3] =	stream.linear.scatter [tilespmem:s19], [sflag:$0x3], $0xC800, $0x38;
	[tilespmem:$0x1FC00] =	vst v63  }
0x87: {  	_ =	swait.ge [sflag:s20], $0xC800  }
0x88: {  	[sflag:s20] =	ssyncset.done $0x0  }
0x89: {  	[sflag:s20] =	ssyncadd.s32 $0xFFFF3800  }
0x8a: {  	[tilespmem:s19], [sflag:$0x3] =	stream.linear.gather [spmem:s12], $0x6000, $0x38;
	[tilespmem:$0x1FC00] =	vst v63  }
0x8b: {  	_ =	swait.ge [sflag:s20], $0x6000  }
0x8c: {  	s31 =	sadd.s32 $0x1, s31;
	[sflag:s20] =	ssyncset.done $0x0  }
0x8d: {  	p0 =	sne.s32 s31, $0x6;
	s0 =	sadd.s32 s0, s17;
	[sflag:s20] =	ssyncadd.s32 $0xFFFFA000  }
0x8e: {  	[hbm4b:s0+s3] =	stream.linear.scatter [tilespmem:s19], [sflag:$0x3], $0x6000, $0x38;
	[tilespmem:$0x1FC00] =	vst v63  }
.Ltmp4:
0x8f: {  	_ =	swait.ge [sflag:s20], $0x6000;
	(pc) =	sbr.rel @p0 .LBB2_2-.Ltmp4, $3  }
0x90: {  	[sflag:s20] =	ssyncset.done $0x0  }
0x91: {  	[sflag:s20] =	ssyncadd.s32 $0xFFFFA000  }
0x92: {  	[bflag:$0x0] =	sbarrier.arrive $0xFFFF;
	_ =	sdelay $0x1  }
0x93: {  	s1 =	rddreg [dreg:$0x5]  }
0x94: {  	s0 =	rddreg [dreg:$0x4];
	s1 =	sadd.s32 $0x1, s1  }
0x95: {  	p0 =	sne.s32 s1, s0  }
.Ltmp5:
0x96: {  	_ = 	snop;
	(pc) =	sbr.rel @p0 .LBB2_1-.Ltmp5, $1  }
0x97: {  	_ =	sdelay $0x3  }
0x98: {  	_ =	sfence.sel $0x180000  }
0x99: {  	[bflag:$0x0] =	sbarrier.arrive $0xFFFF  }
0x9a: {  	_ =	strace $0x90000047  }
0x9b: {  	s0 =	stileid.u32;
	[bflag:$0x2] =	sbarrier.arrive $0xFFFF  }
0x9c: {  	p0 =	sne.s32 s0, $0x0;
	s0 =	rddreg [dreg:$0x3]  }
0x9d: {  	s0 =	sadd.s32 @!p0 $0x100000, s0  }
0x9e: {  	[sflag:s0] =	ssyncadd.tile.s32 @!p0 $0x1;
	_ =	shalt  }
.Lfunc_end2:
_tile_overlayer_lowered:
.L_overlay_start_2:
0x9f: {  	(tag) =	ssettag $0x2  }
0xa0: {  	s0 =	rddreg [dreg:$0x0];
	s2 =	stileid.u32  }
0xa1: {  	s1 =	rddreg [dreg:$0x1];
	p0 =	sne.s32 s2, $0x0  }
0xa2: {  	s3 =	rddreg [dreg:$0x2];
	[bflag:$0x3] =	sbarrier.arrive $0xFFFF;
	s2 =	simm.s32 @!p0 $0x1C03  }
0xa3: {  	[timem:s3], [sflag:s2] =	dma.local @!p0 [hbm:s0], s1  }
0xa4: {  	s0 =	simm.s32 @!p0 $0x3  }
0xa5: {  	_ =	swait.ge @!p0 [sflag:s0], s1  }
0xa6: {  	s1 =	ssub.s32 @!p0 $0x0, s1;
	[sflag:s0] =	ssyncset.done @!p0 $0x0  }
0xa7: {  	[sflag:s0] =	ssyncadd.s32 @!p0 s1  }
0xa8: {  	[bflag:$0x3] =	sbarrier.arrive $0xFFFF  }
0xa9: {  	_ =	shalt  }

// kernel: kernel.15.cloned.1.call-start
scs
__scs_entry_jumppad:
0x0: {  	(pc) =	sbr.rel $0x88, $3  }
0x1: {  	(tag) =	ssettag $0x0;
	lr =	simm.s32 $0x1  }
0x2: {  	[smem:$0x3F89] =	sst lr;
	_ =	strace $0xD0000000  }
0x3: {  	_ = 	snop  }
0x4: {  	_ = 	snop  }
0x5: {  	_ = 	snop  }
0x6: {  	_ = 	snop  }
0x7: {  	_ = 	snop  }
__scs_overlays_trampoline_lowered:
0x8: {  	[smem:$0x3F98] =	sst s0  }
0x9: {  	[smem:$0x3F99] =	sst s1  }
0xa: {  	[smem:$0x3F9A] =	sst s2  }
0xb: {  	[smem:$0x3F9B] =	sst s3  }
0xc: {  	[smem:$0x3F9C] =	sst s4  }
0xd: {  	[smem:$0x3F9D] =	sst s5  }
0xe: {  	[smem:$0x3F9E] =	sst s6  }
0xf: {  	[smem:$0x3F9F] =	sst s7  }
0x10: {  	[smem:$0x3FA0] =	sst s8  }
0x11: {  	[smem:$0x3FA1] =	sst s9;
	s0 =	simm.s32 @!p0 $0x0  }
0x12: {  	s1 =	sld [smem:$0x3F87];
	s0 =	simm.s32 @p0 $0x1  }
0x13: {  	[smem:$0x3FA2] =	sst s0;
	s0 =	simm.s32 @!p1 $0x0  }
0x14: {  	s2 =	sld [smem:$0x3F86];
	s0 =	simm.s32 @p1 $0x1  }
0x15: {  	[smem:$0x3FA3] =	sst s0;
	s0 =	simm.s32 @!p2 $0x0  }
0x16: {  	s3 =	sld [smem:$0x3FDB];
	s0 =	simm.s32 @p2 $0x1  }
0x17: {  	s4 =	simm.s32 $0x1BF5;
	[smem:$0x3FA5] =	sst s0  }
0x18: {  	s0 =	sld [smem:$0x3F88];
	_ =	swait.ge [sflag:s4], $0x0  }
0x19: {  	s7 =	sld [smem:$0x3F89]  }
0x1a: {  	s8 =	sadd.s32 $0xFFFFE003, lr  }
0x1b: {  	s9 =	sadd.s32 $0xFFFFFEF7, lr;
	s5 =	simm.s32 $0xFFFFFFFF;
	p2 =	slt.u32 s8, $0xFFFFF086  }
0x1c: {  	p1 =	slt.u32 s9, $0xF7A;
	s5 =	simm.s32 @!p2 $0x0  }
0x1d: {  	s5 =	simm.s32 @p1 $0x1;
	p0 =	seq.s32 s7, s2  }
0x1e: {  	s7 =	smul.u32 @!p0 $0xF7A, s2;
	p2 =	seq.s32 @!p0 s5, $0x0  }
0x1f: {  	s9 =	smul.u32 $0xF7A, s1;
	s8 =	simm.s32 @!p0 $0x1BF5;
	p2 =	por !p2, p0  }
0x20: {  	[sflag:s8] =	ssyncset.s32 @!p0 $0xFFFFF086;
	s6 =	sadd.s32 @!p0 s3, s7;
	s7 =	simm.s32 @!p0 $0x108  }
0x21: {  	s3 =	sadd.s32 s3, s9;
	s6 =	sadd.s32 @!p0 $0x88, s6;
	s7 =	simm.s32 @p2 $0x1082  }
0x22: {  	[simem:s7], [sflag:s8] =	dma.local @!p0 [hbm:s6], $0xF7A  }
0x23: {  	s9 =	sor.u32 $0xD0000000, s2;
	s6 =	simm.s32 $0x108;
	_ =	swait.ge @!p0 [sflag:s8], $0x0  }
0x24: {  	s3 =	sadd.s32 $0x88, s3;
	s6 =	simm.s32 @!p1 $0x1082;
	[sflag:s4] =	ssyncset.s32 $0xFFFFF086  }
0x25: {  	[simem:s6], [sflag:s4] =	dma.local [hbm:s3], $0xF7A  }
0x26: {  	[smem:$0x3F89] =	sst s1;
	(tag) =	ssettag s2;
	_ =	strace s9  }
0x27: {  	s1 =	sld [smem:$0x3F99]  }
0x28: {  	s2 =	sld [smem:$0x3F9A]  }
0x29: {  	s4 =	sld [smem:$0x3F9C]  }
0x2a: {  	p0 =	seq.s32 s5, $0x0;
	s5 =	sld [smem:$0x3F9D]  }
0x2b: {  	s6 =	sld [smem:$0x3F9E]  }
0x2c: {  	s7 =	sld [smem:$0x3F9F]  }
0x2d: {  	s3 =	simm.s32 $0x108;
	s8 =	sld [smem:$0x3FA0]  }
0x2e: {  	s3 =	simm.s32 @!p0 $0x1082;
	s9 =	sld [smem:$0x3FA1]  }
0x2f: {  	lr =	sadd.s32 s0, s3;
	s0 =	sld [smem:$0x3F98]  }
0x30: {  	s3 =	sld [smem:$0x3F9B]  }
0x31: {  	[smem:$0x3FA4] =	sst s10  }
0x32: {  	s10 =	sld [smem:$0x3FA2];
	_ =	sdelay $0x3  }
0x33: {  	p0 =	seq.s32 s10, $0x1;
	s10 =	sld [smem:$0x3FA4];
	_ =	sdelay $0x3  }
0x34: {  	[smem:$0x3FA4] =	sst s10  }
0x35: {  	s10 =	sld [smem:$0x3FA3];
	_ =	sdelay $0x3  }
0x36: {  	p1 =	seq.s32 s10, $0x1;
	s10 =	sld [smem:$0x3FA4];
	_ =	sdelay $0x3  }
0x37: {  	[smem:$0x3FA4] =	sst s10  }
0x38: {  	s10 =	sld [smem:$0x3FA5]  }
0x39: {  	_ = 	snop;
	(pc) =	sbr.ind lr, $3  }
0x3a: {  	_ = 	snop  }
0x3b: {  	_ = 	snop  }
0x3c: {  	p2 =	seq.s32 s10, $0x1;
	s10 =	sld [smem:$0x3FA4]  }
0x3d: {  	_ =	shalt  }
0x3e: {  	_ =	shalt  }
0x3f: {  	_ =	shalt  }
0x40: {  	_ =	shalt  }
0x41: {  	_ =	shalt  }
0x42: {  	_ =	shalt  }
0x43: {  	_ =	shalt  }
0x44: {  	_ =	shalt  }
0x45: {  	_ =	shalt  }
0x46: {  	_ =	shalt  }
0x47: {  	_ =	shalt  }
0x48: {  	_ =	shalt  }
0x49: {  	_ =	shalt  }
0x4a: {  	_ =	shalt  }
0x4b: {  	_ =	shalt  }
0x4c: {  	_ =	shalt  }
0x4d: {  	_ =	shalt  }
0x4e: {  	_ =	shalt  }
0x4f: {  	_ =	shalt  }
0x50: {  	_ =	shalt  }
0x51: {  	_ =	shalt  }
0x52: {  	_ =	shalt  }
0x53: {  	_ =	shalt  }
0x54: {  	_ =	shalt  }
0x55: {  	_ =	shalt  }
0x56: {  	_ =	shalt  }
0x57: {  	_ =	shalt  }
0x58: {  	_ =	shalt  }
0x59: {  	_ =	shalt  }
0x5a: {  	_ =	shalt  }
0x5b: {  	_ =	shalt  }
0x5c: {  	_ =	shalt  }
0x5d: {  	_ =	shalt  }
0x5e: {  	_ =	shalt  }
0x5f: {  	_ =	shalt  }
0x60: {  	_ =	shalt  }
0x61: {  	_ =	shalt  }
0x62: {  	_ =	shalt  }
0x63: {  	_ =	shalt  }
0x64: {  	_ =	shalt  }
0x65: {  	_ =	shalt  }
0x66: {  	_ =	shalt  }
0x67: {  	_ =	shalt  }
0x68: {  	_ =	shalt  }
0x69: {  	_ =	shalt  }
0x6a: {  	_ =	shalt  }
0x6b: {  	_ =	shalt  }
0x6c: {  	_ =	shalt  }
0x6d: {  	_ =	shalt  }
0x6e: {  	_ =	shalt  }
0x6f: {  	_ =	shalt  }
0x70: {  	_ =	shalt  }
0x71: {  	_ =	shalt  }
0x72: {  	_ =	shalt  }
0x73: {  	_ =	shalt  }
0x74: {  	_ =	shalt  }
0x75: {  	_ =	shalt  }
0x76: {  	_ =	shalt  }
0x77: {  	_ =	shalt  }
0x78: {  	_ =	shalt  }
0x79: {  	_ =	shalt  }
0x7a: {  	_ =	shalt  }
0x7b: {  	_ =	shalt  }
0x7c: {  	_ =	shalt  }
0x7d: {  	_ =	shalt  }
0x7e: {  	_ =	shalt  }
0x7f: {  	_ =	shalt  }
0x80: {  	_ =	shalt  }
0x81: {  	_ =	shalt  }
0x82: {  	_ =	shalt  }
0x83: {  	_ =	shalt  }
0x84: {  	_ =	shalt  }
0x85: {  	_ =	shalt  }
0x86: {  	_ =	shalt  }
0x87: {  	_ =	shalt  }
.Lfunc_end0:
.L_simem_size_0:
called_computation.1_lowered:
.L_overlay_start_0:
0x88: {  	s2 =	sld [smem:$0x3FD9]  }
0x89: {  	s3 =	sld [smem:$0x3FFE];
	_ =	sdelay $0x1  }
0x8a: {  	s1 =	srdreg.scid  }
0x8b: {  	s0 =	sand.u32 $0x1, s1  }
0x8c: {  	s14 =	sshll.u32 s0, $0xA;
	s2 =	sadd.s32 s3, s2  }
0x8d: {  	s2 =	sadd.s32 s2, s14  }
0x8e: {  	[smem:$0x3FB0] =	sst s2  }
0x8f: {  	_ = 	snop  }
0x90: {  	s2 =	sld [smem:$0x3FD0];
	_ =	sdelay $0x2  }
0x91: {  	s15 =	simm.s32 $0xA;
	s4 =	simm.s32 $0x10  }
0x92: {  	[smem:s4], [sflag:s15] =	dma.local [hbm:s2], $0x1  }
0x93: {  	_ =	swait.eq [sflag:s15], $0x1  }
0x94: {  	[sflag:s15] =	ssyncset.done $0x0  }
0x95: {  	[sflag:s15] =	ssyncadd.s32 $0xFFFFFFFF  }
0x96: {  	s16 =	sld [smem:$0x11];
	(tm) =	ssettm $0x1  }
0x97: {  	s17 =	sld [smem:$0x3FFB];
	_ =	sdelay $0x3  }
0x98: {  	_ =	strace s17  }
0x99: {  	s3 =	sld [smem:$0x3FFC];
	_ =	sdelay $0x3  }
0x9a: {  	_ =	strace s3  }
0x9b: {  	s3 =	sld [smem:$0x3FFD];
	_ =	sdelay $0x3  }
0x9c: {  	_ =	strace s3  }
0x9d: {  	_ =	strace $0x8FFFFFFF  }
0x9e: {  	s18 =	sld [smem:$0x3FDB];
	_ =	sdelay $0x1  }
0x9f: {  	s19 =	simm.s32 $_scs_section_size  }
0xa0: {  	s5 =	simm.s32 $_size__tile_overlayer_lowered;
	s6 =	simm.s32 $_tile_overlayer_lowered  }
0xa1: {  	s22 =	simm.s32 $0x1BFF;
	s21 =	sshll.u32 s6, $0x1;
	s3 =	sadd.s32 s19, s18  }
0xa2: {  	s7 =	simm.s32 $0x0;
	s20 =	sshll.u32 s5, $0x1;
	s5 =	sadd.s32 s21, s3  }
0xa3: {  	[timem:s7], [sflag:s22] =	dma.local [hbm:s5], s20  }
0xa4: {  	_ =	swait.ge [sflag:s22], s20  }
0xa5: {  	s4 =	ssub.s32 $0x0, s20;
	[sflag:s22] =	ssyncset.done $0x0  }
0xa6: {  	[sflag:s22] =	ssyncadd.s32 s4;
	_ =	sdelay $0x1  }
0xa7: {  	s23 =	simm.s32 $0x1B8B  }
0xa8: {  	_ =	swait.ge [sflag:s23], $0x1  }
0xa9: {  	[sflag:s23] =	ssyncset.done $0x0  }
0xaa: {  	s25 =	simm.s32 $0x1B8E;
	s24 =	sld [smem:$0x3FFE];
	[sflag:s23] =	ssyncadd.s32 $0xFFFFFFFF  }
0xab: {  	s26 =	simm.s32 $execute0_lowered;
	[smem:$0x3FD2] =	sst s25  }
0xac: {  	s5 =	sshll.u32 s26, $0x1;
	_ =	strace $0x80000049;
	[dreg:$0x1] =	wrdreg $0xFFFFFFFF  }
0xad: {  	s28 =	simm.s32 $_size_execute0_lowered;
	s3 =	sadd.s32 s3, s5;
	[dreg:$0x0] =	wrdreg $0x0  }
0xae: {  	s5 =	sshll.u32 s28, $0x1;
	[dreg:$0x2] =	wrdreg s3  }
0xaf: {  	[dreg:$0x3] =	wrdreg s5  }
0xb0: {  	[dreg:$0x4] =	wrdreg $0xC0  }
0xb1: {  	_ =	task [dreg:s7], $0x5FFFF  }
0xb2: {  	[dreg:$0x1] =	wrdreg $0xFFFFFFFF  }
0xb3: {  	[dreg:$0x0] =	wrdreg $0x60  }
0xb4: {  	[dreg:$0x2] =	wrdreg s24  }
0xb5: {  	[dreg:$0x3] =	wrdreg s16  }
0xb6: {  	[dreg:$0x4] =	wrdreg $0xD4000  }
0xb7: {  	[dreg:$0x5] =	wrdreg $0x9  }
0xb8: {  	_ =	task.clear_ibuf [dreg:s7], $0x6FFFF;
	_ =	strace $0x90000049  }
0xb9: {  	s29 =	simm.s32 $0x9;
	_ =	strace $0x8000004B  }
0xba: {  	_ =	swait.ge [sflag:s29], $0x1  }
0xbb: {  	[sflag:s29] =	ssyncadd.s32 $0xFFFFFFFF  }
0xbc: {  	_ =	strace $0x9000004B  }
0xbd: {  	_ =	sfence  }
0xbe: {  	s30 =	sld [smem:$0x0];
	_ =	sdelay $0x2  }
0xbf: {  	s31 =	sshll.u32 s1, $0xD;
	s1 =	sshrl.u32 s1, $0x2  }
0xc0: {  	s3 =	sand.u32 $0x4000, s31;
	s1 =	sadd.s32 s1, s30  }
0xc1: {  	s0 =	sor.u32 s3, s0;
	s1 =	sshll.u32 s1, $0x11  }
0xc2: {  	s0 =	sor.u32 s1, s0  }
0xc3: {  	s0 =	sadd.s32 $0x8F2B, s0  }
0xc4: {  	[sflag:s0] =	ssyncadd.remote.s32 $0x1  }
0xc5: {  	_ =	sfence.sel $0xFFFF  }
0xc6: {  	[dreg:$0x0] =	wrdreg $0xFFFFFFFF;
	(pc) =	sbr.abs _section_cstart, $3  }
0xc7: {  	[dreg:$0x1] =	wrdreg $0xFFFFFFFF  }
0xc8: {  	_ =	task.clear_ibuf [dreg:s7], $0x2FFFF;
	_ =	strace $0x9FFFFFFF  }
0xc9: {  	(tm) =	ssettm $0x7FFFFFFF  }
tec
execute0_lowered:
.L_overlay_start_1:
0x0: {  	(tag) =	ssettag $0x1  }
0x1: {  	s0 =	rddreg [dreg:$0x0]  }
0x2: {  	s2 =	rddreg [dreg:$0x2];
	s1 =	simm.s32 $0x0;
	s26 =	srdreg.scid  }
0x3: {  	s3 =	stileid.u32;
	s19 =	simm.s32 $0xC00;
	s20 =	simm.s32 $0x3  }
0x4: {  	s21 =	simm.s32 $0x200;
	s22 =	simm.s32 $0x2;
	s23 =	simm.s32 $0x190  }
0x5: {  	s24 =	simm.s32 $0x400;
	s25 =	simm.s32 $0x1;
	s28 =	simm.s32 $0x800  }
0x6: {  	s29 =	simm.s32 $0xA00;
	[smem:$0x7FF] =	sst s1;
	s5 =	sadd.s32 $0x3D5400, s0  }
0x7: {  	s6 =	sand.u32 $0x1, s26;
	s7 =	sadd.s32 $0x66400, s0;
	s4 =	smul.u32 $0x4A000, s3  }
0x8: {  	s8 =	sadd.s32 $0x4800, s0;
	s16 =	smul.u32 $0x30D40, s3;
	s9 =	sadd.s32 $0xC8000, s0  }
0x9: {  	s17 =	sadd.s32 $0xC9900, s0;
	s26 =	simm.s32 $0x600;
	s1 =	ssub.s32 $0x2, s6  }
0xa: {  	_ =	strace $0x8000004A;
	s10 =	sshrl.u32 s1, $0x1;
	s4 =	sshrl.u32 s4, $0x2  }
0xb: {  	s30 =	sshrl.u32 s16, $0x3;
	s15 =	sadd.s32 $0x190, s16;
	s16 =	sadd.s32 $0x320, s16  }
0xc: {  	s1 =	ssub.s32 s1, s10;
	s10 =	smul.u32 $0x250, s3;
	s11 =	sadd.s32 s4, s2  }
0xd: {  	s13 =	sadd.s32 s7, s30;
	s14 =	sadd.s32 s8, s30;
	s31 =	smax.u32 s1, $0x1  }
0xe: {  	s12 =	sadd.s32 $0xC800, s11;
	s1 =	simm.s32 $0x0;
	[dreg:$0x4] =	wrdreg s31  }
.LBB2_1:
0xf: {  	[dreg:$0x5] =	wrdreg s1;
	s31 =	simm.s32 $0x0  }
.LBB2_2:
0x10: {  	s0 =	simm.s32 $0x0;
	s1 =	rddreg [dreg:$0x1]  }
0x11: {  	[tilespmem:s19], [sflag:$0x3] =	stream.linear.gather [hbm4b:s1+s0], $0xC800, $0x38;
	[tilespmem:$0x1FC00] =	vst v63  }
0x12: {  	_ =	swait.ge [sflag:s20], $0xC800  }
0x13: {  	[sflag:s20] =	ssyncset.done $0x0  }
0x14: {  	[sflag:s20] =	ssyncadd.s32 $0xFFFF3800  }
0x15: {  	[spmem:s11] =	stream.linear.scatter [tilespmem:s19], [sflag:$0x3], $0xC800, $0x38;
	[tilespmem:$0x1FC00] =	vst v63  }
0x16: {  	_ =	swait.ge [sflag:s20], $0xC800  }
0x17: {  	[sflag:s20] =	ssyncset.done $0x0  }
0x18: {  	[sflag:s20] =	ssyncadd.s32 $0xFFFF3800  }
0x19: {  	[tilespmem:s19], [sflag:$0x3] =	stream.linear.gather [hbm4b:s1+s0], $0x6000, $0x38;
	[tilespmem:$0x1FC00] =	vst v63  }
0x1a: {  	_ =	swait.ge [sflag:s20], $0x6000  }
0x1b: {  	[sflag:s20] =	ssyncset.done $0x0  }
0x1c: {  	[sflag:s20] =	ssyncadd.s32 $0xFFFFA000  }
0x1d: {  	[spmem:s12] =	stream.linear.scatter [tilespmem:s19], [sflag:$0x3], $0x6000, $0x38;
	[tilespmem:$0x1FC00] =	vst v63  }
0x1e: {  	_ =	swait.ge [sflag:s20], $0x6000  }
0x1f: {  	[sflag:s20] =	ssyncset.done $0x0  }
0x20: {  	[sflag:s20] =	ssyncadd.s32 $0xFFFFA000  }
0x21: {  	[bflag:$0x0] =	sbarrier.arrive $0xFFFF  }
0x22: {  	[tilespmem:s0], [sflag:$0x2] =	stream.linear.gather [hbm4b:s13+s0], $0x190, $0x38;
	[tilespmem:$0x1FC00] =	vst v63  }
0x23: {  	_ = 	snop  }
0x24: {  	[tilespmem:s21], [sflag:$0x2] =	stream.linear.gather [hbm4b:s14+s0], $0x190, $0x38;
	[tilespmem:$0x1FC00] =	vst v63  }
0x25: {  	_ =	swait.ge [sflag:s22], $0x190  }
0x26: {  	[sflag:s22] =	ssyncset.done $0x0  }
0x27: {  	[sflag:s22] =	ssyncadd.s32 $0xFFFFFE70  }
0x28: {  	_ =	swait.ge [sflag:s22], $0x190  }
0x29: {  	s18 =	sshll.u32 s31, $0x1;
	[sflag:s22] =	ssyncset.done $0x0  }
0x2a: {  	s1 =	sor.u32 s6, s18;
	s18 =	simm.s32 $0x0;
	[sflag:s22] =	ssyncadd.s32 $0xFFFFFE70  }
0x2b: {  	s4 =	smul.u32 $0x2500, s1;
	v2 =	vld [tilespmem:s18+$0x200];
	_ =	sdelay $0x1  }
0x2c: {  	s1 =	sadd.s32 $0x2500, s4;
	v3 =	vld [tilespmem:s18+$0x0]  }
0x2d: {  	s30 =	simm.s32 $0x40;
	v0 =	vmov s4;
	v1 =	vmov s1  }
.LBB2_3:
0x2e: {  	p0 =	sne.s32 s30, $0x600  }
.Ltmp0:
0x2f: {  	s1 =	sshra.s32 s30, $0x2;
	s30 =	sadd.s32 $0x40, s30;
	vm0 =	vge.s32 v2, v0;
	vm1 =	vlt.s32 v2, v1;
	(pc) =	sbr.rel @p0 .LBB2_3-.Ltmp0, $4  }
0x30: {  	v4 =	vsub.s32 v2, v0;
	vm0 =	vmand vm0, vm1;
	v2 =	vld [tilespmem:s1+$0x200]  }
0x31: {  	v5 =	vnsel vm0, $0xFFFFFFFF, v3;
	v3 =	vld [tilespmem:s1+$0x0];
	v4 =	vnsel vm0, $0xFFFFFFFF, v4  }
0x32: {  	[tilespmem:s18+$0x600] =	vst v4  }
0x33: {  	[tilespmem:s18+$0x400] =	vst v5;
	s18 =	smov.u32 s1  }
0x34: {  	_ = 	snop  }
0x35: {  	vm0 =	vge.s32 v2, v0;
	vm1 =	vlt.s32 v2, v1  }
0x36: {  	v2 =	vsub.s32 v2, v0;
	vm0 =	vmand vm0, vm1  }
0x37: {  	v2 =	vnsel vm0, $0xFFFFFFFF, v2  }
0x38: {  	v3 =	vnsel vm0, $0xFFFFFFFF, v3;
	[tilespmem:s18+$0x600] =	vst v2  }
0x39: {  	[tilespmem:s18+$0x400] =	vst v3  }
.LBB2_5:
0x3a: {  	(ifvalue) =	ssetifvalue $0xFFFFFFFF  }
0x3b: {  	s18 =	smul.u32 $0x320, s0;
	(ifvalue) =	ssetifvalue $0xFFFFFFFF  }
0x3c: {  	[tilespmem:s19], [sflag:$0x1] =	stream.indirect.gather [hbm4b:s5+s23], $0x80, s24, s23, $0x40b8;
	[tilespmem:$0x1FC00] =	vst v63  }
0x3d: {  	s1 =	sadd.s32 s18, s15  }
0x3e: {  	s1 =	sshrl.u32 s1, $0x3  }
0x3f: {  	s3 =	simm.s32 $0x0;
	s30 =	sadd.s32 s7, s1  }
0x40: {  	[tilespmem:s3], [sflag:$0x2] =	stream.linear.gather [hbm4b:s30+s3], $0x190, $0x38;
	[tilespmem:$0x1FC00] =	vst v63  }
0x41: {  	s1 =	sadd.s32 s8, s1  }
0x42: {  	[tilespmem:s21], [sflag:$0x2] =	stream.linear.gather [hbm4b:s1+s3], $0x190, $0x38;
	[tilespmem:$0x1FC00] =	vst v63  }
0x43: {  	_ =	swait.ge [sflag:s22], $0x190  }
0x44: {  	[sflag:s22] =	ssyncset.done $0x0  }
0x45: {  	[sflag:s22] =	ssyncadd.s32 $0xFFFFFE70  }
0x46: {  	_ =	swait.ge [sflag:s22], $0x190  }
0x47: {  	[sflag:s22] =	ssyncset.done $0x0  }
0x48: {  	s30 =	simm.s32 $0x0;
	[sflag:s22] =	ssyncadd.s32 $0xFFFFFE70  }
0x49: {  	v2 =	vld [tilespmem:s30+$0x200];
	_ =	sdelay $0x1  }
0x4a: {  	v3 =	vld [tilespmem:s30+$0x0]  }
0x4b: {  	s1 =	simm.s32 $0x40  }
.LBB2_6:
0x4c: {  	p0 =	sne.s32 s1, $0x600  }
.Ltmp1:
0x4d: {  	s3 =	sshra.s32 s1, $0x2;
	s1 =	sadd.s32 $0x40, s1;
	vm0 =	vge.s32 v2, v0;
	vm1 =	vlt.s32 v2, v1;
	(pc) =	sbr.rel @p0 .LBB2_6-.Ltmp1, $4  }
0x4e: {  	v4 =	vsub.s32 v2, v0;
	vm0 =	vmand vm0, vm1;
	v2 =	vld [tilespmem:s3+$0x200]  }
0x4f: {  	v5 =	vnsel vm0, $0xFFFFFFFF, v3;
	v3 =	vld [tilespmem:s3+$0x0];
	v4 =	vnsel vm0, $0xFFFFFFFF, v4  }
0x50: {  	[tilespmem:s30+$0xA00] =	vst v4  }
0x51: {  	[tilespmem:s30+$0x800] =	vst v5;
	s30 =	smov.u32 s3  }
0x52: {  	_ = 	snop  }
0x53: {  	vm0 =	vge.s32 v2, v0;
	vm1 =	vlt.s32 v2, v1  }
0x54: {  	v2 =	vsub.s32 v2, v0;
	vm0 =	vmand vm0, vm1  }
0x55: {  	v2 =	vnsel vm0, $0xFFFFFFFF, v2  }
0x56: {  	v3 =	vnsel vm0, $0xFFFFFFFF, v3;
	[tilespmem:s30+$0xA00] =	vst v2  }
0x57: {  	[tilespmem:s30+$0x800] =	vst v3  }
0x58: {  	_ =	swait.ge [sflag:s25], $0xC800  }
0x59: {  	[sflag:s25] =	ssyncset.done $0x0  }
0x5a: {  	[sflag:s25] =	ssyncadd.s32 $0xFFFF3800;
	(ifvalue) =	ssetifvalue $0xFFFFFFFF  }
0x5b: {  	[spmem:s2] =	stream.indirect.scatter.add.f32 [tilespmem:s19], [sflag:$0x3], $0x80, s26, s23, $0x40b8;
	[tilespmem:$0x1FC00] =	vst v63  }
0x5c: {  	_ =	swait.ge [sflag:s20], $0xC800  }
0x5d: {  	s1 =	smin.u32 s18, $0x30890;
	[sflag:s20] =	ssyncset.done $0x0  }
0x5e: {  	s1 =	sadd.s32 s1, s16;
	[sflag:s20] =	ssyncadd.s32 $0xFFFF3800;
	(ifvalue) =	ssetifvalue $0xFFFFFFFF  }
0x5f: {  	s1 =	sshrl.u32 s1, $0x3;
	(ifvalue) =	ssetifvalue $0xFFFFFFFF  }
0x60: {  	[tilespmem:s19], [sflag:$0x1] =	stream.indirect.gather [hbm4b:s5+s23], $0x80, s28, s23, $0x40b8;
	[tilespmem:$0x1FC00] =	vst v63  }
0x61: {  	s3 =	sadd.s32 s7, s1;
	s30 =	simm.s32 $0x0  }
0x62: {  	[tilespmem:s30], [sflag:$0x2] =	stream.linear.gather [hbm4b:s3+s30], $0x190, $0x38;
	[tilespmem:$0x1FC00] =	vst v63  }
0x63: {  	s1 =	sadd.s32 s8, s1  }
0x64: {  	[tilespmem:s21], [sflag:$0x2] =	stream.linear.gather [hbm4b:s1+s30], $0x190, $0x38;
	[tilespmem:$0x1FC00] =	vst v63  }
0x65: {  	_ =	swait.ge [sflag:s22], $0x190  }
0x66: {  	[sflag:s22] =	ssyncset.done $0x0  }
0x67: {  	[sflag:s22] =	ssyncadd.s32 $0xFFFFFE70  }
0x68: {  	_ =	swait.ge [sflag:s22], $0x190  }
0x69: {  	[sflag:s22] =	ssyncset.done $0x0  }
0x6a: {  	s18 =	simm.s32 $0x0;
	[sflag:s22] =	ssyncadd.s32 $0xFFFFFE70  }
0x6b: {  	v2 =	vld [tilespmem:s18+$0x200];
	_ =	sdelay $0x1  }
0x6c: {  	v3 =	vld [tilespmem:s18+$0x0]  }
0x6d: {  	s1 =	simm.s32 $0x40  }
.LBB2_8:
0x6e: {  	p0 =	sne.s32 s1, $0x600  }
.Ltmp2:
0x6f: {  	s3 =	sshra.s32 s1, $0x2;
	s1 =	sadd.s32 $0x40, s1;
	vm0 =	vge.s32 v2, v0;
	vm1 =	vlt.s32 v2, v1;
	(pc) =	sbr.rel @p0 .LBB2_8-.Ltmp2, $4  }
0x70: {  	v4 =	vsub.s32 v2, v0;
	vm0 =	vmand vm0, vm1;
	v2 =	vld [tilespmem:s3+$0x200]  }
0x71: {  	v5 =	vnsel vm0, $0xFFFFFFFF, v3;
	v3 =	vld [tilespmem:s3+$0x0];
	v4 =	vnsel vm0, $0xFFFFFFFF, v4  }
0x72: {  	[tilespmem:s18+$0x600] =	vst v4  }
0x73: {  	[tilespmem:s18+$0x400] =	vst v5;
	s18 =	smov.u32 s3  }
0x74: {  	_ = 	snop  }
0x75: {  	vm0 =	vge.s32 v2, v0;
	vm1 =	vlt.s32 v2, v1  }
0x76: {  	v2 =	vsub.s32 v2, v0;
	vm0 =	vmand vm0, vm1  }
0x77: {  	v2 =	vnsel vm0, $0xFFFFFFFF, v2  }
0x78: {  	v3 =	vnsel vm0, $0xFFFFFFFF, v3;
	[tilespmem:s18+$0x600] =	vst v2  }
0x79: {  	[tilespmem:s18+$0x400] =	vst v3  }
0x7a: {  	s0 =	sadd.s32 $0x1, s0;
	_ =	swait.ge [sflag:s25], $0xC800  }
0x7b: {  	p0 =	sne.s32 s0, $0xFA;
	[sflag:s25] =	ssyncset.done $0x0  }
.Ltmp3:
0x7c: {  	[sflag:s25] =	ssyncadd.s32 $0xFFFF3800;
	(ifvalue) =	ssetifvalue $0xFFFFFFFF;
	(pc) =	sbr.rel @p0 .LBB2_5-.Ltmp3, $4  }
0x7d: {  	[spmem:s2] =	stream.indirect.scatter.add.f32 [tilespmem:s19], [sflag:$0x3], $0x80, s29, s23, $0x40b8;
	[tilespmem:$0x1FC00] =	vst v63  }
0x7e: {  	_ =	swait.ge [sflag:s20], $0xC800  }
0x7f: {  	[sflag:s20] =	ssyncset.done $0x0  }
0x80: {  	[sflag:s20] =	ssyncadd.s32 $0xFFFF3800  }
0x81: {  	[bflag:$0x0] =	sbarrier.arrive $0xFFFF  }
0x82: {  	[tilespmem:s19], [sflag:$0x3] =	stream.linear.gather [spmem:s11], $0xC800, $0x38;
	[tilespmem:$0x1FC00] =	vst v63  }
0x83: {  	s0 =	sadd.s32 s10, s4;
	_ =	swait.ge [sflag:s20], $0xC800  }
0x84: {  	s0 =	sshll.u32 s0, $0x4;
	[sflag:s20] =	ssyncset.done $0x0  }
0x85: {  	s3 =	simm.s32 $0x0;
	s1 =	sadd.s32 s9, s0;
	[sflag:s20] =	ssyncadd.s32 $0xFFFF3800  }
0x86: {  	[hbm4b:s1+s3] =	stream.linear.scatter [tilespmem:s19], [sflag:$0x3], $0xC800, $0x38;
	[tilespmem:$0x1FC00] =	vst v63  }
0x87: {  	_ =	swait.ge [sflag:s20], $0xC800  }
0x88: {  	[sflag:s20] =	ssyncset.done $0x0  }
0x89: {  	[sflag:s20] =	ssyncadd.s32 $0xFFFF3800  }
0x8a: {  	[tilespmem:s19], [sflag:$0x3] =	stream.linear.gather [spmem:s12], $0x6000, $0x38;
	[tilespmem:$0x1FC00] =	vst v63  }
0x8b: {  	_ =	swait.ge [sflag:s20], $0x6000  }
0x8c: {  	s31 =	sadd.s32 $0x1, s31;
	[sflag:s20] =	ssyncset.done $0x0  }
0x8d: {  	p0 =	sne.s32 s31, $0x6;
	s0 =	sadd.s32 s0, s17;
	[sflag:s20] =	ssyncadd.s32 $0xFFFFA000  }
0x8e: {  	[hbm4b:s0+s3] =	stream.linear.scatter [tilespmem:s19], [sflag:$0x3], $0x6000, $0x38;
	[tilespmem:$0x1FC00] =	vst v63  }
.Ltmp4:
0x8f: {  	_ =	swait.ge [sflag:s20], $0x6000;
	(pc) =	sbr.rel @p0 .LBB2_2-.Ltmp4, $3  }
0x90: {  	[sflag:s20] =	ssyncset.done $0x0  }
0x91: {  	[sflag:s20] =	ssyncadd.s32 $0xFFFFA000  }
0x92: {  	[bflag:$0x0] =	sbarrier.arrive $0xFFFF;
	_ =	sdelay $0x1  }
0x93: {  	s1 =	rddreg [dreg:$0x5]  }
0x94: {  	s0 =	rddreg [dreg:$0x4];
	s1 =	sadd.s32 $0x1, s1  }
0x95: {  	p0 =	sne.s32 s1, s0  }
.Ltmp5:
0x96: {  	_ = 	snop;
	(pc) =	sbr.rel @p0 .LBB2_1-.Ltmp5, $1  }
0x97: {  	_ =	sdelay $0x3  }
0x98: {  	_ =	sfence.sel $0x180000  }
0x99: {  	[bflag:$0x0] =	sbarrier.arrive $0xFFFF  }
0x9a: {  	_ =	strace $0x9000004A  }
0x9b: {  	s0 =	stileid.u32;
	[bflag:$0x2] =	sbarrier.arrive $0xFFFF  }
0x9c: {  	p0 =	sne.s32 s0, $0x0;
	s0 =	rddreg [dreg:$0x3]  }
0x9d: {  	s0 =	sadd.s32 @!p0 $0x100000, s0  }
0x9e: {  	[sflag:s0] =	ssyncadd.tile.s32 @!p0 $0x1;
	_ =	shalt  }
.Lfunc_end2:
_tile_overlayer_lowered:
.L_overlay_start_2:
0x9f: {  	(tag) =	ssettag $0x2  }
0xa0: {  	s0 =	rddreg [dreg:$0x0];
	s2 =	stileid.u32  }
0xa1: {  	s1 =	rddreg [dreg:$0x1];
	p0 =	sne.s32 s2, $0x0  }
0xa2: {  	s3 =	rddreg [dreg:$0x2];
	[bflag:$0x3] =	sbarrier.arrive $0xFFFF;
	s2 =	simm.s32 @!p0 $0x1C03  }
0xa3: {  	[timem:s3], [sflag:s2] =	dma.local @!p0 [hbm:s0], s1  }
0xa4: {  	s0 =	simm.s32 @!p0 $0x3  }
0xa5: {  	_ =	swait.ge @!p0 [sflag:s0], s1  }
0xa6: {  	s1 =	ssub.s32 @!p0 $0x0, s1;
	[sflag:s0] =	ssyncset.done @!p0 $0x0  }
0xa7: {  	[sflag:s0] =	ssyncadd.s32 @!p0 s1  }
0xa8: {  	[bflag:$0x3] =	sbarrier.arrive $0xFFFF  }
0xa9: {  	_ =	shalt  }

// kernel: kernel.18.cloned.1.call-start
scs
__scs_entry_jumppad:
0x0: {  	(pc) =	sbr.rel $0x88, $3  }
0x1: {  	(tag) =	ssettag $0x0;
	lr =	simm.s32 $0x1  }
0x2: {  	[smem:$0x3F89] =	sst lr;
	_ =	strace $0xD0000000  }
0x3: {  	_ = 	snop  }
0x4: {  	_ = 	snop  }
0x5: {  	_ = 	snop  }
0x6: {  	_ = 	snop  }
0x7: {  	_ = 	snop  }
__scs_overlays_trampoline_lowered:
0x8: {  	[smem:$0x3F98] =	sst s0  }
0x9: {  	[smem:$0x3F99] =	sst s1  }
0xa: {  	[smem:$0x3F9A] =	sst s2  }
0xb: {  	[smem:$0x3F9B] =	sst s3  }
0xc: {  	[smem:$0x3F9C] =	sst s4  }
0xd: {  	[smem:$0x3F9D] =	sst s5  }
0xe: {  	[smem:$0x3F9E] =	sst s6  }
0xf: {  	[smem:$0x3F9F] =	sst s7  }
0x10: {  	[smem:$0x3FA0] =	sst s8  }
0x11: {  	[smem:$0x3FA1] =	sst s9;
	s0 =	simm.s32 @!p0 $0x0  }
0x12: {  	s1 =	sld [smem:$0x3F87];
	s0 =	simm.s32 @p0 $0x1  }
0x13: {  	[smem:$0x3FA2] =	sst s0;
	s0 =	simm.s32 @!p1 $0x0  }
0x14: {  	s2 =	sld [smem:$0x3F86];
	s0 =	simm.s32 @p1 $0x1  }
0x15: {  	[smem:$0x3FA3] =	sst s0;
	s0 =	simm.s32 @!p2 $0x0  }
0x16: {  	s3 =	sld [smem:$0x3FDB];
	s0 =	simm.s32 @p2 $0x1  }
0x17: {  	s4 =	simm.s32 $0x1BF5;
	[smem:$0x3FA5] =	sst s0  }
0x18: {  	s0 =	sld [smem:$0x3F88];
	_ =	swait.ge [sflag:s4], $0x0  }
0x19: {  	s7 =	sld [smem:$0x3F89]  }
0x1a: {  	s8 =	sadd.s32 $0xFFFFE003, lr  }
0x1b: {  	s9 =	sadd.s32 $0xFFFFFEF7, lr;
	s5 =	simm.s32 $0xFFFFFFFF;
	p2 =	slt.u32 s8, $0xFFFFF086  }
0x1c: {  	p1 =	slt.u32 s9, $0xF7A;
	s5 =	simm.s32 @!p2 $0x0  }
0x1d: {  	s5 =	simm.s32 @p1 $0x1;
	p0 =	seq.s32 s7, s2  }
0x1e: {  	s7 =	smul.u32 @!p0 $0xF7A, s2;
	p2 =	seq.s32 @!p0 s5, $0x0  }
0x1f: {  	s9 =	smul.u32 $0xF7A, s1;
	s8 =	simm.s32 @!p0 $0x1BF5;
	p2 =	por !p2, p0  }
0x20: {  	[sflag:s8] =	ssyncset.s32 @!p0 $0xFFFFF086;
	s6 =	sadd.s32 @!p0 s3, s7;
	s7 =	simm.s32 @!p0 $0x108  }
0x21: {  	s3 =	sadd.s32 s3, s9;
	s6 =	sadd.s32 @!p0 $0x88, s6;
	s7 =	simm.s32 @p2 $0x1082  }
0x22: {  	[simem:s7], [sflag:s8] =	dma.local @!p0 [hbm:s6], $0xF7A  }
0x23: {  	s9 =	sor.u32 $0xD0000000, s2;
	s6 =	simm.s32 $0x108;
	_ =	swait.ge @!p0 [sflag:s8], $0x0  }
0x24: {  	s3 =	sadd.s32 $0x88, s3;
	s6 =	simm.s32 @!p1 $0x1082;
	[sflag:s4] =	ssyncset.s32 $0xFFFFF086  }
0x25: {  	[simem:s6], [sflag:s4] =	dma.local [hbm:s3], $0xF7A  }
0x26: {  	[smem:$0x3F89] =	sst s1;
	(tag) =	ssettag s2;
	_ =	strace s9  }
0x27: {  	s1 =	sld [smem:$0x3F99]  }
0x28: {  	s2 =	sld [smem:$0x3F9A]  }
0x29: {  	s4 =	sld [smem:$0x3F9C]  }
0x2a: {  	p0 =	seq.s32 s5, $0x0;
	s5 =	sld [smem:$0x3F9D]  }
0x2b: {  	s6 =	sld [smem:$0x3F9E]  }
0x2c: {  	s7 =	sld [smem:$0x3F9F]  }
0x2d: {  	s3 =	simm.s32 $0x108;
	s8 =	sld [smem:$0x3FA0]  }
0x2e: {  	s3 =	simm.s32 @!p0 $0x1082;
	s9 =	sld [smem:$0x3FA1]  }
0x2f: {  	lr =	sadd.s32 s0, s3;
	s0 =	sld [smem:$0x3F98]  }
0x30: {  	s3 =	sld [smem:$0x3F9B]  }
0x31: {  	[smem:$0x3FA4] =	sst s10  }
0x32: {  	s10 =	sld [smem:$0x3FA2];
	_ =	sdelay $0x3  }
0x33: {  	p0 =	seq.s32 s10, $0x1;
	s10 =	sld [smem:$0x3FA4];
	_ =	sdelay $0x3  }
0x34: {  	[smem:$0x3FA4] =	sst s10  }
0x35: {  	s10 =	sld [smem:$0x3FA3];
	_ =	sdelay $0x3  }
0x36: {  	p1 =	seq.s32 s10, $0x1;
	s10 =	sld [smem:$0x3FA4];
	_ =	sdelay $0x3  }
0x37: {  	[smem:$0x3FA4] =	sst s10  }
0x38: {  	s10 =	sld [smem:$0x3FA5]  }
0x39: {  	_ = 	snop;
	(pc) =	sbr.ind lr, $3  }
0x3a: {  	_ = 	snop  }
0x3b: {  	_ = 	snop  }
0x3c: {  	p2 =	seq.s32 s10, $0x1;
	s10 =	sld [smem:$0x3FA4]  }
0x3d: {  	_ =	shalt  }
0x3e: {  	_ =	shalt  }
0x3f: {  	_ =	shalt  }
0x40: {  	_ =	shalt  }
0x41: {  	_ =	shalt  }
0x42: {  	_ =	shalt  }
0x43: {  	_ =	shalt  }
0x44: {  	_ =	shalt  }
0x45: {  	_ =	shalt  }
0x46: {  	_ =	shalt  }
0x47: {  	_ =	shalt  }
0x48: {  	_ =	shalt  }
0x49: {  	_ =	shalt  }
0x4a: {  	_ =	shalt  }
0x4b: {  	_ =	shalt  }
0x4c: {  	_ =	shalt  }
0x4d: {  	_ =	shalt  }
0x4e: {  	_ =	shalt  }
0x4f: {  	_ =	shalt  }
0x50: {  	_ =	shalt  }
0x51: {  	_ =	shalt  }
0x52: {  	_ =	shalt  }
0x53: {  	_ =	shalt  }
0x54: {  	_ =	shalt  }
0x55: {  	_ =	shalt  }
0x56: {  	_ =	shalt  }
0x57: {  	_ =	shalt  }
0x58: {  	_ =	shalt  }
0x59: {  	_ =	shalt  }
0x5a: {  	_ =	shalt  }
0x5b: {  	_ =	shalt  }
0x5c: {  	_ =	shalt  }
0x5d: {  	_ =	shalt  }
0x5e: {  	_ =	shalt  }
0x5f: {  	_ =	shalt  }
0x60: {  	_ =	shalt  }
0x61: {  	_ =	shalt  }
0x62: {  	_ =	shalt  }
0x63: {  	_ =	shalt  }
0x64: {  	_ =	shalt  }
0x65: {  	_ =	shalt  }
0x66: {  	_ =	shalt  }
0x67: {  	_ =	shalt  }
0x68: {  	_ =	shalt  }
0x69: {  	_ =	shalt  }
0x6a: {  	_ =	shalt  }
0x6b: {  	_ =	shalt  }
0x6c: {  	_ =	shalt  }
0x6d: {  	_ =	shalt  }
0x6e: {  	_ =	shalt  }
0x6f: {  	_ =	shalt  }
0x70: {  	_ =	shalt  }
0x71: {  	_ =	shalt  }
0x72: {  	_ =	shalt  }
0x73: {  	_ =	shalt  }
0x74: {  	_ =	shalt  }
0x75: {  	_ =	shalt  }
0x76: {  	_ =	shalt  }
0x77: {  	_ =	shalt  }
0x78: {  	_ =	shalt  }
0x79: {  	_ =	shalt  }
0x7a: {  	_ =	shalt  }
0x7b: {  	_ =	shalt  }
0x7c: {  	_ =	shalt  }
0x7d: {  	_ =	shalt  }
0x7e: {  	_ =	shalt  }
0x7f: {  	_ =	shalt  }
0x80: {  	_ =	shalt  }
0x81: {  	_ =	shalt  }
0x82: {  	_ =	shalt  }
0x83: {  	_ =	shalt  }
0x84: {  	_ =	shalt  }
0x85: {  	_ =	shalt  }
0x86: {  	_ =	shalt  }
0x87: {  	_ =	shalt  }
.Lfunc_end0:
.L_simem_size_0:
called_computation.2_lowered:
.L_overlay_start_0:
0x88: {  	s2 =	sld [smem:$0x3FD9]  }
0x89: {  	s3 =	sld [smem:$0x3FFE];
	_ =	sdelay $0x1  }
0x8a: {  	s1 =	srdreg.scid  }
0x8b: {  	s0 =	sand.u32 $0x1, s1  }
0x8c: {  	s14 =	sshll.u32 s0, $0xA;
	s2 =	sadd.s32 s3, s2  }
0x8d: {  	s2 =	sadd.s32 s2, s14  }
0x8e: {  	[smem:$0x3FB0] =	sst s2  }
0x8f: {  	_ = 	snop  }
0x90: {  	s2 =	sld [smem:$0x3FD0];
	_ =	sdelay $0x2  }
0x91: {  	s15 =	simm.s32 $0xA;
	s4 =	simm.s32 $0x10  }
0x92: {  	[smem:s4], [sflag:s15] =	dma.local [hbm:s2], $0x1  }
0x93: {  	_ =	swait.eq [sflag:s15], $0x1  }
0x94: {  	[sflag:s15] =	ssyncset.done $0x0  }
0x95: {  	[sflag:s15] =	ssyncadd.s32 $0xFFFFFFFF  }
0x96: {  	s16 =	sld [smem:$0x11];
	(tm) =	ssettm $0x1  }
0x97: {  	s17 =	sld [smem:$0x3FFB];
	_ =	sdelay $0x3  }
0x98: {  	_ =	strace s17  }
0x99: {  	s3 =	sld [smem:$0x3FFC];
	_ =	sdelay $0x3  }
0x9a: {  	_ =	strace s3  }
0x9b: {  	s3 =	sld [smem:$0x3FFD];
	_ =	sdelay $0x3  }
0x9c: {  	_ =	strace s3  }
0x9d: {  	_ =	strace $0x8FFFFFFF  }
0x9e: {  	s18 =	sld [smem:$0x3FDB];
	_ =	sdelay $0x1  }
0x9f: {  	s19 =	simm.s32 $_scs_section_size  }
0xa0: {  	s5 =	simm.s32 $_size__tile_overlayer_lowered;
	s6 =	simm.s32 $_tile_overlayer_lowered  }
0xa1: {  	s22 =	simm.s32 $0x1BFF;
	s21 =	sshll.u32 s6, $0x1;
	s3 =	sadd.s32 s19, s18  }
0xa2: {  	s7 =	simm.s32 $0x0;
	s20 =	sshll.u32 s5, $0x1;
	s5 =	sadd.s32 s21, s3  }
0xa3: {  	[timem:s7], [sflag:s22] =	dma.local [hbm:s5], s20  }
0xa4: {  	_ =	swait.ge [sflag:s22], s20  }
0xa5: {  	s4 =	ssub.s32 $0x0, s20;
	[sflag:s22] =	ssyncset.done $0x0  }
0xa6: {  	[sflag:s22] =	ssyncadd.s32 s4;
	_ =	sdelay $0x1  }
0xa7: {  	s23 =	simm.s32 $0x1B8B  }
0xa8: {  	_ =	swait.ge [sflag:s23], $0x1  }
0xa9: {  	[sflag:s23] =	ssyncset.done $0x0  }
0xaa: {  	s25 =	simm.s32 $0x1B8E;
	s24 =	sld [smem:$0x3FFE];
	[sflag:s23] =	ssyncadd.s32 $0xFFFFFFFF  }
0xab: {  	s26 =	simm.s32 $execute0_lowered;
	[smem:$0x3FD2] =	sst s25  }
0xac: {  	s5 =	sshll.u32 s26, $0x1;
	_ =	strace $0x8000004C;
	[dreg:$0x1] =	wrdreg $0xFFFFFFFF  }
0xad: {  	s28 =	simm.s32 $_size_execute0_lowered;
	s3 =	sadd.s32 s3, s5;
	[dreg:$0x0] =	wrdreg $0x0  }
0xae: {  	s5 =	sshll.u32 s28, $0x1;
	[dreg:$0x2] =	wrdreg s3  }
0xaf: {  	[dreg:$0x3] =	wrdreg s5  }
0xb0: {  	[dreg:$0x4] =	wrdreg $0xC0  }
0xb1: {  	_ =	task [dreg:s7], $0x5FFFF  }
0xb2: {  	[dreg:$0x1] =	wrdreg $0xFFFFFFFF  }
0xb3: {  	[dreg:$0x0] =	wrdreg $0x60  }
0xb4: {  	[dreg:$0x2] =	wrdreg s24  }
0xb5: {  	[dreg:$0x3] =	wrdreg s16  }
0xb6: {  	[dreg:$0x4] =	wrdreg $0xD4000  }
0xb7: {  	[dreg:$0x5] =	wrdreg $0x9  }
0xb8: {  	_ =	task.clear_ibuf [dreg:s7], $0x6FFFF;
	_ =	strace $0x9000004C  }
0xb9: {  	s29 =	simm.s32 $0x9;
	_ =	strace $0x8000004E  }
0xba: {  	_ =	swait.ge [sflag:s29], $0x1  }
0xbb: {  	[sflag:s29] =	ssyncadd.s32 $0xFFFFFFFF  }
0xbc: {  	_ =	strace $0x9000004E  }
0xbd: {  	_ =	sfence  }
0xbe: {  	s30 =	sld [smem:$0x0];
	_ =	sdelay $0x2  }
0xbf: {  	s31 =	sshll.u32 s1, $0xD;
	s1 =	sshrl.u32 s1, $0x2  }
0xc0: {  	s3 =	sand.u32 $0x4000, s31;
	s1 =	sadd.s32 s1, s30  }
0xc1: {  	s0 =	sor.u32 s3, s0;
	s1 =	sshll.u32 s1, $0x11  }
0xc2: {  	s0 =	sor.u32 s1, s0  }
0xc3: {  	s0 =	sadd.s32 $0x8F2B, s0  }
0xc4: {  	[sflag:s0] =	ssyncadd.remote.s32 $0x1  }
0xc5: {  	_ =	sfence.sel $0xFFFF  }
0xc6: {  	[dreg:$0x0] =	wrdreg $0xFFFFFFFF;
	(pc) =	sbr.abs _section_cstart, $3  }
0xc7: {  	[dreg:$0x1] =	wrdreg $0xFFFFFFFF  }
0xc8: {  	_ =	task.clear_ibuf [dreg:s7], $0x2FFFF;
	_ =	strace $0x9FFFFFFF  }
0xc9: {  	(tm) =	ssettm $0x7FFFFFFF  }
tec
execute0_lowered:
.L_overlay_start_1:
0x0: {  	(tag) =	ssettag $0x1  }
0x1: {  	s0 =	rddreg [dreg:$0x0]  }
0x2: {  	s2 =	rddreg [dreg:$0x2];
	s1 =	simm.s32 $0x0;
	s26 =	srdreg.scid  }
0x3: {  	s3 =	stileid.u32;
	s19 =	simm.s32 $0xC00;
	s20 =	simm.s32 $0x3  }
0x4: {  	s21 =	simm.s32 $0x200;
	s22 =	simm.s32 $0x2;
	s23 =	simm.s32 $0x190  }
0x5: {  	s24 =	simm.s32 $0x400;
	s25 =	simm.s32 $0x1;
	s28 =	simm.s32 $0x800  }
0x6: {  	s29 =	simm.s32 $0xA00;
	[smem:$0x7FF] =	sst s1;
	s5 =	sadd.s32 $0xC8000, s0  }
0x7: {  	s6 =	sand.u32 $0x1, s26;
	s7 =	sadd.s32 $0x66400, s0;
	s4 =	smul.u32 $0x4A000, s3  }
0x8: {  	s8 =	sadd.s32 $0x4800, s0;
	s16 =	smul.u32 $0x30D40, s3;
	s9 =	sadd.s32 $0x24EA00, s0  }
0x9: {  	s17 =	sadd.s32 $0x250300, s0;
	s26 =	simm.s32 $0x600;
	s1 =	ssub.s32 $0x2, s6  }
0xa: {  	_ =	strace $0x8000004D;
	s10 =	sshrl.u32 s1, $0x1;
	s4 =	sshrl.u32 s4, $0x2  }
0xb: {  	s30 =	sshrl.u32 s16, $0x3;
	s15 =	sadd.s32 $0x190, s16;
	s16 =	sadd.s32 $0x320, s16  }
0xc: {  	s1 =	ssub.s32 s1, s10;
	s10 =	smul.u32 $0x250, s3;
	s11 =	sadd.s32 s4, s2  }
0xd: {  	s13 =	sadd.s32 s7, s30;
	s14 =	sadd.s32 s8, s30;
	s31 =	smax.u32 s1, $0x1  }
0xe: {  	s12 =	sadd.s32 $0xC800, s11;
	s1 =	simm.s32 $0x0;
	[dreg:$0x4] =	wrdreg s31  }
.LBB2_1:
0xf: {  	[dreg:$0x5] =	wrdreg s1;
	s31 =	simm.s32 $0x0  }
.LBB2_2:
0x10: {  	s0 =	simm.s32 $0x0;
	s1 =	rddreg [dreg:$0x1]  }
0x11: {  	[tilespmem:s19], [sflag:$0x3] =	stream.linear.gather [hbm4b:s1+s0], $0xC800, $0x38;
	[tilespmem:$0x1FC00] =	vst v63  }
0x12: {  	_ =	swait.ge [sflag:s20], $0xC800  }
0x13: {  	[sflag:s20] =	ssyncset.done $0x0  }
0x14: {  	[sflag:s20] =	ssyncadd.s32 $0xFFFF3800  }
0x15: {  	[spmem:s11] =	stream.linear.scatter [tilespmem:s19], [sflag:$0x3], $0xC800, $0x38;
	[tilespmem:$0x1FC00] =	vst v63  }
0x16: {  	_ =	swait.ge [sflag:s20], $0xC800  }
0x17: {  	[sflag:s20] =	ssyncset.done $0x0  }
0x18: {  	[sflag:s20] =	ssyncadd.s32 $0xFFFF3800  }
0x19: {  	[tilespmem:s19], [sflag:$0x3] =	stream.linear.gather [hbm4b:s1+s0], $0x6000, $0x38;
	[tilespmem:$0x1FC00] =	vst v63  }
0x1a: {  	_ =	swait.ge [sflag:s20], $0x6000  }
0x1b: {  	[sflag:s20] =	ssyncset.done $0x0  }
0x1c: {  	[sflag:s20] =	ssyncadd.s32 $0xFFFFA000  }
0x1d: {  	[spmem:s12] =	stream.linear.scatter [tilespmem:s19], [sflag:$0x3], $0x6000, $0x38;
	[tilespmem:$0x1FC00] =	vst v63  }
0x1e: {  	_ =	swait.ge [sflag:s20], $0x6000  }
0x1f: {  	[sflag:s20] =	ssyncset.done $0x0  }
0x20: {  	[sflag:s20] =	ssyncadd.s32 $0xFFFFA000  }
0x21: {  	[bflag:$0x0] =	sbarrier.arrive $0xFFFF  }
0x22: {  	[tilespmem:s0], [sflag:$0x2] =	stream.linear.gather [hbm4b:s13+s0], $0x190, $0x38;
	[tilespmem:$0x1FC00] =	vst v63  }
0x23: {  	_ = 	snop  }
0x24: {  	[tilespmem:s21], [sflag:$0x2] =	stream.linear.gather [hbm4b:s14+s0], $0x190, $0x38;
	[tilespmem:$0x1FC00] =	vst v63  }
0x25: {  	_ =	swait.ge [sflag:s22], $0x190  }
0x26: {  	[sflag:s22] =	ssyncset.done $0x0  }
0x27: {  	[sflag:s22] =	ssyncadd.s32 $0xFFFFFE70  }
0x28: {  	_ =	swait.ge [sflag:s22], $0x190  }
0x29: {  	s18 =	sshll.u32 s31, $0x1;
	[sflag:s22] =	ssyncset.done $0x0  }
0x2a: {  	s1 =	sor.u32 s6, s18;
	s18 =	simm.s32 $0x0;
	[sflag:s22] =	ssyncadd.s32 $0xFFFFFE70  }
0x2b: {  	s4 =	smul.u32 $0x2500, s1;
	v2 =	vld [tilespmem:s18+$0x200];
	_ =	sdelay $0x1  }
0x2c: {  	s1 =	sadd.s32 $0x2500, s4;
	v3 =	vld [tilespmem:s18+$0x0]  }
0x2d: {  	s30 =	simm.s32 $0x40;
	v0 =	vmov s4;
	v1 =	vmov s1  }
.LBB2_3:
0x2e: {  	p0 =	sne.s32 s30, $0x600  }
.Ltmp0:
0x2f: {  	s1 =	sshra.s32 s30, $0x2;
	s30 =	sadd.s32 $0x40, s30;
	vm0 =	vge.s32 v2, v0;
	vm1 =	vlt.s32 v2, v1;
	(pc) =	sbr.rel @p0 .LBB2_3-.Ltmp0, $4  }
0x30: {  	v4 =	vsub.s32 v2, v0;
	vm0 =	vmand vm0, vm1;
	v2 =	vld [tilespmem:s1+$0x200]  }
0x31: {  	v5 =	vnsel vm0, $0xFFFFFFFF, v3;
	v3 =	vld [tilespmem:s1+$0x0];
	v4 =	vnsel vm0, $0xFFFFFFFF, v4  }
0x32: {  	[tilespmem:s18+$0x600] =	vst v4  }
0x33: {  	[tilespmem:s18+$0x400] =	vst v5;
	s18 =	smov.u32 s1  }
0x34: {  	_ = 	snop  }
0x35: {  	vm0 =	vge.s32 v2, v0;
	vm1 =	vlt.s32 v2, v1  }
0x36: {  	v2 =	vsub.s32 v2, v0;
	vm0 =	vmand vm0, vm1  }
0x37: {  	v2 =	vnsel vm0, $0xFFFFFFFF, v2  }
0x38: {  	v3 =	vnsel vm0, $0xFFFFFFFF, v3;
	[tilespmem:s18+$0x600] =	vst v2  }
0x39: {  	[tilespmem:s18+$0x400] =	vst v3  }
.LBB2_5:
0x3a: {  	(ifvalue) =	ssetifvalue $0xFFFFFFFF  }
0x3b: {  	s18 =	smul.u32 $0x320, s0;
	(ifvalue) =	ssetifvalue $0xFFFFFFFF  }
0x3c: {  	[tilespmem:s19], [sflag:$0x1] =	stream.indirect.gather [hbm4b:s5+s23], $0x80, s24, s23, $0x40b8;
	[tilespmem:$0x1FC00] =	vst v63  }
0x3d: {  	s1 =	sadd.s32 s18, s15  }
0x3e: {  	s1 =	sshrl.u32 s1, $0x3  }
0x3f: {  	s3 =	simm.s32 $0x0;
	s30 =	sadd.s32 s7, s1  }
0x40: {  	[tilespmem:s3], [sflag:$0x2] =	stream.linear.gather [hbm4b:s30+s3], $0x190, $0x38;
	[tilespmem:$0x1FC00] =	vst v63  }
0x41: {  	s1 =	sadd.s32 s8, s1  }
0x42: {  	[tilespmem:s21], [sflag:$0x2] =	stream.linear.gather [hbm4b:s1+s3], $0x190, $0x38;
	[tilespmem:$0x1FC00] =	vst v63  }
0x43: {  	_ =	swait.ge [sflag:s22], $0x190  }
0x44: {  	[sflag:s22] =	ssyncset.done $0x0  }
0x45: {  	[sflag:s22] =	ssyncadd.s32 $0xFFFFFE70  }
0x46: {  	_ =	swait.ge [sflag:s22], $0x190  }
0x47: {  	[sflag:s22] =	ssyncset.done $0x0  }
0x48: {  	s30 =	simm.s32 $0x0;
	[sflag:s22] =	ssyncadd.s32 $0xFFFFFE70  }
0x49: {  	v2 =	vld [tilespmem:s30+$0x200];
	_ =	sdelay $0x1  }
0x4a: {  	v3 =	vld [tilespmem:s30+$0x0]  }
0x4b: {  	s1 =	simm.s32 $0x40  }
.LBB2_6:
0x4c: {  	p0 =	sne.s32 s1, $0x600  }
.Ltmp1:
0x4d: {  	s3 =	sshra.s32 s1, $0x2;
	s1 =	sadd.s32 $0x40, s1;
	vm0 =	vge.s32 v2, v0;
	vm1 =	vlt.s32 v2, v1;
	(pc) =	sbr.rel @p0 .LBB2_6-.Ltmp1, $4  }
0x4e: {  	v4 =	vsub.s32 v2, v0;
	vm0 =	vmand vm0, vm1;
	v2 =	vld [tilespmem:s3+$0x200]  }
0x4f: {  	v5 =	vnsel vm0, $0xFFFFFFFF, v3;
	v3 =	vld [tilespmem:s3+$0x0];
	v4 =	vnsel vm0, $0xFFFFFFFF, v4  }
0x50: {  	[tilespmem:s30+$0xA00] =	vst v4  }
0x51: {  	[tilespmem:s30+$0x800] =	vst v5;
	s30 =	smov.u32 s3  }
0x52: {  	_ = 	snop  }
0x53: {  	vm0 =	vge.s32 v2, v0;
	vm1 =	vlt.s32 v2, v1  }
0x54: {  	v2 =	vsub.s32 v2, v0;
	vm0 =	vmand vm0, vm1  }
0x55: {  	v2 =	vnsel vm0, $0xFFFFFFFF, v2  }
0x56: {  	v3 =	vnsel vm0, $0xFFFFFFFF, v3;
	[tilespmem:s30+$0xA00] =	vst v2  }
0x57: {  	[tilespmem:s30+$0x800] =	vst v3  }
0x58: {  	_ =	swait.ge [sflag:s25], $0xC800  }
0x59: {  	[sflag:s25] =	ssyncset.done $0x0  }
0x5a: {  	[sflag:s25] =	ssyncadd.s32 $0xFFFF3800;
	(ifvalue) =	ssetifvalue $0xFFFFFFFF  }
0x5b: {  	[spmem:s2] =	stream.indirect.scatter.add.f32 [tilespmem:s19], [sflag:$0x3], $0x80, s26, s23, $0x40b8;
	[tilespmem:$0x1FC00] =	vst v63  }
0x5c: {  	_ =	swait.ge [sflag:s20], $0xC800  }
0x5d: {  	s1 =	smin.u32 s18, $0x30890;
	[sflag:s20] =	ssyncset.done $0x0  }
0x5e: {  	s1 =	sadd.s32 s1, s16;
	[sflag:s20] =	ssyncadd.s32 $0xFFFF3800;
	(ifvalue) =	ssetifvalue $0xFFFFFFFF  }
0x5f: {  	s1 =	sshrl.u32 s1, $0x3;
	(ifvalue) =	ssetifvalue $0xFFFFFFFF  }
0x60: {  	[tilespmem:s19], [sflag:$0x1] =	stream.indirect.gather [hbm4b:s5+s23], $0x80, s28, s23, $0x40b8;
	[tilespmem:$0x1FC00] =	vst v63  }
0x61: {  	s3 =	sadd.s32 s7, s1;
	s30 =	simm.s32 $0x0  }
0x62: {  	[tilespmem:s30], [sflag:$0x2] =	stream.linear.gather [hbm4b:s3+s30], $0x190, $0x38;
	[tilespmem:$0x1FC00] =	vst v63  }
0x63: {  	s1 =	sadd.s32 s8, s1  }
0x64: {  	[tilespmem:s21], [sflag:$0x2] =	stream.linear.gather [hbm4b:s1+s30], $0x190, $0x38;
	[tilespmem:$0x1FC00] =	vst v63  }
0x65: {  	_ =	swait.ge [sflag:s22], $0x190  }
0x66: {  	[sflag:s22] =	ssyncset.done $0x0  }
0x67: {  	[sflag:s22] =	ssyncadd.s32 $0xFFFFFE70  }
0x68: {  	_ =	swait.ge [sflag:s22], $0x190  }
0x69: {  	[sflag:s22] =	ssyncset.done $0x0  }
0x6a: {  	s18 =	simm.s32 $0x0;
	[sflag:s22] =	ssyncadd.s32 $0xFFFFFE70  }
0x6b: {  	v2 =	vld [tilespmem:s18+$0x200];
	_ =	sdelay $0x1  }
0x6c: {  	v3 =	vld [tilespmem:s18+$0x0]  }
0x6d: {  	s1 =	simm.s32 $0x40  }
.LBB2_8:
0x6e: {  	p0 =	sne.s32 s1, $0x600  }
.Ltmp2:
0x6f: {  	s3 =	sshra.s32 s1, $0x2;
	s1 =	sadd.s32 $0x40, s1;
	vm0 =	vge.s32 v2, v0;
	vm1 =	vlt.s32 v2, v1;
	(pc) =	sbr.rel @p0 .LBB2_8-.Ltmp2, $4  }
0x70: {  	v4 =	vsub.s32 v2, v0;
	vm0 =	vmand vm0, vm1;
	v2 =	vld [tilespmem:s3+$0x200]  }
0x71: {  	v5 =	vnsel vm0, $0xFFFFFFFF, v3;
	v3 =	vld [tilespmem:s3+$0x0];
	v4 =	vnsel vm0, $0xFFFFFFFF, v4  }
0x72: {  	[tilespmem:s18+$0x600] =	vst v4  }
0x73: {  	[tilespmem:s18+$0x400] =	vst v5;
	s18 =	smov.u32 s3  }
0x74: {  	_ = 	snop  }
0x75: {  	vm0 =	vge.s32 v2, v0;
	vm1 =	vlt.s32 v2, v1  }
0x76: {  	v2 =	vsub.s32 v2, v0;
	vm0 =	vmand vm0, vm1  }
0x77: {  	v2 =	vnsel vm0, $0xFFFFFFFF, v2  }
0x78: {  	v3 =	vnsel vm0, $0xFFFFFFFF, v3;
	[tilespmem:s18+$0x600] =	vst v2  }
0x79: {  	[tilespmem:s18+$0x400] =	vst v3  }
0x7a: {  	s0 =	sadd.s32 $0x1, s0;
	_ =	swait.ge [sflag:s25], $0xC800  }
0x7b: {  	p0 =	sne.s32 s0, $0xFA;
	[sflag:s25] =	ssyncset.done $0x0  }
.Ltmp3:
0x7c: {  	[sflag:s25] =	ssyncadd.s32 $0xFFFF3800;
	(ifvalue) =	ssetifvalue $0xFFFFFFFF;
	(pc) =	sbr.rel @p0 .LBB2_5-.Ltmp3, $4  }
0x7d: {  	[spmem:s2] =	stream.indirect.scatter.add.f32 [tilespmem:s19], [sflag:$0x3], $0x80, s29, s23, $0x40b8;
	[tilespmem:$0x1FC00] =	vst v63  }
0x7e: {  	_ =	swait.ge [sflag:s20], $0xC800  }
0x7f: {  	[sflag:s20] =	ssyncset.done $0x0  }
0x80: {  	[sflag:s20] =	ssyncadd.s32 $0xFFFF3800  }
0x81: {  	[bflag:$0x0] =	sbarrier.arrive $0xFFFF  }
0x82: {  	[tilespmem:s19], [sflag:$0x3] =	stream.linear.gather [spmem:s11], $0xC800, $0x38;
	[tilespmem:$0x1FC00] =	vst v63  }
0x83: {  	s0 =	sadd.s32 s10, s4;
	_ =	swait.ge [sflag:s20], $0xC800  }
0x84: {  	s0 =	sshll.u32 s0, $0x4;
	[sflag:s20] =	ssyncset.done $0x0  }
0x85: {  	s3 =	simm.s32 $0x0;
	s1 =	sadd.s32 s9, s0;
	[sflag:s20] =	ssyncadd.s32 $0xFFFF3800  }
0x86: {  	[hbm4b:s1+s3] =	stream.linear.scatter [tilespmem:s19], [sflag:$0x3], $0xC800, $0x38;
	[tilespmem:$0x1FC00] =	vst v63  }
0x87: {  	_ =	swait.ge [sflag:s20], $0xC800  }
0x88: {  	[sflag:s20] =	ssyncset.done $0x0  }
0x89: {  	[sflag:s20] =	ssyncadd.s32 $0xFFFF3800  }
0x8a: {  	[tilespmem:s19], [sflag:$0x3] =	stream.linear.gather [spmem:s12], $0x6000, $0x38;
	[tilespmem:$0x1FC00] =	vst v63  }
0x8b: {  	_ =	swait.ge [sflag:s20], $0x6000  }
0x8c: {  	s31 =	sadd.s32 $0x1, s31;
	[sflag:s20] =	ssyncset.done $0x0  }
0x8d: {  	p0 =	sne.s32 s31, $0x6;
	s0 =	sadd.s32 s0, s17;
	[sflag:s20] =	ssyncadd.s32 $0xFFFFA000  }
0x8e: {  	[hbm4b:s0+s3] =	stream.linear.scatter [tilespmem:s19], [sflag:$0x3], $0x6000, $0x38;
	[tilespmem:$0x1FC00] =	vst v63  }
.Ltmp4:
0x8f: {  	_ =	swait.ge [sflag:s20], $0x6000;
	(pc) =	sbr.rel @p0 .LBB2_2-.Ltmp4, $3  }
0x90: {  	[sflag:s20] =	ssyncset.done $0x0  }
0x91: {  	[sflag:s20] =	ssyncadd.s32 $0xFFFFA000  }
0x92: {  	[bflag:$0x0] =	sbarrier.arrive $0xFFFF;
	_ =	sdelay $0x1  }
0x93: {  	s1 =	rddreg [dreg:$0x5]  }
0x94: {  	s0 =	rddreg [dreg:$0x4];
	s1 =	sadd.s32 $0x1, s1  }
0x95: {  	p0 =	sne.s32 s1, s0  }
.Ltmp5:
0x96: {  	_ = 	snop;
	(pc) =	sbr.rel @p0 .LBB2_1-.Ltmp5, $1  }
0x97: {  	_ =	sdelay $0x3  }
0x98: {  	_ =	sfence.sel $0x180000  }
0x99: {  	[bflag:$0x0] =	sbarrier.arrive $0xFFFF  }
0x9a: {  	_ =	strace $0x9000004D  }
0x9b: {  	s0 =	stileid.u32;
	[bflag:$0x2] =	sbarrier.arrive $0xFFFF  }
0x9c: {  	p0 =	sne.s32 s0, $0x0;
	s0 =	rddreg [dreg:$0x3]  }
0x9d: {  	s0 =	sadd.s32 @!p0 $0x100000, s0  }
0x9e: {  	[sflag:s0] =	ssyncadd.tile.s32 @!p0 $0x1;
	_ =	shalt  }
.Lfunc_end2:
_tile_overlayer_lowered:
.L_overlay_start_2:
0x9f: {  	(tag) =	ssettag $0x2  }
0xa0: {  	s0 =	rddreg [dreg:$0x0];
	s2 =	stileid.u32  }
0xa1: {  	s1 =	rddreg [dreg:$0x1];
	p0 =	sne.s32 s2, $0x0  }
0xa2: {  	s3 =	rddreg [dreg:$0x2];
	[bflag:$0x3] =	sbarrier.arrive $0xFFFF;
	s2 =	simm.s32 @!p0 $0x1C03  }
0xa3: {  	[timem:s3], [sflag:s2] =	dma.local @!p0 [hbm:s0], s1  }
0xa4: {  	s0 =	simm.s32 @!p0 $0x3  }
0xa5: {  	_ =	swait.ge @!p0 [sflag:s0], s1  }
0xa6: {  	s1 =	ssub.s32 @!p0 $0x0, s1;
	[sflag:s0] =	ssyncset.done @!p0 $0x0  }
0xa7: {  	[sflag:s0] =	ssyncadd.s32 @!p0 s1  }
0xa8: {  	[bflag:$0x3] =	sbarrier.arrive $0xFFFF  }
0xa9: {  	_ =	shalt  }

// kernel: kernel.21.cloned.1.call-start
scs
__scs_entry_jumppad:
0x0: {  	(pc) =	sbr.rel $0x88, $3  }
0x1: {  	(tag) =	ssettag $0x0;
	lr =	simm.s32 $0x1  }
0x2: {  	[smem:$0x3F89] =	sst lr;
	_ =	strace $0xD0000000  }
0x3: {  	_ = 	snop  }
0x4: {  	_ = 	snop  }
0x5: {  	_ = 	snop  }
0x6: {  	_ = 	snop  }
0x7: {  	_ = 	snop  }
__scs_overlays_trampoline_lowered:
0x8: {  	[smem:$0x3F98] =	sst s0  }
0x9: {  	[smem:$0x3F99] =	sst s1  }
0xa: {  	[smem:$0x3F9A] =	sst s2  }
0xb: {  	[smem:$0x3F9B] =	sst s3  }
0xc: {  	[smem:$0x3F9C] =	sst s4  }
0xd: {  	[smem:$0x3F9D] =	sst s5  }
0xe: {  	[smem:$0x3F9E] =	sst s6  }
0xf: {  	[smem:$0x3F9F] =	sst s7  }
0x10: {  	[smem:$0x3FA0] =	sst s8  }
0x11: {  	[smem:$0x3FA1] =	sst s9;
	s0 =	simm.s32 @!p0 $0x0  }
0x12: {  	s1 =	sld [smem:$0x3F87];
	s0 =	simm.s32 @p0 $0x1  }
0x13: {  	[smem:$0x3FA2] =	sst s0;
	s0 =	simm.s32 @!p1 $0x0  }
0x14: {  	s2 =	sld [smem:$0x3F86];
	s0 =	simm.s32 @p1 $0x1  }
0x15: {  	[smem:$0x3FA3] =	sst s0;
	s0 =	simm.s32 @!p2 $0x0  }
0x16: {  	s3 =	sld [smem:$0x3FDB];
	s0 =	simm.s32 @p2 $0x1  }
0x17: {  	s4 =	simm.s32 $0x1BF5;
	[smem:$0x3FA5] =	sst s0  }
0x18: {  	s0 =	sld [smem:$0x3F88];
	_ =	swait.ge [sflag:s4], $0x0  }
0x19: {  	s7 =	sld [smem:$0x3F89]  }
0x1a: {  	s8 =	sadd.s32 $0xFFFFE003, lr  }
0x1b: {  	s9 =	sadd.s32 $0xFFFFFEF7, lr;
	s5 =	simm.s32 $0xFFFFFFFF;
	p2 =	slt.u32 s8, $0xFFFFF086  }
0x1c: {  	p1 =	slt.u32 s9, $0xF7A;
	s5 =	simm.s32 @!p2 $0x0  }
0x1d: {  	s5 =	simm.s32 @p1 $0x1;
	p0 =	seq.s32 s7, s2  }
0x1e: {  	s7 =	smul.u32 @!p0 $0xF7A, s2;
	p2 =	seq.s32 @!p0 s5, $0x0  }
0x1f: {  	s9 =	smul.u32 $0xF7A, s1;
	s8 =	simm.s32 @!p0 $0x1BF5;
	p2 =	por !p2, p0  }
0x20: {  	[sflag:s8] =	ssyncset.s32 @!p0 $0xFFFFF086;
	s6 =	sadd.s32 @!p0 s3, s7;
	s7 =	simm.s32 @!p0 $0x108  }
0x21: {  	s3 =	sadd.s32 s3, s9;
	s6 =	sadd.s32 @!p0 $0x88, s6;
	s7 =	simm.s32 @p2 $0x1082  }
0x22: {  	[simem:s7], [sflag:s8] =	dma.local @!p0 [hbm:s6], $0xF7A  }
0x23: {  	s9 =	sor.u32 $0xD0000000, s2;
	s6 =	simm.s32 $0x108;
	_ =	swait.ge @!p0 [sflag:s8], $0x0  }
0x24: {  	s3 =	sadd.s32 $0x88, s3;
	s6 =	simm.s32 @!p1 $0x1082;
	[sflag:s4] =	ssyncset.s32 $0xFFFFF086  }
0x25: {  	[simem:s6], [sflag:s4] =	dma.local [hbm:s3], $0xF7A  }
0x26: {  	[smem:$0x3F89] =	sst s1;
	(tag) =	ssettag s2;
	_ =	strace s9  }
0x27: {  	s1 =	sld [smem:$0x3F99]  }
0x28: {  	s2 =	sld [smem:$0x3F9A]  }
0x29: {  	s4 =	sld [smem:$0x3F9C]  }
0x2a: {  	p0 =	seq.s32 s5, $0x0;
	s5 =	sld [smem:$0x3F9D]  }
0x2b: {  	s6 =	sld [smem:$0x3F9E]  }
0x2c: {  	s7 =	sld [smem:$0x3F9F]  }
0x2d: {  	s3 =	simm.s32 $0x108;
	s8 =	sld [smem:$0x3FA0]  }
0x2e: {  	s3 =	simm.s32 @!p0 $0x1082;
	s9 =	sld [smem:$0x3FA1]  }
0x2f: {  	lr =	sadd.s32 s0, s3;
	s0 =	sld [smem:$0x3F98]  }
0x30: {  	s3 =	sld [smem:$0x3F9B]  }
0x31: {  	[smem:$0x3FA4] =	sst s10  }
0x32: {  	s10 =	sld [smem:$0x3FA2];
	_ =	sdelay $0x3  }
0x33: {  	p0 =	seq.s32 s10, $0x1;
	s10 =	sld [smem:$0x3FA4];
	_ =	sdelay $0x3  }
0x34: {  	[smem:$0x3FA4] =	sst s10  }
0x35: {  	s10 =	sld [smem:$0x3FA3];
	_ =	sdelay $0x3  }
0x36: {  	p1 =	seq.s32 s10, $0x1;
	s10 =	sld [smem:$0x3FA4];
	_ =	sdelay $0x3  }
0x37: {  	[smem:$0x3FA4] =	sst s10  }
0x38: {  	s10 =	sld [smem:$0x3FA5]  }
0x39: {  	_ = 	snop;
	(pc) =	sbr.ind lr, $3  }
0x3a: {  	_ = 	snop  }
0x3b: {  	_ = 	snop  }
0x3c: {  	p2 =	seq.s32 s10, $0x1;
	s10 =	sld [smem:$0x3FA4]  }
0x3d: {  	_ =	shalt  }
0x3e: {  	_ =	shalt  }
0x3f: {  	_ =	shalt  }
0x40: {  	_ =	shalt  }
0x41: {  	_ =	shalt  }
0x42: {  	_ =	shalt  }
0x43: {  	_ =	shalt  }
0x44: {  	_ =	shalt  }
0x45: {  	_ =	shalt  }
0x46: {  	_ =	shalt  }
0x47: {  	_ =	shalt  }
0x48: {  	_ =	shalt  }
0x49: {  	_ =	shalt  }
0x4a: {  	_ =	shalt  }
0x4b: {  	_ =	shalt  }
0x4c: {  	_ =	shalt  }
0x4d: {  	_ =	shalt  }
0x4e: {  	_ =	shalt  }
0x4f: {  	_ =	shalt  }
0x50: {  	_ =	shalt  }
0x51: {  	_ =	shalt  }
0x52: {  	_ =	shalt  }
0x53: {  	_ =	shalt  }
0x54: {  	_ =	shalt  }
0x55: {  	_ =	shalt  }
0x56: {  	_ =	shalt  }
0x57: {  	_ =	shalt  }
0x58: {  	_ =	shalt  }
0x59: {  	_ =	shalt  }
0x5a: {  	_ =	shalt  }
0x5b: {  	_ =	shalt  }
0x5c: {  	_ =	shalt  }
0x5d: {  	_ =	shalt  }
0x5e: {  	_ =	shalt  }
0x5f: {  	_ =	shalt  }
0x60: {  	_ =	shalt  }
0x61: {  	_ =	shalt  }
0x62: {  	_ =	shalt  }
0x63: {  	_ =	shalt  }
0x64: {  	_ =	shalt  }
0x65: {  	_ =	shalt  }
0x66: {  	_ =	shalt  }
0x67: {  	_ =	shalt  }
0x68: {  	_ =	shalt  }
0x69: {  	_ =	shalt  }
0x6a: {  	_ =	shalt  }
0x6b: {  	_ =	shalt  }
0x6c: {  	_ =	shalt  }
0x6d: {  	_ =	shalt  }
0x6e: {  	_ =	shalt  }
0x6f: {  	_ =	shalt  }
0x70: {  	_ =	shalt  }
0x71: {  	_ =	shalt  }
0x72: {  	_ =	shalt  }
0x73: {  	_ =	shalt  }
0x74: {  	_ =	shalt  }
0x75: {  	_ =	shalt  }
0x76: {  	_ =	shalt  }
0x77: {  	_ =	shalt  }
0x78: {  	_ =	shalt  }
0x79: {  	_ =	shalt  }
0x7a: {  	_ =	shalt  }
0x7b: {  	_ =	shalt  }
0x7c: {  	_ =	shalt  }
0x7d: {  	_ =	shalt  }
0x7e: {  	_ =	shalt  }
0x7f: {  	_ =	shalt  }
0x80: {  	_ =	shalt  }
0x81: {  	_ =	shalt  }
0x82: {  	_ =	shalt  }
0x83: {  	_ =	shalt  }
0x84: {  	_ =	shalt  }
0x85: {  	_ =	shalt  }
0x86: {  	_ =	shalt  }
0x87: {  	_ =	shalt  }
.Lfunc_end0:
.L_simem_size_0:
called_computation.3_lowered:
.L_overlay_start_0:
0x88: {  	s2 =	sld [smem:$0x3FD9]  }
0x89: {  	s3 =	sld [smem:$0x3FFE];
	_ =	sdelay $0x1  }
0x8a: {  	s1 =	srdreg.scid  }
0x8b: {  	s0 =	sand.u32 $0x1, s1  }
0x8c: {  	s14 =	sshll.u32 s0, $0xA;
	s2 =	sadd.s32 s3, s2  }
0x8d: {  	s2 =	sadd.s32 s2, s14  }
0x8e: {  	[smem:$0x3FB0] =	sst s2  }
0x8f: {  	_ = 	snop  }
0x90: {  	s2 =	sld [smem:$0x3FD0];
	_ =	sdelay $0x2  }
0x91: {  	s15 =	simm.s32 $0xA;
	s4 =	simm.s32 $0x10  }
0x92: {  	[smem:s4], [sflag:s15] =	dma.local [hbm:s2], $0x1  }
0x93: {  	_ =	swait.eq [sflag:s15], $0x1  }
0x94: {  	[sflag:s15] =	ssyncset.done $0x0  }
0x95: {  	[sflag:s15] =	ssyncadd.s32 $0xFFFFFFFF  }
0x96: {  	s16 =	sld [smem:$0x11];
	(tm) =	ssettm $0x1  }
0x97: {  	s17 =	sld [smem:$0x3FFB];
	_ =	sdelay $0x3  }
0x98: {  	_ =	strace s17  }
0x99: {  	s3 =	sld [smem:$0x3FFC];
	_ =	sdelay $0x3  }
0x9a: {  	_ =	strace s3  }
0x9b: {  	s3 =	sld [smem:$0x3FFD];
	_ =	sdelay $0x3  }
0x9c: {  	_ =	strace s3  }
0x9d: {  	_ =	strace $0x8FFFFFFF  }
0x9e: {  	s18 =	sld [smem:$0x3FDB];
	_ =	sdelay $0x1  }
0x9f: {  	s19 =	simm.s32 $_scs_section_size  }
0xa0: {  	s5 =	simm.s32 $_size__tile_overlayer_lowered;
	s6 =	simm.s32 $_tile_overlayer_lowered  }
0xa1: {  	s22 =	simm.s32 $0x1BFF;
	s21 =	sshll.u32 s6, $0x1;
	s3 =	sadd.s32 s19, s18  }
0xa2: {  	s7 =	simm.s32 $0x0;
	s20 =	sshll.u32 s5, $0x1;
	s5 =	sadd.s32 s21, s3  }
0xa3: {  	[timem:s7], [sflag:s22] =	dma.local [hbm:s5], s20  }
0xa4: {  	_ =	swait.ge [sflag:s22], s20  }
0xa5: {  	s4 =	ssub.s32 $0x0, s20;
	[sflag:s22] =	ssyncset.done $0x0  }
0xa6: {  	[sflag:s22] =	ssyncadd.s32 s4;
	_ =	sdelay $0x1  }
0xa7: {  	s23 =	simm.s32 $0x1B8B  }
0xa8: {  	_ =	swait.ge [sflag:s23], $0x1  }
0xa9: {  	[sflag:s23] =	ssyncset.done $0x0  }
0xaa: {  	s25 =	simm.s32 $0x1B8E;
	s24 =	sld [smem:$0x3FFE];
	[sflag:s23] =	ssyncadd.s32 $0xFFFFFFFF  }
0xab: {  	s26 =	simm.s32 $execute0_lowered;
	[smem:$0x3FD2] =	sst s25  }
0xac: {  	s5 =	sshll.u32 s26, $0x1;
	_ =	strace $0x8000004F;
	[dreg:$0x1] =	wrdreg $0xFFFFFFFF  }
0xad: {  	s28 =	simm.s32 $_size_execute0_lowered;
	s3 =	sadd.s32 s3, s5;
	[dreg:$0x0] =	wrdreg $0x0  }
0xae: {  	s5 =	sshll.u32 s28, $0x1;
	[dreg:$0x2] =	wrdreg s3  }
0xaf: {  	[dreg:$0x3] =	wrdreg s5  }
0xb0: {  	[dreg:$0x4] =	wrdreg $0xC0  }
0xb1: {  	_ =	task [dreg:s7], $0x5FFFF  }
0xb2: {  	[dreg:$0x1] =	wrdreg $0xFFFFFFFF  }
0xb3: {  	[dreg:$0x0] =	wrdreg $0x60  }
0xb4: {  	[dreg:$0x2] =	wrdreg s24  }
0xb5: {  	[dreg:$0x3] =	wrdreg s16  }
0xb6: {  	[dreg:$0x4] =	wrdreg $0xD4000  }
0xb7: {  	[dreg:$0x5] =	wrdreg $0x9  }
0xb8: {  	_ =	task.clear_ibuf [dreg:s7], $0x6FFFF;
	_ =	strace $0x9000004F  }
0xb9: {  	s29 =	simm.s32 $0x9;
	_ =	strace $0x80000051  }
0xba: {  	_ =	swait.ge [sflag:s29], $0x1  }
0xbb: {  	[sflag:s29] =	ssyncadd.s32 $0xFFFFFFFF  }
0xbc: {  	_ =	strace $0x90000051  }
0xbd: {  	_ =	sfence  }
0xbe: {  	s30 =	sld [smem:$0x0];
	_ =	sdelay $0x2  }
0xbf: {  	s31 =	sshll.u32 s1, $0xD;
	s1 =	sshrl.u32 s1, $0x2  }
0xc0: {  	s3 =	sand.u32 $0x4000, s31;
	s1 =	sadd.s32 s1, s30  }
0xc1: {  	s0 =	sor.u32 s3, s0;
	s1 =	sshll.u32 s1, $0x11  }
0xc2: {  	s0 =	sor.u32 s1, s0  }
0xc3: {  	s0 =	sadd.s32 $0x8F2B, s0  }
0xc4: {  	[sflag:s0] =	ssyncadd.remote.s32 $0x1  }
0xc5: {  	_ =	sfence.sel $0xFFFF  }
0xc6: {  	[dreg:$0x0] =	wrdreg $0xFFFFFFFF;
	(pc) =	sbr.abs _section_cstart, $3  }
0xc7: {  	[dreg:$0x1] =	wrdreg $0xFFFFFFFF  }
0xc8: {  	_ =	task.clear_ibuf [dreg:s7], $0x2FFFF;
	_ =	strace $0x9FFFFFFF  }
0xc9: {  	(tm) =	ssettm $0x7FFFFFFF  }
tec
execute0_lowered:
.L_overlay_start_1:
0x0: {  	(tag) =	ssettag $0x1  }
0x1: {  	s0 =	rddreg [dreg:$0x0]  }
0x2: {  	s2 =	rddreg [dreg:$0x2];
	s1 =	simm.s32 $0x0;
	s26 =	srdreg.scid  }
0x3: {  	s3 =	stileid.u32;
	s19 =	simm.s32 $0xC00;
	s20 =	simm.s32 $0x3  }
0x4: {  	s21 =	simm.s32 $0x200;
	s22 =	simm.s32 $0x2;
	s23 =	simm.s32 $0x190  }
0x5: {  	s24 =	simm.s32 $0x400;
	s25 =	simm.s32 $0x1;
	s28 =	simm.s32 $0x800  }
0x6: {  	s29 =	simm.s32 $0xA00;
	[smem:$0x7FF] =	sst s1;
	s5 =	sadd.s32 $0x24EA00, s0  }
0x7: {  	s6 =	sand.u32 $0x1, s26;
	s7 =	sadd.s32 $0x66400, s0;
	s4 =	smul.u32 $0x4A000, s3  }
0x8: {  	s8 =	sadd.s32 $0x4800, s0;
	s16 =	smul.u32 $0x30D40, s3;
	s9 =	sadd.s32 $0x3D5400, s0  }
0x9: {  	s17 =	sadd.s32 $0x3D6D00, s0;
	s26 =	simm.s32 $0x600;
	s1 =	ssub.s32 $0x2, s6  }
0xa: {  	_ =	strace $0x80000050;
	s10 =	sshrl.u32 s1, $0x1;
	s4 =	sshrl.u32 s4, $0x2  }
0xb: {  	s30 =	sshrl.u32 s16, $0x3;
	s15 =	sadd.s32 $0x190, s16;
	s16 =	sadd.s32 $0x320, s16  }
0xc: {  	s1 =	ssub.s32 s1, s10;
	s10 =	smul.u32 $0x250, s3;
	s11 =	sadd.s32 s4, s2  }
0xd: {  	s13 =	sadd.s32 s7, s30;
	s14 =	sadd.s32 s8, s30;
	s31 =	smax.u32 s1, $0x1  }
0xe: {  	s12 =	sadd.s32 $0xC800, s11;
	s1 =	simm.s32 $0x0;
	[dreg:$0x4] =	wrdreg s31  }
.LBB2_1:
0xf: {  	[dreg:$0x5] =	wrdreg s1;
	s31 =	simm.s32 $0x0  }
.LBB2_2:
0x10: {  	s0 =	simm.s32 $0x0;
	s1 =	rddreg [dreg:$0x1]  }
0x11: {  	[tilespmem:s19], [sflag:$0x3] =	stream.linear.gather [hbm4b:s1+s0], $0xC800, $0x38;
	[tilespmem:$0x1FC00] =	vst v63  }
0x12: {  	_ =	swait.ge [sflag:s20], $0xC800  }
0x13: {  	[sflag:s20] =	ssyncset.done $0x0  }
0x14: {  	[sflag:s20] =	ssyncadd.s32 $0xFFFF3800  }
0x15: {  	[spmem:s11] =	stream.linear.scatter [tilespmem:s19], [sflag:$0x3], $0xC800, $0x38;
	[tilespmem:$0x1FC00] =	vst v63  }
0x16: {  	_ =	swait.ge [sflag:s20], $0xC800  }
0x17: {  	[sflag:s20] =	ssyncset.done $0x0  }
0x18: {  	[sflag:s20] =	ssyncadd.s32 $0xFFFF3800  }
0x19: {  	[tilespmem:s19], [sflag:$0x3] =	stream.linear.gather [hbm4b:s1+s0], $0x6000, $0x38;
	[tilespmem:$0x1FC00] =	vst v63  }
0x1a: {  	_ =	swait.ge [sflag:s20], $0x6000  }
0x1b: {  	[sflag:s20] =	ssyncset.done $0x0  }
0x1c: {  	[sflag:s20] =	ssyncadd.s32 $0xFFFFA000  }
0x1d: {  	[spmem:s12] =	stream.linear.scatter [tilespmem:s19], [sflag:$0x3], $0x6000, $0x38;
	[tilespmem:$0x1FC00] =	vst v63  }
0x1e: {  	_ =	swait.ge [sflag:s20], $0x6000  }
0x1f: {  	[sflag:s20] =	ssyncset.done $0x0  }
0x20: {  	[sflag:s20] =	ssyncadd.s32 $0xFFFFA000  }
0x21: {  	[bflag:$0x0] =	sbarrier.arrive $0xFFFF  }
0x22: {  	[tilespmem:s0], [sflag:$0x2] =	stream.linear.gather [hbm4b:s13+s0], $0x190, $0x38;
	[tilespmem:$0x1FC00] =	vst v63  }
0x23: {  	_ = 	snop  }
0x24: {  	[tilespmem:s21], [sflag:$0x2] =	stream.linear.gather [hbm4b:s14+s0], $0x190, $0x38;
	[tilespmem:$0x1FC00] =	vst v63  }
0x25: {  	_ =	swait.ge [sflag:s22], $0x190  }
0x26: {  	[sflag:s22] =	ssyncset.done $0x0  }
0x27: {  	[sflag:s22] =	ssyncadd.s32 $0xFFFFFE70  }
0x28: {  	_ =	swait.ge [sflag:s22], $0x190  }
0x29: {  	s18 =	sshll.u32 s31, $0x1;
	[sflag:s22] =	ssyncset.done $0x0  }
0x2a: {  	s1 =	sor.u32 s6, s18;
	s18 =	simm.s32 $0x0;
	[sflag:s22] =	ssyncadd.s32 $0xFFFFFE70  }
0x2b: {  	s4 =	smul.u32 $0x2500, s1;
	v2 =	vld [tilespmem:s18+$0x200];
	_ =	sdelay $0x1  }
0x2c: {  	s1 =	sadd.s32 $0x2500, s4;
	v3 =	vld [tilespmem:s18+$0x0]  }
0x2d: {  	s30 =	simm.s32 $0x40;
	v0 =	vmov s4;
	v1 =	vmov s1  }
.LBB2_3:
0x2e: {  	p0 =	sne.s32 s30, $0x600  }
.Ltmp0:
0x2f: {  	s1 =	sshra.s32 s30, $0x2;
	s30 =	sadd.s32 $0x40, s30;
	vm0 =	vge.s32 v2, v0;
	vm1 =	vlt.s32 v2, v1;
	(pc) =	sbr.rel @p0 .LBB2_3-.Ltmp0, $4  }
0x30: {  	v4 =	vsub.s32 v2, v0;
	vm0 =	vmand vm0, vm1;
	v2 =	vld [tilespmem:s1+$0x200]  }
0x31: {  	v5 =	vnsel vm0, $0xFFFFFFFF, v3;
	v3 =	vld [tilespmem:s1+$0x0];
	v4 =	vnsel vm0, $0xFFFFFFFF, v4  }
0x32: {  	[tilespmem:s18+$0x600] =	vst v4  }
0x33: {  	[tilespmem:s18+$0x400] =	vst v5;
	s18 =	smov.u32 s1  }
0x34: {  	_ = 	snop  }
0x35: {  	vm0 =	vge.s32 v2, v0;
	vm1 =	vlt.s32 v2, v1  }
0x36: {  	v2 =	vsub.s32 v2, v0;
	vm0 =	vmand vm0, vm1  }
0x37: {  	v2 =	vnsel vm0, $0xFFFFFFFF, v2  }
0x38: {  	v3 =	vnsel vm0, $0xFFFFFFFF, v3;
	[tilespmem:s18+$0x600] =	vst v2  }
0x39: {  	[tilespmem:s18+$0x400] =	vst v3  }
.LBB2_5:
0x3a: {  	(ifvalue) =	ssetifvalue $0xFFFFFFFF  }
0x3b: {  	s18 =	smul.u32 $0x320, s0;
	(ifvalue) =	ssetifvalue $0xFFFFFFFF  }
0x3c: {  	[tilespmem:s19], [sflag:$0x1] =	stream.indirect.gather [hbm4b:s5+s23], $0x80, s24, s23, $0x40b8;
	[tilespmem:$0x1FC00] =	vst v63  }
0x3d: {  	s1 =	sadd.s32 s18, s15  }
0x3e: {  	s1 =	sshrl.u32 s1, $0x3  }
0x3f: {  	s3 =	simm.s32 $0x0;
	s30 =	sadd.s32 s7, s1  }
0x40: {  	[tilespmem:s3], [sflag:$0x2] =	stream.linear.gather [hbm4b:s30+s3], $0x190, $0x38;
	[tilespmem:$0x1FC00] =	vst v63  }
0x41: {  	s1 =	sadd.s32 s8, s1  }
0x42: {  	[tilespmem:s21], [sflag:$0x2] =	stream.linear.gather [hbm4b:s1+s3], $0x190, $0x38;
	[tilespmem:$0x1FC00] =	vst v63  }
0x43: {  	_ =	swait.ge [sflag:s22], $0x190  }
0x44: {  	[sflag:s22] =	ssyncset.done $0x0  }
0x45: {  	[sflag:s22] =	ssyncadd.s32 $0xFFFFFE70  }
0x46: {  	_ =	swait.ge [sflag:s22], $0x190  }
0x47: {  	[sflag:s22] =	ssyncset.done $0x0  }
0x48: {  	s30 =	simm.s32 $0x0;
	[sflag:s22] =	ssyncadd.s32 $0xFFFFFE70  }
0x49: {  	v2 =	vld [tilespmem:s30+$0x200];
	_ =	sdelay $0x1  }
0x4a: {  	v3 =	vld [tilespmem:s30+$0x0]  }
0x4b: {  	s1 =	simm.s32 $0x40  }
.LBB2_6:
0x4c: {  	p0 =	sne.s32 s1, $0x600  }
.Ltmp1:
0x4d: {  	s3 =	sshra.s32 s1, $0x2;
	s1 =	sadd.s32 $0x40, s1;
	vm0 =	vge.s32 v2, v0;
	vm1 =	vlt.s32 v2, v1;
	(pc) =	sbr.rel @p0 .LBB2_6-.Ltmp1, $4  }
0x4e: {  	v4 =	vsub.s32 v2, v0;
	vm0 =	vmand vm0, vm1;
	v2 =	vld [tilespmem:s3+$0x200]  }
0x4f: {  	v5 =	vnsel vm0, $0xFFFFFFFF, v3;
	v3 =	vld [tilespmem:s3+$0x0];
	v4 =	vnsel vm0, $0xFFFFFFFF, v4  }
0x50: {  	[tilespmem:s30+$0xA00] =	vst v4  }
0x51: {  	[tilespmem:s30+$0x800] =	vst v5;
	s30 =	smov.u32 s3  }
0x52: {  	_ = 	snop  }
0x53: {  	vm0 =	vge.s32 v2, v0;
	vm1 =	vlt.s32 v2, v1  }
0x54: {  	v2 =	vsub.s32 v2, v0;
	vm0 =	vmand vm0, vm1  }
0x55: {  	v2 =	vnsel vm0, $0xFFFFFFFF, v2  }
0x56: {  	v3 =	vnsel vm0, $0xFFFFFFFF, v3;
	[tilespmem:s30+$0xA00] =	vst v2  }
0x57: {  	[tilespmem:s30+$0x800] =	vst v3  }
0x58: {  	_ =	swait.ge [sflag:s25], $0xC800  }
0x59: {  	[sflag:s25] =	ssyncset.done $0x0  }
0x5a: {  	[sflag:s25] =	ssyncadd.s32 $0xFFFF3800;
	(ifvalue) =	ssetifvalue $0xFFFFFFFF  }
0x5b: {  	[spmem:s2] =	stream.indirect.scatter.add.f32 [tilespmem:s19], [sflag:$0x3], $0x80, s26, s23, $0x40b8;
	[tilespmem:$0x1FC00] =	vst v63  }
0x5c: {  	_ =	swait.ge [sflag:s20], $0xC800  }
0x5d: {  	s1 =	smin.u32 s18, $0x30890;
	[sflag:s20] =	ssyncset.done $0x0  }
0x5e: {  	s1 =	sadd.s32 s1, s16;
	[sflag:s20] =	ssyncadd.s32 $0xFFFF3800;
	(ifvalue) =	ssetifvalue $0xFFFFFFFF  }
0x5f: {  	s1 =	sshrl.u32 s1, $0x3;
	(ifvalue) =	ssetifvalue $0xFFFFFFFF  }
0x60: {  	[tilespmem:s19], [sflag:$0x1] =	stream.indirect.gather [hbm4b:s5+s23], $0x80, s28, s23, $0x40b8;
	[tilespmem:$0x1FC00] =	vst v63  }
0x61: {  	s3 =	sadd.s32 s7, s1;
	s30 =	simm.s32 $0x0  }
0x62: {  	[tilespmem:s30], [sflag:$0x2] =	stream.linear.gather [hbm4b:s3+s30], $0x190, $0x38;
	[tilespmem:$0x1FC00] =	vst v63  }
0x63: {  	s1 =	sadd.s32 s8, s1  }
0x64: {  	[tilespmem:s21], [sflag:$0x2] =	stream.linear.gather [hbm4b:s1+s30], $0x190, $0x38;
	[tilespmem:$0x1FC00] =	vst v63  }
0x65: {  	_ =	swait.ge [sflag:s22], $0x190  }
0x66: {  	[sflag:s22] =	ssyncset.done $0x0  }
0x67: {  	[sflag:s22] =	ssyncadd.s32 $0xFFFFFE70  }
0x68: {  	_ =	swait.ge [sflag:s22], $0x190  }
0x69: {  	[sflag:s22] =	ssyncset.done $0x0  }
0x6a: {  	s18 =	simm.s32 $0x0;
	[sflag:s22] =	ssyncadd.s32 $0xFFFFFE70  }
0x6b: {  	v2 =	vld [tilespmem:s18+$0x200];
	_ =	sdelay $0x1  }
0x6c: {  	v3 =	vld [tilespmem:s18+$0x0]  }
0x6d: {  	s1 =	simm.s32 $0x40  }
.LBB2_8:
0x6e: {  	p0 =	sne.s32 s1, $0x600  }
.Ltmp2:
0x6f: {  	s3 =	sshra.s32 s1, $0x2;
	s1 =	sadd.s32 $0x40, s1;
	vm0 =	vge.s32 v2, v0;
	vm1 =	vlt.s32 v2, v1;
	(pc) =	sbr.rel @p0 .LBB2_8-.Ltmp2, $4  }
0x70: {  	v4 =	vsub.s32 v2, v0;
	vm0 =	vmand vm0, vm1;
	v2 =	vld [tilespmem:s3+$0x200]  }
0x71: {  	v5 =	vnsel vm0, $0xFFFFFFFF, v3;
	v3 =	vld [tilespmem:s3+$0x0];
	v4 =	vnsel vm0, $0xFFFFFFFF, v4  }
0x72: {  	[tilespmem:s18+$0x600] =	vst v4  }
0x73: {  	[tilespmem:s18+$0x400] =	vst v5;
	s18 =	smov.u32 s3  }
0x74: {  	_ = 	snop  }
0x75: {  	vm0 =	vge.s32 v2, v0;
	vm1 =	vlt.s32 v2, v1  }
0x76: {  	v2 =	vsub.s32 v2, v0;
	vm0 =	vmand vm0, vm1  }
0x77: {  	v2 =	vnsel vm0, $0xFFFFFFFF, v2  }
0x78: {  	v3 =	vnsel vm0, $0xFFFFFFFF, v3;
	[tilespmem:s18+$0x600] =	vst v2  }
0x79: {  	[tilespmem:s18+$0x400] =	vst v3  }
0x7a: {  	s0 =	sadd.s32 $0x1, s0;
	_ =	swait.ge [sflag:s25], $0xC800  }
0x7b: {  	p0 =	sne.s32 s0, $0xFA;
	[sflag:s25] =	ssyncset.done $0x0  }
.Ltmp3:
0x7c: {  	[sflag:s25] =	ssyncadd.s32 $0xFFFF3800;
	(ifvalue) =	ssetifvalue $0xFFFFFFFF;
	(pc) =	sbr.rel @p0 .LBB2_5-.Ltmp3, $4  }
0x7d: {  	[spmem:s2] =	stream.indirect.scatter.add.f32 [tilespmem:s19], [sflag:$0x3], $0x80, s29, s23, $0x40b8;
	[tilespmem:$0x1FC00] =	vst v63  }
0x7e: {  	_ =	swait.ge [sflag:s20], $0xC800  }
0x7f: {  	[sflag:s20] =	ssyncset.done $0x0  }
0x80: {  	[sflag:s20] =	ssyncadd.s32 $0xFFFF3800  }
0x81: {  	[bflag:$0x0] =	sbarrier.arrive $0xFFFF  }
0x82: {  	[tilespmem:s19], [sflag:$0x3] =	stream.linear.gather [spmem:s11], $0xC800, $0x38;
	[tilespmem:$0x1FC00] =	vst v63  }
0x83: {  	s0 =	sadd.s32 s10, s4;
	_ =	swait.ge [sflag:s20], $0xC800  }
0x84: {  	s0 =	sshll.u32 s0, $0x4;
	[sflag:s20] =	ssyncset.done $0x0  }
0x85: {  	s3 =	simm.s32 $0x0;
	s1 =	sadd.s32 s9, s0;
	[sflag:s20] =	ssyncadd.s32 $0xFFFF3800  }
0x86: {  	[hbm4b:s1+s3] =	stream.linear.scatter [tilespmem:s19], [sflag:$0x3], $0xC800, $0x38;
	[tilespmem:$0x1FC00] =	vst v63  }
0x87: {  	_ =	swait.ge [sflag:s20], $0xC800  }
0x88: {  	[sflag:s20] =	ssyncset.done $0x0  }
0x89: {  	[sflag:s20] =	ssyncadd.s32 $0xFFFF3800  }
0x8a: {  	[tilespmem:s19], [sflag:$0x3] =	stream.linear.gather [spmem:s12], $0x6000, $0x38;
	[tilespmem:$0x1FC00] =	vst v63  }
0x8b: {  	_ =	swait.ge [sflag:s20], $0x6000  }
0x8c: {  	s31 =	sadd.s32 $0x1, s31;
	[sflag:s20] =	ssyncset.done $0x0  }
0x8d: {  	p0 =	sne.s32 s31, $0x6;
	s0 =	sadd.s32 s0, s17;
	[sflag:s20] =	ssyncadd.s32 $0xFFFFA000  }
0x8e: {  	[hbm4b:s0+s3] =	stream.linear.scatter [tilespmem:s19], [sflag:$0x3], $0x6000, $0x38;
	[tilespmem:$0x1FC00] =	vst v63  }
.Ltmp4:
0x8f: {  	_ =	swait.ge [sflag:s20], $0x6000;
	(pc) =	sbr.rel @p0 .LBB2_2-.Ltmp4, $3  }
0x90: {  	[sflag:s20] =	ssyncset.done $0x0  }
0x91: {  	[sflag:s20] =	ssyncadd.s32 $0xFFFFA000  }
0x92: {  	[bflag:$0x0] =	sbarrier.arrive $0xFFFF;
	_ =	sdelay $0x1  }
0x93: {  	s1 =	rddreg [dreg:$0x5]  }
0x94: {  	s0 =	rddreg [dreg:$0x4];
	s1 =	sadd.s32 $0x1, s1  }
0x95: {  	p0 =	sne.s32 s1, s0  }
.Ltmp5:
0x96: {  	_ = 	snop;
	(pc) =	sbr.rel @p0 .LBB2_1-.Ltmp5, $1  }
0x97: {  	_ =	sdelay $0x3  }
0x98: {  	_ =	sfence.sel $0x180000  }
0x99: {  	[bflag:$0x0] =	sbarrier.arrive $0xFFFF  }
0x9a: {  	_ =	strace $0x90000050  }
0x9b: {  	s0 =	stileid.u32;
	[bflag:$0x2] =	sbarrier.arrive $0xFFFF  }
0x9c: {  	p0 =	sne.s32 s0, $0x0;
	s0 =	rddreg [dreg:$0x3]  }
0x9d: {  	s0 =	sadd.s32 @!p0 $0x100000, s0  }
0x9e: {  	[sflag:s0] =	ssyncadd.tile.s32 @!p0 $0x1;
	_ =	shalt  }
.Lfunc_end2:
_tile_overlayer_lowered:
.L_overlay_start_2:
0x9f: {  	(tag) =	ssettag $0x2  }
0xa0: {  	s0 =	rddreg [dreg:$0x0];
	s2 =	stileid.u32  }
0xa1: {  	s1 =	rddreg [dreg:$0x1];
	p0 =	sne.s32 s2, $0x0  }
0xa2: {  	s3 =	rddreg [dreg:$0x2];
	[bflag:$0x3] =	sbarrier.arrive $0xFFFF;
	s2 =	simm.s32 @!p0 $0x1C03  }
0xa3: {  	[timem:s3], [sflag:s2] =	dma.local @!p0 [hbm:s0], s1  }
0xa4: {  	s0 =	simm.s32 @!p0 $0x3  }
0xa5: {  	_ =	swait.ge @!p0 [sflag:s0], s1  }
0xa6: {  	s1 =	ssub.s32 @!p0 $0x0, s1;
	[sflag:s0] =	ssyncset.done @!p0 $0x0  }
0xa7: {  	[sflag:s0] =	ssyncadd.s32 @!p0 s1  }
0xa8: {  	[bflag:$0x3] =	sbarrier.arrive $0xFFFF  }
0xa9: {  	_ =	shalt  }

// kernel: kernel.24.cloned.1.call-start
scs
__scs_entry_jumppad:
0x0: {  	(pc) =	sbr.rel $0x88, $3  }
0x1: {  	(tag) =	ssettag $0x0;
	lr =	simm.s32 $0x1  }
0x2: {  	[smem:$0x3F89] =	sst lr;
	_ =	strace $0xD0000000  }
0x3: {  	_ = 	snop  }
0x4: {  	_ = 	snop  }
0x5: {  	_ = 	snop  }
0x6: {  	_ = 	snop  }
0x7: {  	_ = 	snop  }
__scs_overlays_trampoline_lowered:
0x8: {  	[smem:$0x3F98] =	sst s0  }
0x9: {  	[smem:$0x3F99] =	sst s1  }
0xa: {  	[smem:$0x3F9A] =	sst s2  }
0xb: {  	[smem:$0x3F9B] =	sst s3  }
0xc: {  	[smem:$0x3F9C] =	sst s4  }
0xd: {  	[smem:$0x3F9D] =	sst s5  }
0xe: {  	[smem:$0x3F9E] =	sst s6  }
0xf: {  	[smem:$0x3F9F] =	sst s7  }
0x10: {  	[smem:$0x3FA0] =	sst s8  }
0x11: {  	[smem:$0x3FA1] =	sst s9;
	s0 =	simm.s32 @!p0 $0x0  }
0x12: {  	s1 =	sld [smem:$0x3F87];
	s0 =	simm.s32 @p0 $0x1  }
0x13: {  	[smem:$0x3FA2] =	sst s0;
	s0 =	simm.s32 @!p1 $0x0  }
0x14: {  	s2 =	sld [smem:$0x3F86];
	s0 =	simm.s32 @p1 $0x1  }
0x15: {  	[smem:$0x3FA3] =	sst s0;
	s0 =	simm.s32 @!p2 $0x0  }
0x16: {  	s3 =	sld [smem:$0x3FDB];
	s0 =	simm.s32 @p2 $0x1  }
0x17: {  	s4 =	simm.s32 $0x1BF5;
	[smem:$0x3FA5] =	sst s0  }
0x18: {  	s0 =	sld [smem:$0x3F88];
	_ =	swait.ge [sflag:s4], $0x0  }
0x19: {  	s7 =	sld [smem:$0x3F89]  }
0x1a: {  	s8 =	sadd.s32 $0xFFFFE003, lr  }
0x1b: {  	s9 =	sadd.s32 $0xFFFFFEF7, lr;
	s5 =	simm.s32 $0xFFFFFFFF;
	p2 =	slt.u32 s8, $0xFFFFF086  }
0x1c: {  	p1 =	slt.u32 s9, $0xF7A;
	s5 =	simm.s32 @!p2 $0x0  }
0x1d: {  	s5 =	simm.s32 @p1 $0x1;
	p0 =	seq.s32 s7, s2  }
0x1e: {  	s7 =	smul.u32 @!p0 $0xF7A, s2;
	p2 =	seq.s32 @!p0 s5, $0x0  }
0x1f: {  	s9 =	smul.u32 $0xF7A, s1;
	s8 =	simm.s32 @!p0 $0x1BF5;
	p2 =	por !p2, p0  }
0x20: {  	[sflag:s8] =	ssyncset.s32 @!p0 $0xFFFFF086;
	s6 =	sadd.s32 @!p0 s3, s7;
	s7 =	simm.s32 @!p0 $0x108  }
0x21: {  	s3 =	sadd.s32 s3, s9;
	s6 =	sadd.s32 @!p0 $0x88, s6;
	s7 =	simm.s32 @p2 $0x1082  }
0x22: {  	[simem:s7], [sflag:s8] =	dma.local @!p0 [hbm:s6], $0xF7A  }
0x23: {  	s9 =	sor.u32 $0xD0000000, s2;
	s6 =	simm.s32 $0x108;
	_ =	swait.ge @!p0 [sflag:s8], $0x0  }
0x24: {  	s3 =	sadd.s32 $0x88, s3;
	s6 =	simm.s32 @!p1 $0x1082;
	[sflag:s4] =	ssyncset.s32 $0xFFFFF086  }
0x25: {  	[simem:s6], [sflag:s4] =	dma.local [hbm:s3], $0xF7A  }
0x26: {  	[smem:$0x3F89] =	sst s1;
	(tag) =	ssettag s2;
	_ =	strace s9  }
0x27: {  	s1 =	sld [smem:$0x3F99]  }
0x28: {  	s2 =	sld [smem:$0x3F9A]  }
0x29: {  	s4 =	sld [smem:$0x3F9C]  }
0x2a: {  	p0 =	seq.s32 s5, $0x0;
	s5 =	sld [smem:$0x3F9D]  }
0x2b: {  	s6 =	sld [smem:$0x3F9E]  }
0x2c: {  	s7 =	sld [smem:$0x3F9F]  }
0x2d: {  	s3 =	simm.s32 $0x108;
	s8 =	sld [smem:$0x3FA0]  }
0x2e: {  	s3 =	simm.s32 @!p0 $0x1082;
	s9 =	sld [smem:$0x3FA1]  }
0x2f: {  	lr =	sadd.s32 s0, s3;
	s0 =	sld [smem:$0x3F98]  }
0x30: {  	s3 =	sld [smem:$0x3F9B]  }
0x31: {  	[smem:$0x3FA4] =	sst s10  }
0x32: {  	s10 =	sld [smem:$0x3FA2];
	_ =	sdelay $0x3  }
0x33: {  	p0 =	seq.s32 s10, $0x1;
	s10 =	sld [smem:$0x3FA4];
	_ =	sdelay $0x3  }
0x34: {  	[smem:$0x3FA4] =	sst s10  }
0x35: {  	s10 =	sld [smem:$0x3FA3];
	_ =	sdelay $0x3  }
0x36: {  	p1 =	seq.s32 s10, $0x1;
	s10 =	sld [smem:$0x3FA4];
	_ =	sdelay $0x3  }
0x37: {  	[smem:$0x3FA4] =	sst s10  }
0x38: {  	s10 =	sld [smem:$0x3FA5]  }
0x39: {  	_ = 	snop;
	(pc) =	sbr.ind lr, $3  }
0x3a: {  	_ = 	snop  }
0x3b: {  	_ = 	snop  }
0x3c: {  	p2 =	seq.s32 s10, $0x1;
	s10 =	sld [smem:$0x3FA4]  }
0x3d: {  	_ =	shalt  }
0x3e: {  	_ =	shalt  }
0x3f: {  	_ =	shalt  }
0x40: {  	_ =	shalt  }
0x41: {  	_ =	shalt  }
0x42: {  	_ =	shalt  }
0x43: {  	_ =	shalt  }
0x44: {  	_ =	shalt  }
0x45: {  	_ =	shalt  }
0x46: {  	_ =	shalt  }
0x47: {  	_ =	shalt  }
0x48: {  	_ =	shalt  }
0x49: {  	_ =	shalt  }
0x4a: {  	_ =	shalt  }
0x4b: {  	_ =	shalt  }
0x4c: {  	_ =	shalt  }
0x4d: {  	_ =	shalt  }
0x4e: {  	_ =	shalt  }
0x4f: {  	_ =	shalt  }
0x50: {  	_ =	shalt  }
0x51: {  	_ =	shalt  }
0x52: {  	_ =	shalt  }
0x53: {  	_ =	shalt  }
0x54: {  	_ =	shalt  }
0x55: {  	_ =	shalt  }
0x56: {  	_ =	shalt  }
0x57: {  	_ =	shalt  }
0x58: {  	_ =	shalt  }
0x59: {  	_ =	shalt  }
0x5a: {  	_ =	shalt  }
0x5b: {  	_ =	shalt  }
0x5c: {  	_ =	shalt  }
0x5d: {  	_ =	shalt  }
0x5e: {  	_ =	shalt  }
0x5f: {  	_ =	shalt  }
0x60: {  	_ =	shalt  }
0x61: {  	_ =	shalt  }
0x62: {  	_ =	shalt  }
0x63: {  	_ =	shalt  }
0x64: {  	_ =	shalt  }
0x65: {  	_ =	shalt  }
0x66: {  	_ =	shalt  }
0x67: {  	_ =	shalt  }
0x68: {  	_ =	shalt  }
0x69: {  	_ =	shalt  }
0x6a: {  	_ =	shalt  }
0x6b: {  	_ =	shalt  }
0x6c: {  	_ =	shalt  }
0x6d: {  	_ =	shalt  }
0x6e: {  	_ =	shalt  }
0x6f: {  	_ =	shalt  }
0x70: {  	_ =	shalt  }
0x71: {  	_ =	shalt  }
0x72: {  	_ =	shalt  }
0x73: {  	_ =	shalt  }
0x74: {  	_ =	shalt  }
0x75: {  	_ =	shalt  }
0x76: {  	_ =	shalt  }
0x77: {  	_ =	shalt  }
0x78: {  	_ =	shalt  }
0x79: {  	_ =	shalt  }
0x7a: {  	_ =	shalt  }
0x7b: {  	_ =	shalt  }
0x7c: {  	_ =	shalt  }
0x7d: {  	_ =	shalt  }
0x7e: {  	_ =	shalt  }
0x7f: {  	_ =	shalt  }
0x80: {  	_ =	shalt  }
0x81: {  	_ =	shalt  }
0x82: {  	_ =	shalt  }
0x83: {  	_ =	shalt  }
0x84: {  	_ =	shalt  }
0x85: {  	_ =	shalt  }
0x86: {  	_ =	shalt  }
0x87: {  	_ =	shalt  }
.Lfunc_end0:
.L_simem_size_0:
called_computation.4_lowered:
.L_overlay_start_0:
0x88: {  	s2 =	sld [smem:$0x3FD9]  }
0x89: {  	s3 =	sld [smem:$0x3FFE];
	_ =	sdelay $0x1  }
0x8a: {  	s1 =	srdreg.scid  }
0x8b: {  	s0 =	sand.u32 $0x1, s1  }
0x8c: {  	s14 =	sshll.u32 s0, $0xA;
	s2 =	sadd.s32 s3, s2  }
0x8d: {  	s2 =	sadd.s32 s2, s14  }
0x8e: {  	[smem:$0x3FB0] =	sst s2  }
0x8f: {  	_ = 	snop  }
0x90: {  	s2 =	sld [smem:$0x3FD0];
	_ =	sdelay $0x2  }
0x91: {  	s15 =	simm.s32 $0xA;
	s4 =	simm.s32 $0x10  }
0x92: {  	[smem:s4], [sflag:s15] =	dma.local [hbm:s2], $0x1  }
0x93: {  	_ =	swait.eq [sflag:s15], $0x1  }
0x94: {  	[sflag:s15] =	ssyncset.done $0x0  }
0x95: {  	[sflag:s15] =	ssyncadd.s32 $0xFFFFFFFF  }
0x96: {  	s16 =	sld [smem:$0x11];
	(tm) =	ssettm $0x1  }
0x97: {  	s17 =	sld [smem:$0x3FFB];
	_ =	sdelay $0x3  }
0x98: {  	_ =	strace s17  }
0x99: {  	s3 =	sld [smem:$0x3FFC];
	_ =	sdelay $0x3  }
0x9a: {  	_ =	strace s3  }
0x9b: {  	s3 =	sld [smem:$0x3FFD];
	_ =	sdelay $0x3  }
0x9c: {  	_ =	strace s3  }
0x9d: {  	_ =	strace $0x8FFFFFFF  }
0x9e: {  	s18 =	sld [smem:$0x3FDB];
	_ =	sdelay $0x1  }
0x9f: {  	s19 =	simm.s32 $_scs_section_size  }
0xa0: {  	s5 =	simm.s32 $_size__tile_overlayer_lowered;
	s6 =	simm.s32 $_tile_overlayer_lowered  }
0xa1: {  	s22 =	simm.s32 $0x1BFF;
	s21 =	sshll.u32 s6, $0x1;
	s3 =	sadd.s32 s19, s18  }
0xa2: {  	s7 =	simm.s32 $0x0;
	s20 =	sshll.u32 s5, $0x1;
	s5 =	sadd.s32 s21, s3  }
0xa3: {  	[timem:s7], [sflag:s22] =	dma.local [hbm:s5], s20  }
0xa4: {  	_ =	swait.ge [sflag:s22], s20  }
0xa5: {  	s4 =	ssub.s32 $0x0, s20;
	[sflag:s22] =	ssyncset.done $0x0  }
0xa6: {  	[sflag:s22] =	ssyncadd.s32 s4;
	_ =	sdelay $0x1  }
0xa7: {  	s23 =	simm.s32 $0x1B8B  }
0xa8: {  	_ =	swait.ge [sflag:s23], $0x1  }
0xa9: {  	[sflag:s23] =	ssyncset.done $0x0  }
0xaa: {  	s25 =	simm.s32 $0x1B8E;
	s24 =	sld [smem:$0x3FFE];
	[sflag:s23] =	ssyncadd.s32 $0xFFFFFFFF  }
0xab: {  	s26 =	simm.s32 $execute0_lowered;
	[smem:$0x3FD2] =	sst s25  }
0xac: {  	s5 =	sshll.u32 s26, $0x1;
	_ =	strace $0x80000052;
	[dreg:$0x1] =	wrdreg $0xFFFFFFFF  }
0xad: {  	s28 =	simm.s32 $_size_execute0_lowered;
	s3 =	sadd.s32 s3, s5;
	[dreg:$0x0] =	wrdreg $0x0  }
0xae: {  	s5 =	sshll.u32 s28, $0x1;
	[dreg:$0x2] =	wrdreg s3  }
0xaf: {  	[dreg:$0x3] =	wrdreg s5  }
0xb0: {  	[dreg:$0x4] =	wrdreg $0xC0  }
0xb1: {  	_ =	task [dreg:s7], $0x5FFFF  }
0xb2: {  	[dreg:$0x1] =	wrdreg $0xFFFFFFFF  }
0xb3: {  	[dreg:$0x0] =	wrdreg $0x60  }
0xb4: {  	[dreg:$0x2] =	wrdreg s24  }
0xb5: {  	[dreg:$0x3] =	wrdreg s16  }
0xb6: {  	[dreg:$0x4] =	wrdreg $0xD4000  }
0xb7: {  	[dreg:$0x5] =	wrdreg $0x9  }
0xb8: {  	_ =	task.clear_ibuf [dreg:s7], $0x6FFFF;
	_ =	strace $0x90000052  }
0xb9: {  	s29 =	simm.s32 $0x9;
	_ =	strace $0x80000054  }
0xba: {  	_ =	swait.ge [sflag:s29], $0x1  }
0xbb: {  	[sflag:s29] =	ssyncadd.s32 $0xFFFFFFFF  }
0xbc: {  	_ =	strace $0x90000054  }
0xbd: {  	_ =	sfence  }
0xbe: {  	s30 =	sld [smem:$0x0];
	_ =	sdelay $0x2  }
0xbf: {  	s31 =	sshll.u32 s1, $0xD;
	s1 =	sshrl.u32 s1, $0x2  }
0xc0: {  	s3 =	sand.u32 $0x4000, s31;
	s1 =	sadd.s32 s1, s30  }
0xc1: {  	s0 =	sor.u32 s3, s0;
	s1 =	sshll.u32 s1, $0x11  }
0xc2: {  	s0 =	sor.u32 s1, s0  }
0xc3: {  	s0 =	sadd.s32 $0x8F2B, s0  }
0xc4: {  	[sflag:s0] =	ssyncadd.remote.s32 $0x1  }
0xc5: {  	_ =	sfence.sel $0xFFFF  }
0xc6: {  	[dreg:$0x0] =	wrdreg $0xFFFFFFFF;
	(pc) =	sbr.abs _section_cstart, $3  }
0xc7: {  	[dreg:$0x1] =	wrdreg $0xFFFFFFFF  }
0xc8: {  	_ =	task.clear_ibuf [dreg:s7], $0x2FFFF;
	_ =	strace $0x9FFFFFFF  }
0xc9: {  	(tm) =	ssettm $0x7FFFFFFF  }
tec
execute0_lowered:
.L_overlay_start_1:
0x0: {  	(tag) =	ssettag $0x1  }
0x1: {  	s0 =	rddreg [dreg:$0x0]  }
0x2: {  	s2 =	rddreg [dreg:$0x2];
	s1 =	simm.s32 $0x0;
	s26 =	srdreg.scid  }
0x3: {  	s3 =	stileid.u32;
	s19 =	simm.s32 $0xC00;
	s20 =	simm.s32 $0x3  }
0x4: {  	s21 =	simm.s32 $0x200;
	s22 =	simm.s32 $0x2;
	s23 =	simm.s32 $0x190  }
0x5: {  	s24 =	simm.s32 $0x400;
	s25 =	simm.s32 $0x1;
	s28 =	simm.s32 $0x800  }
0x6: {  	s29 =	simm.s32 $0xA00;
	[smem:$0x7FF] =	sst s1;
	s5 =	sadd.s32 $0x3D5400, s0  }
0x7: {  	s6 =	sand.u32 $0x1, s26;
	s7 =	sadd.s32 $0x66400, s0;
	s4 =	smul.u32 $0x4A000, s3  }
0x8: {  	s8 =	sadd.s32 $0x4800, s0;
	s16 =	smul.u32 $0x30D40, s3;
	s9 =	sadd.s32 $0xC8000, s0  }
0x9: {  	s17 =	sadd.s32 $0xC9900, s0;
	s26 =	simm.s32 $0x600;
	s1 =	ssub.s32 $0x2, s6  }
0xa: {  	_ =	strace $0x80000053;
	s10 =	sshrl.u32 s1, $0x1;
	s4 =	sshrl.u32 s4, $0x2  }
0xb: {  	s30 =	sshrl.u32 s16, $0x3;
	s15 =	sadd.s32 $0x190, s16;
	s16 =	sadd.s32 $0x320, s16  }
0xc: {  	s1 =	ssub.s32 s1, s10;
	s10 =	smul.u32 $0x250, s3;
	s11 =	sadd.s32 s4, s2  }
0xd: {  	s13 =	sadd.s32 s7, s30;
	s14 =	sadd.s32 s8, s30;
	s31 =	smax.u32 s1, $0x1  }
0xe: {  	s12 =	sadd.s32 $0xC800, s11;
	s1 =	simm.s32 $0x0;
	[dreg:$0x4] =	wrdreg s31  }
.LBB2_1:
0xf: {  	[dreg:$0x5] =	wrdreg s1;
	s31 =	simm.s32 $0x0  }
.LBB2_2:
0x10: {  	s0 =	simm.s32 $0x0;
	s1 =	rddreg [dreg:$0x1]  }
0x11: {  	[tilespmem:s19], [sflag:$0x3] =	stream.linear.gather [hbm4b:s1+s0], $0xC800, $0x38;
	[tilespmem:$0x1FC00] =	vst v63  }
0x12: {  	_ =	swait.ge [sflag:s20], $0xC800  }
0x13: {  	[sflag:s20] =	ssyncset.done $0x0  }
0x14: {  	[sflag:s20] =	ssyncadd.s32 $0xFFFF3800  }
0x15: {  	[spmem:s11] =	stream.linear.scatter [tilespmem:s19], [sflag:$0x3], $0xC800, $0x38;
	[tilespmem:$0x1FC00] =	vst v63  }
0x16: {  	_ =	swait.ge [sflag:s20], $0xC800  }
0x17: {  	[sflag:s20] =	ssyncset.done $0x0  }
0x18: {  	[sflag:s20] =	ssyncadd.s32 $0xFFFF3800  }
0x19: {  	[tilespmem:s19], [sflag:$0x3] =	stream.linear.gather [hbm4b:s1+s0], $0x6000, $0x38;
	[tilespmem:$0x1FC00] =	vst v63  }
0x1a: {  	_ =	swait.ge [sflag:s20], $0x6000  }
0x1b: {  	[sflag:s20] =	ssyncset.done $0x0  }
0x1c: {  	[sflag:s20] =	ssyncadd.s32 $0xFFFFA000  }
0x1d: {  	[spmem:s12] =	stream.linear.scatter [tilespmem:s19], [sflag:$0x3], $0x6000, $0x38;
	[tilespmem:$0x1FC00] =	vst v63  }
0x1e: {  	_ =	swait.ge [sflag:s20], $0x6000  }
0x1f: {  	[sflag:s20] =	ssyncset.done $0x0  }
0x20: {  	[sflag:s20] =	ssyncadd.s32 $0xFFFFA000  }
0x21: {  	[bflag:$0x0] =	sbarrier.arrive $0xFFFF  }
0x22: {  	[tilespmem:s0], [sflag:$0x2] =	stream.linear.gather [hbm4b:s13+s0], $0x190, $0x38;
	[tilespmem:$0x1FC00] =	vst v63  }
0x23: {  	_ = 	snop  }
0x24: {  	[tilespmem:s21], [sflag:$0x2] =	stream.linear.gather [hbm4b:s14+s0], $0x190, $0x38;
	[tilespmem:$0x1FC00] =	vst v63  }
0x25: {  	_ =	swait.ge [sflag:s22], $0x190  }
0x26: {  	[sflag:s22] =	ssyncset.done $0x0  }
0x27: {  	[sflag:s22] =	ssyncadd.s32 $0xFFFFFE70  }
0x28: {  	_ =	swait.ge [sflag:s22], $0x190  }
0x29: {  	s18 =	sshll.u32 s31, $0x1;
	[sflag:s22] =	ssyncset.done $0x0  }
0x2a: {  	s1 =	sor.u32 s6, s18;
	s18 =	simm.s32 $0x0;
	[sflag:s22] =	ssyncadd.s32 $0xFFFFFE70  }
0x2b: {  	s4 =	smul.u32 $0x2500, s1;
	v2 =	vld [tilespmem:s18+$0x200];
	_ =	sdelay $0x1  }
0x2c: {  	s1 =	sadd.s32 $0x2500, s4;
	v3 =	vld [tilespmem:s18+$0x0]  }
0x2d: {  	s30 =	simm.s32 $0x40;
	v0 =	vmov s4;
	v1 =	vmov s1  }
.LBB2_3:
0x2e: {  	p0 =	sne.s32 s30, $0x600  }
.Ltmp0:
0x2f: {  	s1 =	sshra.s32 s30, $0x2;
	s30 =	sadd.s32 $0x40, s30;
	vm0 =	vge.s32 v2, v0;
	vm1 =	vlt.s32 v2, v1;
	(pc) =	sbr.rel @p0 .LBB2_3-.Ltmp0, $4  }
0x30: {  	v4 =	vsub.s32 v2, v0;
	vm0 =	vmand vm0, vm1;
	v2 =	vld [tilespmem:s1+$0x200]  }
0x31: {  	v5 =	vnsel vm0, $0xFFFFFFFF, v3;
	v3 =	vld [tilespmem:s1+$0x0];
	v4 =	vnsel vm0, $0xFFFFFFFF, v4  }
0x32: {  	[tilespmem:s18+$0x600] =	vst v4  }
0x33: {  	[tilespmem:s18+$0x400] =	vst v5;
	s18 =	smov.u32 s1  }
0x34: {  	_ = 	snop  }
0x35: {  	vm0 =	vge.s32 v2, v0;
	vm1 =	vlt.s32 v2, v1  }
0x36: {  	v2 =	vsub.s32 v2, v0;
	vm0 =	vmand vm0, vm1  }
0x37: {  	v2 =	vnsel vm0, $0xFFFFFFFF, v2  }
0x38: {  	v3 =	vnsel vm0, $0xFFFFFFFF, v3;
	[tilespmem:s18+$0x600] =	vst v2  }
0x39: {  	[tilespmem:s18+$0x400] =	vst v3  }
.LBB2_5:
0x3a: {  	(ifvalue) =	ssetifvalue $0xFFFFFFFF  }
0x3b: {  	s18 =	smul.u32 $0x320, s0;
	(ifvalue) =	ssetifvalue $0xFFFFFFFF  }
0x3c: {  	[tilespmem:s19], [sflag:$0x1] =	stream.indirect.gather [hbm4b:s5+s23], $0x80, s24, s23, $0x40b8;
	[tilespmem:$0x1FC00] =	vst v63  }
0x3d: {  	s1 =	sadd.s32 s18, s15  }
0x3e: {  	s1 =	sshrl.u32 s1, $0x3  }
0x3f: {  	s3 =	simm.s32 $0x0;
	s30 =	sadd.s32 s7, s1  }
0x40: {  	[tilespmem:s3], [sflag:$0x2] =	stream.linear.gather [hbm4b:s30+s3], $0x190, $0x38;
	[tilespmem:$0x1FC00] =	vst v63  }
0x41: {  	s1 =	sadd.s32 s8, s1  }
0x42: {  	[tilespmem:s21], [sflag:$0x2] =	stream.linear.gather [hbm4b:s1+s3], $0x190, $0x38;
	[tilespmem:$0x1FC00] =	vst v63  }
0x43: {  	_ =	swait.ge [sflag:s22], $0x190  }
0x44: {  	[sflag:s22] =	ssyncset.done $0x0  }
0x45: {  	[sflag:s22] =	ssyncadd.s32 $0xFFFFFE70  }
0x46: {  	_ =	swait.ge [sflag:s22], $0x190  }
0x47: {  	[sflag:s22] =	ssyncset.done $0x0  }
0x48: {  	s30 =	simm.s32 $0x0;
	[sflag:s22] =	ssyncadd.s32 $0xFFFFFE70  }
0x49: {  	v2 =	vld [tilespmem:s30+$0x200];
	_ =	sdelay $0x1  }
0x4a: {  	v3 =	vld [tilespmem:s30+$0x0]  }
0x4b: {  	s1 =	simm.s32 $0x40  }
.LBB2_6:
0x4c: {  	p0 =	sne.s32 s1, $0x600  }
.Ltmp1:
0x4d: {  	s3 =	sshra.s32 s1, $0x2;
	s1 =	sadd.s32 $0x40, s1;
	vm0 =	vge.s32 v2, v0;
	vm1 =	vlt.s32 v2, v1;
	(pc) =	sbr.rel @p0 .LBB2_6-.Ltmp1, $4  }
0x4e: {  	v4 =	vsub.s32 v2, v0;
	vm0 =	vmand vm0, vm1;
	v2 =	vld [tilespmem:s3+$0x200]  }
0x4f: {  	v5 =	vnsel vm0, $0xFFFFFFFF, v3;
	v3 =	vld [tilespmem:s3+$0x0];
	v4 =	vnsel vm0, $0xFFFFFFFF, v4  }
0x50: {  	[tilespmem:s30+$0xA00] =	vst v4  }
0x51: {  	[tilespmem:s30+$0x800] =	vst v5;
	s30 =	smov.u32 s3  }
0x52: {  	_ = 	snop  }
0x53: {  	vm0 =	vge.s32 v2, v0;
	vm1 =	vlt.s32 v2, v1  }
0x54: {  	v2 =	vsub.s32 v2, v0;
	vm0 =	vmand vm0, vm1  }
0x55: {  	v2 =	vnsel vm0, $0xFFFFFFFF, v2  }
0x56: {  	v3 =	vnsel vm0, $0xFFFFFFFF, v3;
	[tilespmem:s30+$0xA00] =	vst v2  }
0x57: {  	[tilespmem:s30+$0x800] =	vst v3  }
0x58: {  	_ =	swait.ge [sflag:s25], $0xC800  }
0x59: {  	[sflag:s25] =	ssyncset.done $0x0  }
0x5a: {  	[sflag:s25] =	ssyncadd.s32 $0xFFFF3800;
	(ifvalue) =	ssetifvalue $0xFFFFFFFF  }
0x5b: {  	[spmem:s2] =	stream.indirect.scatter.add.f32 [tilespmem:s19], [sflag:$0x3], $0x80, s26, s23, $0x40b8;
	[tilespmem:$0x1FC00] =	vst v63  }
0x5c: {  	_ =	swait.ge [sflag:s20], $0xC800  }
0x5d: {  	s1 =	smin.u32 s18, $0x30890;
	[sflag:s20] =	ssyncset.done $0x0  }
0x5e: {  	s1 =	sadd.s32 s1, s16;
	[sflag:s20] =	ssyncadd.s32 $0xFFFF3800;
	(ifvalue) =	ssetifvalue $0xFFFFFFFF  }
0x5f: {  	s1 =	sshrl.u32 s1, $0x3;
	(ifvalue) =	ssetifvalue $0xFFFFFFFF  }
0x60: {  	[tilespmem:s19], [sflag:$0x1] =	stream.indirect.gather [hbm4b:s5+s23], $0x80, s28, s23, $0x40b8;
	[tilespmem:$0x1FC00] =	vst v63  }
0x61: {  	s3 =	sadd.s32 s7, s1;
	s30 =	simm.s32 $0x0  }
0x62: {  	[tilespmem:s30], [sflag:$0x2] =	stream.linear.gather [hbm4b:s3+s30], $0x190, $0x38;
	[tilespmem:$0x1FC00] =	vst v63  }
0x63: {  	s1 =	sadd.s32 s8, s1  }
0x64: {  	[tilespmem:s21], [sflag:$0x2] =	stream.linear.gather [hbm4b:s1+s30], $0x190, $0x38;
	[tilespmem:$0x1FC00] =	vst v63  }
0x65: {  	_ =	swait.ge [sflag:s22], $0x190  }
0x66: {  	[sflag:s22] =	ssyncset.done $0x0  }
0x67: {  	[sflag:s22] =	ssyncadd.s32 $0xFFFFFE70  }
0x68: {  	_ =	swait.ge [sflag:s22], $0x190  }
0x69: {  	[sflag:s22] =	ssyncset.done $0x0  }
0x6a: {  	s18 =	simm.s32 $0x0;
	[sflag:s22] =	ssyncadd.s32 $0xFFFFFE70  }
0x6b: {  	v2 =	vld [tilespmem:s18+$0x200];
	_ =	sdelay $0x1  }
0x6c: {  	v3 =	vld [tilespmem:s18+$0x0]  }
0x6d: {  	s1 =	simm.s32 $0x40  }
.LBB2_8:
0x6e: {  	p0 =	sne.s32 s1, $0x600  }
.Ltmp2:
0x6f: {  	s3 =	sshra.s32 s1, $0x2;
	s1 =	sadd.s32 $0x40, s1;
	vm0 =	vge.s32 v2, v0;
	vm1 =	vlt.s32 v2, v1;
	(pc) =	sbr.rel @p0 .LBB2_8-.Ltmp2, $4  }
0x70: {  	v4 =	vsub.s32 v2, v0;
	vm0 =	vmand vm0, vm1;
	v2 =	vld [tilespmem:s3+$0x200]  }
0x71: {  	v5 =	vnsel vm0, $0xFFFFFFFF, v3;
	v3 =	vld [tilespmem:s3+$0x0];
	v4 =	vnsel vm0, $0xFFFFFFFF, v4  }
0x72: {  	[tilespmem:s18+$0x600] =	vst v4  }
0x73: {  	[tilespmem:s18+$0x400] =	vst v5;
	s18 =	smov.u32 s3  }
0x74: {  	_ = 	snop  }
0x75: {  	vm0 =	vge.s32 v2, v0;
	vm1 =	vlt.s32 v2, v1  }
0x76: {  	v2 =	vsub.s32 v2, v0;
	vm0 =	vmand vm0, vm1  }
0x77: {  	v2 =	vnsel vm0, $0xFFFFFFFF, v2  }
0x78: {  	v3 =	vnsel vm0, $0xFFFFFFFF, v3;
	[tilespmem:s18+$0x600] =	vst v2  }
0x79: {  	[tilespmem:s18+$0x400] =	vst v3  }
0x7a: {  	s0 =	sadd.s32 $0x1, s0;
	_ =	swait.ge [sflag:s25], $0xC800  }
0x7b: {  	p0 =	sne.s32 s0, $0xFA;
	[sflag:s25] =	ssyncset.done $0x0  }
.Ltmp3:
0x7c: {  	[sflag:s25] =	ssyncadd.s32 $0xFFFF3800;
	(ifvalue) =	ssetifvalue $0xFFFFFFFF;
	(pc) =	sbr.rel @p0 .LBB2_5-.Ltmp3, $4  }
0x7d: {  	[spmem:s2] =	stream.indirect.scatter.add.f32 [tilespmem:s19], [sflag:$0x3], $0x80, s29, s23, $0x40b8;
	[tilespmem:$0x1FC00] =	vst v63  }
0x7e: {  	_ =	swait.ge [sflag:s20], $0xC800  }
0x7f: {  	[sflag:s20] =	ssyncset.done $0x0  }
0x80: {  	[sflag:s20] =	ssyncadd.s32 $0xFFFF3800  }
0x81: {  	[bflag:$0x0] =	sbarrier.arrive $0xFFFF  }
0x82: {  	[tilespmem:s19], [sflag:$0x3] =	stream.linear.gather [spmem:s11], $0xC800, $0x38;
	[tilespmem:$0x1FC00] =	vst v63  }
0x83: {  	s0 =	sadd.s32 s10, s4;
	_ =	swait.ge [sflag:s20], $0xC800  }
0x84: {  	s0 =	sshll.u32 s0, $0x4;
	[sflag:s20] =	ssyncset.done $0x0  }
0x85: {  	s3 =	simm.s32 $0x0;
	s1 =	sadd.s32 s9, s0;
	[sflag:s20] =	ssyncadd.s32 $0xFFFF3800  }
0x86: {  	[hbm4b:s1+s3] =	stream.linear.scatter [tilespmem:s19], [sflag:$0x3], $0xC800, $0x38;
	[tilespmem:$0x1FC00] =	vst v63  }
0x87: {  	_ =	swait.ge [sflag:s20], $0xC800  }
0x88: {  	[sflag:s20] =	ssyncset.done $0x0  }
0x89: {  	[sflag:s20] =	ssyncadd.s32 $0xFFFF3800  }
0x8a: {  	[tilespmem:s19], [sflag:$0x3] =	stream.linear.gather [spmem:s12], $0x6000, $0x38;
	[tilespmem:$0x1FC00] =	vst v63  }
0x8b: {  	_ =	swait.ge [sflag:s20], $0x6000  }
0x8c: {  	s31 =	sadd.s32 $0x1, s31;
	[sflag:s20] =	ssyncset.done $0x0  }
0x8d: {  	p0 =	sne.s32 s31, $0x6;
	s0 =	sadd.s32 s0, s17;
	[sflag:s20] =	ssyncadd.s32 $0xFFFFA000  }
0x8e: {  	[hbm4b:s0+s3] =	stream.linear.scatter [tilespmem:s19], [sflag:$0x3], $0x6000, $0x38;
	[tilespmem:$0x1FC00] =	vst v63  }
.Ltmp4:
0x8f: {  	_ =	swait.ge [sflag:s20], $0x6000;
	(pc) =	sbr.rel @p0 .LBB2_2-.Ltmp4, $3  }
0x90: {  	[sflag:s20] =	ssyncset.done $0x0  }
0x91: {  	[sflag:s20] =	ssyncadd.s32 $0xFFFFA000  }
0x92: {  	[bflag:$0x0] =	sbarrier.arrive $0xFFFF;
	_ =	sdelay $0x1  }
0x93: {  	s1 =	rddreg [dreg:$0x5]  }
0x94: {  	s0 =	rddreg [dreg:$0x4];
	s1 =	sadd.s32 $0x1, s1  }
0x95: {  	p0 =	sne.s32 s1, s0  }
.Ltmp5:
0x96: {  	_ = 	snop;
	(pc) =	sbr.rel @p0 .LBB2_1-.Ltmp5, $1  }
0x97: {  	_ =	sdelay $0x3  }
0x98: {  	_ =	sfence.sel $0x180000  }
0x99: {  	[bflag:$0x0] =	sbarrier.arrive $0xFFFF  }
0x9a: {  	_ =	strace $0x90000053  }
0x9b: {  	s0 =	stileid.u32;
	[bflag:$0x2] =	sbarrier.arrive $0xFFFF  }
0x9c: {  	p0 =	sne.s32 s0, $0x0;
	s0 =	rddreg [dreg:$0x3]  }
0x9d: {  	s0 =	sadd.s32 @!p0 $0x100000, s0  }
0x9e: {  	[sflag:s0] =	ssyncadd.tile.s32 @!p0 $0x1;
	_ =	shalt  }
.Lfunc_end2:
_tile_overlayer_lowered:
.L_overlay_start_2:
0x9f: {  	(tag) =	ssettag $0x2  }
0xa0: {  	s0 =	rddreg [dreg:$0x0];
	s2 =	stileid.u32  }
0xa1: {  	s1 =	rddreg [dreg:$0x1];
	p0 =	sne.s32 s2, $0x0  }
0xa2: {  	s3 =	rddreg [dreg:$0x2];
	[bflag:$0x3] =	sbarrier.arrive $0xFFFF;
	s2 =	simm.s32 @!p0 $0x1C03  }
0xa3: {  	[timem:s3], [sflag:s2] =	dma.local @!p0 [hbm:s0], s1  }
0xa4: {  	s0 =	simm.s32 @!p0 $0x3  }
0xa5: {  	_ =	swait.ge @!p0 [sflag:s0], s1  }
0xa6: {  	s1 =	ssub.s32 @!p0 $0x0, s1;
	[sflag:s0] =	ssyncset.done @!p0 $0x0  }
0xa7: {  	[sflag:s0] =	ssyncadd.s32 @!p0 s1  }
0xa8: {  	[bflag:$0x3] =	sbarrier.arrive $0xFFFF  }
0xa9: {  	_ =	shalt  }

</sc_bundles>
